<compile_context>
chip_gen: v7x
topology: tpu7x:2x2x1
jax: 0.10.2.dev20260603
libtpu: 0.0.44.dev20260713+nightly
codegen_flags: <defaults>
</compile_context>

<pallas_src>
import functools

import jax
import jax.numpy as jnp
from jax import lax
from jax.experimental import pallas as pl
from jax.experimental.pallas import tpu as pltpu
from jax.experimental.pallas import tpu_sc as plsc

N_TOKENS = 8192
D_IN = 2048
D_OUT = 2048
N_EXP = 8
TILE = 256
P_ROWS = N_TOKENS + N_EXP * TILE
NT = P_ROWS // TILE
TE_LEN = 48
NC = 2
NS = 16
L = 16
NW = NC * NS
ROUTE_CHUNK = N_TOKENS // NS
MOVE_CHUNK = N_TOKENS // NW
ROWS_PER_DMA = 16
NDMA = MOVE_CHUNK // ROWS_PER_DMA

_mesh = plsc.VectorSubcoreMesh(
    core_axis_name="c", subcore_axis_name="s", num_cores=NC, num_subcores=NS)
_SC_PARAMS = pltpu.CompilerParams(needs_layout_passes=False)


def _eq_mask(v, e):
    return 1 - jnp.minimum(jnp.abs(v - e), 1)


@functools.partial(
    pl.kernel,
    out_type=(
        jax.ShapeDtypeStruct((N_TOKENS,), jnp.int32),
        jax.ShapeDtypeStruct((TE_LEN,), jnp.int32),
        jax.ShapeDtypeStruct((NS, L), jnp.int32),
    ),
    mesh=_mesh,
    compiler_params=_SC_PARAMS,
    scratch_types=[
        pltpu.VMEM((ROUTE_CHUNK,), jnp.int32),
        pltpu.VMEM((L,), jnp.int32),
        pltpu.VMEM((NS, L), jnp.int32),
        pltpu.VMEM((L,), jnp.int32),
        pltpu.VMEM((L,), jnp.int32),
        pltpu.VMEM((ROUTE_CHUNK,), jnp.int32),
        pltpu.VMEM((TE_LEN,), jnp.int32),
    ],
)
def _route(index_hbm, dest_hbm, te_hbm, cnt_hbm,
           idx_v, cnt_v, allcnt_v, gat_v, pe_v, dest_sc, te_v):
    cid = lax.axis_index("c")
    sid = lax.axis_index("s")
    work = cid == 0
    lane = lax.iota(jnp.int32, L)

    @pl.when(work)
    def _histogram():
        pltpu.sync_copy(index_hbm.at[pl.ds(sid * ROUTE_CHUNK, ROUTE_CHUNK)],
                        idx_v)

        def hist(j, counts):
            off = pl.multiple_of(j * L, L)
            v = idx_v[pl.ds(off, L)]
            for e in range(N_EXP):
                pc = jnp.sum(_eq_mask(v, e))
                counts = counts + _eq_mask(lane, e) * pc
            return counts

        counts = lax.fori_loop(0, ROUTE_CHUNK // L, hist,
                               jnp.zeros((L,), jnp.int32))
        cnt_v[...] = counts
        pltpu.sync_copy(cnt_v, cnt_hbm.at[sid])

    plsc.subcore_barrier()

    @pl.when(work)
    def _assign():
        pltpu.sync_copy(cnt_hbm, allcnt_v)
        tot = jnp.zeros((L,), jnp.int32)
        pre = jnp.zeros((L,), jnp.int32)
        for r in range(NS):
            row = allcnt_v[r]
            tot = tot + row
            before = jnp.minimum(jnp.maximum(sid - r, 0), 1)
            pre = pre + row * before
        keep = 1 - jnp.minimum(lane >> 3, 1)
        tot = tot * keep
        padded = ((tot + (TILE - 1)) >> 8) << 8
        pad_end = plsc.cumsum(padded)
        ps = pad_end - padded
        gat_v[...] = ps + pre
        pe_v[...] = ps

        def dest_row(j, _):
            off = pl.multiple_of(j * L, L)
            v = idx_v[pl.ds(off, L)]
            g = plsc.load_gather(gat_v, [v])
            gat = gat_v[...]
            rank = jnp.zeros((L,), jnp.int32)
            for e in range(N_EXP):
                m = _eq_mask(v, e)
                c = plsc.cumsum(m)
                rank = rank + m * (c - 1)
                gat = gat + _eq_mask(lane, e) * jnp.sum(m)
            gat_v[...] = gat
            dest_sc[pl.ds(off, L)] = g + rank
            return 0

        lax.fori_loop(0, ROUTE_CHUNK // L, dest_row, 0)
        pltpu.sync_copy(dest_sc,
                        dest_hbm.at[pl.ds(sid * ROUTE_CHUNK, ROUTE_CHUNK)])

        @pl.when(sid == 0)
        def _tile_experts():
            for j in range(TE_LEN // L):
                pos = (lax.iota(jnp.int32, L) + j * L) * TILE
                te = jnp.zeros((L,), jnp.int32)
                for e in range(N_EXP):
                    pe = plsc.load_gather(
                        pe_v, [jnp.full((L,), e + 1, jnp.int32)])
                    te = te + jnp.minimum(jnp.maximum(pos - pe + 1, 0), 1)
                te_v[pl.ds(j * L, L)] = jnp.minimum(te, N_EXP - 1)
            pltpu.sync_copy(te_v, te_hbm)


@functools.partial(
    pl.kernel,
    out_type=jax.ShapeDtypeStruct((P_ROWS, D_IN), jnp.float32),
    mesh=_mesh,
    compiler_params=_SC_PARAMS,
    scratch_types=[
        pltpu.VMEM((MOVE_CHUNK,), jnp.int32),
        pltpu.VMEM((ROWS_PER_DMA, D_IN), jnp.float32),
        pltpu.SemaphoreType.DMA,
    ],
)
def _scatter_rows(x_hbm, dest_hbm, xs_hbm, dest_v, rows_v, sem):
    cid = lax.axis_index("c")
    sid = lax.axis_index("s")
    wid = sid * NC + cid
    pltpu.sync_copy(dest_hbm.at[pl.ds(wid * MOVE_CHUNK, MOVE_CHUNK)], dest_v)
    for ch in range(NDMA):
        pltpu.sync_copy(
            x_hbm.at[pl.ds(wid * MOVE_CHUNK + ch * ROWS_PER_DMA,
                           ROWS_PER_DMA)],
            rows_v)
        idx = dest_v[pl.ds(ch * ROWS_PER_DMA, ROWS_PER_DMA)]
        pltpu.async_copy(rows_v, xs_hbm.at[idx], sem).wait()


@functools.partial(
    pl.kernel,
    out_type=jax.ShapeDtypeStruct((N_TOKENS, D_OUT), jnp.float32),
    mesh=_mesh,
    compiler_params=_SC_PARAMS,
    scratch_types=[
        pltpu.VMEM((MOVE_CHUNK,), jnp.int32),
        pltpu.VMEM((ROWS_PER_DMA, D_OUT), jnp.float32),
        pltpu.SemaphoreType.DMA,
    ],
)
def _gather_rows(ys_hbm, dest_hbm, y_hbm, dest_v, rows_v, sem):
    cid = lax.axis_index("c")
    sid = lax.axis_index("s")
    wid = sid * NC + cid
    pltpu.sync_copy(dest_hbm.at[pl.ds(wid * MOVE_CHUNK, MOVE_CHUNK)], dest_v)
    for ch in range(NDMA):
        idx = dest_v[pl.ds(ch * ROWS_PER_DMA, ROWS_PER_DMA)]
        pltpu.async_copy(ys_hbm.at[idx], rows_v, sem).wait()
        pltpu.sync_copy(
            rows_v,
            y_hbm.at[pl.ds(wid * MOVE_CHUNK + ch * ROWS_PER_DMA,
                           ROWS_PER_DMA)])


BN = 1024


def _mm_body(te_ref, x_ref, w_ref, b_ref, o_ref):
    acc = lax.dot_general(x_ref[...].astype(jnp.bfloat16),
                          w_ref[0].astype(jnp.bfloat16),
                          (((1,), (1,)), ((), ())),
                          preferred_element_type=jnp.float32)
    o_ref[...] = acc + b_ref[0]


def _grouped_matmul(te, xs, W, b):
    return pl.pallas_call(
        _mm_body,
        grid_spec=pltpu.PrefetchScalarGridSpec(
            num_scalar_prefetch=1,
            grid=(D_OUT // BN, NT),
            in_specs=[
                pl.BlockSpec((TILE, D_IN), lambda n, r, te_ref: (r, 0)),
                pl.BlockSpec((1, BN, D_IN),
                             lambda n, r, te_ref: (te_ref[r], n, 0)),
                pl.BlockSpec((1, 1, BN),
                             lambda n, r, te_ref: (te_ref[r], 0, n)),
            ],
            out_specs=pl.BlockSpec((TILE, BN), lambda n, r, te_ref: (r, n)),
        ),
        out_shape=jax.ShapeDtypeStruct((P_ROWS, D_OUT), jnp.float32),
    )(te, xs, W, b.reshape(N_EXP, 1, D_OUT))


@jax.jit
def kernel(x, index, W, b):
    dest, te, _ = _route(index)
    xs = _scatter_rows(x, dest)
    ys = _grouped_matmul(te, xs, W, b)
    return _gather_rows(ys, dest)

# --- scband reference (transcript-rebuilt; emitter-appended) ---
"""Pipeline reference for scband-categorical-67594195304464 (READ-ONLY COPY).

The authoritative reference and input builder live on the scoring server;
editing this copy changes nothing except your own understanding.
"""

import jax, jax.numpy as jnp
import numpy as np

N_TOKENS = 8192
D_IN = 2048
D_OUT = 2048
INTERVAL = 8

def setup_inputs(seed: int = 0) -> dict:
    key = jax.random.key(seed)
    kx, ki, kw = jax.random.split(key, 3)
    x = jax.random.normal(kx, (N_TOKENS, D_IN), dtype=jnp.float32)
    index = jax.random.randint(ki, (N_TOKENS,), 0, INTERVAL, dtype=jnp.int32)
    # per-expert linear weights (torch nn.Linear: y = x @ W.T + b), orthogonal init gain=0.01
    # approximated by scaled gaussian; bias init constant 0
    W = jax.random.normal(kw, (INTERVAL, D_OUT, D_IN), dtype=jnp.float32) * 0.01
    b = jnp.zeros((INTERVAL, D_OUT), dtype=jnp.float32)
    return {"x": x, "index": index, "W": W, "b": b}

def reference(x, index, W, b):
    # Faithful translation of the interval branch of Categorical.forward:
    # for each expert i: gather rows where index==i, apply linear[i], index_add back.
    y = jnp.zeros((x.shape[0], D_OUT), dtype=x.dtype)
    for i in range(W.shape[0]):
        mask = (index == i)[:, None]
        yi = x @ W[i].T + b[i]
        y = y + jnp.where(mask, yi, jnp.zeros((), dtype=x.dtype))
    # torch module returns (FixedCategorical(logits=y_), y_); the tensor output is the logits y_
    return y

if __name__ == "__main__":
    import jax
    _d = setup_inputs()
    print(jax.jit(kernel)(*tuple(_d.values())))

</pallas_src>

<mosaic_0001>
#map = affine_map<(d0, d1) -> (0)>
#map1 = affine_map<(d0, d1) -> (0, 0)>
module attributes {stable_mosaic.version = 14 : i64} {
  func.func @_route(%arg0: i32, %arg1: i32, %arg2: memref<8192xi32, #tpu.memory_space<hbm>>, %arg3: memref<8192xi32, #tpu.memory_space<hbm>>, %arg4: memref<48xi32, #tpu.memory_space<hbm>>, %arg5: memref<16x16xi32, #tpu.memory_space<hbm>>, %arg6: memref<512xi32, #tpu.memory_space<vmem>>, %arg7: memref<16xi32, #tpu.memory_space<vmem>>, %arg8: memref<16x16xi32, #tpu.memory_space<vmem>>, %arg9: memref<16xi32, #tpu.memory_space<vmem>>, %arg10: memref<16xi32, #tpu.memory_space<vmem>>, %arg11: memref<512xi32, #tpu.memory_space<vmem>>, %arg12: memref<48xi32, #tpu.memory_space<vmem>>) attributes {dimension_semantics = [#tpu.dimension_semantics<core_parallel>, #tpu.dimension_semantics<subcore_parallel>], iteration_bounds = array<i64: 2, 16>, scalar_prefetch = 0 : i64, scratch_operands = 7 : i64, tpu.core_type = #tpu.core_type<sc_vector_subcore>, window_params = [{transform_indices = #map}, {transform_indices = #map}, {transform_indices = #map}, {transform_indices = #map1}]} {
    %eq3A = arith.constant 0 : i32
    %eq3A_0 = arith.cmpi eq, %arg0, %eq3A : i32
    %iota3A = tpu.iota {dimensions = array<i32: 0>} : vector<16xi32>
    %convert_element_type3A = arith.extui %eq3A_0 : i1 to i32
    %cond3A = arith.constant 0 : i32
    %cond3A_1 = arith.cmpi ne, %convert_element_type3A, %cond3A : i32
    scf.if %cond3A_1 {
      %mul3A = arith.constant 512 : i32
      %mul3A_5 = arith.muli %arg1, %mul3A : i32
      "tpu.region"() ({
        %run_scoped3A = tpu.sem_alloc : memref<!tpu.dma_semaphore, #tpu.memory_space<semaphore_mem>>
        %dma_start3A = tpu.memref_slice %arg2[%mul3A_5] : memref<8192xi32, #tpu.memory_space<hbm>> -> memref<512xi32, #tpu.memory_space<hbm>>
        %dma_start3A_13 = tpu.memref_slice %arg2[%mul3A_5] : memref<8192xi32, #tpu.memory_space<hbm>> -> memref<512xi32, #tpu.memory_space<hbm>>
        tpu.enqueue_dma source(%dma_start3A_13 : memref<512xi32, #tpu.memory_space<hbm>>) target(%arg6 : memref<512xi32, #tpu.memory_space<vmem>>) target_semaphore(%run_scoped3A : memref<!tpu.dma_semaphore, #tpu.memory_space<semaphore_mem>>)
        %dma_wait3A = tpu.memref_slice %arg2[%mul3A_5] : memref<8192xi32, #tpu.memory_space<hbm>> -> memref<512xi32, #tpu.memory_space<hbm>>
        %dma_wait3A_14 = tpu.memref_slice %arg2[%mul3A_5] : memref<8192xi32, #tpu.memory_space<hbm>> -> memref<512xi32, #tpu.memory_space<hbm>>
        tpu.wait_dma2 semaphore(%run_scoped3A : memref<!tpu.dma_semaphore, #tpu.memory_space<semaphore_mem>>) src(%dma_wait3A_14 : memref<512xi32, #tpu.memory_space<hbm>>) dst(%arg6 : memref<512xi32, #tpu.memory_space<vmem>>)
        tpu.yield
      }) : () -> ()
      %broadcast_in_dim3A = arith.constant 0 : i32
      %broadcast_in_dim3A_6 = vector.broadcast %broadcast_in_dim3A : i32 to vector<16xi32>
      %scan3A = arith.constant 0 : i32
      %scan3A_7 = arith.constant 32 : i32
      %scan3A_8 = arith.addi %scan3A, %scan3A_7 : i32
      %scan3A_9 = arith.constant 1 : i32
      %scan3A_10 = scf.for %scan3A_13 = %scan3A to %scan3A_8 step %scan3A_9 iter_args(%scan3A_14 = %broadcast_in_dim3A_6) -> (vector<16xi32>)  : i32 {
        %mul3A_15 = arith.constant 16 : i32
        %mul3A_16 = arith.muli %scan3A_13, %mul3A_15 : i32
        %multiple_of3A = tpu.assume_multiple %mul3A_16, 16 : i32
        %get3A = arith.index_cast %multiple_of3A : i32 to index
        %get3A_17 = tpu.vector_load %arg6[%get3A] {strides = array<i32>} : memref<512xi32, #tpu.memory_space<vmem>>, vector<16xi32>,
        %sub3A = arith.constant 0 : i32
        %sub3A_18 = vector.broadcast %sub3A : i32 to vector<16xi32>
        %sub3A_19 = arith.subi %get3A_17, %sub3A_18 : vector<16xi32>
        %abs3A = math.absi %sub3A_19 : vector<16xi32>
        %min3A = arith.constant 1 : i32
        %min3A_20 = vector.broadcast %min3A : i32 to vector<16xi32>
        %min3A_21 = arith.minsi %abs3A, %min3A_20 : vector<16xi32>
        %sub3A_22 = arith.constant 1 : i32
        %sub3A_23 = vector.broadcast %sub3A_22 : i32 to vector<16xi32>
        %sub3A_24 = arith.subi %sub3A_23, %min3A_21 : vector<16xi32>
        %reduce_sum3A = arith.constant true
        %reduce_sum3A_25 = vector.broadcast %reduce_sum3A : i1 to vector<16xi1>
        %reduce_sum3A_26 = tpu.scan <sum>, %sub3A_24 masked %reduce_sum3A_25 : vector<16xi32>, vector<16xi1> -> vector<16xi32>
        %reduce_sum3A_27 = vector.extract %reduce_sum3A_26[15] : i32 from vector<16xi32>
        %sub3A_28 = arith.constant 0 : i32
        %sub3A_29 = vector.broadcast %sub3A_28 : i32 to vector<16xi32>
        %sub3A_30 = arith.subi %iota3A, %sub3A_29 : vector<16xi32>
        %abs3A_31 = math.absi %sub3A_30 : vector<16xi32>
        %min3A_32 = arith.constant 1 : i32
        %min3A_33 = vector.broadcast %min3A_32 : i32 to vector<16xi32>
        %min3A_34 = arith.minsi %abs3A_31, %min3A_33 : vector<16xi32>
        %sub3A_35 = arith.constant 1 : i32
        %sub3A_36 = vector.broadcast %sub3A_35 : i32 to vector<16xi32>
        %sub3A_37 = arith.subi %sub3A_36, %min3A_34 : vector<16xi32>
        %mul3A_38 = vector.broadcast %reduce_sum3A_27 : i32 to vector<16xi32>
        %mul3A_39 = arith.muli %sub3A_37, %mul3A_38 : vector<16xi32>
        %add3A = arith.addi %scan3A_14, %mul3A_39 : vector<16xi32>
        %sub3A_40 = arith.constant 1 : i32
        %sub3A_41 = vector.broadcast %sub3A_40 : i32 to vector<16xi32>
        %sub3A_42 = arith.subi %get3A_17, %sub3A_41 : vector<16xi32>
        %abs3A_43 = math.absi %sub3A_42 : vector<16xi32>
        %min3A_44 = arith.constant 1 : i32
        %min3A_45 = vector.broadcast %min3A_44 : i32 to vector<16xi32>
        %min3A_46 = arith.minsi %abs3A_43, %min3A_45 : vector<16xi32>
        %sub3A_47 = arith.constant 1 : i32
        %sub3A_48 = vector.broadcast %sub3A_47 : i32 to vector<16xi32>
        %sub3A_49 = arith.subi %sub3A_48, %min3A_46 : vector<16xi32>
        %reduce_sum3A_50 = arith.constant true
        %reduce_sum3A_51 = vector.broadcast %reduce_sum3A_50 : i1 to vector<16xi1>
        %reduce_sum3A_52 = tpu.scan <sum>, %sub3A_49 masked %reduce_sum3A_51 : vector<16xi32>, vector<16xi1> -> vector<16xi32>
        %reduce_sum3A_53 = vector.extract %reduce_sum3A_52[15] : i32 from vector<16xi32>
        %sub3A_54 = arith.constant 1 : i32
        %sub3A_55 = vector.broadcast %sub3A_54 : i32 to vector<16xi32>
        %sub3A_56 = arith.subi %iota3A, %sub3A_55 : vector<16xi32>
        %abs3A_57 = math.absi %sub3A_56 : vector<16xi32>
        %min3A_58 = arith.constant 1 : i32
        %min3A_59 = vector.broadcast %min3A_58 : i32 to vector<16xi32>
        %min3A_60 = arith.minsi %abs3A_57, %min3A_59 : vector<16xi32>
        %sub3A_61 = arith.constant 1 : i32
        %sub3A_62 = vector.broadcast %sub3A_61 : i32 to vector<16xi32>
        %sub3A_63 = arith.subi %sub3A_62, %min3A_60 : vector<16xi32>
        %mul3A_64 = vector.broadcast %reduce_sum3A_53 : i32 to vector<16xi32>
        %mul3A_65 = arith.muli %sub3A_63, %mul3A_64 : vector<16xi32>
        %add3A_66 = arith.addi %add3A, %mul3A_65 : vector<16xi32>
        %sub3A_67 = arith.constant 2 : i32
        %sub3A_68 = vector.broadcast %sub3A_67 : i32 to vector<16xi32>
        %sub3A_69 = arith.subi %get3A_17, %sub3A_68 : vector<16xi32>
        %abs3A_70 = math.absi %sub3A_69 : vector<16xi32>
        %min3A_71 = arith.constant 1 : i32
        %min3A_72 = vector.broadcast %min3A_71 : i32 to vector<16xi32>
        %min3A_73 = arith.minsi %abs3A_70, %min3A_72 : vector<16xi32>
        %sub3A_74 = arith.constant 1 : i32
        %sub3A_75 = vector.broadcast %sub3A_74 : i32 to vector<16xi32>
        %sub3A_76 = arith.subi %sub3A_75, %min3A_73 : vector<16xi32>
        %reduce_sum3A_77 = arith.constant true
        %reduce_sum3A_78 = vector.broadcast %reduce_sum3A_77 : i1 to vector<16xi1>
        %reduce_sum3A_79 = tpu.scan <sum>, %sub3A_76 masked %reduce_sum3A_78 : vector<16xi32>, vector<16xi1> -> vector<16xi32>
        %reduce_sum3A_80 = vector.extract %reduce_sum3A_79[15] : i32 from vector<16xi32>
        %sub3A_81 = arith.constant 2 : i32
        %sub3A_82 = vector.broadcast %sub3A_81 : i32 to vector<16xi32>
        %sub3A_83 = arith.subi %iota3A, %sub3A_82 : vector<16xi32>
        %abs3A_84 = math.absi %sub3A_83 : vector<16xi32>
        %min3A_85 = arith.constant 1 : i32
        %min3A_86 = vector.broadcast %min3A_85 : i32 to vector<16xi32>
        %min3A_87 = arith.minsi %abs3A_84, %min3A_86 : vector<16xi32>
        %sub3A_88 = arith.constant 1 : i32
        %sub3A_89 = vector.broadcast %sub3A_88 : i32 to vector<16xi32>
        %sub3A_90 = arith.subi %sub3A_89, %min3A_87 : vector<16xi32>
        %mul3A_91 = vector.broadcast %reduce_sum3A_80 : i32 to vector<16xi32>
        %mul3A_92 = arith.muli %sub3A_90, %mul3A_91 : vector<16xi32>
        %add3A_93 = arith.addi %add3A_66, %mul3A_92 : vector<16xi32>
        %sub3A_94 = arith.constant 3 : i32
        %sub3A_95 = vector.broadcast %sub3A_94 : i32 to vector<16xi32>
        %sub3A_96 = arith.subi %get3A_17, %sub3A_95 : vector<16xi32>
        %abs3A_97 = math.absi %sub3A_96 : vector<16xi32>
        %min3A_98 = arith.constant 1 : i32
        %min3A_99 = vector.broadcast %min3A_98 : i32 to vector<16xi32>
        %min3A_100 = arith.minsi %abs3A_97, %min3A_99 : vector<16xi32>
        %sub3A_101 = arith.constant 1 : i32
        %sub3A_102 = vector.broadcast %sub3A_101 : i32 to vector<16xi32>
        %sub3A_103 = arith.subi %sub3A_102, %min3A_100 : vector<16xi32>
        %reduce_sum3A_104 = arith.constant true
        %reduce_sum3A_105 = vector.broadcast %reduce_sum3A_104 : i1 to vector<16xi1>
        %reduce_sum3A_106 = tpu.scan <sum>, %sub3A_103 masked %reduce_sum3A_105 : vector<16xi32>, vector<16xi1> -> vector<16xi32>
        %reduce_sum3A_107 = vector.extract %reduce_sum3A_106[15] : i32 from vector<16xi32>
        %sub3A_108 = arith.constant 3 : i32
        %sub3A_109 = vector.broadcast %sub3A_108 : i32 to vector<16xi32>
        %sub3A_110 = arith.subi %iota3A, %sub3A_109 : vector<16xi32>
        %abs3A_111 = math.absi %sub3A_110 : vector<16xi32>
        %min3A_112 = arith.constant 1 : i32
        %min3A_113 = vector.broadcast %min3A_112 : i32 to vector<16xi32>
        %min3A_114 = arith.minsi %abs3A_111, %min3A_113 : vector<16xi32>
        %sub3A_115 = arith.constant 1 : i32
        %sub3A_116 = vector.broadcast %sub3A_115 : i32 to vector<16xi32>
        %sub3A_117 = arith.subi %sub3A_116, %min3A_114 : vector<16xi32>
        %mul3A_118 = vector.broadcast %reduce_sum3A_107 : i32 to vector<16xi32>
        %mul3A_119 = arith.muli %sub3A_117, %mul3A_118 : vector<16xi32>
        %add3A_120 = arith.addi %add3A_93, %mul3A_119 : vector<16xi32>
        %sub3A_121 = arith.constant 4 : i32
        %sub3A_122 = vector.broadcast %sub3A_121 : i32 to vector<16xi32>
        %sub3A_123 = arith.subi %get3A_17, %sub3A_122 : vector<16xi32>
        %abs3A_124 = math.absi %sub3A_123 : vector<16xi32>
        %min3A_125 = arith.constant 1 : i32
        %min3A_126 = vector.broadcast %min3A_125 : i32 to vector<16xi32>
        %min3A_127 = arith.minsi %abs3A_124, %min3A_126 : vector<16xi32>
        %sub3A_128 = arith.constant 1 : i32
        %sub3A_129 = vector.broadcast %sub3A_128 : i32 to vector<16xi32>
        %sub3A_130 = arith.subi %sub3A_129, %min3A_127 : vector<16xi32>
        %reduce_sum3A_131 = arith.constant true
        %reduce_sum3A_132 = vector.broadcast %reduce_sum3A_131 : i1 to vector<16xi1>
        %reduce_sum3A_133 = tpu.scan <sum>, %sub3A_130 masked %reduce_sum3A_132 : vector<16xi32>, vector<16xi1> -> vector<16xi32>
        %reduce_sum3A_134 = vector.extract %reduce_sum3A_133[15] : i32 from vector<16xi32>
        %sub3A_135 = arith.constant 4 : i32
        %sub3A_136 = vector.broadcast %sub3A_135 : i32 to vector<16xi32>
        %sub3A_137 = arith.subi %iota3A, %sub3A_136 : vector<16xi32>
        %abs3A_138 = math.absi %sub3A_137 : vector<16xi32>
        %min3A_139 = arith.constant 1 : i32
        %min3A_140 = vector.broadcast %min3A_139 : i32 to vector<16xi32>
        %min3A_141 = arith.minsi %abs3A_138, %min3A_140 : vector<16xi32>
        %sub3A_142 = arith.constant 1 : i32
        %sub3A_143 = vector.broadcast %sub3A_142 : i32 to vector<16xi32>
        %sub3A_144 = arith.subi %sub3A_143, %min3A_141 : vector<16xi32>
        %mul3A_145 = vector.broadcast %reduce_sum3A_134 : i32 to vector<16xi32>
        %mul3A_146 = arith.muli %sub3A_144, %mul3A_145 : vector<16xi32>
        %add3A_147 = arith.addi %add3A_120, %mul3A_146 : vector<16xi32>
        %sub3A_148 = arith.constant 5 : i32
        %sub3A_149 = vector.broadcast %sub3A_148 : i32 to vector<16xi32>
        %sub3A_150 = arith.subi %get3A_17, %sub3A_149 : vector<16xi32>
        %abs3A_151 = math.absi %sub3A_150 : vector<16xi32>
        %min3A_152 = arith.constant 1 : i32
        %min3A_153 = vector.broadcast %min3A_152 : i32 to vector<16xi32>
        %min3A_154 = arith.minsi %abs3A_151, %min3A_153 : vector<16xi32>
        %sub3A_155 = arith.constant 1 : i32
        %sub3A_156 = vector.broadcast %sub3A_155 : i32 to vector<16xi32>
        %sub3A_157 = arith.subi %sub3A_156, %min3A_154 : vector<16xi32>
        %reduce_sum3A_158 = arith.constant true
        %reduce_sum3A_159 = vector.broadcast %reduce_sum3A_158 : i1 to vector<16xi1>
        %reduce_sum3A_160 = tpu.scan <sum>, %sub3A_157 masked %reduce_sum3A_159 : vector<16xi32>, vector<16xi1> -> vector<16xi32>
        %reduce_sum3A_161 = vector.extract %reduce_sum3A_160[15] : i32 from vector<16xi32>
        %sub3A_162 = arith.constant 5 : i32
        %sub3A_163 = vector.broadcast %sub3A_162 : i32 to vector<16xi32>
        %sub3A_164 = arith.subi %iota3A, %sub3A_163 : vector<16xi32>
        %abs3A_165 = math.absi %sub3A_164 : vector<16xi32>
        %min3A_166 = arith.constant 1 : i32
        %min3A_167 = vector.broadcast %min3A_166 : i32 to vector<16xi32>
        %min3A_168 = arith.minsi %abs3A_165, %min3A_167 : vector<16xi32>
        %sub3A_169 = arith.constant 1 : i32
        %sub3A_170 = vector.broadcast %sub3A_169 : i32 to vector<16xi32>
        %sub3A_171 = arith.subi %sub3A_170, %min3A_168 : vector<16xi32>
        %mul3A_172 = vector.broadcast %reduce_sum3A_161 : i32 to vector<16xi32>
        %mul3A_173 = arith.muli %sub3A_171, %mul3A_172 : vector<16xi32>
        %add3A_174 = arith.addi %add3A_147, %mul3A_173 : vector<16xi32>
        %sub3A_175 = arith.constant 6 : i32
        %sub3A_176 = vector.broadcast %sub3A_175 : i32 to vector<16xi32>
        %sub3A_177 = arith.subi %get3A_17, %sub3A_176 : vector<16xi32>
        %abs3A_178 = math.absi %sub3A_177 : vector<16xi32>
        %min3A_179 = arith.constant 1 : i32
        %min3A_180 = vector.broadcast %min3A_179 : i32 to vector<16xi32>
        %min3A_181 = arith.minsi %abs3A_178, %min3A_180 : vector<16xi32>
        %sub3A_182 = arith.constant 1 : i32
        %sub3A_183 = vector.broadcast %sub3A_182 : i32 to vector<16xi32>
        %sub3A_184 = arith.subi %sub3A_183, %min3A_181 : vector<16xi32>
        %reduce_sum3A_185 = arith.constant true
        %reduce_sum3A_186 = vector.broadcast %reduce_sum3A_185 : i1 to vector<16xi1>
        %reduce_sum3A_187 = tpu.scan <sum>, %sub3A_184 masked %reduce_sum3A_186 : vector<16xi32>, vector<16xi1> -> vector<16xi32>
        %reduce_sum3A_188 = vector.extract %reduce_sum3A_187[15] : i32 from vector<16xi32>
        %sub3A_189 = arith.constant 6 : i32
        %sub3A_190 = vector.broadcast %sub3A_189 : i32 to vector<16xi32>
        %sub3A_191 = arith.subi %iota3A, %sub3A_190 : vector<16xi32>
        %abs3A_192 = math.absi %sub3A_191 : vector<16xi32>
        %min3A_193 = arith.constant 1 : i32
        %min3A_194 = vector.broadcast %min3A_193 : i32 to vector<16xi32>
        %min3A_195 = arith.minsi %abs3A_192, %min3A_194 : vector<16xi32>
        %sub3A_196 = arith.constant 1 : i32
        %sub3A_197 = vector.broadcast %sub3A_196 : i32 to vector<16xi32>
        %sub3A_198 = arith.subi %sub3A_197, %min3A_195 : vector<16xi32>
        %mul3A_199 = vector.broadcast %reduce_sum3A_188 : i32 to vector<16xi32>
        %mul3A_200 = arith.muli %sub3A_198, %mul3A_199 : vector<16xi32>
        %add3A_201 = arith.addi %add3A_174, %mul3A_200 : vector<16xi32>
        %sub3A_202 = arith.constant 7 : i32
        %sub3A_203 = vector.broadcast %sub3A_202 : i32 to vector<16xi32>
        %sub3A_204 = arith.subi %get3A_17, %sub3A_203 : vector<16xi32>
        %abs3A_205 = math.absi %sub3A_204 : vector<16xi32>
        %min3A_206 = arith.constant 1 : i32
        %min3A_207 = vector.broadcast %min3A_206 : i32 to vector<16xi32>
        %min3A_208 = arith.minsi %abs3A_205, %min3A_207 : vector<16xi32>
        %sub3A_209 = arith.constant 1 : i32
        %sub3A_210 = vector.broadcast %sub3A_209 : i32 to vector<16xi32>
        %sub3A_211 = arith.subi %sub3A_210, %min3A_208 : vector<16xi32>
        %reduce_sum3A_212 = arith.constant true
        %reduce_sum3A_213 = vector.broadcast %reduce_sum3A_212 : i1 to vector<16xi1>
        %reduce_sum3A_214 = tpu.scan <sum>, %sub3A_211 masked %reduce_sum3A_213 : vector<16xi32>, vector<16xi1> -> vector<16xi32>
        %reduce_sum3A_215 = vector.extract %reduce_sum3A_214[15] : i32 from vector<16xi32>
        %sub3A_216 = arith.constant 7 : i32
        %sub3A_217 = vector.broadcast %sub3A_216 : i32 to vector<16xi32>
        %sub3A_218 = arith.subi %iota3A, %sub3A_217 : vector<16xi32>
        %abs3A_219 = math.absi %sub3A_218 : vector<16xi32>
        %min3A_220 = arith.constant 1 : i32
        %min3A_221 = vector.broadcast %min3A_220 : i32 to vector<16xi32>
        %min3A_222 = arith.minsi %abs3A_219, %min3A_221 : vector<16xi32>
        %sub3A_223 = arith.constant 1 : i32
        %sub3A_224 = vector.broadcast %sub3A_223 : i32 to vector<16xi32>
        %sub3A_225 = arith.subi %sub3A_224, %min3A_222 : vector<16xi32>
        %mul3A_226 = vector.broadcast %reduce_sum3A_215 : i32 to vector<16xi32>
        %mul3A_227 = arith.muli %sub3A_225, %mul3A_226 : vector<16xi32>
        %add3A_228 = arith.addi %add3A_201, %mul3A_227 : vector<16xi32>
        scf.yield %add3A_228 : vector<16xi32>
      }
      %scan3A_11 = arith.constant 32 : i32
      %swap3A = arith.constant 0 : index
      %swap3A_12 = tpu.vector_load %arg7[%swap3A] {strides = array<i32>} : memref<16xi32, #tpu.memory_space<vmem>>, vector<16xi32>,
      tpu.vector_store %arg7[%swap3A], %scan3A_10 {strides = array<i32>} : memref<16xi32, #tpu.memory_space<vmem>>, vector<16xi32>,
      "tpu.region"() ({
        %run_scoped3A = tpu.sem_alloc : memref<!tpu.dma_semaphore, #tpu.memory_space<semaphore_mem>>
        %dma_start3A = arith.constant 0 : i32
        %dma_start3A_13 = tpu.memref_slice %arg5[%arg1, %dma_start3A] : memref<16x16xi32, #tpu.memory_space<hbm>> -> memref<1x16xi32, #tpu.memory_space<hbm>>
        %dma_start3A_14 = tpu.memref_squeeze %dma_start3A_13 : memref<1x16xi32, #tpu.memory_space<hbm>> -> memref<16xi32, #tpu.memory_space<hbm>>
        %dma_start3A_15 = arith.constant 0 : i32
        %dma_start3A_16 = tpu.memref_slice %arg5[%arg1, %dma_start3A_15] : memref<16x16xi32, #tpu.memory_space<hbm>> -> memref<1x16xi32, #tpu.memory_space<hbm>>
        %dma_start3A_17 = tpu.memref_squeeze %dma_start3A_16 : memref<1x16xi32, #tpu.memory_space<hbm>> -> memref<16xi32, #tpu.memory_space<hbm>>
        tpu.enqueue_dma source(%arg7 : memref<16xi32, #tpu.memory_space<vmem>>) target(%dma_start3A_17 : memref<16xi32, #tpu.memory_space<hbm>>) target_semaphore(%run_scoped3A : memref<!tpu.dma_semaphore, #tpu.memory_space<semaphore_mem>>)
        %dma_wait3A = arith.constant 0 : i32
        %dma_wait3A_18 = tpu.memref_slice %arg5[%arg1, %dma_wait3A] : memref<16x16xi32, #tpu.memory_space<hbm>> -> memref<1x16xi32, #tpu.memory_space<hbm>>
        %dma_wait3A_19 = tpu.memref_squeeze %dma_wait3A_18 : memref<1x16xi32, #tpu.memory_space<hbm>> -> memref<16xi32, #tpu.memory_space<hbm>>
        %dma_wait3A_20 = arith.constant 0 : i32
        %dma_wait3A_21 = tpu.memref_slice %arg5[%arg1, %dma_wait3A_20] : memref<16x16xi32, #tpu.memory_space<hbm>> -> memref<1x16xi32, #tpu.memory_space<hbm>>
        %dma_wait3A_22 = tpu.memref_squeeze %dma_wait3A_21 : memref<1x16xi32, #tpu.memory_space<hbm>> -> memref<16xi32, #tpu.memory_space<hbm>>
        tpu.wait_dma2 semaphore(%run_scoped3A : memref<!tpu.dma_semaphore, #tpu.memory_space<semaphore_mem>>) src(%arg7 : memref<16xi32, #tpu.memory_space<vmem>>) dst(%dma_wait3A_22 : memref<16xi32, #tpu.memory_space<hbm>>)
        tpu.yield
      }) : () -> ()
    } else {
    }
    %barrier3A = arith.constant 0 : index
    tpu.barrier barrier_id(%barrier3A)
    %convert_element_type3A_2 = arith.extui %eq3A_0 : i1 to i32
    %cond3A_3 = arith.constant 0 : i32
    %cond3A_4 = arith.cmpi ne, %convert_element_type3A_2, %cond3A_3 : i32
    scf.if %cond3A_4 {
      "tpu.region"() ({
        %run_scoped3A = tpu.sem_alloc : memref<!tpu.dma_semaphore, #tpu.memory_space<semaphore_mem>>
        tpu.enqueue_dma source(%arg5 : memref<16x16xi32, #tpu.memory_space<hbm>>) target(%arg8 : memref<16x16xi32, #tpu.memory_space<vmem>>) target_semaphore(%run_scoped3A : memref<!tpu.dma_semaphore, #tpu.memory_space<semaphore_mem>>)
        tpu.wait_dma2 semaphore(%run_scoped3A : memref<!tpu.dma_semaphore, #tpu.memory_space<semaphore_mem>>) src(%arg5 : memref<16x16xi32, #tpu.memory_space<hbm>>) dst(%arg8 : memref<16x16xi32, #tpu.memory_space<vmem>>)
        tpu.yield
      }) : () -> ()
      %broadcast_in_dim3A = arith.constant 0 : i32
      %broadcast_in_dim3A_5 = vector.broadcast %broadcast_in_dim3A : i32 to vector<16xi32>
      %broadcast_in_dim3A_6 = arith.constant 0 : i32
      %broadcast_in_dim3A_7 = vector.broadcast %broadcast_in_dim3A_6 : i32 to vector<16xi32>
      %get3A = arith.constant 0 : i32
      %get3A_8 = arith.index_cast %get3A : i32 to index
      %get3A_9 = arith.constant 0 : index
      %get3A_10 = tpu.vector_load %arg8[%get3A_8, %get3A_9] {strides = array<i32>} : memref<16x16xi32, #tpu.memory_space<vmem>>, vector<16xi32>,
      %add3A = arith.addi %broadcast_in_dim3A_5, %get3A_10 : vector<16xi32>
      %sub3A = arith.constant 0 : i32
      %sub3A_11 = arith.subi %arg1, %sub3A : i32
      %max3A = arith.constant 0 : i32
      %max3A_12 = arith.maxsi %sub3A_11, %max3A : i32
      %min3A = arith.constant 1 : i32
      %min3A_13 = arith.minsi %max3A_12, %min3A : i32
      %mul3A = vector.broadcast %min3A_13 : i32 to vector<16xi32>
      %mul3A_14 = arith.muli %get3A_10, %mul3A : vector<16xi32>
      %add3A_15 = arith.addi %broadcast_in_dim3A_7, %mul3A_14 : vector<16xi32>
      %get3A_16 = arith.constant 1 : i32
      %get3A_17 = arith.index_cast %get3A_16 : i32 to index
      %get3A_18 = arith.constant 0 : index
      %get3A_19 = tpu.vector_load %arg8[%get3A_17, %get3A_18] {strides = array<i32>} : memref<16x16xi32, #tpu.memory_space<vmem>>, vector<16xi32>,
      %add3A_20 = arith.addi %add3A, %get3A_19 : vector<16xi32>
      %sub3A_21 = arith.constant 1 : i32
      %sub3A_22 = arith.subi %arg1, %sub3A_21 : i32
      %max3A_23 = arith.constant 0 : i32
      %max3A_24 = arith.maxsi %sub3A_22, %max3A_23 : i32
      %min3A_25 = arith.constant 1 : i32
      %min3A_26 = arith.minsi %max3A_24, %min3A_25 : i32
      %mul3A_27 = vector.broadcast %min3A_26 : i32 to vector<16xi32>
      %mul3A_28 = arith.muli %get3A_19, %mul3A_27 : vector<16xi32>
      %add3A_29 = arith.addi %add3A_15, %mul3A_28 : vector<16xi32>
      %get3A_30 = arith.constant 2 : i32
      %get3A_31 = arith.index_cast %get3A_30 : i32 to index
      %get3A_32 = arith.constant 0 : index
      %get3A_33 = tpu.vector_load %arg8[%get3A_31, %get3A_32] {strides = array<i32>} : memref<16x16xi32, #tpu.memory_space<vmem>>, vector<16xi32>,
      %add3A_34 = arith.addi %add3A_20, %get3A_33 : vector<16xi32>
      %sub3A_35 = arith.constant 2 : i32
      %sub3A_36 = arith.subi %arg1, %sub3A_35 : i32
      %max3A_37 = arith.constant 0 : i32
      %max3A_38 = arith.maxsi %sub3A_36, %max3A_37 : i32
      %min3A_39 = arith.constant 1 : i32
      %min3A_40 = arith.minsi %max3A_38, %min3A_39 : i32
      %mul3A_41 = vector.broadcast %min3A_40 : i32 to vector<16xi32>
      %mul3A_42 = arith.muli %get3A_33, %mul3A_41 : vector<16xi32>
      %add3A_43 = arith.addi %add3A_29, %mul3A_42 : vector<16xi32>
      %get3A_44 = arith.constant 3 : i32
      %get3A_45 = arith.index_cast %get3A_44 : i32 to index
      %get3A_46 = arith.constant 0 : index
      %get3A_47 = tpu.vector_load %arg8[%get3A_45, %get3A_46] {strides = array<i32>} : memref<16x16xi32, #tpu.memory_space<vmem>>, vector<16xi32>,
      %add3A_48 = arith.addi %add3A_34, %get3A_47 : vector<16xi32>
      %sub3A_49 = arith.constant 3 : i32
      %sub3A_50 = arith.subi %arg1, %sub3A_49 : i32
      %max3A_51 = arith.constant 0 : i32
      %max3A_52 = arith.maxsi %sub3A_50, %max3A_51 : i32
      %min3A_53 = arith.constant 1 : i32
      %min3A_54 = arith.minsi %max3A_52, %min3A_53 : i32
      %mul3A_55 = vector.broadcast %min3A_54 : i32 to vector<16xi32>
      %mul3A_56 = arith.muli %get3A_47, %mul3A_55 : vector<16xi32>
      %add3A_57 = arith.addi %add3A_43, %mul3A_56 : vector<16xi32>
      %get3A_58 = arith.constant 4 : i32
      %get3A_59 = arith.index_cast %get3A_58 : i32 to index
      %get3A_60 = arith.constant 0 : index
      %get3A_61 = tpu.vector_load %arg8[%get3A_59, %get3A_60] {strides = array<i32>} : memref<16x16xi32, #tpu.memory_space<vmem>>, vector<16xi32>,
      %add3A_62 = arith.addi %add3A_48, %get3A_61 : vector<16xi32>
      %sub3A_63 = arith.constant 4 : i32
      %sub3A_64 = arith.subi %arg1, %sub3A_63 : i32
      %max3A_65 = arith.constant 0 : i32
      %max3A_66 = arith.maxsi %sub3A_64, %max3A_65 : i32
      %min3A_67 = arith.constant 1 : i32
      %min3A_68 = arith.minsi %max3A_66, %min3A_67 : i32
      %mul3A_69 = vector.broadcast %min3A_68 : i32 to vector<16xi32>
      %mul3A_70 = arith.muli %get3A_61, %mul3A_69 : vector<16xi32>
      %add3A_71 = arith.addi %add3A_57, %mul3A_70 : vector<16xi32>
      %get3A_72 = arith.constant 5 : i32
      %get3A_73 = arith.index_cast %get3A_72 : i32 to index
      %get3A_74 = arith.constant 0 : index
      %get3A_75 = tpu.vector_load %arg8[%get3A_73, %get3A_74] {strides = array<i32>} : memref<16x16xi32, #tpu.memory_space<vmem>>, vector<16xi32>,
      %add3A_76 = arith.addi %add3A_62, %get3A_75 : vector<16xi32>
      %sub3A_77 = arith.constant 5 : i32
      %sub3A_78 = arith.subi %arg1, %sub3A_77 : i32
      %max3A_79 = arith.constant 0 : i32
      %max3A_80 = arith.maxsi %sub3A_78, %max3A_79 : i32
      %min3A_81 = arith.constant 1 : i32
      %min3A_82 = arith.minsi %max3A_80, %min3A_81 : i32
      %mul3A_83 = vector.broadcast %min3A_82 : i32 to vector<16xi32>
      %mul3A_84 = arith.muli %get3A_75, %mul3A_83 : vector<16xi32>
      %add3A_85 = arith.addi %add3A_71, %mul3A_84 : vector<16xi32>
      %get3A_86 = arith.constant 6 : i32
      %get3A_87 = arith.index_cast %get3A_86 : i32 to index
      %get3A_88 = arith.constant 0 : index
      %get3A_89 = tpu.vector_load %arg8[%get3A_87, %get3A_88] {strides = array<i32>} : memref<16x16xi32, #tpu.memory_space<vmem>>, vector<16xi32>,
      %add3A_90 = arith.addi %add3A_76, %get3A_89 : vector<16xi32>
      %sub3A_91 = arith.constant 6 : i32
      %sub3A_92 = arith.subi %arg1, %sub3A_91 : i32
      %max3A_93 = arith.constant 0 : i32
      %max3A_94 = arith.maxsi %sub3A_92, %max3A_93 : i32
      %min3A_95 = arith.constant 1 : i32
      %min3A_96 = arith.minsi %max3A_94, %min3A_95 : i32
      %mul3A_97 = vector.broadcast %min3A_96 : i32 to vector<16xi32>
      %mul3A_98 = arith.muli %get3A_89, %mul3A_97 : vector<16xi32>
      %add3A_99 = arith.addi %add3A_85, %mul3A_98 : vector<16xi32>
      %get3A_100 = arith.constant 7 : i32
      %get3A_101 = arith.index_cast %get3A_100 : i32 to index
      %get3A_102 = arith.constant 0 : index
      %get3A_103 = tpu.vector_load %arg8[%get3A_101, %get3A_102] {strides = array<i32>} : memref<16x16xi32, #tpu.memory_space<vmem>>, vector<16xi32>,
      %add3A_104 = arith.addi %add3A_90, %get3A_103 : vector<16xi32>
      %sub3A_105 = arith.constant 7 : i32
      %sub3A_106 = arith.subi %arg1, %sub3A_105 : i32
      %max3A_107 = arith.constant 0 : i32
      %max3A_108 = arith.maxsi %sub3A_106, %max3A_107 : i32
      %min3A_109 = arith.constant 1 : i32
      %min3A_110 = arith.minsi %max3A_108, %min3A_109 : i32
      %mul3A_111 = vector.broadcast %min3A_110 : i32 to vector<16xi32>
      %mul3A_112 = arith.muli %get3A_103, %mul3A_111 : vector<16xi32>
      %add3A_113 = arith.addi %add3A_99, %mul3A_112 : vector<16xi32>
      %get3A_114 = arith.constant 8 : i32
      %get3A_115 = arith.index_cast %get3A_114 : i32 to index
      %get3A_116 = arith.constant 0 : index
      %get3A_117 = tpu.vector_load %arg8[%get3A_115, %get3A_116] {strides = array<i32>} : memref<16x16xi32, #tpu.memory_space<vmem>>, vector<16xi32>,
      %add3A_118 = arith.addi %add3A_104, %get3A_117 : vector<16xi32>
      %sub3A_119 = arith.constant 8 : i32
      %sub3A_120 = arith.subi %arg1, %sub3A_119 : i32
      %max3A_121 = arith.constant 0 : i32
      %max3A_122 = arith.maxsi %sub3A_120, %max3A_121 : i32
      %min3A_123 = arith.constant 1 : i32
      %min3A_124 = arith.minsi %max3A_122, %min3A_123 : i32
      %mul3A_125 = vector.broadcast %min3A_124 : i32 to vector<16xi32>
      %mul3A_126 = arith.muli %get3A_117, %mul3A_125 : vector<16xi32>
      %add3A_127 = arith.addi %add3A_113, %mul3A_126 : vector<16xi32>
      %get3A_128 = arith.constant 9 : i32
      %get3A_129 = arith.index_cast %get3A_128 : i32 to index
      %get3A_130 = arith.constant 0 : index
      %get3A_131 = tpu.vector_load %arg8[%get3A_129, %get3A_130] {strides = array<i32>} : memref<16x16xi32, #tpu.memory_space<vmem>>, vector<16xi32>,
      %add3A_132 = arith.addi %add3A_118, %get3A_131 : vector<16xi32>
      %sub3A_133 = arith.constant 9 : i32
      %sub3A_134 = arith.subi %arg1, %sub3A_133 : i32
      %max3A_135 = arith.constant 0 : i32
      %max3A_136 = arith.maxsi %sub3A_134, %max3A_135 : i32
      %min3A_137 = arith.constant 1 : i32
      %min3A_138 = arith.minsi %max3A_136, %min3A_137 : i32
      %mul3A_139 = vector.broadcast %min3A_138 : i32 to vector<16xi32>
      %mul3A_140 = arith.muli %get3A_131, %mul3A_139 : vector<16xi32>
      %add3A_141 = arith.addi %add3A_127, %mul3A_140 : vector<16xi32>
      %get3A_142 = arith.constant 10 : i32
      %get3A_143 = arith.index_cast %get3A_142 : i32 to index
      %get3A_144 = arith.constant 0 : index
      %get3A_145 = tpu.vector_load %arg8[%get3A_143, %get3A_144] {strides = array<i32>} : memref<16x16xi32, #tpu.memory_space<vmem>>, vector<16xi32>,
      %add3A_146 = arith.addi %add3A_132, %get3A_145 : vector<16xi32>
      %sub3A_147 = arith.constant 10 : i32
      %sub3A_148 = arith.subi %arg1, %sub3A_147 : i32
      %max3A_149 = arith.constant 0 : i32
      %max3A_150 = arith.maxsi %sub3A_148, %max3A_149 : i32
      %min3A_151 = arith.constant 1 : i32
      %min3A_152 = arith.minsi %max3A_150, %min3A_151 : i32
      %mul3A_153 = vector.broadcast %min3A_152 : i32 to vector<16xi32>
      %mul3A_154 = arith.muli %get3A_145, %mul3A_153 : vector<16xi32>
      %add3A_155 = arith.addi %add3A_141, %mul3A_154 : vector<16xi32>
      %get3A_156 = arith.constant 11 : i32
      %get3A_157 = arith.index_cast %get3A_156 : i32 to index
      %get3A_158 = arith.constant 0 : index
      %get3A_159 = tpu.vector_load %arg8[%get3A_157, %get3A_158] {strides = array<i32>} : memref<16x16xi32, #tpu.memory_space<vmem>>, vector<16xi32>,
      %add3A_160 = arith.addi %add3A_146, %get3A_159 : vector<16xi32>
      %sub3A_161 = arith.constant 11 : i32
      %sub3A_162 = arith.subi %arg1, %sub3A_161 : i32
      %max3A_163 = arith.constant 0 : i32
      %max3A_164 = arith.maxsi %sub3A_162, %max3A_163 : i32
      %min3A_165 = arith.constant 1 : i32
      %min3A_166 = arith.minsi %max3A_164, %min3A_165 : i32
      %mul3A_167 = vector.broadcast %min3A_166 : i32 to vector<16xi32>
      %mul3A_168 = arith.muli %get3A_159, %mul3A_167 : vector<16xi32>
      %add3A_169 = arith.addi %add3A_155, %mul3A_168 : vector<16xi32>
      %get3A_170 = arith.constant 12 : i32
      %get3A_171 = arith.index_cast %get3A_170 : i32 to index
      %get3A_172 = arith.constant 0 : index
      %get3A_173 = tpu.vector_load %arg8[%get3A_171, %get3A_172] {strides = array<i32>} : memref<16x16xi32, #tpu.memory_space<vmem>>, vector<16xi32>,
      %add3A_174 = arith.addi %add3A_160, %get3A_173 : vector<16xi32>
      %sub3A_175 = arith.constant 12 : i32
      %sub3A_176 = arith.subi %arg1, %sub3A_175 : i32
      %max3A_177 = arith.constant 0 : i32
      %max3A_178 = arith.maxsi %sub3A_176, %max3A_177 : i32
      %min3A_179 = arith.constant 1 : i32
      %min3A_180 = arith.minsi %max3A_178, %min3A_179 : i32
      %mul3A_181 = vector.broadcast %min3A_180 : i32 to vector<16xi32>
      %mul3A_182 = arith.muli %get3A_173, %mul3A_181 : vector<16xi32>
      %add3A_183 = arith.addi %add3A_169, %mul3A_182 : vector<16xi32>
      %get3A_184 = arith.constant 13 : i32
      %get3A_185 = arith.index_cast %get3A_184 : i32 to index
      %get3A_186 = arith.constant 0 : index
      %get3A_187 = tpu.vector_load %arg8[%get3A_185, %get3A_186] {strides = array<i32>} : memref<16x16xi32, #tpu.memory_space<vmem>>, vector<16xi32>,
      %add3A_188 = arith.addi %add3A_174, %get3A_187 : vector<16xi32>
      %sub3A_189 = arith.constant 13 : i32
      %sub3A_190 = arith.subi %arg1, %sub3A_189 : i32
      %max3A_191 = arith.constant 0 : i32
      %max3A_192 = arith.maxsi %sub3A_190, %max3A_191 : i32
      %min3A_193 = arith.constant 1 : i32
      %min3A_194 = arith.minsi %max3A_192, %min3A_193 : i32
      %mul3A_195 = vector.broadcast %min3A_194 : i32 to vector<16xi32>
      %mul3A_196 = arith.muli %get3A_187, %mul3A_195 : vector<16xi32>
      %add3A_197 = arith.addi %add3A_183, %mul3A_196 : vector<16xi32>
      %get3A_198 = arith.constant 14 : i32
      %get3A_199 = arith.index_cast %get3A_198 : i32 to index
      %get3A_200 = arith.constant 0 : index
      %get3A_201 = tpu.vector_load %arg8[%get3A_199, %get3A_200] {strides = array<i32>} : memref<16x16xi32, #tpu.memory_space<vmem>>, vector<16xi32>,
      %add3A_202 = arith.addi %add3A_188, %get3A_201 : vector<16xi32>
      %sub3A_203 = arith.constant 14 : i32
      %sub3A_204 = arith.subi %arg1, %sub3A_203 : i32
      %max3A_205 = arith.constant 0 : i32
      %max3A_206 = arith.maxsi %sub3A_204, %max3A_205 : i32
      %min3A_207 = arith.constant 1 : i32
      %min3A_208 = arith.minsi %max3A_206, %min3A_207 : i32
      %mul3A_209 = vector.broadcast %min3A_208 : i32 to vector<16xi32>
      %mul3A_210 = arith.muli %get3A_201, %mul3A_209 : vector<16xi32>
      %add3A_211 = arith.addi %add3A_197, %mul3A_210 : vector<16xi32>
      %get3A_212 = arith.constant 15 : i32
      %get3A_213 = arith.index_cast %get3A_212 : i32 to index
      %get3A_214 = arith.constant 0 : index
      %get3A_215 = tpu.vector_load %arg8[%get3A_213, %get3A_214] {strides = array<i32>} : memref<16x16xi32, #tpu.memory_space<vmem>>, vector<16xi32>,
      %add3A_216 = arith.addi %add3A_202, %get3A_215 : vector<16xi32>
      %sub3A_217 = arith.constant 15 : i32
      %sub3A_218 = arith.subi %arg1, %sub3A_217 : i32
      %max3A_219 = arith.constant 0 : i32
      %max3A_220 = arith.maxsi %sub3A_218, %max3A_219 : i32
      %min3A_221 = arith.constant 1 : i32
      %min3A_222 = arith.minsi %max3A_220, %min3A_221 : i32
      %mul3A_223 = vector.broadcast %min3A_222 : i32 to vector<16xi32>
      %mul3A_224 = arith.muli %get3A_215, %mul3A_223 : vector<16xi32>
      %add3A_225 = arith.addi %add3A_211, %mul3A_224 : vector<16xi32>
      %shift_right_arithmetic3A = arith.constant 3 : i32
      %shift_right_arithmetic3A_226 = vector.broadcast %shift_right_arithmetic3A : i32 to vector<16xi32>
      %shift_right_arithmetic3A_227 = arith.shrsi %iota3A, %shift_right_arithmetic3A_226 : vector<16xi32>
      %min3A_228 = arith.constant 1 : i32
      %min3A_229 = vector.broadcast %min3A_228 : i32 to vector<16xi32>
      %min3A_230 = arith.minsi %shift_right_arithmetic3A_227, %min3A_229 : vector<16xi32>
      %sub3A_231 = arith.constant 1 : i32
      %sub3A_232 = vector.broadcast %sub3A_231 : i32 to vector<16xi32>
      %sub3A_233 = arith.subi %sub3A_232, %min3A_230 : vector<16xi32>
      %mul3A_234 = arith.muli %add3A_216, %sub3A_233 : vector<16xi32>
      %add3A_235 = arith.constant 255 : i32
      %add3A_236 = vector.broadcast %add3A_235 : i32 to vector<16xi32>
      %add3A_237 = arith.addi %mul3A_234, %add3A_236 : vector<16xi32>
      %shift_right_arithmetic3A_238 = arith.constant 8 : i32
      %shift_right_arithmetic3A_239 = vector.broadcast %shift_right_arithmetic3A_238 : i32 to vector<16xi32>
      %shift_right_arithmetic3A_240 = arith.shrsi %add3A_237, %shift_right_arithmetic3A_239 : vector<16xi32>
      %shift_left3A = arith.constant 8 : i32
      %shift_left3A_241 = vector.broadcast %shift_left3A : i32 to vector<16xi32>
      %shift_left3A_242 = arith.shli %shift_right_arithmetic3A_240, %shift_left3A_241 : vector<16xi32>
      %broadcast_in_dim3A_243 = arith.constant true
      %broadcast_in_dim3A_244 = vector.broadcast %broadcast_in_dim3A_243 : i1 to vector<16xi1>
      %masked_cumsum3A = tpu.scan <sum>, %shift_left3A_242 masked %broadcast_in_dim3A_244 : vector<16xi32>, vector<16xi1> -> vector<16xi32>
      %sub3A_245 = arith.subi %masked_cumsum3A, %shift_left3A_242 : vector<16xi32>
      %add3A_246 = arith.addi %sub3A_245, %add3A_225 : vector<16xi32>
      %swap3A = arith.constant 0 : index
      %swap3A_247 = tpu.vector_load %arg9[%swap3A] {strides = array<i32>} : memref<16xi32, #tpu.memory_space<vmem>>, vector<16xi32>,
      tpu.vector_store %arg9[%swap3A], %add3A_246 {strides = array<i32>} : memref<16xi32, #tpu.memory_space<vmem>>, vector<16xi32>,
      %swap3A_248 = arith.constant 0 : index
      %swap3A_249 = tpu.vector_load %arg10[%swap3A_248] {strides = array<i32>} : memref<16xi32, #tpu.memory_space<vmem>>, vector<16xi32>,
      tpu.vector_store %arg10[%swap3A_248], %sub3A_245 {strides = array<i32>} : memref<16xi32, #tpu.memory_space<vmem>>, vector<16xi32>,
      %scan3A = arith.constant 0 : i32
      %scan3A_250 = arith.constant 0 : i32
      %scan3A_251 = arith.constant 32 : i32
      %scan3A_252 = arith.addi %scan3A_250, %scan3A_251 : i32
      %scan3A_253 = arith.constant 1 : i32
      %scan3A_254 = scf.for %scan3A_263 = %scan3A_250 to %scan3A_252 step %scan3A_253 iter_args(%scan3A_264 = %scan3A) -> (i32)  : i32 {
        %mul3A_265 = arith.constant 16 : i32
        %mul3A_266 = arith.muli %scan3A_263, %mul3A_265 : i32
        %multiple_of3A = tpu.assume_multiple %mul3A_266, 16 : i32
        %get3A_267 = arith.index_cast %multiple_of3A : i32 to index
        %get3A_268 = tpu.vector_load %arg6[%get3A_267] {strides = array<i32>} : memref<512xi32, #tpu.memory_space<vmem>>, vector<16xi32>,
        %gather3A = tpu.vector_load_idx %arg9[%get3A_268] : memref<16xi32, #tpu.memory_space<vmem>>[vector<16xi32>], vector<16xi32>,
        %get3A_269 = arith.constant 0 : index
        %get3A_270 = tpu.vector_load %arg9[%get3A_269] {strides = array<i32>} : memref<16xi32, #tpu.memory_space<vmem>>, vector<16xi32>,
        %broadcast_in_dim3A_271 = arith.constant 0 : i32
        %broadcast_in_dim3A_272 = vector.broadcast %broadcast_in_dim3A_271 : i32 to vector<16xi32>
        %sub3A_273 = arith.constant 0 : i32
        %sub3A_274 = vector.broadcast %sub3A_273 : i32 to vector<16xi32>
        %sub3A_275 = arith.subi %get3A_268, %sub3A_274 : vector<16xi32>
        %abs3A = math.absi %sub3A_275 : vector<16xi32>
        %min3A_276 = arith.constant 1 : i32
        %min3A_277 = vector.broadcast %min3A_276 : i32 to vector<16xi32>
        %min3A_278 = arith.minsi %abs3A, %min3A_277 : vector<16xi32>
        %sub3A_279 = arith.constant 1 : i32
        %sub3A_280 = vector.broadcast %sub3A_279 : i32 to vector<16xi32>
        %sub3A_281 = arith.subi %sub3A_280, %min3A_278 : vector<16xi32>
        %broadcast_in_dim3A_282 = arith.constant true
        %broadcast_in_dim3A_283 = vector.broadcast %broadcast_in_dim3A_282 : i1 to vector<16xi1>
        %masked_cumsum3A_284 = tpu.scan <sum>, %sub3A_281 masked %broadcast_in_dim3A_283 : vector<16xi32>, vector<16xi1> -> vector<16xi32>
        %sub3A_285 = arith.constant 1 : i32
        %sub3A_286 = vector.broadcast %sub3A_285 : i32 to vector<16xi32>
        %sub3A_287 = arith.subi %masked_cumsum3A_284, %sub3A_286 : vector<16xi32>
        %mul3A_288 = arith.muli %sub3A_281, %sub3A_287 : vector<16xi32>
        %add3A_289 = arith.addi %broadcast_in_dim3A_272, %mul3A_288 : vector<16xi32>
        %sub3A_290 = arith.constant 0 : i32
        %sub3A_291 = vector.broadcast %sub3A_290 : i32 to vector<16xi32>
        %sub3A_292 = arith.subi %iota3A, %sub3A_291 : vector<16xi32>
        %abs3A_293 = math.absi %sub3A_292 : vector<16xi32>
        %min3A_294 = arith.constant 1 : i32
        %min3A_295 = vector.broadcast %min3A_294 : i32 to vector<16xi32>
        %min3A_296 = arith.minsi %abs3A_293, %min3A_295 : vector<16xi32>
        %sub3A_297 = arith.constant 1 : i32
        %sub3A_298 = vector.broadcast %sub3A_297 : i32 to vector<16xi32>
        %sub3A_299 = arith.subi %sub3A_298, %min3A_296 : vector<16xi32>
        %reduce_sum3A = arith.constant true
        %reduce_sum3A_300 = vector.broadcast %reduce_sum3A : i1 to vector<16xi1>
        %reduce_sum3A_301 = tpu.scan <sum>, %sub3A_281 masked %reduce_sum3A_300 : vector<16xi32>, vector<16xi1> -> vector<16xi32>
        %reduce_sum3A_302 = vector.extract %reduce_sum3A_301[15] : i32 from vector<16xi32>
        %mul3A_303 = vector.broadcast %reduce_sum3A_302 : i32 to vector<16xi32>
        %mul3A_304 = arith.muli %sub3A_299, %mul3A_303 : vector<16xi32>
        %add3A_305 = arith.addi %get3A_270, %mul3A_304 : vector<16xi32>
        %sub3A_306 = arith.constant 1 : i32
        %sub3A_307 = vector.broadcast %sub3A_306 : i32 to vector<16xi32>
        %sub3A_308 = arith.subi %get3A_268, %sub3A_307 : vector<16xi32>
        %abs3A_309 = math.absi %sub3A_308 : vector<16xi32>
        %min3A_310 = arith.constant 1 : i32
        %min3A_311 = vector.broadcast %min3A_310 : i32 to vector<16xi32>
        %min3A_312 = arith.minsi %abs3A_309, %min3A_311 : vector<16xi32>
        %sub3A_313 = arith.constant 1 : i32
        %sub3A_314 = vector.broadcast %sub3A_313 : i32 to vector<16xi32>
        %sub3A_315 = arith.subi %sub3A_314, %min3A_312 : vector<16xi32>
        %broadcast_in_dim3A_316 = arith.constant true
        %broadcast_in_dim3A_317 = vector.broadcast %broadcast_in_dim3A_316 : i1 to vector<16xi1>
        %masked_cumsum3A_318 = tpu.scan <sum>, %sub3A_315 masked %broadcast_in_dim3A_317 : vector<16xi32>, vector<16xi1> -> vector<16xi32>
        %sub3A_319 = arith.constant 1 : i32
        %sub3A_320 = vector.broadcast %sub3A_319 : i32 to vector<16xi32>
        %sub3A_321 = arith.subi %masked_cumsum3A_318, %sub3A_320 : vector<16xi32>
        %mul3A_322 = arith.muli %sub3A_315, %sub3A_321 : vector<16xi32>
        %add3A_323 = arith.addi %add3A_289, %mul3A_322 : vector<16xi32>
        %sub3A_324 = arith.constant 1 : i32
        %sub3A_325 = vector.broadcast %sub3A_324 : i32 to vector<16xi32>
        %sub3A_326 = arith.subi %iota3A, %sub3A_325 : vector<16xi32>
        %abs3A_327 = math.absi %sub3A_326 : vector<16xi32>
        %min3A_328 = arith.constant 1 : i32
        %min3A_329 = vector.broadcast %min3A_328 : i32 to vector<16xi32>
        %min3A_330 = arith.minsi %abs3A_327, %min3A_329 : vector<16xi32>
        %sub3A_331 = arith.constant 1 : i32
        %sub3A_332 = vector.broadcast %sub3A_331 : i32 to vector<16xi32>
        %sub3A_333 = arith.subi %sub3A_332, %min3A_330 : vector<16xi32>
        %reduce_sum3A_334 = arith.constant true
        %reduce_sum3A_335 = vector.broadcast %reduce_sum3A_334 : i1 to vector<16xi1>
        %reduce_sum3A_336 = tpu.scan <sum>, %sub3A_315 masked %reduce_sum3A_335 : vector<16xi32>, vector<16xi1> -> vector<16xi32>
        %reduce_sum3A_337 = vector.extract %reduce_sum3A_336[15] : i32 from vector<16xi32>
        %mul3A_338 = vector.broadcast %reduce_sum3A_337 : i32 to vector<16xi32>
        %mul3A_339 = arith.muli %sub3A_333, %mul3A_338 : vector<16xi32>
        %add3A_340 = arith.addi %add3A_305, %mul3A_339 : vector<16xi32>
        %sub3A_341 = arith.constant 2 : i32
        %sub3A_342 = vector.broadcast %sub3A_341 : i32 to vector<16xi32>
        %sub3A_343 = arith.subi %get3A_268, %sub3A_342 : vector<16xi32>
        %abs3A_344 = math.absi %sub3A_343 : vector<16xi32>
        %min3A_345 = arith.constant 1 : i32
        %min3A_346 = vector.broadcast %min3A_345 : i32 to vector<16xi32>
        %min3A_347 = arith.minsi %abs3A_344, %min3A_346 : vector<16xi32>
        %sub3A_348 = arith.constant 1 : i32
        %sub3A_349 = vector.broadcast %sub3A_348 : i32 to vector<16xi32>
        %sub3A_350 = arith.subi %sub3A_349, %min3A_347 : vector<16xi32>
        %broadcast_in_dim3A_351 = arith.constant true
        %broadcast_in_dim3A_352 = vector.broadcast %broadcast_in_dim3A_351 : i1 to vector<16xi1>
        %masked_cumsum3A_353 = tpu.scan <sum>, %sub3A_350 masked %broadcast_in_dim3A_352 : vector<16xi32>, vector<16xi1> -> vector<16xi32>
        %sub3A_354 = arith.constant 1 : i32
        %sub3A_355 = vector.broadcast %sub3A_354 : i32 to vector<16xi32>
        %sub3A_356 = arith.subi %masked_cumsum3A_353, %sub3A_355 : vector<16xi32>
        %mul3A_357 = arith.muli %sub3A_350, %sub3A_356 : vector<16xi32>
        %add3A_358 = arith.addi %add3A_323, %mul3A_357 : vector<16xi32>
        %sub3A_359 = arith.constant 2 : i32
        %sub3A_360 = vector.broadcast %sub3A_359 : i32 to vector<16xi32>
        %sub3A_361 = arith.subi %iota3A, %sub3A_360 : vector<16xi32>
        %abs3A_362 = math.absi %sub3A_361 : vector<16xi32>
        %min3A_363 = arith.constant 1 : i32
        %min3A_364 = vector.broadcast %min3A_363 : i32 to vector<16xi32>
        %min3A_365 = arith.minsi %abs3A_362, %min3A_364 : vector<16xi32>
        %sub3A_366 = arith.constant 1 : i32
        %sub3A_367 = vector.broadcast %sub3A_366 : i32 to vector<16xi32>
        %sub3A_368 = arith.subi %sub3A_367, %min3A_365 : vector<16xi32>
        %reduce_sum3A_369 = arith.constant true
        %reduce_sum3A_370 = vector.broadcast %reduce_sum3A_369 : i1 to vector<16xi1>
        %reduce_sum3A_371 = tpu.scan <sum>, %sub3A_350 masked %reduce_sum3A_370 : vector<16xi32>, vector<16xi1> -> vector<16xi32>
        %reduce_sum3A_372 = vector.extract %reduce_sum3A_371[15] : i32 from vector<16xi32>
        %mul3A_373 = vector.broadcast %reduce_sum3A_372 : i32 to vector<16xi32>
        %mul3A_374 = arith.muli %sub3A_368, %mul3A_373 : vector<16xi32>
        %add3A_375 = arith.addi %add3A_340, %mul3A_374 : vector<16xi32>
        %sub3A_376 = arith.constant 3 : i32
        %sub3A_377 = vector.broadcast %sub3A_376 : i32 to vector<16xi32>
        %sub3A_378 = arith.subi %get3A_268, %sub3A_377 : vector<16xi32>
        %abs3A_379 = math.absi %sub3A_378 : vector<16xi32>
        %min3A_380 = arith.constant 1 : i32
        %min3A_381 = vector.broadcast %min3A_380 : i32 to vector<16xi32>
        %min3A_382 = arith.minsi %abs3A_379, %min3A_381 : vector<16xi32>
        %sub3A_383 = arith.constant 1 : i32
        %sub3A_384 = vector.broadcast %sub3A_383 : i32 to vector<16xi32>
        %sub3A_385 = arith.subi %sub3A_384, %min3A_382 : vector<16xi32>
        %broadcast_in_dim3A_386 = arith.constant true
        %broadcast_in_dim3A_387 = vector.broadcast %broadcast_in_dim3A_386 : i1 to vector<16xi1>
        %masked_cumsum3A_388 = tpu.scan <sum>, %sub3A_385 masked %broadcast_in_dim3A_387 : vector<16xi32>, vector<16xi1> -> vector<16xi32>
        %sub3A_389 = arith.constant 1 : i32
        %sub3A_390 = vector.broadcast %sub3A_389 : i32 to vector<16xi32>
        %sub3A_391 = arith.subi %masked_cumsum3A_388, %sub3A_390 : vector<16xi32>
        %mul3A_392 = arith.muli %sub3A_385, %sub3A_391 : vector<16xi32>
        %add3A_393 = arith.addi %add3A_358, %mul3A_392 : vector<16xi32>
        %sub3A_394 = arith.constant 3 : i32
        %sub3A_395 = vector.broadcast %sub3A_394 : i32 to vector<16xi32>
        %sub3A_396 = arith.subi %iota3A, %sub3A_395 : vector<16xi32>
        %abs3A_397 = math.absi %sub3A_396 : vector<16xi32>
        %min3A_398 = arith.constant 1 : i32
        %min3A_399 = vector.broadcast %min3A_398 : i32 to vector<16xi32>
        %min3A_400 = arith.minsi %abs3A_397, %min3A_399 : vector<16xi32>
        %sub3A_401 = arith.constant 1 : i32
        %sub3A_402 = vector.broadcast %sub3A_401 : i32 to vector<16xi32>
        %sub3A_403 = arith.subi %sub3A_402, %min3A_400 : vector<16xi32>
        %reduce_sum3A_404 = arith.constant true
        %reduce_sum3A_405 = vector.broadcast %reduce_sum3A_404 : i1 to vector<16xi1>
        %reduce_sum3A_406 = tpu.scan <sum>, %sub3A_385 masked %reduce_sum3A_405 : vector<16xi32>, vector<16xi1> -> vector<16xi32>
        %reduce_sum3A_407 = vector.extract %reduce_sum3A_406[15] : i32 from vector<16xi32>
        %mul3A_408 = vector.broadcast %reduce_sum3A_407 : i32 to vector<16xi32>
        %mul3A_409 = arith.muli %sub3A_403, %mul3A_408 : vector<16xi32>
        %add3A_410 = arith.addi %add3A_375, %mul3A_409 : vector<16xi32>
        %sub3A_411 = arith.constant 4 : i32
        %sub3A_412 = vector.broadcast %sub3A_411 : i32 to vector<16xi32>
        %sub3A_413 = arith.subi %get3A_268, %sub3A_412 : vector<16xi32>
        %abs3A_414 = math.absi %sub3A_413 : vector<16xi32>
        %min3A_415 = arith.constant 1 : i32
        %min3A_416 = vector.broadcast %min3A_415 : i32 to vector<16xi32>
        %min3A_417 = arith.minsi %abs3A_414, %min3A_416 : vector<16xi32>
        %sub3A_418 = arith.constant 1 : i32
        %sub3A_419 = vector.broadcast %sub3A_418 : i32 to vector<16xi32>
        %sub3A_420 = arith.subi %sub3A_419, %min3A_417 : vector<16xi32>
        %broadcast_in_dim3A_421 = arith.constant true
        %broadcast_in_dim3A_422 = vector.broadcast %broadcast_in_dim3A_421 : i1 to vector<16xi1>
        %masked_cumsum3A_423 = tpu.scan <sum>, %sub3A_420 masked %broadcast_in_dim3A_422 : vector<16xi32>, vector<16xi1> -> vector<16xi32>
        %sub3A_424 = arith.constant 1 : i32
        %sub3A_425 = vector.broadcast %sub3A_424 : i32 to vector<16xi32>
        %sub3A_426 = arith.subi %masked_cumsum3A_423, %sub3A_425 : vector<16xi32>
        %mul3A_427 = arith.muli %sub3A_420, %sub3A_426 : vector<16xi32>
        %add3A_428 = arith.addi %add3A_393, %mul3A_427 : vector<16xi32>
        %sub3A_429 = arith.constant 4 : i32
        %sub3A_430 = vector.broadcast %sub3A_429 : i32 to vector<16xi32>
        %sub3A_431 = arith.subi %iota3A, %sub3A_430 : vector<16xi32>
        %abs3A_432 = math.absi %sub3A_431 : vector<16xi32>
        %min3A_433 = arith.constant 1 : i32
        %min3A_434 = vector.broadcast %min3A_433 : i32 to vector<16xi32>
        %min3A_435 = arith.minsi %abs3A_432, %min3A_434 : vector<16xi32>
        %sub3A_436 = arith.constant 1 : i32
        %sub3A_437 = vector.broadcast %sub3A_436 : i32 to vector<16xi32>
        %sub3A_438 = arith.subi %sub3A_437, %min3A_435 : vector<16xi32>
        %reduce_sum3A_439 = arith.constant true
        %reduce_sum3A_440 = vector.broadcast %reduce_sum3A_439 : i1 to vector<16xi1>
        %reduce_sum3A_441 = tpu.scan <sum>, %sub3A_420 masked %reduce_sum3A_440 : vector<16xi32>, vector<16xi1> -> vector<16xi32>
        %reduce_sum3A_442 = vector.extract %reduce_sum3A_441[15] : i32 from vector<16xi32>
        %mul3A_443 = vector.broadcast %reduce_sum3A_442 : i32 to vector<16xi32>
        %mul3A_444 = arith.muli %sub3A_438, %mul3A_443 : vector<16xi32>
        %add3A_445 = arith.addi %add3A_410, %mul3A_444 : vector<16xi32>
        %sub3A_446 = arith.constant 5 : i32
        %sub3A_447 = vector.broadcast %sub3A_446 : i32 to vector<16xi32>
        %sub3A_448 = arith.subi %get3A_268, %sub3A_447 : vector<16xi32>
        %abs3A_449 = math.absi %sub3A_448 : vector<16xi32>
        %min3A_450 = arith.constant 1 : i32
        %min3A_451 = vector.broadcast %min3A_450 : i32 to vector<16xi32>
        %min3A_452 = arith.minsi %abs3A_449, %min3A_451 : vector<16xi32>
        %sub3A_453 = arith.constant 1 : i32
        %sub3A_454 = vector.broadcast %sub3A_453 : i32 to vector<16xi32>
        %sub3A_455 = arith.subi %sub3A_454, %min3A_452 : vector<16xi32>
        %broadcast_in_dim3A_456 = arith.constant true
        %broadcast_in_dim3A_457 = vector.broadcast %broadcast_in_dim3A_456 : i1 to vector<16xi1>
        %masked_cumsum3A_458 = tpu.scan <sum>, %sub3A_455 masked %broadcast_in_dim3A_457 : vector<16xi32>, vector<16xi1> -> vector<16xi32>
        %sub3A_459 = arith.constant 1 : i32
        %sub3A_460 = vector.broadcast %sub3A_459 : i32 to vector<16xi32>
        %sub3A_461 = arith.subi %masked_cumsum3A_458, %sub3A_460 : vector<16xi32>
        %mul3A_462 = arith.muli %sub3A_455, %sub3A_461 : vector<16xi32>
        %add3A_463 = arith.addi %add3A_428, %mul3A_462 : vector<16xi32>
        %sub3A_464 = arith.constant 5 : i32
        %sub3A_465 = vector.broadcast %sub3A_464 : i32 to vector<16xi32>
        %sub3A_466 = arith.subi %iota3A, %sub3A_465 : vector<16xi32>
        %abs3A_467 = math.absi %sub3A_466 : vector<16xi32>
        %min3A_468 = arith.constant 1 : i32
        %min3A_469 = vector.broadcast %min3A_468 : i32 to vector<16xi32>
        %min3A_470 = arith.minsi %abs3A_467, %min3A_469 : vector<16xi32>
        %sub3A_471 = arith.constant 1 : i32
        %sub3A_472 = vector.broadcast %sub3A_471 : i32 to vector<16xi32>
        %sub3A_473 = arith.subi %sub3A_472, %min3A_470 : vector<16xi32>
        %reduce_sum3A_474 = arith.constant true
        %reduce_sum3A_475 = vector.broadcast %reduce_sum3A_474 : i1 to vector<16xi1>
        %reduce_sum3A_476 = tpu.scan <sum>, %sub3A_455 masked %reduce_sum3A_475 : vector<16xi32>, vector<16xi1> -> vector<16xi32>
        %reduce_sum3A_477 = vector.extract %reduce_sum3A_476[15] : i32 from vector<16xi32>
        %mul3A_478 = vector.broadcast %reduce_sum3A_477 : i32 to vector<16xi32>
        %mul3A_479 = arith.muli %sub3A_473, %mul3A_478 : vector<16xi32>
        %add3A_480 = arith.addi %add3A_445, %mul3A_479 : vector<16xi32>
        %sub3A_481 = arith.constant 6 : i32
        %sub3A_482 = vector.broadcast %sub3A_481 : i32 to vector<16xi32>
        %sub3A_483 = arith.subi %get3A_268, %sub3A_482 : vector<16xi32>
        %abs3A_484 = math.absi %sub3A_483 : vector<16xi32>
        %min3A_485 = arith.constant 1 : i32
        %min3A_486 = vector.broadcast %min3A_485 : i32 to vector<16xi32>
        %min3A_487 = arith.minsi %abs3A_484, %min3A_486 : vector<16xi32>
        %sub3A_488 = arith.constant 1 : i32
        %sub3A_489 = vector.broadcast %sub3A_488 : i32 to vector<16xi32>
        %sub3A_490 = arith.subi %sub3A_489, %min3A_487 : vector<16xi32>
        %broadcast_in_dim3A_491 = arith.constant true
        %broadcast_in_dim3A_492 = vector.broadcast %broadcast_in_dim3A_491 : i1 to vector<16xi1>
        %masked_cumsum3A_493 = tpu.scan <sum>, %sub3A_490 masked %broadcast_in_dim3A_492 : vector<16xi32>, vector<16xi1> -> vector<16xi32>
        %sub3A_494 = arith.constant 1 : i32
        %sub3A_495 = vector.broadcast %sub3A_494 : i32 to vector<16xi32>
        %sub3A_496 = arith.subi %masked_cumsum3A_493, %sub3A_495 : vector<16xi32>
        %mul3A_497 = arith.muli %sub3A_490, %sub3A_496 : vector<16xi32>
        %add3A_498 = arith.addi %add3A_463, %mul3A_497 : vector<16xi32>
        %sub3A_499 = arith.constant 6 : i32
        %sub3A_500 = vector.broadcast %sub3A_499 : i32 to vector<16xi32>
        %sub3A_501 = arith.subi %iota3A, %sub3A_500 : vector<16xi32>
        %abs3A_502 = math.absi %sub3A_501 : vector<16xi32>
        %min3A_503 = arith.constant 1 : i32
        %min3A_504 = vector.broadcast %min3A_503 : i32 to vector<16xi32>
        %min3A_505 = arith.minsi %abs3A_502, %min3A_504 : vector<16xi32>
        %sub3A_506 = arith.constant 1 : i32
        %sub3A_507 = vector.broadcast %sub3A_506 : i32 to vector<16xi32>
        %sub3A_508 = arith.subi %sub3A_507, %min3A_505 : vector<16xi32>
        %reduce_sum3A_509 = arith.constant true
        %reduce_sum3A_510 = vector.broadcast %reduce_sum3A_509 : i1 to vector<16xi1>
        %reduce_sum3A_511 = tpu.scan <sum>, %sub3A_490 masked %reduce_sum3A_510 : vector<16xi32>, vector<16xi1> -> vector<16xi32>
        %reduce_sum3A_512 = vector.extract %reduce_sum3A_511[15] : i32 from vector<16xi32>
        %mul3A_513 = vector.broadcast %reduce_sum3A_512 : i32 to vector<16xi32>
        %mul3A_514 = arith.muli %sub3A_508, %mul3A_513 : vector<16xi32>
        %add3A_515 = arith.addi %add3A_480, %mul3A_514 : vector<16xi32>
        %sub3A_516 = arith.constant 7 : i32
        %sub3A_517 = vector.broadcast %sub3A_516 : i32 to vector<16xi32>
        %sub3A_518 = arith.subi %get3A_268, %sub3A_517 : vector<16xi32>
        %abs3A_519 = math.absi %sub3A_518 : vector<16xi32>
        %min3A_520 = arith.constant 1 : i32
        %min3A_521 = vector.broadcast %min3A_520 : i32 to vector<16xi32>
        %min3A_522 = arith.minsi %abs3A_519, %min3A_521 : vector<16xi32>
        %sub3A_523 = arith.constant 1 : i32
        %sub3A_524 = vector.broadcast %sub3A_523 : i32 to vector<16xi32>
        %sub3A_525 = arith.subi %sub3A_524, %min3A_522 : vector<16xi32>
        %broadcast_in_dim3A_526 = arith.constant true
        %broadcast_in_dim3A_527 = vector.broadcast %broadcast_in_dim3A_526 : i1 to vector<16xi1>
        %masked_cumsum3A_528 = tpu.scan <sum>, %sub3A_525 masked %broadcast_in_dim3A_527 : vector<16xi32>, vector<16xi1> -> vector<16xi32>
        %sub3A_529 = arith.constant 1 : i32
        %sub3A_530 = vector.broadcast %sub3A_529 : i32 to vector<16xi32>
        %sub3A_531 = arith.subi %masked_cumsum3A_528, %sub3A_530 : vector<16xi32>
        %mul3A_532 = arith.muli %sub3A_525, %sub3A_531 : vector<16xi32>
        %add3A_533 = arith.addi %add3A_498, %mul3A_532 : vector<16xi32>
        %sub3A_534 = arith.constant 7 : i32
        %sub3A_535 = vector.broadcast %sub3A_534 : i32 to vector<16xi32>
        %sub3A_536 = arith.subi %iota3A, %sub3A_535 : vector<16xi32>
        %abs3A_537 = math.absi %sub3A_536 : vector<16xi32>
        %min3A_538 = arith.constant 1 : i32
        %min3A_539 = vector.broadcast %min3A_538 : i32 to vector<16xi32>
        %min3A_540 = arith.minsi %abs3A_537, %min3A_539 : vector<16xi32>
        %sub3A_541 = arith.constant 1 : i32
        %sub3A_542 = vector.broadcast %sub3A_541 : i32 to vector<16xi32>
        %sub3A_543 = arith.subi %sub3A_542, %min3A_540 : vector<16xi32>
        %reduce_sum3A_544 = arith.constant true
        %reduce_sum3A_545 = vector.broadcast %reduce_sum3A_544 : i1 to vector<16xi1>
        %reduce_sum3A_546 = tpu.scan <sum>, %sub3A_525 masked %reduce_sum3A_545 : vector<16xi32>, vector<16xi1> -> vector<16xi32>
        %reduce_sum3A_547 = vector.extract %reduce_sum3A_546[15] : i32 from vector<16xi32>
        %mul3A_548 = vector.broadcast %reduce_sum3A_547 : i32 to vector<16xi32>
        %mul3A_549 = arith.muli %sub3A_543, %mul3A_548 : vector<16xi32>
        %add3A_550 = arith.addi %add3A_515, %mul3A_549 : vector<16xi32>
        %swap3A_551 = arith.constant 0 : index
        %swap3A_552 = tpu.vector_load %arg9[%swap3A_551] {strides = array<i32>} : memref<16xi32, #tpu.memory_space<vmem>>, vector<16xi32>,
        tpu.vector_store %arg9[%swap3A_551], %add3A_550 {strides = array<i32>} : memref<16xi32, #tpu.memory_space<vmem>>, vector<16xi32>,
        %add3A_553 = arith.addi %gather3A, %add3A_533 : vector<16xi32>
        %swap3A_554 = arith.index_cast %multiple_of3A : i32 to index
        %swap3A_555 = tpu.vector_load %arg11[%swap3A_554] {strides = array<i32>} : memref<512xi32, #tpu.memory_space<vmem>>, vector<16xi32>,
        tpu.vector_store %arg11[%swap3A_554], %add3A_553 {strides = array<i32>} : memref<512xi32, #tpu.memory_space<vmem>>, vector<16xi32>,
        %scan3A_556 = arith.constant 0 : i32
        scf.yield %scan3A_556 : i32
      }
      %scan3A_255 = arith.constant 32 : i32
      %mul3A_256 = arith.constant 512 : i32
      %mul3A_257 = arith.muli %arg1, %mul3A_256 : i32
      "tpu.region"() ({
        %run_scoped3A = tpu.sem_alloc : memref<!tpu.dma_semaphore, #tpu.memory_space<semaphore_mem>>
        %dma_start3A = tpu.memref_slice %arg3[%mul3A_257] : memref<8192xi32, #tpu.memory_space<hbm>> -> memref<512xi32, #tpu.memory_space<hbm>>
        %dma_start3A_263 = tpu.memref_slice %arg3[%mul3A_257] : memref<8192xi32, #tpu.memory_space<hbm>> -> memref<512xi32, #tpu.memory_space<hbm>>
        tpu.enqueue_dma source(%arg11 : memref<512xi32, #tpu.memory_space<vmem>>) target(%dma_start3A_263 : memref<512xi32, #tpu.memory_space<hbm>>) target_semaphore(%run_scoped3A : memref<!tpu.dma_semaphore, #tpu.memory_space<semaphore_mem>>)
        %dma_wait3A = tpu.memref_slice %arg3[%mul3A_257] : memref<8192xi32, #tpu.memory_space<hbm>> -> memref<512xi32, #tpu.memory_space<hbm>>
        %dma_wait3A_264 = tpu.memref_slice %arg3[%mul3A_257] : memref<8192xi32, #tpu.memory_space<hbm>> -> memref<512xi32, #tpu.memory_space<hbm>>
        tpu.wait_dma2 semaphore(%run_scoped3A : memref<!tpu.dma_semaphore, #tpu.memory_space<semaphore_mem>>) src(%arg11 : memref<512xi32, #tpu.memory_space<vmem>>) dst(%dma_wait3A_264 : memref<512xi32, #tpu.memory_space<hbm>>)
        tpu.yield
      }) : () -> ()
      %eq3A_258 = arith.constant 0 : i32
      %eq3A_259 = arith.cmpi eq, %arg1, %eq3A_258 : i32
      %convert_element_type3A_260 = arith.extui %eq3A_259 : i1 to i32
      %cond3A_261 = arith.constant 0 : i32
      %cond3A_262 = arith.cmpi ne, %convert_element_type3A_260, %cond3A_261 : i32
      scf.if %cond3A_262 {
        %iota3A_263 = tpu.iota {dimensions = array<i32: 0>} : vector<16xi32>
        %add3A_264 = arith.constant 0 : i32
        %add3A_265 = vector.broadcast %add3A_264 : i32 to vector<16xi32>
        %add3A_266 = arith.addi %iota3A_263, %add3A_265 : vector<16xi32>
        %mul3A_267 = arith.constant 256 : i32
        %mul3A_268 = vector.broadcast %mul3A_267 : i32 to vector<16xi32>
        %mul3A_269 = arith.muli %add3A_266, %mul3A_268 : vector<16xi32>
        %broadcast_in_dim3A_270 = arith.constant 0 : i32
        %broadcast_in_dim3A_271 = vector.broadcast %broadcast_in_dim3A_270 : i32 to vector<16xi32>
        %broadcast_in_dim3A_272 = arith.constant 1 : i32
        %broadcast_in_dim3A_273 = vector.broadcast %broadcast_in_dim3A_272 : i32 to vector<16xi32>
        %gather3A = tpu.vector_load_idx %arg10[%broadcast_in_dim3A_273] : memref<16xi32, #tpu.memory_space<vmem>>[vector<16xi32>], vector<16xi32>,
        %sub3A_274 = arith.subi %mul3A_269, %gather3A : vector<16xi32>
        %add3A_275 = arith.constant 1 : i32
        %add3A_276 = vector.broadcast %add3A_275 : i32 to vector<16xi32>
        %add3A_277 = arith.addi %sub3A_274, %add3A_276 : vector<16xi32>
        %max3A_278 = arith.constant 0 : i32
        %max3A_279 = vector.broadcast %max3A_278 : i32 to vector<16xi32>
        %max3A_280 = arith.maxsi %add3A_277, %max3A_279 : vector<16xi32>
        %min3A_281 = arith.constant 1 : i32
        %min3A_282 = vector.broadcast %min3A_281 : i32 to vector<16xi32>
        %min3A_283 = arith.minsi %max3A_280, %min3A_282 : vector<16xi32>
        %add3A_284 = arith.addi %broadcast_in_dim3A_271, %min3A_283 : vector<16xi32>
        %broadcast_in_dim3A_285 = arith.constant 2 : i32
        %broadcast_in_dim3A_286 = vector.broadcast %broadcast_in_dim3A_285 : i32 to vector<16xi32>
        %gather3A_287 = tpu.vector_load_idx %arg10[%broadcast_in_dim3A_286] : memref<16xi32, #tpu.memory_space<vmem>>[vector<16xi32>], vector<16xi32>,
        %sub3A_288 = arith.subi %mul3A_269, %gather3A_287 : vector<16xi32>
        %add3A_289 = arith.constant 1 : i32
        %add3A_290 = vector.broadcast %add3A_289 : i32 to vector<16xi32>
        %add3A_291 = arith.addi %sub3A_288, %add3A_290 : vector<16xi32>
        %max3A_292 = arith.constant 0 : i32
        %max3A_293 = vector.broadcast %max3A_292 : i32 to vector<16xi32>
        %max3A_294 = arith.maxsi %add3A_291, %max3A_293 : vector<16xi32>
        %min3A_295 = arith.constant 1 : i32
        %min3A_296 = vector.broadcast %min3A_295 : i32 to vector<16xi32>
        %min3A_297 = arith.minsi %max3A_294, %min3A_296 : vector<16xi32>
        %add3A_298 = arith.addi %add3A_284, %min3A_297 : vector<16xi32>
        %broadcast_in_dim3A_299 = arith.constant 3 : i32
        %broadcast_in_dim3A_300 = vector.broadcast %broadcast_in_dim3A_299 : i32 to vector<16xi32>
        %gather3A_301 = tpu.vector_load_idx %arg10[%broadcast_in_dim3A_300] : memref<16xi32, #tpu.memory_space<vmem>>[vector<16xi32>], vector<16xi32>,
        %sub3A_302 = arith.subi %mul3A_269, %gather3A_301 : vector<16xi32>
        %add3A_303 = arith.constant 1 : i32
        %add3A_304 = vector.broadcast %add3A_303 : i32 to vector<16xi32>
        %add3A_305 = arith.addi %sub3A_302, %add3A_304 : vector<16xi32>
        %max3A_306 = arith.constant 0 : i32
        %max3A_307 = vector.broadcast %max3A_306 : i32 to vector<16xi32>
        %max3A_308 = arith.maxsi %add3A_305, %max3A_307 : vector<16xi32>
        %min3A_309 = arith.constant 1 : i32
        %min3A_310 = vector.broadcast %min3A_309 : i32 to vector<16xi32>
        %min3A_311 = arith.minsi %max3A_308, %min3A_310 : vector<16xi32>
        %add3A_312 = arith.addi %add3A_298, %min3A_311 : vector<16xi32>
        %broadcast_in_dim3A_313 = arith.constant 4 : i32
        %broadcast_in_dim3A_314 = vector.broadcast %broadcast_in_dim3A_313 : i32 to vector<16xi32>
        %gather3A_315 = tpu.vector_load_idx %arg10[%broadcast_in_dim3A_314] : memref<16xi32, #tpu.memory_space<vmem>>[vector<16xi32>], vector<16xi32>,
        %sub3A_316 = arith.subi %mul3A_269, %gather3A_315 : vector<16xi32>
        %add3A_317 = arith.constant 1 : i32
        %add3A_318 = vector.broadcast %add3A_317 : i32 to vector<16xi32>
        %add3A_319 = arith.addi %sub3A_316, %add3A_318 : vector<16xi32>
        %max3A_320 = arith.constant 0 : i32
        %max3A_321 = vector.broadcast %max3A_320 : i32 to vector<16xi32>
        %max3A_322 = arith.maxsi %add3A_319, %max3A_321 : vector<16xi32>
        %min3A_323 = arith.constant 1 : i32
        %min3A_324 = vector.broadcast %min3A_323 : i32 to vector<16xi32>
        %min3A_325 = arith.minsi %max3A_322, %min3A_324 : vector<16xi32>
        %add3A_326 = arith.addi %add3A_312, %min3A_325 : vector<16xi32>
        %broadcast_in_dim3A_327 = arith.constant 5 : i32
        %broadcast_in_dim3A_328 = vector.broadcast %broadcast_in_dim3A_327 : i32 to vector<16xi32>
        %gather3A_329 = tpu.vector_load_idx %arg10[%broadcast_in_dim3A_328] : memref<16xi32, #tpu.memory_space<vmem>>[vector<16xi32>], vector<16xi32>,
        %sub3A_330 = arith.subi %mul3A_269, %gather3A_329 : vector<16xi32>
        %add3A_331 = arith.constant 1 : i32
        %add3A_332 = vector.broadcast %add3A_331 : i32 to vector<16xi32>
        %add3A_333 = arith.addi %sub3A_330, %add3A_332 : vector<16xi32>
        %max3A_334 = arith.constant 0 : i32
        %max3A_335 = vector.broadcast %max3A_334 : i32 to vector<16xi32>
        %max3A_336 = arith.maxsi %add3A_333, %max3A_335 : vector<16xi32>
        %min3A_337 = arith.constant 1 : i32
        %min3A_338 = vector.broadcast %min3A_337 : i32 to vector<16xi32>
        %min3A_339 = arith.minsi %max3A_336, %min3A_338 : vector<16xi32>
        %add3A_340 = arith.addi %add3A_326, %min3A_339 : vector<16xi32>
        %broadcast_in_dim3A_341 = arith.constant 6 : i32
        %broadcast_in_dim3A_342 = vector.broadcast %broadcast_in_dim3A_341 : i32 to vector<16xi32>
        %gather3A_343 = tpu.vector_load_idx %arg10[%broadcast_in_dim3A_342] : memref<16xi32, #tpu.memory_space<vmem>>[vector<16xi32>], vector<16xi32>,
        %sub3A_344 = arith.subi %mul3A_269, %gather3A_343 : vector<16xi32>
        %add3A_345 = arith.constant 1 : i32
        %add3A_346 = vector.broadcast %add3A_345 : i32 to vector<16xi32>
        %add3A_347 = arith.addi %sub3A_344, %add3A_346 : vector<16xi32>
        %max3A_348 = arith.constant 0 : i32
        %max3A_349 = vector.broadcast %max3A_348 : i32 to vector<16xi32>
        %max3A_350 = arith.maxsi %add3A_347, %max3A_349 : vector<16xi32>
        %min3A_351 = arith.constant 1 : i32
        %min3A_352 = vector.broadcast %min3A_351 : i32 to vector<16xi32>
        %min3A_353 = arith.minsi %max3A_350, %min3A_352 : vector<16xi32>
        %add3A_354 = arith.addi %add3A_340, %min3A_353 : vector<16xi32>
        %broadcast_in_dim3A_355 = arith.constant 7 : i32
        %broadcast_in_dim3A_356 = vector.broadcast %broadcast_in_dim3A_355 : i32 to vector<16xi32>
        %gather3A_357 = tpu.vector_load_idx %arg10[%broadcast_in_dim3A_356] : memref<16xi32, #tpu.memory_space<vmem>>[vector<16xi32>], vector<16xi32>,
        %sub3A_358 = arith.subi %mul3A_269, %gather3A_357 : vector<16xi32>
        %add3A_359 = arith.constant 1 : i32
        %add3A_360 = vector.broadcast %add3A_359 : i32 to vector<16xi32>
        %add3A_361 = arith.addi %sub3A_358, %add3A_360 : vector<16xi32>
        %max3A_362 = arith.constant 0 : i32
        %max3A_363 = vector.broadcast %max3A_362 : i32 to vector<16xi32>
        %max3A_364 = arith.maxsi %add3A_361, %max3A_363 : vector<16xi32>
        %min3A_365 = arith.constant 1 : i32
        %min3A_366 = vector.broadcast %min3A_365 : i32 to vector<16xi32>
        %min3A_367 = arith.minsi %max3A_364, %min3A_366 : vector<16xi32>
        %add3A_368 = arith.addi %add3A_354, %min3A_367 : vector<16xi32>
        %broadcast_in_dim3A_369 = arith.constant 8 : i32
        %broadcast_in_dim3A_370 = vector.broadcast %broadcast_in_dim3A_369 : i32 to vector<16xi32>
        %gather3A_371 = tpu.vector_load_idx %arg10[%broadcast_in_dim3A_370] : memref<16xi32, #tpu.memory_space<vmem>>[vector<16xi32>], vector<16xi32>,
        %sub3A_372 = arith.subi %mul3A_269, %gather3A_371 : vector<16xi32>
        %add3A_373 = arith.constant 1 : i32
        %add3A_374 = vector.broadcast %add3A_373 : i32 to vector<16xi32>
        %add3A_375 = arith.addi %sub3A_372, %add3A_374 : vector<16xi32>
        %max3A_376 = arith.constant 0 : i32
        %max3A_377 = vector.broadcast %max3A_376 : i32 to vector<16xi32>
        %max3A_378 = arith.maxsi %add3A_375, %max3A_377 : vector<16xi32>
        %min3A_379 = arith.constant 1 : i32
        %min3A_380 = vector.broadcast %min3A_379 : i32 to vector<16xi32>
        %min3A_381 = arith.minsi %max3A_378, %min3A_380 : vector<16xi32>
        %add3A_382 = arith.addi %add3A_368, %min3A_381 : vector<16xi32>
        %min3A_383 = arith.constant 7 : i32
        %min3A_384 = vector.broadcast %min3A_383 : i32 to vector<16xi32>
        %min3A_385 = arith.minsi %add3A_382, %min3A_384 : vector<16xi32>
        %swap3A_386 = arith.constant 0 : index
        %swap3A_387 = tpu.vector_load %arg12[%swap3A_386] {strides = array<i32>} : memref<48xi32, #tpu.memory_space<vmem>>, vector<16xi32>,
        tpu.vector_store %arg12[%swap3A_386], %min3A_385 {strides = array<i32>} : memref<48xi32, #tpu.memory_space<vmem>>, vector<16xi32>,
        %iota3A_388 = tpu.iota {dimensions = array<i32: 0>} : vector<16xi32>
        %add3A_389 = arith.constant 16 : i32
        %add3A_390 = vector.broadcast %add3A_389 : i32 to vector<16xi32>
        %add3A_391 = arith.addi %iota3A_388, %add3A_390 : vector<16xi32>
        %mul3A_392 = arith.constant 256 : i32
        %mul3A_393 = vector.broadcast %mul3A_392 : i32 to vector<16xi32>
        %mul3A_394 = arith.muli %add3A_391, %mul3A_393 : vector<16xi32>
        %broadcast_in_dim3A_395 = arith.constant 0 : i32
        %broadcast_in_dim3A_396 = vector.broadcast %broadcast_in_dim3A_395 : i32 to vector<16xi32>
        %broadcast_in_dim3A_397 = arith.constant 1 : i32
        %broadcast_in_dim3A_398 = vector.broadcast %broadcast_in_dim3A_397 : i32 to vector<16xi32>
        %gather3A_399 = tpu.vector_load_idx %arg10[%broadcast_in_dim3A_398] : memref<16xi32, #tpu.memory_space<vmem>>[vector<16xi32>], vector<16xi32>,
        %sub3A_400 = arith.subi %mul3A_394, %gather3A_399 : vector<16xi32>
        %add3A_401 = arith.constant 1 : i32
        %add3A_402 = vector.broadcast %add3A_401 : i32 to vector<16xi32>
        %add3A_403 = arith.addi %sub3A_400, %add3A_402 : vector<16xi32>
        %max3A_404 = arith.constant 0 : i32
        %max3A_405 = vector.broadcast %max3A_404 : i32 to vector<16xi32>
        %max3A_406 = arith.maxsi %add3A_403, %max3A_405 : vector<16xi32>
        %min3A_407 = arith.constant 1 : i32
        %min3A_408 = vector.broadcast %min3A_407 : i32 to vector<16xi32>
        %min3A_409 = arith.minsi %max3A_406, %min3A_408 : vector<16xi32>
        %add3A_410 = arith.addi %broadcast_in_dim3A_396, %min3A_409 : vector<16xi32>
        %broadcast_in_dim3A_411 = arith.constant 2 : i32
        %broadcast_in_dim3A_412 = vector.broadcast %broadcast_in_dim3A_411 : i32 to vector<16xi32>
        %gather3A_413 = tpu.vector_load_idx %arg10[%broadcast_in_dim3A_412] : memref<16xi32, #tpu.memory_space<vmem>>[vector<16xi32>], vector<16xi32>,
        %sub3A_414 = arith.subi %mul3A_394, %gather3A_413 : vector<16xi32>
        %add3A_415 = arith.constant 1 : i32
        %add3A_416 = vector.broadcast %add3A_415 : i32 to vector<16xi32>
        %add3A_417 = arith.addi %sub3A_414, %add3A_416 : vector<16xi32>
        %max3A_418 = arith.constant 0 : i32
        %max3A_419 = vector.broadcast %max3A_418 : i32 to vector<16xi32>
        %max3A_420 = arith.maxsi %add3A_417, %max3A_419 : vector<16xi32>
        %min3A_421 = arith.constant 1 : i32
        %min3A_422 = vector.broadcast %min3A_421 : i32 to vector<16xi32>
        %min3A_423 = arith.minsi %max3A_420, %min3A_422 : vector<16xi32>
        %add3A_424 = arith.addi %add3A_410, %min3A_423 : vector<16xi32>
        %broadcast_in_dim3A_425 = arith.constant 3 : i32
        %broadcast_in_dim3A_426 = vector.broadcast %broadcast_in_dim3A_425 : i32 to vector<16xi32>
        %gather3A_427 = tpu.vector_load_idx %arg10[%broadcast_in_dim3A_426] : memref<16xi32, #tpu.memory_space<vmem>>[vector<16xi32>], vector<16xi32>,
        %sub3A_428 = arith.subi %mul3A_394, %gather3A_427 : vector<16xi32>
        %add3A_429 = arith.constant 1 : i32
        %add3A_430 = vector.broadcast %add3A_429 : i32 to vector<16xi32>
        %add3A_431 = arith.addi %sub3A_428, %add3A_430 : vector<16xi32>
        %max3A_432 = arith.constant 0 : i32
        %max3A_433 = vector.broadcast %max3A_432 : i32 to vector<16xi32>
        %max3A_434 = arith.maxsi %add3A_431, %max3A_433 : vector<16xi32>
        %min3A_435 = arith.constant 1 : i32
        %min3A_436 = vector.broadcast %min3A_435 : i32 to vector<16xi32>
        %min3A_437 = arith.minsi %max3A_434, %min3A_436 : vector<16xi32>
        %add3A_438 = arith.addi %add3A_424, %min3A_437 : vector<16xi32>
        %broadcast_in_dim3A_439 = arith.constant 4 : i32
        %broadcast_in_dim3A_440 = vector.broadcast %broadcast_in_dim3A_439 : i32 to vector<16xi32>
        %gather3A_441 = tpu.vector_load_idx %arg10[%broadcast_in_dim3A_440] : memref<16xi32, #tpu.memory_space<vmem>>[vector<16xi32>], vector<16xi32>,
        %sub3A_442 = arith.subi %mul3A_394, %gather3A_441 : vector<16xi32>
        %add3A_443 = arith.constant 1 : i32
        %add3A_444 = vector.broadcast %add3A_443 : i32 to vector<16xi32>
        %add3A_445 = arith.addi %sub3A_442, %add3A_444 : vector<16xi32>
        %max3A_446 = arith.constant 0 : i32
        %max3A_447 = vector.broadcast %max3A_446 : i32 to vector<16xi32>
        %max3A_448 = arith.maxsi %add3A_445, %max3A_447 : vector<16xi32>
        %min3A_449 = arith.constant 1 : i32
        %min3A_450 = vector.broadcast %min3A_449 : i32 to vector<16xi32>
        %min3A_451 = arith.minsi %max3A_448, %min3A_450 : vector<16xi32>
        %add3A_452 = arith.addi %add3A_438, %min3A_451 : vector<16xi32>
        %broadcast_in_dim3A_453 = arith.constant 5 : i32
        %broadcast_in_dim3A_454 = vector.broadcast %broadcast_in_dim3A_453 : i32 to vector<16xi32>
        %gather3A_455 = tpu.vector_load_idx %arg10[%broadcast_in_dim3A_454] : memref<16xi32, #tpu.memory_space<vmem>>[vector<16xi32>], vector<16xi32>,
        %sub3A_456 = arith.subi %mul3A_394, %gather3A_455 : vector<16xi32>
        %add3A_457 = arith.constant 1 : i32
        %add3A_458 = vector.broadcast %add3A_457 : i32 to vector<16xi32>
        %add3A_459 = arith.addi %sub3A_456, %add3A_458 : vector<16xi32>
        %max3A_460 = arith.constant 0 : i32
        %max3A_461 = vector.broadcast %max3A_460 : i32 to vector<16xi32>
        %max3A_462 = arith.maxsi %add3A_459, %max3A_461 : vector<16xi32>
        %min3A_463 = arith.constant 1 : i32
        %min3A_464 = vector.broadcast %min3A_463 : i32 to vector<16xi32>
        %min3A_465 = arith.minsi %max3A_462, %min3A_464 : vector<16xi32>
        %add3A_466 = arith.addi %add3A_452, %min3A_465 : vector<16xi32>
        %broadcast_in_dim3A_467 = arith.constant 6 : i32
        %broadcast_in_dim3A_468 = vector.broadcast %broadcast_in_dim3A_467 : i32 to vector<16xi32>
        %gather3A_469 = tpu.vector_load_idx %arg10[%broadcast_in_dim3A_468] : memref<16xi32, #tpu.memory_space<vmem>>[vector<16xi32>], vector<16xi32>,
        %sub3A_470 = arith.subi %mul3A_394, %gather3A_469 : vector<16xi32>
        %add3A_471 = arith.constant 1 : i32
        %add3A_472 = vector.broadcast %add3A_471 : i32 to vector<16xi32>
        %add3A_473 = arith.addi %sub3A_470, %add3A_472 : vector<16xi32>
        %max3A_474 = arith.constant 0 : i32
        %max3A_475 = vector.broadcast %max3A_474 : i32 to vector<16xi32>
        %max3A_476 = arith.maxsi %add3A_473, %max3A_475 : vector<16xi32>
        %min3A_477 = arith.constant 1 : i32
        %min3A_478 = vector.broadcast %min3A_477 : i32 to vector<16xi32>
        %min3A_479 = arith.minsi %max3A_476, %min3A_478 : vector<16xi32>
        %add3A_480 = arith.addi %add3A_466, %min3A_479 : vector<16xi32>
        %broadcast_in_dim3A_481 = arith.constant 7 : i32
        %broadcast_in_dim3A_482 = vector.broadcast %broadcast_in_dim3A_481 : i32 to vector<16xi32>
        %gather3A_483 = tpu.vector_load_idx %arg10[%broadcast_in_dim3A_482] : memref<16xi32, #tpu.memory_space<vmem>>[vector<16xi32>], vector<16xi32>,
        %sub3A_484 = arith.subi %mul3A_394, %gather3A_483 : vector<16xi32>
        %add3A_485 = arith.constant 1 : i32
        %add3A_486 = vector.broadcast %add3A_485 : i32 to vector<16xi32>
        %add3A_487 = arith.addi %sub3A_484, %add3A_486 : vector<16xi32>
        %max3A_488 = arith.constant 0 : i32
        %max3A_489 = vector.broadcast %max3A_488 : i32 to vector<16xi32>
        %max3A_490 = arith.maxsi %add3A_487, %max3A_489 : vector<16xi32>
        %min3A_491 = arith.constant 1 : i32
        %min3A_492 = vector.broadcast %min3A_491 : i32 to vector<16xi32>
        %min3A_493 = arith.minsi %max3A_490, %min3A_492 : vector<16xi32>
        %add3A_494 = arith.addi %add3A_480, %min3A_493 : vector<16xi32>
        %broadcast_in_dim3A_495 = arith.constant 8 : i32
        %broadcast_in_dim3A_496 = vector.broadcast %broadcast_in_dim3A_495 : i32 to vector<16xi32>
        %gather3A_497 = tpu.vector_load_idx %arg10[%broadcast_in_dim3A_496] : memref<16xi32, #tpu.memory_space<vmem>>[vector<16xi32>], vector<16xi32>,
        %sub3A_498 = arith.subi %mul3A_394, %gather3A_497 : vector<16xi32>
        %add3A_499 = arith.constant 1 : i32
        %add3A_500 = vector.broadcast %add3A_499 : i32 to vector<16xi32>
        %add3A_501 = arith.addi %sub3A_498, %add3A_500 : vector<16xi32>
        %max3A_502 = arith.constant 0 : i32
        %max3A_503 = vector.broadcast %max3A_502 : i32 to vector<16xi32>
        %max3A_504 = arith.maxsi %add3A_501, %max3A_503 : vector<16xi32>
        %min3A_505 = arith.constant 1 : i32
        %min3A_506 = vector.broadcast %min3A_505 : i32 to vector<16xi32>
        %min3A_507 = arith.minsi %max3A_504, %min3A_506 : vector<16xi32>
        %add3A_508 = arith.addi %add3A_494, %min3A_507 : vector<16xi32>
        %min3A_509 = arith.constant 7 : i32
        %min3A_510 = vector.broadcast %min3A_509 : i32 to vector<16xi32>
        %min3A_511 = arith.minsi %add3A_508, %min3A_510 : vector<16xi32>
        %swap3A_512 = arith.constant 16 : index
        %swap3A_513 = tpu.vector_load %arg12[%swap3A_512] {strides = array<i32>} : memref<48xi32, #tpu.memory_space<vmem>>, vector<16xi32>,
        tpu.vector_store %arg12[%swap3A_512], %min3A_511 {strides = array<i32>} : memref<48xi32, #tpu.memory_space<vmem>>, vector<16xi32>,
        %iota3A_514 = tpu.iota {dimensions = array<i32: 0>} : vector<16xi32>
        %add3A_515 = arith.constant 32 : i32
        %add3A_516 = vector.broadcast %add3A_515 : i32 to vector<16xi32>
        %add3A_517 = arith.addi %iota3A_514, %add3A_516 : vector<16xi32>
        %mul3A_518 = arith.constant 256 : i32
        %mul3A_519 = vector.broadcast %mul3A_518 : i32 to vector<16xi32>
        %mul3A_520 = arith.muli %add3A_517, %mul3A_519 : vector<16xi32>
        %broadcast_in_dim3A_521 = arith.constant 0 : i32
        %broadcast_in_dim3A_522 = vector.broadcast %broadcast_in_dim3A_521 : i32 to vector<16xi32>
        %broadcast_in_dim3A_523 = arith.constant 1 : i32
        %broadcast_in_dim3A_524 = vector.broadcast %broadcast_in_dim3A_523 : i32 to vector<16xi32>
        %gather3A_525 = tpu.vector_load_idx %arg10[%broadcast_in_dim3A_524] : memref<16xi32, #tpu.memory_space<vmem>>[vector<16xi32>], vector<16xi32>,
        %sub3A_526 = arith.subi %mul3A_520, %gather3A_525 : vector<16xi32>
        %add3A_527 = arith.constant 1 : i32
        %add3A_528 = vector.broadcast %add3A_527 : i32 to vector<16xi32>
        %add3A_529 = arith.addi %sub3A_526, %add3A_528 : vector<16xi32>
        %max3A_530 = arith.constant 0 : i32
        %max3A_531 = vector.broadcast %max3A_530 : i32 to vector<16xi32>
        %max3A_532 = arith.maxsi %add3A_529, %max3A_531 : vector<16xi32>
        %min3A_533 = arith.constant 1 : i32
        %min3A_534 = vector.broadcast %min3A_533 : i32 to vector<16xi32>
        %min3A_535 = arith.minsi %max3A_532, %min3A_534 : vector<16xi32>
        %add3A_536 = arith.addi %broadcast_in_dim3A_522, %min3A_535 : vector<16xi32>
        %broadcast_in_dim3A_537 = arith.constant 2 : i32
        %broadcast_in_dim3A_538 = vector.broadcast %broadcast_in_dim3A_537 : i32 to vector<16xi32>
        %gather3A_539 = tpu.vector_load_idx %arg10[%broadcast_in_dim3A_538] : memref<16xi32, #tpu.memory_space<vmem>>[vector<16xi32>], vector<16xi32>,
        %sub3A_540 = arith.subi %mul3A_520, %gather3A_539 : vector<16xi32>
        %add3A_541 = arith.constant 1 : i32
        %add3A_542 = vector.broadcast %add3A_541 : i32 to vector<16xi32>
        %add3A_543 = arith.addi %sub3A_540, %add3A_542 : vector<16xi32>
        %max3A_544 = arith.constant 0 : i32
        %max3A_545 = vector.broadcast %max3A_544 : i32 to vector<16xi32>
        %max3A_546 = arith.maxsi %add3A_543, %max3A_545 : vector<16xi32>
        %min3A_547 = arith.constant 1 : i32
        %min3A_548 = vector.broadcast %min3A_547 : i32 to vector<16xi32>
        %min3A_549 = arith.minsi %max3A_546, %min3A_548 : vector<16xi32>
        %add3A_550 = arith.addi %add3A_536, %min3A_549 : vector<16xi32>
        %broadcast_in_dim3A_551 = arith.constant 3 : i32
        %broadcast_in_dim3A_552 = vector.broadcast %broadcast_in_dim3A_551 : i32 to vector<16xi32>
        %gather3A_553 = tpu.vector_load_idx %arg10[%broadcast_in_dim3A_552] : memref<16xi32, #tpu.memory_space<vmem>>[vector<16xi32>], vector<16xi32>,
        %sub3A_554 = arith.subi %mul3A_520, %gather3A_553 : vector<16xi32>
        %add3A_555 = arith.constant 1 : i32
        %add3A_556 = vector.broadcast %add3A_555 : i32 to vector<16xi32>
        %add3A_557 = arith.addi %sub3A_554, %add3A_556 : vector<16xi32>
        %max3A_558 = arith.constant 0 : i32
        %max3A_559 = vector.broadcast %max3A_558 : i32 to vector<16xi32>
        %max3A_560 = arith.maxsi %add3A_557, %max3A_559 : vector<16xi32>
        %min3A_561 = arith.constant 1 : i32
        %min3A_562 = vector.broadcast %min3A_561 : i32 to vector<16xi32>
        %min3A_563 = arith.minsi %max3A_560, %min3A_562 : vector<16xi32>
        %add3A_564 = arith.addi %add3A_550, %min3A_563 : vector<16xi32>
        %broadcast_in_dim3A_565 = arith.constant 4 : i32
        %broadcast_in_dim3A_566 = vector.broadcast %broadcast_in_dim3A_565 : i32 to vector<16xi32>
        %gather3A_567 = tpu.vector_load_idx %arg10[%broadcast_in_dim3A_566] : memref<16xi32, #tpu.memory_space<vmem>>[vector<16xi32>], vector<16xi32>,
        %sub3A_568 = arith.subi %mul3A_520, %gather3A_567 : vector<16xi32>
        %add3A_569 = arith.constant 1 : i32
        %add3A_570 = vector.broadcast %add3A_569 : i32 to vector<16xi32>
        %add3A_571 = arith.addi %sub3A_568, %add3A_570 : vector<16xi32>
        %max3A_572 = arith.constant 0 : i32
        %max3A_573 = vector.broadcast %max3A_572 : i32 to vector<16xi32>
        %max3A_574 = arith.maxsi %add3A_571, %max3A_573 : vector<16xi32>
        %min3A_575 = arith.constant 1 : i32
        %min3A_576 = vector.broadcast %min3A_575 : i32 to vector<16xi32>
        %min3A_577 = arith.minsi %max3A_574, %min3A_576 : vector<16xi32>
        %add3A_578 = arith.addi %add3A_564, %min3A_577 : vector<16xi32>
        %broadcast_in_dim3A_579 = arith.constant 5 : i32
        %broadcast_in_dim3A_580 = vector.broadcast %broadcast_in_dim3A_579 : i32 to vector<16xi32>
        %gather3A_581 = tpu.vector_load_idx %arg10[%broadcast_in_dim3A_580] : memref<16xi32, #tpu.memory_space<vmem>>[vector<16xi32>], vector<16xi32>,
        %sub3A_582 = arith.subi %mul3A_520, %gather3A_581 : vector<16xi32>
        %add3A_583 = arith.constant 1 : i32
        %add3A_584 = vector.broadcast %add3A_583 : i32 to vector<16xi32>
        %add3A_585 = arith.addi %sub3A_582, %add3A_584 : vector<16xi32>
        %max3A_586 = arith.constant 0 : i32
        %max3A_587 = vector.broadcast %max3A_586 : i32 to vector<16xi32>
        %max3A_588 = arith.maxsi %add3A_585, %max3A_587 : vector<16xi32>
        %min3A_589 = arith.constant 1 : i32
        %min3A_590 = vector.broadcast %min3A_589 : i32 to vector<16xi32>
        %min3A_591 = arith.minsi %max3A_588, %min3A_590 : vector<16xi32>
        %add3A_592 = arith.addi %add3A_578, %min3A_591 : vector<16xi32>
        %broadcast_in_dim3A_593 = arith.constant 6 : i32
        %broadcast_in_dim3A_594 = vector.broadcast %broadcast_in_dim3A_593 : i32 to vector<16xi32>
        %gather3A_595 = tpu.vector_load_idx %arg10[%broadcast_in_dim3A_594] : memref<16xi32, #tpu.memory_space<vmem>>[vector<16xi32>], vector<16xi32>,
        %sub3A_596 = arith.subi %mul3A_520, %gather3A_595 : vector<16xi32>
        %add3A_597 = arith.constant 1 : i32
        %add3A_598 = vector.broadcast %add3A_597 : i32 to vector<16xi32>
        %add3A_599 = arith.addi %sub3A_596, %add3A_598 : vector<16xi32>
        %max3A_600 = arith.constant 0 : i32
        %max3A_601 = vector.broadcast %max3A_600 : i32 to vector<16xi32>
        %max3A_602 = arith.maxsi %add3A_599, %max3A_601 : vector<16xi32>
        %min3A_603 = arith.constant 1 : i32
        %min3A_604 = vector.broadcast %min3A_603 : i32 to vector<16xi32>
        %min3A_605 = arith.minsi %max3A_602, %min3A_604 : vector<16xi32>
        %add3A_606 = arith.addi %add3A_592, %min3A_605 : vector<16xi32>
        %broadcast_in_dim3A_607 = arith.constant 7 : i32
        %broadcast_in_dim3A_608 = vector.broadcast %broadcast_in_dim3A_607 : i32 to vector<16xi32>
        %gather3A_609 = tpu.vector_load_idx %arg10[%broadcast_in_dim3A_608] : memref<16xi32, #tpu.memory_space<vmem>>[vector<16xi32>], vector<16xi32>,
        %sub3A_610 = arith.subi %mul3A_520, %gather3A_609 : vector<16xi32>
        %add3A_611 = arith.constant 1 : i32
        %add3A_612 = vector.broadcast %add3A_611 : i32 to vector<16xi32>
        %add3A_613 = arith.addi %sub3A_610, %add3A_612 : vector<16xi32>
        %max3A_614 = arith.constant 0 : i32
        %max3A_615 = vector.broadcast %max3A_614 : i32 to vector<16xi32>
        %max3A_616 = arith.maxsi %add3A_613, %max3A_615 : vector<16xi32>
        %min3A_617 = arith.constant 1 : i32
        %min3A_618 = vector.broadcast %min3A_617 : i32 to vector<16xi32>
        %min3A_619 = arith.minsi %max3A_616, %min3A_618 : vector<16xi32>
        %add3A_620 = arith.addi %add3A_606, %min3A_619 : vector<16xi32>
        %broadcast_in_dim3A_621 = arith.constant 8 : i32
        %broadcast_in_dim3A_622 = vector.broadcast %broadcast_in_dim3A_621 : i32 to vector<16xi32>
        %gather3A_623 = tpu.vector_load_idx %arg10[%broadcast_in_dim3A_622] : memref<16xi32, #tpu.memory_space<vmem>>[vector<16xi32>], vector<16xi32>,
        %sub3A_624 = arith.subi %mul3A_520, %gather3A_623 : vector<16xi32>
        %add3A_625 = arith.constant 1 : i32
        %add3A_626 = vector.broadcast %add3A_625 : i32 to vector<16xi32>
        %add3A_627 = arith.addi %sub3A_624, %add3A_626 : vector<16xi32>
        %max3A_628 = arith.constant 0 : i32
        %max3A_629 = vector.broadcast %max3A_628 : i32 to vector<16xi32>
        %max3A_630 = arith.maxsi %add3A_627, %max3A_629 : vector<16xi32>
        %min3A_631 = arith.constant 1 : i32
        %min3A_632 = vector.broadcast %min3A_631 : i32 to vector<16xi32>
        %min3A_633 = arith.minsi %max3A_630, %min3A_632 : vector<16xi32>
        %add3A_634 = arith.addi %add3A_620, %min3A_633 : vector<16xi32>
        %min3A_635 = arith.constant 7 : i32
        %min3A_636 = vector.broadcast %min3A_635 : i32 to vector<16xi32>
        %min3A_637 = arith.minsi %add3A_634, %min3A_636 : vector<16xi32>
        %swap3A_638 = arith.constant 32 : index
        %swap3A_639 = tpu.vector_load %arg12[%swap3A_638] {strides = array<i32>} : memref<48xi32, #tpu.memory_space<vmem>>, vector<16xi32>,
        tpu.vector_store %arg12[%swap3A_638], %min3A_637 {strides = array<i32>} : memref<48xi32, #tpu.memory_space<vmem>>, vector<16xi32>,
        "tpu.region"() ({
          %run_scoped3A = tpu.sem_alloc : memref<!tpu.dma_semaphore, #tpu.memory_space<semaphore_mem>>
          tpu.enqueue_dma source(%arg12 : memref<48xi32, #tpu.memory_space<vmem>>) target(%arg4 : memref<48xi32, #tpu.memory_space<hbm>>) target_semaphore(%run_scoped3A : memref<!tpu.dma_semaphore, #tpu.memory_space<semaphore_mem>>)
          tpu.wait_dma2 semaphore(%run_scoped3A : memref<!tpu.dma_semaphore, #tpu.memory_space<semaphore_mem>>) src(%arg12 : memref<48xi32, #tpu.memory_space<vmem>>) dst(%arg4 : memref<48xi32, #tpu.memory_space<hbm>>)
          tpu.yield
        }) : () -> ()
      } else {
      }
    } else {
    }
    return
  }
}

#map = affine_map<(d0, d1) -> (0, 0)>
#map1 = affine_map<(d0, d1) -> (0)>
module attributes {stable_mosaic.version = 14 : i64} {
  func.func @_scatter_rows(%arg0: i32, %arg1: i32, %arg2: memref<8192x2048xf32, #tpu.memory_space<hbm>>, %arg3: memref<8192xi32, #tpu.memory_space<hbm>>, %arg4: memref<10240x2048xf32, #tpu.memory_space<hbm>>, %arg5: memref<256xi32, #tpu.memory_space<vmem>>, %arg6: memref<16x2048xf32, #tpu.memory_space<vmem>>, %arg7: memref<!tpu.dma_semaphore, #tpu.memory_space<semaphore_mem>>) attributes {dimension_semantics = [#tpu.dimension_semantics<core_parallel>, #tpu.dimension_semantics<subcore_parallel>], iteration_bounds = array<i64: 2, 16>, scalar_prefetch = 0 : i64, scratch_operands = 3 : i64, tpu.core_type = #tpu.core_type<sc_vector_subcore>, window_params = [{transform_indices = #map}, {transform_indices = #map1}, {transform_indices = #map}]} {
    %mul3A = arith.constant 2 : i32
    %mul3A_0 = arith.muli %arg1, %mul3A : i32
    %add3A = arith.addi %mul3A_0, %arg0 : i32
    %mul3A_1 = arith.constant 256 : i32
    %mul3A_2 = arith.muli %add3A, %mul3A_1 : i32
    "tpu.region"() ({
      %run_scoped3A = tpu.sem_alloc : memref<!tpu.dma_semaphore, #tpu.memory_space<semaphore_mem>>
      %dma_start3A_192 = tpu.memref_slice %arg3[%mul3A_2] : memref<8192xi32, #tpu.memory_space<hbm>> -> memref<256xi32, #tpu.memory_space<hbm>>
      %dma_start3A_193 = tpu.memref_slice %arg3[%mul3A_2] : memref<8192xi32, #tpu.memory_space<hbm>> -> memref<256xi32, #tpu.memory_space<hbm>>
      tpu.enqueue_dma source(%dma_start3A_193 : memref<256xi32, #tpu.memory_space<hbm>>) target(%arg5 : memref<256xi32, #tpu.memory_space<vmem>>) target_semaphore(%run_scoped3A : memref<!tpu.dma_semaphore, #tpu.memory_space<semaphore_mem>>)
      %dma_wait3A_194 = tpu.memref_slice %arg3[%mul3A_2] : memref<8192xi32, #tpu.memory_space<hbm>> -> memref<256xi32, #tpu.memory_space<hbm>>
      %dma_wait3A_195 = tpu.memref_slice %arg3[%mul3A_2] : memref<8192xi32, #tpu.memory_space<hbm>> -> memref<256xi32, #tpu.memory_space<hbm>>
      tpu.wait_dma2 semaphore(%run_scoped3A : memref<!tpu.dma_semaphore, #tpu.memory_space<semaphore_mem>>) src(%dma_wait3A_195 : memref<256xi32, #tpu.memory_space<hbm>>) dst(%arg5 : memref<256xi32, #tpu.memory_space<vmem>>)
      tpu.yield
    }) : () -> ()
    %mul3A_3 = arith.constant 256 : i32
    %mul3A_4 = arith.muli %add3A, %mul3A_3 : i32
    %add3A_5 = arith.constant 0 : i32
    %add3A_6 = arith.addi %mul3A_4, %add3A_5 : i32
    "tpu.region"() ({
      %run_scoped3A = tpu.sem_alloc : memref<!tpu.dma_semaphore, #tpu.memory_space<semaphore_mem>>
      %dma_start3A_192 = arith.constant 0 : i32
      %dma_start3A_193 = tpu.memref_slice %arg2[%add3A_6, %dma_start3A_192] : memref<8192x2048xf32, #tpu.memory_space<hbm>> -> memref<16x2048xf32, #tpu.memory_space<hbm>>
      %dma_start3A_194 = arith.constant 0 : i32
      %dma_start3A_195 = tpu.memref_slice %arg2[%add3A_6, %dma_start3A_194] : memref<8192x2048xf32, #tpu.memory_space<hbm>> -> memref<16x2048xf32, #tpu.memory_space<hbm>>
      tpu.enqueue_dma source(%dma_start3A_195 : memref<16x2048xf32, #tpu.memory_space<hbm>>) target(%arg6 : memref<16x2048xf32, #tpu.memory_space<vmem>>) target_semaphore(%run_scoped3A : memref<!tpu.dma_semaphore, #tpu.memory_space<semaphore_mem>>)
      %dma_wait3A_196 = arith.constant 0 : i32
      %dma_wait3A_197 = tpu.memref_slice %arg2[%add3A_6, %dma_wait3A_196] : memref<8192x2048xf32, #tpu.memory_space<hbm>> -> memref<16x2048xf32, #tpu.memory_space<hbm>>
      %dma_wait3A_198 = arith.constant 0 : i32
      %dma_wait3A_199 = tpu.memref_slice %arg2[%add3A_6, %dma_wait3A_198] : memref<8192x2048xf32, #tpu.memory_space<hbm>> -> memref<16x2048xf32, #tpu.memory_space<hbm>>
      tpu.wait_dma2 semaphore(%run_scoped3A : memref<!tpu.dma_semaphore, #tpu.memory_space<semaphore_mem>>) src(%dma_wait3A_199 : memref<16x2048xf32, #tpu.memory_space<hbm>>) dst(%arg6 : memref<16x2048xf32, #tpu.memory_space<vmem>>)
      tpu.yield
    }) : () -> ()
    %get3A = arith.constant 0 : index
    %get3A_7 = tpu.vector_load %arg5[%get3A] {strides = array<i32>} : memref<256xi32, #tpu.memory_space<vmem>>, vector<16xi32>,
    %dma_start3A = arith.constant 0 : i32
    %dma_start3A_8 = arith.constant 0 : i32
    %dma_start3A_9 = tpu.memref_slice %arg4[%dma_start3A, %dma_start3A_8] : memref<10240x2048xf32, #tpu.memory_space<hbm>> -> memref<10240x2048xf32, #tpu.memory_space<hbm>>
    tpu.enqueue_indirect_dma source(%arg6 : memref<16x2048xf32, #tpu.memory_space<vmem>>) target(%dma_start3A_9 : memref<10240x2048xf32, #tpu.memory_space<hbm>>) offsets(%get3A_7 : vector<16xi32>) semaphore(%arg7 : memref<!tpu.dma_semaphore, #tpu.memory_space<semaphore_mem>>)
    %dma_wait3A = arith.constant 0 : i32
    %dma_wait3A_10 = arith.constant 0 : i32
    %dma_wait3A_11 = tpu.memref_slice %arg4[%dma_wait3A, %dma_wait3A_10] : memref<10240x2048xf32, #tpu.memory_space<hbm>> -> memref<10240x2048xf32, #tpu.memory_space<hbm>>
    tpu.wait_indirect_dma semaphore(%arg7 : memref<!tpu.dma_semaphore, #tpu.memory_space<semaphore_mem>>) src(%arg6 : memref<16x2048xf32, #tpu.memory_space<vmem>>) dst(%dma_wait3A_11 : memref<10240x2048xf32, #tpu.memory_space<hbm>>)
    %mul3A_12 = arith.constant 256 : i32
    %mul3A_13 = arith.muli %add3A, %mul3A_12 : i32
    %add3A_14 = arith.constant 16 : i32
    %add3A_15 = arith.addi %mul3A_13, %add3A_14 : i32
    "tpu.region"() ({
      %run_scoped3A = tpu.sem_alloc : memref<!tpu.dma_semaphore, #tpu.memory_space<semaphore_mem>>
      %dma_start3A_192 = arith.constant 0 : i32
      %dma_start3A_193 = tpu.memref_slice %arg2[%add3A_15, %dma_start3A_192] : memref<8192x2048xf32, #tpu.memory_space<hbm>> -> memref<16x2048xf32, #tpu.memory_space<hbm>>
      %dma_start3A_194 = arith.constant 0 : i32
      %dma_start3A_195 = tpu.memref_slice %arg2[%add3A_15, %dma_start3A_194] : memref<8192x2048xf32, #tpu.memory_space<hbm>> -> memref<16x2048xf32, #tpu.memory_space<hbm>>
      tpu.enqueue_dma source(%dma_start3A_195 : memref<16x2048xf32, #tpu.memory_space<hbm>>) target(%arg6 : memref<16x2048xf32, #tpu.memory_space<vmem>>) target_semaphore(%run_scoped3A : memref<!tpu.dma_semaphore, #tpu.memory_space<semaphore_mem>>)
      %dma_wait3A_196 = arith.constant 0 : i32
      %dma_wait3A_197 = tpu.memref_slice %arg2[%add3A_15, %dma_wait3A_196] : memref<8192x2048xf32, #tpu.memory_space<hbm>> -> memref<16x2048xf32, #tpu.memory_space<hbm>>
      %dma_wait3A_198 = arith.constant 0 : i32
      %dma_wait3A_199 = tpu.memref_slice %arg2[%add3A_15, %dma_wait3A_198] : memref<8192x2048xf32, #tpu.memory_space<hbm>> -> memref<16x2048xf32, #tpu.memory_space<hbm>>
      tpu.wait_dma2 semaphore(%run_scoped3A : memref<!tpu.dma_semaphore, #tpu.memory_space<semaphore_mem>>) src(%dma_wait3A_199 : memref<16x2048xf32, #tpu.memory_space<hbm>>) dst(%arg6 : memref<16x2048xf32, #tpu.memory_space<vmem>>)
      tpu.yield
    }) : () -> ()
    %get3A_16 = arith.constant 16 : index
    %get3A_17 = tpu.vector_load %arg5[%get3A_16] {strides = array<i32>} : memref<256xi32, #tpu.memory_space<vmem>>, vector<16xi32>,
    %dma_start3A_18 = arith.constant 0 : i32
    %dma_start3A_19 = arith.constant 0 : i32
    %dma_start3A_20 = tpu.memref_slice %arg4[%dma_start3A_18, %dma_start3A_19] : memref<10240x2048xf32, #tpu.memory_space<hbm>> -> memref<10240x2048xf32, #tpu.memory_space<hbm>>
    tpu.enqueue_indirect_dma source(%arg6 : memref<16x2048xf32, #tpu.memory_space<vmem>>) target(%dma_start3A_20 : memref<10240x2048xf32, #tpu.memory_space<hbm>>) offsets(%get3A_17 : vector<16xi32>) semaphore(%arg7 : memref<!tpu.dma_semaphore, #tpu.memory_space<semaphore_mem>>)
    %dma_wait3A_21 = arith.constant 0 : i32
    %dma_wait3A_22 = arith.constant 0 : i32
    %dma_wait3A_23 = tpu.memref_slice %arg4[%dma_wait3A_21, %dma_wait3A_22] : memref<10240x2048xf32, #tpu.memory_space<hbm>> -> memref<10240x2048xf32, #tpu.memory_space<hbm>>
    tpu.wait_indirect_dma semaphore(%arg7 : memref<!tpu.dma_semaphore, #tpu.memory_space<semaphore_mem>>) src(%arg6 : memref<16x2048xf32, #tpu.memory_space<vmem>>) dst(%dma_wait3A_23 : memref<10240x2048xf32, #tpu.memory_space<hbm>>)
    %mul3A_24 = arith.constant 256 : i32
    %mul3A_25 = arith.muli %add3A, %mul3A_24 : i32
    %add3A_26 = arith.constant 32 : i32
    %add3A_27 = arith.addi %mul3A_25, %add3A_26 : i32
    "tpu.region"() ({
      %run_scoped3A = tpu.sem_alloc : memref<!tpu.dma_semaphore, #tpu.memory_space<semaphore_mem>>
      %dma_start3A_192 = arith.constant 0 : i32
      %dma_start3A_193 = tpu.memref_slice %arg2[%add3A_27, %dma_start3A_192] : memref<8192x2048xf32, #tpu.memory_space<hbm>> -> memref<16x2048xf32, #tpu.memory_space<hbm>>
      %dma_start3A_194 = arith.constant 0 : i32
      %dma_start3A_195 = tpu.memref_slice %arg2[%add3A_27, %dma_start3A_194] : memref<8192x2048xf32, #tpu.memory_space<hbm>> -> memref<16x2048xf32, #tpu.memory_space<hbm>>
      tpu.enqueue_dma source(%dma_start3A_195 : memref<16x2048xf32, #tpu.memory_space<hbm>>) target(%arg6 : memref<16x2048xf32, #tpu.memory_space<vmem>>) target_semaphore(%run_scoped3A : memref<!tpu.dma_semaphore, #tpu.memory_space<semaphore_mem>>)
      %dma_wait3A_196 = arith.constant 0 : i32
      %dma_wait3A_197 = tpu.memref_slice %arg2[%add3A_27, %dma_wait3A_196] : memref<8192x2048xf32, #tpu.memory_space<hbm>> -> memref<16x2048xf32, #tpu.memory_space<hbm>>
      %dma_wait3A_198 = arith.constant 0 : i32
      %dma_wait3A_199 = tpu.memref_slice %arg2[%add3A_27, %dma_wait3A_198] : memref<8192x2048xf32, #tpu.memory_space<hbm>> -> memref<16x2048xf32, #tpu.memory_space<hbm>>
      tpu.wait_dma2 semaphore(%run_scoped3A : memref<!tpu.dma_semaphore, #tpu.memory_space<semaphore_mem>>) src(%dma_wait3A_199 : memref<16x2048xf32, #tpu.memory_space<hbm>>) dst(%arg6 : memref<16x2048xf32, #tpu.memory_space<vmem>>)
      tpu.yield
    }) : () -> ()
    %get3A_28 = arith.constant 32 : index
    %get3A_29 = tpu.vector_load %arg5[%get3A_28] {strides = array<i32>} : memref<256xi32, #tpu.memory_space<vmem>>, vector<16xi32>,
    %dma_start3A_30 = arith.constant 0 : i32
    %dma_start3A_31 = arith.constant 0 : i32
    %dma_start3A_32 = tpu.memref_slice %arg4[%dma_start3A_30, %dma_start3A_31] : memref<10240x2048xf32, #tpu.memory_space<hbm>> -> memref<10240x2048xf32, #tpu.memory_space<hbm>>
    tpu.enqueue_indirect_dma source(%arg6 : memref<16x2048xf32, #tpu.memory_space<vmem>>) target(%dma_start3A_32 : memref<10240x2048xf32, #tpu.memory_space<hbm>>) offsets(%get3A_29 : vector<16xi32>) semaphore(%arg7 : memref<!tpu.dma_semaphore, #tpu.memory_space<semaphore_mem>>)
    %dma_wait3A_33 = arith.constant 0 : i32
    %dma_wait3A_34 = arith.constant 0 : i32
    %dma_wait3A_35 = tpu.memref_slice %arg4[%dma_wait3A_33, %dma_wait3A_34] : memref<10240x2048xf32, #tpu.memory_space<hbm>> -> memref<10240x2048xf32, #tpu.memory_space<hbm>>
    tpu.wait_indirect_dma semaphore(%arg7 : memref<!tpu.dma_semaphore, #tpu.memory_space<semaphore_mem>>) src(%arg6 : memref<16x2048xf32, #tpu.memory_space<vmem>>) dst(%dma_wait3A_35 : memref<10240x2048xf32, #tpu.memory_space<hbm>>)
    %mul3A_36 = arith.constant 256 : i32
    %mul3A_37 = arith.muli %add3A, %mul3A_36 : i32
    %add3A_38 = arith.constant 48 : i32
    %add3A_39 = arith.addi %mul3A_37, %add3A_38 : i32
    "tpu.region"() ({
      %run_scoped3A = tpu.sem_alloc : memref<!tpu.dma_semaphore, #tpu.memory_space<semaphore_mem>>
      %dma_start3A_192 = arith.constant 0 : i32
      %dma_start3A_193 = tpu.memref_slice %arg2[%add3A_39, %dma_start3A_192] : memref<8192x2048xf32, #tpu.memory_space<hbm>> -> memref<16x2048xf32, #tpu.memory_space<hbm>>
      %dma_start3A_194 = arith.constant 0 : i32
      %dma_start3A_195 = tpu.memref_slice %arg2[%add3A_39, %dma_start3A_194] : memref<8192x2048xf32, #tpu.memory_space<hbm>> -> memref<16x2048xf32, #tpu.memory_space<hbm>>
      tpu.enqueue_dma source(%dma_start3A_195 : memref<16x2048xf32, #tpu.memory_space<hbm>>) target(%arg6 : memref<16x2048xf32, #tpu.memory_space<vmem>>) target_semaphore(%run_scoped3A : memref<!tpu.dma_semaphore, #tpu.memory_space<semaphore_mem>>)
      %dma_wait3A_196 = arith.constant 0 : i32
      %dma_wait3A_197 = tpu.memref_slice %arg2[%add3A_39, %dma_wait3A_196] : memref<8192x2048xf32, #tpu.memory_space<hbm>> -> memref<16x2048xf32, #tpu.memory_space<hbm>>
      %dma_wait3A_198 = arith.constant 0 : i32
      %dma_wait3A_199 = tpu.memref_slice %arg2[%add3A_39, %dma_wait3A_198] : memref<8192x2048xf32, #tpu.memory_space<hbm>> -> memref<16x2048xf32, #tpu.memory_space<hbm>>
      tpu.wait_dma2 semaphore(%run_scoped3A : memref<!tpu.dma_semaphore, #tpu.memory_space<semaphore_mem>>) src(%dma_wait3A_199 : memref<16x2048xf32, #tpu.memory_space<hbm>>) dst(%arg6 : memref<16x2048xf32, #tpu.memory_space<vmem>>)
      tpu.yield
    }) : () -> ()
    %get3A_40 = arith.constant 48 : index
    %get3A_41 = tpu.vector_load %arg5[%get3A_40] {strides = array<i32>} : memref<256xi32, #tpu.memory_space<vmem>>, vector<16xi32>,
    %dma_start3A_42 = arith.constant 0 : i32
    %dma_start3A_43 = arith.constant 0 : i32
    %dma_start3A_44 = tpu.memref_slice %arg4[%dma_start3A_42, %dma_start3A_43] : memref<10240x2048xf32, #tpu.memory_space<hbm>> -> memref<10240x2048xf32, #tpu.memory_space<hbm>>
    tpu.enqueue_indirect_dma source(%arg6 : memref<16x2048xf32, #tpu.memory_space<vmem>>) target(%dma_start3A_44 : memref<10240x2048xf32, #tpu.memory_space<hbm>>) offsets(%get3A_41 : vector<16xi32>) semaphore(%arg7 : memref<!tpu.dma_semaphore, #tpu.memory_space<semaphore_mem>>)
    %dma_wait3A_45 = arith.constant 0 : i32
    %dma_wait3A_46 = arith.constant 0 : i32
    %dma_wait3A_47 = tpu.memref_slice %arg4[%dma_wait3A_45, %dma_wait3A_46] : memref<10240x2048xf32, #tpu.memory_space<hbm>> -> memref<10240x2048xf32, #tpu.memory_space<hbm>>
    tpu.wait_indirect_dma semaphore(%arg7 : memref<!tpu.dma_semaphore, #tpu.memory_space<semaphore_mem>>) src(%arg6 : memref<16x2048xf32, #tpu.memory_space<vmem>>) dst(%dma_wait3A_47 : memref<10240x2048xf32, #tpu.memory_space<hbm>>)
    %mul3A_48 = arith.constant 256 : i32
    %mul3A_49 = arith.muli %add3A, %mul3A_48 : i32
    %add3A_50 = arith.constant 64 : i32
    %add3A_51 = arith.addi %mul3A_49, %add3A_50 : i32
    "tpu.region"() ({
      %run_scoped3A = tpu.sem_alloc : memref<!tpu.dma_semaphore, #tpu.memory_space<semaphore_mem>>
      %dma_start3A_192 = arith.constant 0 : i32
      %dma_start3A_193 = tpu.memref_slice %arg2[%add3A_51, %dma_start3A_192] : memref<8192x2048xf32, #tpu.memory_space<hbm>> -> memref<16x2048xf32, #tpu.memory_space<hbm>>
      %dma_start3A_194 = arith.constant 0 : i32
      %dma_start3A_195 = tpu.memref_slice %arg2[%add3A_51, %dma_start3A_194] : memref<8192x2048xf32, #tpu.memory_space<hbm>> -> memref<16x2048xf32, #tpu.memory_space<hbm>>
      tpu.enqueue_dma source(%dma_start3A_195 : memref<16x2048xf32, #tpu.memory_space<hbm>>) target(%arg6 : memref<16x2048xf32, #tpu.memory_space<vmem>>) target_semaphore(%run_scoped3A : memref<!tpu.dma_semaphore, #tpu.memory_space<semaphore_mem>>)
      %dma_wait3A_196 = arith.constant 0 : i32
      %dma_wait3A_197 = tpu.memref_slice %arg2[%add3A_51, %dma_wait3A_196] : memref<8192x2048xf32, #tpu.memory_space<hbm>> -> memref<16x2048xf32, #tpu.memory_space<hbm>>
      %dma_wait3A_198 = arith.constant 0 : i32
      %dma_wait3A_199 = tpu.memref_slice %arg2[%add3A_51, %dma_wait3A_198] : memref<8192x2048xf32, #tpu.memory_space<hbm>> -> memref<16x2048xf32, #tpu.memory_space<hbm>>
      tpu.wait_dma2 semaphore(%run_scoped3A : memref<!tpu.dma_semaphore, #tpu.memory_space<semaphore_mem>>) src(%dma_wait3A_199 : memref<16x2048xf32, #tpu.memory_space<hbm>>) dst(%arg6 : memref<16x2048xf32, #tpu.memory_space<vmem>>)
      tpu.yield
    }) : () -> ()
    %get3A_52 = arith.constant 64 : index
    %get3A_53 = tpu.vector_load %arg5[%get3A_52] {strides = array<i32>} : memref<256xi32, #tpu.memory_space<vmem>>, vector<16xi32>,
    %dma_start3A_54 = arith.constant 0 : i32
    %dma_start3A_55 = arith.constant 0 : i32
    %dma_start3A_56 = tpu.memref_slice %arg4[%dma_start3A_54, %dma_start3A_55] : memref<10240x2048xf32, #tpu.memory_space<hbm>> -> memref<10240x2048xf32, #tpu.memory_space<hbm>>
    tpu.enqueue_indirect_dma source(%arg6 : memref<16x2048xf32, #tpu.memory_space<vmem>>) target(%dma_start3A_56 : memref<10240x2048xf32, #tpu.memory_space<hbm>>) offsets(%get3A_53 : vector<16xi32>) semaphore(%arg7 : memref<!tpu.dma_semaphore, #tpu.memory_space<semaphore_mem>>)
    %dma_wait3A_57 = arith.constant 0 : i32
    %dma_wait3A_58 = arith.constant 0 : i32
    %dma_wait3A_59 = tpu.memref_slice %arg4[%dma_wait3A_57, %dma_wait3A_58] : memref<10240x2048xf32, #tpu.memory_space<hbm>> -> memref<10240x2048xf32, #tpu.memory_space<hbm>>
    tpu.wait_indirect_dma semaphore(%arg7 : memref<!tpu.dma_semaphore, #tpu.memory_space<semaphore_mem>>) src(%arg6 : memref<16x2048xf32, #tpu.memory_space<vmem>>) dst(%dma_wait3A_59 : memref<10240x2048xf32, #tpu.memory_space<hbm>>)
    %mul3A_60 = arith.constant 256 : i32
    %mul3A_61 = arith.muli %add3A, %mul3A_60 : i32
    %add3A_62 = arith.constant 80 : i32
    %add3A_63 = arith.addi %mul3A_61, %add3A_62 : i32
    "tpu.region"() ({
      %run_scoped3A = tpu.sem_alloc : memref<!tpu.dma_semaphore, #tpu.memory_space<semaphore_mem>>
      %dma_start3A_192 = arith.constant 0 : i32
      %dma_start3A_193 = tpu.memref_slice %arg2[%add3A_63, %dma_start3A_192] : memref<8192x2048xf32, #tpu.memory_space<hbm>> -> memref<16x2048xf32, #tpu.memory_space<hbm>>
      %dma_start3A_194 = arith.constant 0 : i32
      %dma_start3A_195 = tpu.memref_slice %arg2[%add3A_63, %dma_start3A_194] : memref<8192x2048xf32, #tpu.memory_space<hbm>> -> memref<16x2048xf32, #tpu.memory_space<hbm>>
      tpu.enqueue_dma source(%dma_start3A_195 : memref<16x2048xf32, #tpu.memory_space<hbm>>) target(%arg6 : memref<16x2048xf32, #tpu.memory_space<vmem>>) target_semaphore(%run_scoped3A : memref<!tpu.dma_semaphore, #tpu.memory_space<semaphore_mem>>)
      %dma_wait3A_196 = arith.constant 0 : i32
      %dma_wait3A_197 = tpu.memref_slice %arg2[%add3A_63, %dma_wait3A_196] : memref<8192x2048xf32, #tpu.memory_space<hbm>> -> memref<16x2048xf32, #tpu.memory_space<hbm>>
      %dma_wait3A_198 = arith.constant 0 : i32
      %dma_wait3A_199 = tpu.memref_slice %arg2[%add3A_63, %dma_wait3A_198] : memref<8192x2048xf32, #tpu.memory_space<hbm>> -> memref<16x2048xf32, #tpu.memory_space<hbm>>
      tpu.wait_dma2 semaphore(%run_scoped3A : memref<!tpu.dma_semaphore, #tpu.memory_space<semaphore_mem>>) src(%dma_wait3A_199 : memref<16x2048xf32, #tpu.memory_space<hbm>>) dst(%arg6 : memref<16x2048xf32, #tpu.memory_space<vmem>>)
      tpu.yield
    }) : () -> ()
    %get3A_64 = arith.constant 80 : index
    %get3A_65 = tpu.vector_load %arg5[%get3A_64] {strides = array<i32>} : memref<256xi32, #tpu.memory_space<vmem>>, vector<16xi32>,
    %dma_start3A_66 = arith.constant 0 : i32
    %dma_start3A_67 = arith.constant 0 : i32
    %dma_start3A_68 = tpu.memref_slice %arg4[%dma_start3A_66, %dma_start3A_67] : memref<10240x2048xf32, #tpu.memory_space<hbm>> -> memref<10240x2048xf32, #tpu.memory_space<hbm>>
    tpu.enqueue_indirect_dma source(%arg6 : memref<16x2048xf32, #tpu.memory_space<vmem>>) target(%dma_start3A_68 : memref<10240x2048xf32, #tpu.memory_space<hbm>>) offsets(%get3A_65 : vector<16xi32>) semaphore(%arg7 : memref<!tpu.dma_semaphore, #tpu.memory_space<semaphore_mem>>)
    %dma_wait3A_69 = arith.constant 0 : i32
    %dma_wait3A_70 = arith.constant 0 : i32
    %dma_wait3A_71 = tpu.memref_slice %arg4[%dma_wait3A_69, %dma_wait3A_70] : memref<10240x2048xf32, #tpu.memory_space<hbm>> -> memref<10240x2048xf32, #tpu.memory_space<hbm>>
    tpu.wait_indirect_dma semaphore(%arg7 : memref<!tpu.dma_semaphore, #tpu.memory_space<semaphore_mem>>) src(%arg6 : memref<16x2048xf32, #tpu.memory_space<vmem>>) dst(%dma_wait3A_71 : memref<10240x2048xf32, #tpu.memory_space<hbm>>)
    %mul3A_72 = arith.constant 256 : i32
    %mul3A_73 = arith.muli %add3A, %mul3A_72 : i32
    %add3A_74 = arith.constant 96 : i32
    %add3A_75 = arith.addi %mul3A_73, %add3A_74 : i32
    "tpu.region"() ({
      %run_scoped3A = tpu.sem_alloc : memref<!tpu.dma_semaphore, #tpu.memory_space<semaphore_mem>>
      %dma_start3A_192 = arith.constant 0 : i32
      %dma_start3A_193 = tpu.memref_slice %arg2[%add3A_75, %dma_start3A_192] : memref<8192x2048xf32, #tpu.memory_space<hbm>> -> memref<16x2048xf32, #tpu.memory_space<hbm>>
      %dma_start3A_194 = arith.constant 0 : i32
      %dma_start3A_195 = tpu.memref_slice %arg2[%add3A_75, %dma_start3A_194] : memref<8192x2048xf32, #tpu.memory_space<hbm>> -> memref<16x2048xf32, #tpu.memory_space<hbm>>
      tpu.enqueue_dma source(%dma_start3A_195 : memref<16x2048xf32, #tpu.memory_space<hbm>>) target(%arg6 : memref<16x2048xf32, #tpu.memory_space<vmem>>) target_semaphore(%run_scoped3A : memref<!tpu.dma_semaphore, #tpu.memory_space<semaphore_mem>>)
      %dma_wait3A_196 = arith.constant 0 : i32
      %dma_wait3A_197 = tpu.memref_slice %arg2[%add3A_75, %dma_wait3A_196] : memref<8192x2048xf32, #tpu.memory_space<hbm>> -> memref<16x2048xf32, #tpu.memory_space<hbm>>
      %dma_wait3A_198 = arith.constant 0 : i32
      %dma_wait3A_199 = tpu.memref_slice %arg2[%add3A_75, %dma_wait3A_198] : memref<8192x2048xf32, #tpu.memory_space<hbm>> -> memref<16x2048xf32, #tpu.memory_space<hbm>>
      tpu.wait_dma2 semaphore(%run_scoped3A : memref<!tpu.dma_semaphore, #tpu.memory_space<semaphore_mem>>) src(%dma_wait3A_199 : memref<16x2048xf32, #tpu.memory_space<hbm>>) dst(%arg6 : memref<16x2048xf32, #tpu.memory_space<vmem>>)
      tpu.yield
    }) : () -> ()
    %get3A_76 = arith.constant 96 : index
    %get3A_77 = tpu.vector_load %arg5[%get3A_76] {strides = array<i32>} : memref<256xi32, #tpu.memory_space<vmem>>, vector<16xi32>,
    %dma_start3A_78 = arith.constant 0 : i32
    %dma_start3A_79 = arith.constant 0 : i32
    %dma_start3A_80 = tpu.memref_slice %arg4[%dma_start3A_78, %dma_start3A_79] : memref<10240x2048xf32, #tpu.memory_space<hbm>> -> memref<10240x2048xf32, #tpu.memory_space<hbm>>
    tpu.enqueue_indirect_dma source(%arg6 : memref<16x2048xf32, #tpu.memory_space<vmem>>) target(%dma_start3A_80 : memref<10240x2048xf32, #tpu.memory_space<hbm>>) offsets(%get3A_77 : vector<16xi32>) semaphore(%arg7 : memref<!tpu.dma_semaphore, #tpu.memory_space<semaphore_mem>>)
    %dma_wait3A_81 = arith.constant 0 : i32
    %dma_wait3A_82 = arith.constant 0 : i32
    %dma_wait3A_83 = tpu.memref_slice %arg4[%dma_wait3A_81, %dma_wait3A_82] : memref<10240x2048xf32, #tpu.memory_space<hbm>> -> memref<10240x2048xf32, #tpu.memory_space<hbm>>
    tpu.wait_indirect_dma semaphore(%arg7 : memref<!tpu.dma_semaphore, #tpu.memory_space<semaphore_mem>>) src(%arg6 : memref<16x2048xf32, #tpu.memory_space<vmem>>) dst(%dma_wait3A_83 : memref<10240x2048xf32, #tpu.memory_space<hbm>>)
    %mul3A_84 = arith.constant 256 : i32
    %mul3A_85 = arith.muli %add3A, %mul3A_84 : i32
    %add3A_86 = arith.constant 112 : i32
    %add3A_87 = arith.addi %mul3A_85, %add3A_86 : i32
    "tpu.region"() ({
      %run_scoped3A = tpu.sem_alloc : memref<!tpu.dma_semaphore, #tpu.memory_space<semaphore_mem>>
      %dma_start3A_192 = arith.constant 0 : i32
      %dma_start3A_193 = tpu.memref_slice %arg2[%add3A_87, %dma_start3A_192] : memref<8192x2048xf32, #tpu.memory_space<hbm>> -> memref<16x2048xf32, #tpu.memory_space<hbm>>
      %dma_start3A_194 = arith.constant 0 : i32
      %dma_start3A_195 = tpu.memref_slice %arg2[%add3A_87, %dma_start3A_194] : memref<8192x2048xf32, #tpu.memory_space<hbm>> -> memref<16x2048xf32, #tpu.memory_space<hbm>>
      tpu.enqueue_dma source(%dma_start3A_195 : memref<16x2048xf32, #tpu.memory_space<hbm>>) target(%arg6 : memref<16x2048xf32, #tpu.memory_space<vmem>>) target_semaphore(%run_scoped3A : memref<!tpu.dma_semaphore, #tpu.memory_space<semaphore_mem>>)
      %dma_wait3A_196 = arith.constant 0 : i32
      %dma_wait3A_197 = tpu.memref_slice %arg2[%add3A_87, %dma_wait3A_196] : memref<8192x2048xf32, #tpu.memory_space<hbm>> -> memref<16x2048xf32, #tpu.memory_space<hbm>>
      %dma_wait3A_198 = arith.constant 0 : i32
      %dma_wait3A_199 = tpu.memref_slice %arg2[%add3A_87, %dma_wait3A_198] : memref<8192x2048xf32, #tpu.memory_space<hbm>> -> memref<16x2048xf32, #tpu.memory_space<hbm>>
      tpu.wait_dma2 semaphore(%run_scoped3A : memref<!tpu.dma_semaphore, #tpu.memory_space<semaphore_mem>>) src(%dma_wait3A_199 : memref<16x2048xf32, #tpu.memory_space<hbm>>) dst(%arg6 : memref<16x2048xf32, #tpu.memory_space<vmem>>)
      tpu.yield
    }) : () -> ()
    %get3A_88 = arith.constant 112 : index
    %get3A_89 = tpu.vector_load %arg5[%get3A_88] {strides = array<i32>} : memref<256xi32, #tpu.memory_space<vmem>>, vector<16xi32>,
    %dma_start3A_90 = arith.constant 0 : i32
    %dma_start3A_91 = arith.constant 0 : i32
    %dma_start3A_92 = tpu.memref_slice %arg4[%dma_start3A_90, %dma_start3A_91] : memref<10240x2048xf32, #tpu.memory_space<hbm>> -> memref<10240x2048xf32, #tpu.memory_space<hbm>>
    tpu.enqueue_indirect_dma source(%arg6 : memref<16x2048xf32, #tpu.memory_space<vmem>>) target(%dma_start3A_92 : memref<10240x2048xf32, #tpu.memory_space<hbm>>) offsets(%get3A_89 : vector<16xi32>) semaphore(%arg7 : memref<!tpu.dma_semaphore, #tpu.memory_space<semaphore_mem>>)
    %dma_wait3A_93 = arith.constant 0 : i32
    %dma_wait3A_94 = arith.constant 0 : i32
    %dma_wait3A_95 = tpu.memref_slice %arg4[%dma_wait3A_93, %dma_wait3A_94] : memref<10240x2048xf32, #tpu.memory_space<hbm>> -> memref<10240x2048xf32, #tpu.memory_space<hbm>>
    tpu.wait_indirect_dma semaphore(%arg7 : memref<!tpu.dma_semaphore, #tpu.memory_space<semaphore_mem>>) src(%arg6 : memref<16x2048xf32, #tpu.memory_space<vmem>>) dst(%dma_wait3A_95 : memref<10240x2048xf32, #tpu.memory_space<hbm>>)
    %mul3A_96 = arith.constant 256 : i32
    %mul3A_97 = arith.muli %add3A, %mul3A_96 : i32
    %add3A_98 = arith.constant 128 : i32
    %add3A_99 = arith.addi %mul3A_97, %add3A_98 : i32
    "tpu.region"() ({
      %run_scoped3A = tpu.sem_alloc : memref<!tpu.dma_semaphore, #tpu.memory_space<semaphore_mem>>
      %dma_start3A_192 = arith.constant 0 : i32
      %dma_start3A_193 = tpu.memref_slice %arg2[%add3A_99, %dma_start3A_192] : memref<8192x2048xf32, #tpu.memory_space<hbm>> -> memref<16x2048xf32, #tpu.memory_space<hbm>>
      %dma_start3A_194 = arith.constant 0 : i32
      %dma_start3A_195 = tpu.memref_slice %arg2[%add3A_99, %dma_start3A_194] : memref<8192x2048xf32, #tpu.memory_space<hbm>> -> memref<16x2048xf32, #tpu.memory_space<hbm>>
      tpu.enqueue_dma source(%dma_start3A_195 : memref<16x2048xf32, #tpu.memory_space<hbm>>) target(%arg6 : memref<16x2048xf32, #tpu.memory_space<vmem>>) target_semaphore(%run_scoped3A : memref<!tpu.dma_semaphore, #tpu.memory_space<semaphore_mem>>)
      %dma_wait3A_196 = arith.constant 0 : i32
      %dma_wait3A_197 = tpu.memref_slice %arg2[%add3A_99, %dma_wait3A_196] : memref<8192x2048xf32, #tpu.memory_space<hbm>> -> memref<16x2048xf32, #tpu.memory_space<hbm>>
      %dma_wait3A_198 = arith.constant 0 : i32
      %dma_wait3A_199 = tpu.memref_slice %arg2[%add3A_99, %dma_wait3A_198] : memref<8192x2048xf32, #tpu.memory_space<hbm>> -> memref<16x2048xf32, #tpu.memory_space<hbm>>
      tpu.wait_dma2 semaphore(%run_scoped3A : memref<!tpu.dma_semaphore, #tpu.memory_space<semaphore_mem>>) src(%dma_wait3A_199 : memref<16x2048xf32, #tpu.memory_space<hbm>>) dst(%arg6 : memref<16x2048xf32, #tpu.memory_space<vmem>>)
      tpu.yield
    }) : () -> ()
    %get3A_100 = arith.constant 128 : index
    %get3A_101 = tpu.vector_load %arg5[%get3A_100] {strides = array<i32>} : memref<256xi32, #tpu.memory_space<vmem>>, vector<16xi32>,
    %dma_start3A_102 = arith.constant 0 : i32
    %dma_start3A_103 = arith.constant 0 : i32
    %dma_start3A_104 = tpu.memref_slice %arg4[%dma_start3A_102, %dma_start3A_103] : memref<10240x2048xf32, #tpu.memory_space<hbm>> -> memref<10240x2048xf32, #tpu.memory_space<hbm>>
    tpu.enqueue_indirect_dma source(%arg6 : memref<16x2048xf32, #tpu.memory_space<vmem>>) target(%dma_start3A_104 : memref<10240x2048xf32, #tpu.memory_space<hbm>>) offsets(%get3A_101 : vector<16xi32>) semaphore(%arg7 : memref<!tpu.dma_semaphore, #tpu.memory_space<semaphore_mem>>)
    %dma_wait3A_105 = arith.constant 0 : i32
    %dma_wait3A_106 = arith.constant 0 : i32
    %dma_wait3A_107 = tpu.memref_slice %arg4[%dma_wait3A_105, %dma_wait3A_106] : memref<10240x2048xf32, #tpu.memory_space<hbm>> -> memref<10240x2048xf32, #tpu.memory_space<hbm>>
    tpu.wait_indirect_dma semaphore(%arg7 : memref<!tpu.dma_semaphore, #tpu.memory_space<semaphore_mem>>) src(%arg6 : memref<16x2048xf32, #tpu.memory_space<vmem>>) dst(%dma_wait3A_107 : memref<10240x2048xf32, #tpu.memory_space<hbm>>)
    %mul3A_108 = arith.constant 256 : i32
    %mul3A_109 = arith.muli %add3A, %mul3A_108 : i32
    %add3A_110 = arith.constant 144 : i32
    %add3A_111 = arith.addi %mul3A_109, %add3A_110 : i32
    "tpu.region"() ({
      %run_scoped3A = tpu.sem_alloc : memref<!tpu.dma_semaphore, #tpu.memory_space<semaphore_mem>>
      %dma_start3A_192 = arith.constant 0 : i32
      %dma_start3A_193 = tpu.memref_slice %arg2[%add3A_111, %dma_start3A_192] : memref<8192x2048xf32, #tpu.memory_space<hbm>> -> memref<16x2048xf32, #tpu.memory_space<hbm>>
      %dma_start3A_194 = arith.constant 0 : i32
      %dma_start3A_195 = tpu.memref_slice %arg2[%add3A_111, %dma_start3A_194] : memref<8192x2048xf32, #tpu.memory_space<hbm>> -> memref<16x2048xf32, #tpu.memory_space<hbm>>
      tpu.enqueue_dma source(%dma_start3A_195 : memref<16x2048xf32, #tpu.memory_space<hbm>>) target(%arg6 : memref<16x2048xf32, #tpu.memory_space<vmem>>) target_semaphore(%run_scoped3A : memref<!tpu.dma_semaphore, #tpu.memory_space<semaphore_mem>>)
      %dma_wait3A_196 = arith.constant 0 : i32
      %dma_wait3A_197 = tpu.memref_slice %arg2[%add3A_111, %dma_wait3A_196] : memref<8192x2048xf32, #tpu.memory_space<hbm>> -> memref<16x2048xf32, #tpu.memory_space<hbm>>
      %dma_wait3A_198 = arith.constant 0 : i32
      %dma_wait3A_199 = tpu.memref_slice %arg2[%add3A_111, %dma_wait3A_198] : memref<8192x2048xf32, #tpu.memory_space<hbm>> -> memref<16x2048xf32, #tpu.memory_space<hbm>>
      tpu.wait_dma2 semaphore(%run_scoped3A : memref<!tpu.dma_semaphore, #tpu.memory_space<semaphore_mem>>) src(%dma_wait3A_199 : memref<16x2048xf32, #tpu.memory_space<hbm>>) dst(%arg6 : memref<16x2048xf32, #tpu.memory_space<vmem>>)
      tpu.yield
    }) : () -> ()
    %get3A_112 = arith.constant 144 : index
    %get3A_113 = tpu.vector_load %arg5[%get3A_112] {strides = array<i32>} : memref<256xi32, #tpu.memory_space<vmem>>, vector<16xi32>,
    %dma_start3A_114 = arith.constant 0 : i32
    %dma_start3A_115 = arith.constant 0 : i32
    %dma_start3A_116 = tpu.memref_slice %arg4[%dma_start3A_114, %dma_start3A_115] : memref<10240x2048xf32, #tpu.memory_space<hbm>> -> memref<10240x2048xf32, #tpu.memory_space<hbm>>
    tpu.enqueue_indirect_dma source(%arg6 : memref<16x2048xf32, #tpu.memory_space<vmem>>) target(%dma_start3A_116 : memref<10240x2048xf32, #tpu.memory_space<hbm>>) offsets(%get3A_113 : vector<16xi32>) semaphore(%arg7 : memref<!tpu.dma_semaphore, #tpu.memory_space<semaphore_mem>>)
    %dma_wait3A_117 = arith.constant 0 : i32
    %dma_wait3A_118 = arith.constant 0 : i32
    %dma_wait3A_119 = tpu.memref_slice %arg4[%dma_wait3A_117, %dma_wait3A_118] : memref<10240x2048xf32, #tpu.memory_space<hbm>> -> memref<10240x2048xf32, #tpu.memory_space<hbm>>
    tpu.wait_indirect_dma semaphore(%arg7 : memref<!tpu.dma_semaphore, #tpu.memory_space<semaphore_mem>>) src(%arg6 : memref<16x2048xf32, #tpu.memory_space<vmem>>) dst(%dma_wait3A_119 : memref<10240x2048xf32, #tpu.memory_space<hbm>>)
    %mul3A_120 = arith.constant 256 : i32
    %mul3A_121 = arith.muli %add3A, %mul3A_120 : i32
    %add3A_122 = arith.constant 160 : i32
    %add3A_123 = arith.addi %mul3A_121, %add3A_122 : i32
    "tpu.region"() ({
      %run_scoped3A = tpu.sem_alloc : memref<!tpu.dma_semaphore, #tpu.memory_space<semaphore_mem>>
      %dma_start3A_192 = arith.constant 0 : i32
      %dma_start3A_193 = tpu.memref_slice %arg2[%add3A_123, %dma_start3A_192] : memref<8192x2048xf32, #tpu.memory_space<hbm>> -> memref<16x2048xf32, #tpu.memory_space<hbm>>
      %dma_start3A_194 = arith.constant 0 : i32
      %dma_start3A_195 = tpu.memref_slice %arg2[%add3A_123, %dma_start3A_194] : memref<8192x2048xf32, #tpu.memory_space<hbm>> -> memref<16x2048xf32, #tpu.memory_space<hbm>>
      tpu.enqueue_dma source(%dma_start3A_195 : memref<16x2048xf32, #tpu.memory_space<hbm>>) target(%arg6 : memref<16x2048xf32, #tpu.memory_space<vmem>>) target_semaphore(%run_scoped3A : memref<!tpu.dma_semaphore, #tpu.memory_space<semaphore_mem>>)
      %dma_wait3A_196 = arith.constant 0 : i32
      %dma_wait3A_197 = tpu.memref_slice %arg2[%add3A_123, %dma_wait3A_196] : memref<8192x2048xf32, #tpu.memory_space<hbm>> -> memref<16x2048xf32, #tpu.memory_space<hbm>>
      %dma_wait3A_198 = arith.constant 0 : i32
      %dma_wait3A_199 = tpu.memref_slice %arg2[%add3A_123, %dma_wait3A_198] : memref<8192x2048xf32, #tpu.memory_space<hbm>> -> memref<16x2048xf32, #tpu.memory_space<hbm>>
      tpu.wait_dma2 semaphore(%run_scoped3A : memref<!tpu.dma_semaphore, #tpu.memory_space<semaphore_mem>>) src(%dma_wait3A_199 : memref<16x2048xf32, #tpu.memory_space<hbm>>) dst(%arg6 : memref<16x2048xf32, #tpu.memory_space<vmem>>)
      tpu.yield
    }) : () -> ()
    %get3A_124 = arith.constant 160 : index
    %get3A_125 = tpu.vector_load %arg5[%get3A_124] {strides = array<i32>} : memref<256xi32, #tpu.memory_space<vmem>>, vector<16xi32>,
    %dma_start3A_126 = arith.constant 0 : i32
    %dma_start3A_127 = arith.constant 0 : i32
    %dma_start3A_128 = tpu.memref_slice %arg4[%dma_start3A_126, %dma_start3A_127] : memref<10240x2048xf32, #tpu.memory_space<hbm>> -> memref<10240x2048xf32, #tpu.memory_space<hbm>>
    tpu.enqueue_indirect_dma source(%arg6 : memref<16x2048xf32, #tpu.memory_space<vmem>>) target(%dma_start3A_128 : memref<10240x2048xf32, #tpu.memory_space<hbm>>) offsets(%get3A_125 : vector<16xi32>) semaphore(%arg7 : memref<!tpu.dma_semaphore, #tpu.memory_space<semaphore_mem>>)
    %dma_wait3A_129 = arith.constant 0 : i32
    %dma_wait3A_130 = arith.constant 0 : i32
    %dma_wait3A_131 = tpu.memref_slice %arg4[%dma_wait3A_129, %dma_wait3A_130] : memref<10240x2048xf32, #tpu.memory_space<hbm>> -> memref<10240x2048xf32, #tpu.memory_space<hbm>>
    tpu.wait_indirect_dma semaphore(%arg7 : memref<!tpu.dma_semaphore, #tpu.memory_space<semaphore_mem>>) src(%arg6 : memref<16x2048xf32, #tpu.memory_space<vmem>>) dst(%dma_wait3A_131 : memref<10240x2048xf32, #tpu.memory_space<hbm>>)
    %mul3A_132 = arith.constant 256 : i32
    %mul3A_133 = arith.muli %add3A, %mul3A_132 : i32
    %add3A_134 = arith.constant 176 : i32
    %add3A_135 = arith.addi %mul3A_133, %add3A_134 : i32
    "tpu.region"() ({
      %run_scoped3A = tpu.sem_alloc : memref<!tpu.dma_semaphore, #tpu.memory_space<semaphore_mem>>
      %dma_start3A_192 = arith.constant 0 : i32
      %dma_start3A_193 = tpu.memref_slice %arg2[%add3A_135, %dma_start3A_192] : memref<8192x2048xf32, #tpu.memory_space<hbm>> -> memref<16x2048xf32, #tpu.memory_space<hbm>>
      %dma_start3A_194 = arith.constant 0 : i32
      %dma_start3A_195 = tpu.memref_slice %arg2[%add3A_135, %dma_start3A_194] : memref<8192x2048xf32, #tpu.memory_space<hbm>> -> memref<16x2048xf32, #tpu.memory_space<hbm>>
      tpu.enqueue_dma source(%dma_start3A_195 : memref<16x2048xf32, #tpu.memory_space<hbm>>) target(%arg6 : memref<16x2048xf32, #tpu.memory_space<vmem>>) target_semaphore(%run_scoped3A : memref<!tpu.dma_semaphore, #tpu.memory_space<semaphore_mem>>)
      %dma_wait3A_196 = arith.constant 0 : i32
      %dma_wait3A_197 = tpu.memref_slice %arg2[%add3A_135, %dma_wait3A_196] : memref<8192x2048xf32, #tpu.memory_space<hbm>> -> memref<16x2048xf32, #tpu.memory_space<hbm>>
      %dma_wait3A_198 = arith.constant 0 : i32
      %dma_wait3A_199 = tpu.memref_slice %arg2[%add3A_135, %dma_wait3A_198] : memref<8192x2048xf32, #tpu.memory_space<hbm>> -> memref<16x2048xf32, #tpu.memory_space<hbm>>
      tpu.wait_dma2 semaphore(%run_scoped3A : memref<!tpu.dma_semaphore, #tpu.memory_space<semaphore_mem>>) src(%dma_wait3A_199 : memref<16x2048xf32, #tpu.memory_space<hbm>>) dst(%arg6 : memref<16x2048xf32, #tpu.memory_space<vmem>>)
      tpu.yield
    }) : () -> ()
    %get3A_136 = arith.constant 176 : index
    %get3A_137 = tpu.vector_load %arg5[%get3A_136] {strides = array<i32>} : memref<256xi32, #tpu.memory_space<vmem>>, vector<16xi32>,
    %dma_start3A_138 = arith.constant 0 : i32
    %dma_start3A_139 = arith.constant 0 : i32
    %dma_start3A_140 = tpu.memref_slice %arg4[%dma_start3A_138, %dma_start3A_139] : memref<10240x2048xf32, #tpu.memory_space<hbm>> -> memref<10240x2048xf32, #tpu.memory_space<hbm>>
    tpu.enqueue_indirect_dma source(%arg6 : memref<16x2048xf32, #tpu.memory_space<vmem>>) target(%dma_start3A_140 : memref<10240x2048xf32, #tpu.memory_space<hbm>>) offsets(%get3A_137 : vector<16xi32>) semaphore(%arg7 : memref<!tpu.dma_semaphore, #tpu.memory_space<semaphore_mem>>)
    %dma_wait3A_141 = arith.constant 0 : i32
    %dma_wait3A_142 = arith.constant 0 : i32
    %dma_wait3A_143 = tpu.memref_slice %arg4[%dma_wait3A_141, %dma_wait3A_142] : memref<10240x2048xf32, #tpu.memory_space<hbm>> -> memref<10240x2048xf32, #tpu.memory_space<hbm>>
    tpu.wait_indirect_dma semaphore(%arg7 : memref<!tpu.dma_semaphore, #tpu.memory_space<semaphore_mem>>) src(%arg6 : memref<16x2048xf32, #tpu.memory_space<vmem>>) dst(%dma_wait3A_143 : memref<10240x2048xf32, #tpu.memory_space<hbm>>)
    %mul3A_144 = arith.constant 256 : i32
    %mul3A_145 = arith.muli %add3A, %mul3A_144 : i32
    %add3A_146 = arith.constant 192 : i32
    %add3A_147 = arith.addi %mul3A_145, %add3A_146 : i32
    "tpu.region"() ({
      %run_scoped3A = tpu.sem_alloc : memref<!tpu.dma_semaphore, #tpu.memory_space<semaphore_mem>>
      %dma_start3A_192 = arith.constant 0 : i32
      %dma_start3A_193 = tpu.memref_slice %arg2[%add3A_147, %dma_start3A_192] : memref<8192x2048xf32, #tpu.memory_space<hbm>> -> memref<16x2048xf32, #tpu.memory_space<hbm>>
      %dma_start3A_194 = arith.constant 0 : i32
      %dma_start3A_195 = tpu.memref_slice %arg2[%add3A_147, %dma_start3A_194] : memref<8192x2048xf32, #tpu.memory_space<hbm>> -> memref<16x2048xf32, #tpu.memory_space<hbm>>
      tpu.enqueue_dma source(%dma_start3A_195 : memref<16x2048xf32, #tpu.memory_space<hbm>>) target(%arg6 : memref<16x2048xf32, #tpu.memory_space<vmem>>) target_semaphore(%run_scoped3A : memref<!tpu.dma_semaphore, #tpu.memory_space<semaphore_mem>>)
      %dma_wait3A_196 = arith.constant 0 : i32
      %dma_wait3A_197 = tpu.memref_slice %arg2[%add3A_147, %dma_wait3A_196] : memref<8192x2048xf32, #tpu.memory_space<hbm>> -> memref<16x2048xf32, #tpu.memory_space<hbm>>
      %dma_wait3A_198 = arith.constant 0 : i32
      %dma_wait3A_199 = tpu.memref_slice %arg2[%add3A_147, %dma_wait3A_198] : memref<8192x2048xf32, #tpu.memory_space<hbm>> -> memref<16x2048xf32, #tpu.memory_space<hbm>>
      tpu.wait_dma2 semaphore(%run_scoped3A : memref<!tpu.dma_semaphore, #tpu.memory_space<semaphore_mem>>) src(%dma_wait3A_199 : memref<16x2048xf32, #tpu.memory_space<hbm>>) dst(%arg6 : memref<16x2048xf32, #tpu.memory_space<vmem>>)
      tpu.yield
    }) : () -> ()
    %get3A_148 = arith.constant 192 : index
    %get3A_149 = tpu.vector_load %arg5[%get3A_148] {strides = array<i32>} : memref<256xi32, #tpu.memory_space<vmem>>, vector<16xi32>,
    %dma_start3A_150 = arith.constant 0 : i32
    %dma_start3A_151 = arith.constant 0 : i32
    %dma_start3A_152 = tpu.memref_slice %arg4[%dma_start3A_150, %dma_start3A_151] : memref<10240x2048xf32, #tpu.memory_space<hbm>> -> memref<10240x2048xf32, #tpu.memory_space<hbm>>
    tpu.enqueue_indirect_dma source(%arg6 : memref<16x2048xf32, #tpu.memory_space<vmem>>) target(%dma_start3A_152 : memref<10240x2048xf32, #tpu.memory_space<hbm>>) offsets(%get3A_149 : vector<16xi32>) semaphore(%arg7 : memref<!tpu.dma_semaphore, #tpu.memory_space<semaphore_mem>>)
    %dma_wait3A_153 = arith.constant 0 : i32
    %dma_wait3A_154 = arith.constant 0 : i32
    %dma_wait3A_155 = tpu.memref_slice %arg4[%dma_wait3A_153, %dma_wait3A_154] : memref<10240x2048xf32, #tpu.memory_space<hbm>> -> memref<10240x2048xf32, #tpu.memory_space<hbm>>
    tpu.wait_indirect_dma semaphore(%arg7 : memref<!tpu.dma_semaphore, #tpu.memory_space<semaphore_mem>>) src(%arg6 : memref<16x2048xf32, #tpu.memory_space<vmem>>) dst(%dma_wait3A_155 : memref<10240x2048xf32, #tpu.memory_space<hbm>>)
    %mul3A_156 = arith.constant 256 : i32
    %mul3A_157 = arith.muli %add3A, %mul3A_156 : i32
    %add3A_158 = arith.constant 208 : i32
    %add3A_159 = arith.addi %mul3A_157, %add3A_158 : i32
    "tpu.region"() ({
      %run_scoped3A = tpu.sem_alloc : memref<!tpu.dma_semaphore, #tpu.memory_space<semaphore_mem>>
      %dma_start3A_192 = arith.constant 0 : i32
      %dma_start3A_193 = tpu.memref_slice %arg2[%add3A_159, %dma_start3A_192] : memref<8192x2048xf32, #tpu.memory_space<hbm>> -> memref<16x2048xf32, #tpu.memory_space<hbm>>
      %dma_start3A_194 = arith.constant 0 : i32
      %dma_start3A_195 = tpu.memref_slice %arg2[%add3A_159, %dma_start3A_194] : memref<8192x2048xf32, #tpu.memory_space<hbm>> -> memref<16x2048xf32, #tpu.memory_space<hbm>>
      tpu.enqueue_dma source(%dma_start3A_195 : memref<16x2048xf32, #tpu.memory_space<hbm>>) target(%arg6 : memref<16x2048xf32, #tpu.memory_space<vmem>>) target_semaphore(%run_scoped3A : memref<!tpu.dma_semaphore, #tpu.memory_space<semaphore_mem>>)
      %dma_wait3A_196 = arith.constant 0 : i32
      %dma_wait3A_197 = tpu.memref_slice %arg2[%add3A_159, %dma_wait3A_196] : memref<8192x2048xf32, #tpu.memory_space<hbm>> -> memref<16x2048xf32, #tpu.memory_space<hbm>>
      %dma_wait3A_198 = arith.constant 0 : i32
      %dma_wait3A_199 = tpu.memref_slice %arg2[%add3A_159, %dma_wait3A_198] : memref<8192x2048xf32, #tpu.memory_space<hbm>> -> memref<16x2048xf32, #tpu.memory_space<hbm>>
      tpu.wait_dma2 semaphore(%run_scoped3A : memref<!tpu.dma_semaphore, #tpu.memory_space<semaphore_mem>>) src(%dma_wait3A_199 : memref<16x2048xf32, #tpu.memory_space<hbm>>) dst(%arg6 : memref<16x2048xf32, #tpu.memory_space<vmem>>)
      tpu.yield
    }) : () -> ()
    %get3A_160 = arith.constant 208 : index
    %get3A_161 = tpu.vector_load %arg5[%get3A_160] {strides = array<i32>} : memref<256xi32, #tpu.memory_space<vmem>>, vector<16xi32>,
    %dma_start3A_162 = arith.constant 0 : i32
    %dma_start3A_163 = arith.constant 0 : i32
    %dma_start3A_164 = tpu.memref_slice %arg4[%dma_start3A_162, %dma_start3A_163] : memref<10240x2048xf32, #tpu.memory_space<hbm>> -> memref<10240x2048xf32, #tpu.memory_space<hbm>>
    tpu.enqueue_indirect_dma source(%arg6 : memref<16x2048xf32, #tpu.memory_space<vmem>>) target(%dma_start3A_164 : memref<10240x2048xf32, #tpu.memory_space<hbm>>) offsets(%get3A_161 : vector<16xi32>) semaphore(%arg7 : memref<!tpu.dma_semaphore, #tpu.memory_space<semaphore_mem>>)
    %dma_wait3A_165 = arith.constant 0 : i32
    %dma_wait3A_166 = arith.constant 0 : i32
    %dma_wait3A_167 = tpu.memref_slice %arg4[%dma_wait3A_165, %dma_wait3A_166] : memref<10240x2048xf32, #tpu.memory_space<hbm>> -> memref<10240x2048xf32, #tpu.memory_space<hbm>>
    tpu.wait_indirect_dma semaphore(%arg7 : memref<!tpu.dma_semaphore, #tpu.memory_space<semaphore_mem>>) src(%arg6 : memref<16x2048xf32, #tpu.memory_space<vmem>>) dst(%dma_wait3A_167 : memref<10240x2048xf32, #tpu.memory_space<hbm>>)
    %mul3A_168 = arith.constant 256 : i32
    %mul3A_169 = arith.muli %add3A, %mul3A_168 : i32
    %add3A_170 = arith.constant 224 : i32
    %add3A_171 = arith.addi %mul3A_169, %add3A_170 : i32
    "tpu.region"() ({
      %run_scoped3A = tpu.sem_alloc : memref<!tpu.dma_semaphore, #tpu.memory_space<semaphore_mem>>
      %dma_start3A_192 = arith.constant 0 : i32
      %dma_start3A_193 = tpu.memref_slice %arg2[%add3A_171, %dma_start3A_192] : memref<8192x2048xf32, #tpu.memory_space<hbm>> -> memref<16x2048xf32, #tpu.memory_space<hbm>>
      %dma_start3A_194 = arith.constant 0 : i32
      %dma_start3A_195 = tpu.memref_slice %arg2[%add3A_171, %dma_start3A_194] : memref<8192x2048xf32, #tpu.memory_space<hbm>> -> memref<16x2048xf32, #tpu.memory_space<hbm>>
      tpu.enqueue_dma source(%dma_start3A_195 : memref<16x2048xf32, #tpu.memory_space<hbm>>) target(%arg6 : memref<16x2048xf32, #tpu.memory_space<vmem>>) target_semaphore(%run_scoped3A : memref<!tpu.dma_semaphore, #tpu.memory_space<semaphore_mem>>)
      %dma_wait3A_196 = arith.constant 0 : i32
      %dma_wait3A_197 = tpu.memref_slice %arg2[%add3A_171, %dma_wait3A_196] : memref<8192x2048xf32, #tpu.memory_space<hbm>> -> memref<16x2048xf32, #tpu.memory_space<hbm>>
      %dma_wait3A_198 = arith.constant 0 : i32
      %dma_wait3A_199 = tpu.memref_slice %arg2[%add3A_171, %dma_wait3A_198] : memref<8192x2048xf32, #tpu.memory_space<hbm>> -> memref<16x2048xf32, #tpu.memory_space<hbm>>
      tpu.wait_dma2 semaphore(%run_scoped3A : memref<!tpu.dma_semaphore, #tpu.memory_space<semaphore_mem>>) src(%dma_wait3A_199 : memref<16x2048xf32, #tpu.memory_space<hbm>>) dst(%arg6 : memref<16x2048xf32, #tpu.memory_space<vmem>>)
      tpu.yield
    }) : () -> ()
    %get3A_172 = arith.constant 224 : index
    %get3A_173 = tpu.vector_load %arg5[%get3A_172] {strides = array<i32>} : memref<256xi32, #tpu.memory_space<vmem>>, vector<16xi32>,
    %dma_start3A_174 = arith.constant 0 : i32
    %dma_start3A_175 = arith.constant 0 : i32
    %dma_start3A_176 = tpu.memref_slice %arg4[%dma_start3A_174, %dma_start3A_175] : memref<10240x2048xf32, #tpu.memory_space<hbm>> -> memref<10240x2048xf32, #tpu.memory_space<hbm>>
    tpu.enqueue_indirect_dma source(%arg6 : memref<16x2048xf32, #tpu.memory_space<vmem>>) target(%dma_start3A_176 : memref<10240x2048xf32, #tpu.memory_space<hbm>>) offsets(%get3A_173 : vector<16xi32>) semaphore(%arg7 : memref<!tpu.dma_semaphore, #tpu.memory_space<semaphore_mem>>)
    %dma_wait3A_177 = arith.constant 0 : i32
    %dma_wait3A_178 = arith.constant 0 : i32
    %dma_wait3A_179 = tpu.memref_slice %arg4[%dma_wait3A_177, %dma_wait3A_178] : memref<10240x2048xf32, #tpu.memory_space<hbm>> -> memref<10240x2048xf32, #tpu.memory_space<hbm>>
    tpu.wait_indirect_dma semaphore(%arg7 : memref<!tpu.dma_semaphore, #tpu.memory_space<semaphore_mem>>) src(%arg6 : memref<16x2048xf32, #tpu.memory_space<vmem>>) dst(%dma_wait3A_179 : memref<10240x2048xf32, #tpu.memory_space<hbm>>)
    %mul3A_180 = arith.constant 256 : i32
    %mul3A_181 = arith.muli %add3A, %mul3A_180 : i32
    %add3A_182 = arith.constant 240 : i32
    %add3A_183 = arith.addi %mul3A_181, %add3A_182 : i32
    "tpu.region"() ({
      %run_scoped3A = tpu.sem_alloc : memref<!tpu.dma_semaphore, #tpu.memory_space<semaphore_mem>>
      %dma_start3A_192 = arith.constant 0 : i32
      %dma_start3A_193 = tpu.memref_slice %arg2[%add3A_183, %dma_start3A_192] : memref<8192x2048xf32, #tpu.memory_space<hbm>> -> memref<16x2048xf32, #tpu.memory_space<hbm>>
      %dma_start3A_194 = arith.constant 0 : i32
      %dma_start3A_195 = tpu.memref_slice %arg2[%add3A_183, %dma_start3A_194] : memref<8192x2048xf32, #tpu.memory_space<hbm>> -> memref<16x2048xf32, #tpu.memory_space<hbm>>
      tpu.enqueue_dma source(%dma_start3A_195 : memref<16x2048xf32, #tpu.memory_space<hbm>>) target(%arg6 : memref<16x2048xf32, #tpu.memory_space<vmem>>) target_semaphore(%run_scoped3A : memref<!tpu.dma_semaphore, #tpu.memory_space<semaphore_mem>>)
      %dma_wait3A_196 = arith.constant 0 : i32
      %dma_wait3A_197 = tpu.memref_slice %arg2[%add3A_183, %dma_wait3A_196] : memref<8192x2048xf32, #tpu.memory_space<hbm>> -> memref<16x2048xf32, #tpu.memory_space<hbm>>
      %dma_wait3A_198 = arith.constant 0 : i32
      %dma_wait3A_199 = tpu.memref_slice %arg2[%add3A_183, %dma_wait3A_198] : memref<8192x2048xf32, #tpu.memory_space<hbm>> -> memref<16x2048xf32, #tpu.memory_space<hbm>>
      tpu.wait_dma2 semaphore(%run_scoped3A : memref<!tpu.dma_semaphore, #tpu.memory_space<semaphore_mem>>) src(%dma_wait3A_199 : memref<16x2048xf32, #tpu.memory_space<hbm>>) dst(%arg6 : memref<16x2048xf32, #tpu.memory_space<vmem>>)
      tpu.yield
    }) : () -> ()
    %get3A_184 = arith.constant 240 : index
    %get3A_185 = tpu.vector_load %arg5[%get3A_184] {strides = array<i32>} : memref<256xi32, #tpu.memory_space<vmem>>, vector<16xi32>,
    %dma_start3A_186 = arith.constant 0 : i32
    %dma_start3A_187 = arith.constant 0 : i32
    %dma_start3A_188 = tpu.memref_slice %arg4[%dma_start3A_186, %dma_start3A_187] : memref<10240x2048xf32, #tpu.memory_space<hbm>> -> memref<10240x2048xf32, #tpu.memory_space<hbm>>
    tpu.enqueue_indirect_dma source(%arg6 : memref<16x2048xf32, #tpu.memory_space<vmem>>) target(%dma_start3A_188 : memref<10240x2048xf32, #tpu.memory_space<hbm>>) offsets(%get3A_185 : vector<16xi32>) semaphore(%arg7 : memref<!tpu.dma_semaphore, #tpu.memory_space<semaphore_mem>>)
    %dma_wait3A_189 = arith.constant 0 : i32
    %dma_wait3A_190 = arith.constant 0 : i32
    %dma_wait3A_191 = tpu.memref_slice %arg4[%dma_wait3A_189, %dma_wait3A_190] : memref<10240x2048xf32, #tpu.memory_space<hbm>> -> memref<10240x2048xf32, #tpu.memory_space<hbm>>
    tpu.wait_indirect_dma semaphore(%arg7 : memref<!tpu.dma_semaphore, #tpu.memory_space<semaphore_mem>>) src(%arg6 : memref<16x2048xf32, #tpu.memory_space<vmem>>) dst(%dma_wait3A_191 : memref<10240x2048xf32, #tpu.memory_space<hbm>>)
    return
  }
}

#map = affine_map<(d0, d1) -> (0, 0)>
#map1 = affine_map<(d0, d1) -> (0)>
module attributes {stable_mosaic.version = 14 : i64} {
  func.func @_gather_rows(%arg0: i32, %arg1: i32, %arg2: memref<10240x2048xf32, #tpu.memory_space<hbm>>, %arg3: memref<8192xi32, #tpu.memory_space<hbm>>, %arg4: memref<8192x2048xf32, #tpu.memory_space<hbm>>, %arg5: memref<256xi32, #tpu.memory_space<vmem>>, %arg6: memref<16x2048xf32, #tpu.memory_space<vmem>>, %arg7: memref<!tpu.dma_semaphore, #tpu.memory_space<semaphore_mem>>) attributes {dimension_semantics = [#tpu.dimension_semantics<core_parallel>, #tpu.dimension_semantics<subcore_parallel>], iteration_bounds = array<i64: 2, 16>, scalar_prefetch = 0 : i64, scratch_operands = 3 : i64, tpu.core_type = #tpu.core_type<sc_vector_subcore>, window_params = [{transform_indices = #map}, {transform_indices = #map1}, {transform_indices = #map}]} {
    %mul3A = arith.constant 2 : i32
    %mul3A_0 = arith.muli %arg1, %mul3A : i32
    %add3A = arith.addi %mul3A_0, %arg0 : i32
    %mul3A_1 = arith.constant 256 : i32
    %mul3A_2 = arith.muli %add3A, %mul3A_1 : i32
    "tpu.region"() ({
      %run_scoped3A = tpu.sem_alloc : memref<!tpu.dma_semaphore, #tpu.memory_space<semaphore_mem>>
      %dma_start3A_192 = tpu.memref_slice %arg3[%mul3A_2] : memref<8192xi32, #tpu.memory_space<hbm>> -> memref<256xi32, #tpu.memory_space<hbm>>
      %dma_start3A_193 = tpu.memref_slice %arg3[%mul3A_2] : memref<8192xi32, #tpu.memory_space<hbm>> -> memref<256xi32, #tpu.memory_space<hbm>>
      tpu.enqueue_dma source(%dma_start3A_193 : memref<256xi32, #tpu.memory_space<hbm>>) target(%arg5 : memref<256xi32, #tpu.memory_space<vmem>>) target_semaphore(%run_scoped3A : memref<!tpu.dma_semaphore, #tpu.memory_space<semaphore_mem>>)
      %dma_wait3A_194 = tpu.memref_slice %arg3[%mul3A_2] : memref<8192xi32, #tpu.memory_space<hbm>> -> memref<256xi32, #tpu.memory_space<hbm>>
      %dma_wait3A_195 = tpu.memref_slice %arg3[%mul3A_2] : memref<8192xi32, #tpu.memory_space<hbm>> -> memref<256xi32, #tpu.memory_space<hbm>>
      tpu.wait_dma2 semaphore(%run_scoped3A : memref<!tpu.dma_semaphore, #tpu.memory_space<semaphore_mem>>) src(%dma_wait3A_195 : memref<256xi32, #tpu.memory_space<hbm>>) dst(%arg5 : memref<256xi32, #tpu.memory_space<vmem>>)
      tpu.yield
    }) : () -> ()
    %get3A = arith.constant 0 : index
    %get3A_3 = tpu.vector_load %arg5[%get3A] {strides = array<i32>} : memref<256xi32, #tpu.memory_space<vmem>>, vector<16xi32>,
    %dma_start3A = arith.constant 0 : i32
    %dma_start3A_4 = arith.constant 0 : i32
    %dma_start3A_5 = tpu.memref_slice %arg2[%dma_start3A, %dma_start3A_4] : memref<10240x2048xf32, #tpu.memory_space<hbm>> -> memref<10240x2048xf32, #tpu.memory_space<hbm>>
    tpu.enqueue_indirect_dma source(%dma_start3A_5 : memref<10240x2048xf32, #tpu.memory_space<hbm>>) target(%arg6 : memref<16x2048xf32, #tpu.memory_space<vmem>>) offsets(%get3A_3 : vector<16xi32>) semaphore(%arg7 : memref<!tpu.dma_semaphore, #tpu.memory_space<semaphore_mem>>)
    %dma_wait3A = arith.constant 0 : i32
    %dma_wait3A_6 = arith.constant 0 : i32
    %dma_wait3A_7 = tpu.memref_slice %arg2[%dma_wait3A, %dma_wait3A_6] : memref<10240x2048xf32, #tpu.memory_space<hbm>> -> memref<10240x2048xf32, #tpu.memory_space<hbm>>
    tpu.wait_indirect_dma semaphore(%arg7 : memref<!tpu.dma_semaphore, #tpu.memory_space<semaphore_mem>>) src(%dma_wait3A_7 : memref<10240x2048xf32, #tpu.memory_space<hbm>>) dst(%arg6 : memref<16x2048xf32, #tpu.memory_space<vmem>>)
    %mul3A_8 = arith.constant 256 : i32
    %mul3A_9 = arith.muli %add3A, %mul3A_8 : i32
    %add3A_10 = arith.constant 0 : i32
    %add3A_11 = arith.addi %mul3A_9, %add3A_10 : i32
    "tpu.region"() ({
      %run_scoped3A = tpu.sem_alloc : memref<!tpu.dma_semaphore, #tpu.memory_space<semaphore_mem>>
      %dma_start3A_192 = arith.constant 0 : i32
      %dma_start3A_193 = tpu.memref_slice %arg4[%add3A_11, %dma_start3A_192] : memref<8192x2048xf32, #tpu.memory_space<hbm>> -> memref<16x2048xf32, #tpu.memory_space<hbm>>
      %dma_start3A_194 = arith.constant 0 : i32
      %dma_start3A_195 = tpu.memref_slice %arg4[%add3A_11, %dma_start3A_194] : memref<8192x2048xf32, #tpu.memory_space<hbm>> -> memref<16x2048xf32, #tpu.memory_space<hbm>>
      tpu.enqueue_dma source(%arg6 : memref<16x2048xf32, #tpu.memory_space<vmem>>) target(%dma_start3A_195 : memref<16x2048xf32, #tpu.memory_space<hbm>>) target_semaphore(%run_scoped3A : memref<!tpu.dma_semaphore, #tpu.memory_space<semaphore_mem>>)
      %dma_wait3A_196 = arith.constant 0 : i32
      %dma_wait3A_197 = tpu.memref_slice %arg4[%add3A_11, %dma_wait3A_196] : memref<8192x2048xf32, #tpu.memory_space<hbm>> -> memref<16x2048xf32, #tpu.memory_space<hbm>>
      %dma_wait3A_198 = arith.constant 0 : i32
      %dma_wait3A_199 = tpu.memref_slice %arg4[%add3A_11, %dma_wait3A_198] : memref<8192x2048xf32, #tpu.memory_space<hbm>> -> memref<16x2048xf32, #tpu.memory_space<hbm>>
      tpu.wait_dma2 semaphore(%run_scoped3A : memref<!tpu.dma_semaphore, #tpu.memory_space<semaphore_mem>>) src(%arg6 : memref<16x2048xf32, #tpu.memory_space<vmem>>) dst(%dma_wait3A_199 : memref<16x2048xf32, #tpu.memory_space<hbm>>)
      tpu.yield
    }) : () -> ()
    %get3A_12 = arith.constant 16 : index
    %get3A_13 = tpu.vector_load %arg5[%get3A_12] {strides = array<i32>} : memref<256xi32, #tpu.memory_space<vmem>>, vector<16xi32>,
    %dma_start3A_14 = arith.constant 0 : i32
    %dma_start3A_15 = arith.constant 0 : i32
    %dma_start3A_16 = tpu.memref_slice %arg2[%dma_start3A_14, %dma_start3A_15] : memref<10240x2048xf32, #tpu.memory_space<hbm>> -> memref<10240x2048xf32, #tpu.memory_space<hbm>>
    tpu.enqueue_indirect_dma source(%dma_start3A_16 : memref<10240x2048xf32, #tpu.memory_space<hbm>>) target(%arg6 : memref<16x2048xf32, #tpu.memory_space<vmem>>) offsets(%get3A_13 : vector<16xi32>) semaphore(%arg7 : memref<!tpu.dma_semaphore, #tpu.memory_space<semaphore_mem>>)
    %dma_wait3A_17 = arith.constant 0 : i32
    %dma_wait3A_18 = arith.constant 0 : i32
    %dma_wait3A_19 = tpu.memref_slice %arg2[%dma_wait3A_17, %dma_wait3A_18] : memref<10240x2048xf32, #tpu.memory_space<hbm>> -> memref<10240x2048xf32, #tpu.memory_space<hbm>>
    tpu.wait_indirect_dma semaphore(%arg7 : memref<!tpu.dma_semaphore, #tpu.memory_space<semaphore_mem>>) src(%dma_wait3A_19 : memref<10240x2048xf32, #tpu.memory_space<hbm>>) dst(%arg6 : memref<16x2048xf32, #tpu.memory_space<vmem>>)
    %mul3A_20 = arith.constant 256 : i32
    %mul3A_21 = arith.muli %add3A, %mul3A_20 : i32
    %add3A_22 = arith.constant 16 : i32
    %add3A_23 = arith.addi %mul3A_21, %add3A_22 : i32
    "tpu.region"() ({
      %run_scoped3A = tpu.sem_alloc : memref<!tpu.dma_semaphore, #tpu.memory_space<semaphore_mem>>
      %dma_start3A_192 = arith.constant 0 : i32
      %dma_start3A_193 = tpu.memref_slice %arg4[%add3A_23, %dma_start3A_192] : memref<8192x2048xf32, #tpu.memory_space<hbm>> -> memref<16x2048xf32, #tpu.memory_space<hbm>>
      %dma_start3A_194 = arith.constant 0 : i32
      %dma_start3A_195 = tpu.memref_slice %arg4[%add3A_23, %dma_start3A_194] : memref<8192x2048xf32, #tpu.memory_space<hbm>> -> memref<16x2048xf32, #tpu.memory_space<hbm>>
      tpu.enqueue_dma source(%arg6 : memref<16x2048xf32, #tpu.memory_space<vmem>>) target(%dma_start3A_195 : memref<16x2048xf32, #tpu.memory_space<hbm>>) target_semaphore(%run_scoped3A : memref<!tpu.dma_semaphore, #tpu.memory_space<semaphore_mem>>)
      %dma_wait3A_196 = arith.constant 0 : i32
      %dma_wait3A_197 = tpu.memref_slice %arg4[%add3A_23, %dma_wait3A_196] : memref<8192x2048xf32, #tpu.memory_space<hbm>> -> memref<16x2048xf32, #tpu.memory_space<hbm>>
      %dma_wait3A_198 = arith.constant 0 : i32
      %dma_wait3A_199 = tpu.memref_slice %arg4[%add3A_23, %dma_wait3A_198] : memref<8192x2048xf32, #tpu.memory_space<hbm>> -> memref<16x2048xf32, #tpu.memory_space<hbm>>
      tpu.wait_dma2 semaphore(%run_scoped3A : memref<!tpu.dma_semaphore, #tpu.memory_space<semaphore_mem>>) src(%arg6 : memref<16x2048xf32, #tpu.memory_space<vmem>>) dst(%dma_wait3A_199 : memref<16x2048xf32, #tpu.memory_space<hbm>>)
      tpu.yield
    }) : () -> ()
    %get3A_24 = arith.constant 32 : index
    %get3A_25 = tpu.vector_load %arg5[%get3A_24] {strides = array<i32>} : memref<256xi32, #tpu.memory_space<vmem>>, vector<16xi32>,
    %dma_start3A_26 = arith.constant 0 : i32
    %dma_start3A_27 = arith.constant 0 : i32
    %dma_start3A_28 = tpu.memref_slice %arg2[%dma_start3A_26, %dma_start3A_27] : memref<10240x2048xf32, #tpu.memory_space<hbm>> -> memref<10240x2048xf32, #tpu.memory_space<hbm>>
    tpu.enqueue_indirect_dma source(%dma_start3A_28 : memref<10240x2048xf32, #tpu.memory_space<hbm>>) target(%arg6 : memref<16x2048xf32, #tpu.memory_space<vmem>>) offsets(%get3A_25 : vector<16xi32>) semaphore(%arg7 : memref<!tpu.dma_semaphore, #tpu.memory_space<semaphore_mem>>)
    %dma_wait3A_29 = arith.constant 0 : i32
    %dma_wait3A_30 = arith.constant 0 : i32
    %dma_wait3A_31 = tpu.memref_slice %arg2[%dma_wait3A_29, %dma_wait3A_30] : memref<10240x2048xf32, #tpu.memory_space<hbm>> -> memref<10240x2048xf32, #tpu.memory_space<hbm>>
    tpu.wait_indirect_dma semaphore(%arg7 : memref<!tpu.dma_semaphore, #tpu.memory_space<semaphore_mem>>) src(%dma_wait3A_31 : memref<10240x2048xf32, #tpu.memory_space<hbm>>) dst(%arg6 : memref<16x2048xf32, #tpu.memory_space<vmem>>)
    %mul3A_32 = arith.constant 256 : i32
    %mul3A_33 = arith.muli %add3A, %mul3A_32 : i32
    %add3A_34 = arith.constant 32 : i32
    %add3A_35 = arith.addi %mul3A_33, %add3A_34 : i32
    "tpu.region"() ({
      %run_scoped3A = tpu.sem_alloc : memref<!tpu.dma_semaphore, #tpu.memory_space<semaphore_mem>>
      %dma_start3A_192 = arith.constant 0 : i32
      %dma_start3A_193 = tpu.memref_slice %arg4[%add3A_35, %dma_start3A_192] : memref<8192x2048xf32, #tpu.memory_space<hbm>> -> memref<16x2048xf32, #tpu.memory_space<hbm>>
      %dma_start3A_194 = arith.constant 0 : i32
      %dma_start3A_195 = tpu.memref_slice %arg4[%add3A_35, %dma_start3A_194] : memref<8192x2048xf32, #tpu.memory_space<hbm>> -> memref<16x2048xf32, #tpu.memory_space<hbm>>
      tpu.enqueue_dma source(%arg6 : memref<16x2048xf32, #tpu.memory_space<vmem>>) target(%dma_start3A_195 : memref<16x2048xf32, #tpu.memory_space<hbm>>) target_semaphore(%run_scoped3A : memref<!tpu.dma_semaphore, #tpu.memory_space<semaphore_mem>>)
      %dma_wait3A_196 = arith.constant 0 : i32
      %dma_wait3A_197 = tpu.memref_slice %arg4[%add3A_35, %dma_wait3A_196] : memref<8192x2048xf32, #tpu.memory_space<hbm>> -> memref<16x2048xf32, #tpu.memory_space<hbm>>
      %dma_wait3A_198 = arith.constant 0 : i32
      %dma_wait3A_199 = tpu.memref_slice %arg4[%add3A_35, %dma_wait3A_198] : memref<8192x2048xf32, #tpu.memory_space<hbm>> -> memref<16x2048xf32, #tpu.memory_space<hbm>>
      tpu.wait_dma2 semaphore(%run_scoped3A : memref<!tpu.dma_semaphore, #tpu.memory_space<semaphore_mem>>) src(%arg6 : memref<16x2048xf32, #tpu.memory_space<vmem>>) dst(%dma_wait3A_199 : memref<16x2048xf32, #tpu.memory_space<hbm>>)
      tpu.yield
    }) : () -> ()
    %get3A_36 = arith.constant 48 : index
    %get3A_37 = tpu.vector_load %arg5[%get3A_36] {strides = array<i32>} : memref<256xi32, #tpu.memory_space<vmem>>, vector<16xi32>,
    %dma_start3A_38 = arith.constant 0 : i32
    %dma_start3A_39 = arith.constant 0 : i32
    %dma_start3A_40 = tpu.memref_slice %arg2[%dma_start3A_38, %dma_start3A_39] : memref<10240x2048xf32, #tpu.memory_space<hbm>> -> memref<10240x2048xf32, #tpu.memory_space<hbm>>
    tpu.enqueue_indirect_dma source(%dma_start3A_40 : memref<10240x2048xf32, #tpu.memory_space<hbm>>) target(%arg6 : memref<16x2048xf32, #tpu.memory_space<vmem>>) offsets(%get3A_37 : vector<16xi32>) semaphore(%arg7 : memref<!tpu.dma_semaphore, #tpu.memory_space<semaphore_mem>>)
    %dma_wait3A_41 = arith.constant 0 : i32
    %dma_wait3A_42 = arith.constant 0 : i32
    %dma_wait3A_43 = tpu.memref_slice %arg2[%dma_wait3A_41, %dma_wait3A_42] : memref<10240x2048xf32, #tpu.memory_space<hbm>> -> memref<10240x2048xf32, #tpu.memory_space<hbm>>
    tpu.wait_indirect_dma semaphore(%arg7 : memref<!tpu.dma_semaphore, #tpu.memory_space<semaphore_mem>>) src(%dma_wait3A_43 : memref<10240x2048xf32, #tpu.memory_space<hbm>>) dst(%arg6 : memref<16x2048xf32, #tpu.memory_space<vmem>>)
    %mul3A_44 = arith.constant 256 : i32
    %mul3A_45 = arith.muli %add3A, %mul3A_44 : i32
    %add3A_46 = arith.constant 48 : i32
    %add3A_47 = arith.addi %mul3A_45, %add3A_46 : i32
    "tpu.region"() ({
      %run_scoped3A = tpu.sem_alloc : memref<!tpu.dma_semaphore, #tpu.memory_space<semaphore_mem>>
      %dma_start3A_192 = arith.constant 0 : i32
      %dma_start3A_193 = tpu.memref_slice %arg4[%add3A_47, %dma_start3A_192] : memref<8192x2048xf32, #tpu.memory_space<hbm>> -> memref<16x2048xf32, #tpu.memory_space<hbm>>
      %dma_start3A_194 = arith.constant 0 : i32
      %dma_start3A_195 = tpu.memref_slice %arg4[%add3A_47, %dma_start3A_194] : memref<8192x2048xf32, #tpu.memory_space<hbm>> -> memref<16x2048xf32, #tpu.memory_space<hbm>>
      tpu.enqueue_dma source(%arg6 : memref<16x2048xf32, #tpu.memory_space<vmem>>) target(%dma_start3A_195 : memref<16x2048xf32, #tpu.memory_space<hbm>>) target_semaphore(%run_scoped3A : memref<!tpu.dma_semaphore, #tpu.memory_space<semaphore_mem>>)
      %dma_wait3A_196 = arith.constant 0 : i32
      %dma_wait3A_197 = tpu.memref_slice %arg4[%add3A_47, %dma_wait3A_196] : memref<8192x2048xf32, #tpu.memory_space<hbm>> -> memref<16x2048xf32, #tpu.memory_space<hbm>>
      %dma_wait3A_198 = arith.constant 0 : i32
      %dma_wait3A_199 = tpu.memref_slice %arg4[%add3A_47, %dma_wait3A_198] : memref<8192x2048xf32, #tpu.memory_space<hbm>> -> memref<16x2048xf32, #tpu.memory_space<hbm>>
      tpu.wait_dma2 semaphore(%run_scoped3A : memref<!tpu.dma_semaphore, #tpu.memory_space<semaphore_mem>>) src(%arg6 : memref<16x2048xf32, #tpu.memory_space<vmem>>) dst(%dma_wait3A_199 : memref<16x2048xf32, #tpu.memory_space<hbm>>)
      tpu.yield
    }) : () -> ()
    %get3A_48 = arith.constant 64 : index
    %get3A_49 = tpu.vector_load %arg5[%get3A_48] {strides = array<i32>} : memref<256xi32, #tpu.memory_space<vmem>>, vector<16xi32>,
    %dma_start3A_50 = arith.constant 0 : i32
    %dma_start3A_51 = arith.constant 0 : i32
    %dma_start3A_52 = tpu.memref_slice %arg2[%dma_start3A_50, %dma_start3A_51] : memref<10240x2048xf32, #tpu.memory_space<hbm>> -> memref<10240x2048xf32, #tpu.memory_space<hbm>>
    tpu.enqueue_indirect_dma source(%dma_start3A_52 : memref<10240x2048xf32, #tpu.memory_space<hbm>>) target(%arg6 : memref<16x2048xf32, #tpu.memory_space<vmem>>) offsets(%get3A_49 : vector<16xi32>) semaphore(%arg7 : memref<!tpu.dma_semaphore, #tpu.memory_space<semaphore_mem>>)
    %dma_wait3A_53 = arith.constant 0 : i32
    %dma_wait3A_54 = arith.constant 0 : i32
    %dma_wait3A_55 = tpu.memref_slice %arg2[%dma_wait3A_53, %dma_wait3A_54] : memref<10240x2048xf32, #tpu.memory_space<hbm>> -> memref<10240x2048xf32, #tpu.memory_space<hbm>>
    tpu.wait_indirect_dma semaphore(%arg7 : memref<!tpu.dma_semaphore, #tpu.memory_space<semaphore_mem>>) src(%dma_wait3A_55 : memref<10240x2048xf32, #tpu.memory_space<hbm>>) dst(%arg6 : memref<16x2048xf32, #tpu.memory_space<vmem>>)
    %mul3A_56 = arith.constant 256 : i32
    %mul3A_57 = arith.muli %add3A, %mul3A_56 : i32
    %add3A_58 = arith.constant 64 : i32
    %add3A_59 = arith.addi %mul3A_57, %add3A_58 : i32
    "tpu.region"() ({
      %run_scoped3A = tpu.sem_alloc : memref<!tpu.dma_semaphore, #tpu.memory_space<semaphore_mem>>
      %dma_start3A_192 = arith.constant 0 : i32
      %dma_start3A_193 = tpu.memref_slice %arg4[%add3A_59, %dma_start3A_192] : memref<8192x2048xf32, #tpu.memory_space<hbm>> -> memref<16x2048xf32, #tpu.memory_space<hbm>>
      %dma_start3A_194 = arith.constant 0 : i32
      %dma_start3A_195 = tpu.memref_slice %arg4[%add3A_59, %dma_start3A_194] : memref<8192x2048xf32, #tpu.memory_space<hbm>> -> memref<16x2048xf32, #tpu.memory_space<hbm>>
      tpu.enqueue_dma source(%arg6 : memref<16x2048xf32, #tpu.memory_space<vmem>>) target(%dma_start3A_195 : memref<16x2048xf32, #tpu.memory_space<hbm>>) target_semaphore(%run_scoped3A : memref<!tpu.dma_semaphore, #tpu.memory_space<semaphore_mem>>)
      %dma_wait3A_196 = arith.constant 0 : i32
      %dma_wait3A_197 = tpu.memref_slice %arg4[%add3A_59, %dma_wait3A_196] : memref<8192x2048xf32, #tpu.memory_space<hbm>> -> memref<16x2048xf32, #tpu.memory_space<hbm>>
      %dma_wait3A_198 = arith.constant 0 : i32
      %dma_wait3A_199 = tpu.memref_slice %arg4[%add3A_59, %dma_wait3A_198] : memref<8192x2048xf32, #tpu.memory_space<hbm>> -> memref<16x2048xf32, #tpu.memory_space<hbm>>
      tpu.wait_dma2 semaphore(%run_scoped3A : memref<!tpu.dma_semaphore, #tpu.memory_space<semaphore_mem>>) src(%arg6 : memref<16x2048xf32, #tpu.memory_space<vmem>>) dst(%dma_wait3A_199 : memref<16x2048xf32, #tpu.memory_space<hbm>>)
      tpu.yield
    }) : () -> ()
    %get3A_60 = arith.constant 80 : index
    %get3A_61 = tpu.vector_load %arg5[%get3A_60] {strides = array<i32>} : memref<256xi32, #tpu.memory_space<vmem>>, vector<16xi32>,
    %dma_start3A_62 = arith.constant 0 : i32
    %dma_start3A_63 = arith.constant 0 : i32
    %dma_start3A_64 = tpu.memref_slice %arg2[%dma_start3A_62, %dma_start3A_63] : memref<10240x2048xf32, #tpu.memory_space<hbm>> -> memref<10240x2048xf32, #tpu.memory_space<hbm>>
    tpu.enqueue_indirect_dma source(%dma_start3A_64 : memref<10240x2048xf32, #tpu.memory_space<hbm>>) target(%arg6 : memref<16x2048xf32, #tpu.memory_space<vmem>>) offsets(%get3A_61 : vector<16xi32>) semaphore(%arg7 : memref<!tpu.dma_semaphore, #tpu.memory_space<semaphore_mem>>)
    %dma_wait3A_65 = arith.constant 0 : i32
    %dma_wait3A_66 = arith.constant 0 : i32
    %dma_wait3A_67 = tpu.memref_slice %arg2[%dma_wait3A_65, %dma_wait3A_66] : memref<10240x2048xf32, #tpu.memory_space<hbm>> -> memref<10240x2048xf32, #tpu.memory_space<hbm>>
    tpu.wait_indirect_dma semaphore(%arg7 : memref<!tpu.dma_semaphore, #tpu.memory_space<semaphore_mem>>) src(%dma_wait3A_67 : memref<10240x2048xf32, #tpu.memory_space<hbm>>) dst(%arg6 : memref<16x2048xf32, #tpu.memory_space<vmem>>)
    %mul3A_68 = arith.constant 256 : i32
    %mul3A_69 = arith.muli %add3A, %mul3A_68 : i32
    %add3A_70 = arith.constant 80 : i32
    %add3A_71 = arith.addi %mul3A_69, %add3A_70 : i32
    "tpu.region"() ({
      %run_scoped3A = tpu.sem_alloc : memref<!tpu.dma_semaphore, #tpu.memory_space<semaphore_mem>>
      %dma_start3A_192 = arith.constant 0 : i32
      %dma_start3A_193 = tpu.memref_slice %arg4[%add3A_71, %dma_start3A_192] : memref<8192x2048xf32, #tpu.memory_space<hbm>> -> memref<16x2048xf32, #tpu.memory_space<hbm>>
      %dma_start3A_194 = arith.constant 0 : i32
      %dma_start3A_195 = tpu.memref_slice %arg4[%add3A_71, %dma_start3A_194] : memref<8192x2048xf32, #tpu.memory_space<hbm>> -> memref<16x2048xf32, #tpu.memory_space<hbm>>
      tpu.enqueue_dma source(%arg6 : memref<16x2048xf32, #tpu.memory_space<vmem>>) target(%dma_start3A_195 : memref<16x2048xf32, #tpu.memory_space<hbm>>) target_semaphore(%run_scoped3A : memref<!tpu.dma_semaphore, #tpu.memory_space<semaphore_mem>>)
      %dma_wait3A_196 = arith.constant 0 : i32
      %dma_wait3A_197 = tpu.memref_slice %arg4[%add3A_71, %dma_wait3A_196] : memref<8192x2048xf32, #tpu.memory_space<hbm>> -> memref<16x2048xf32, #tpu.memory_space<hbm>>
      %dma_wait3A_198 = arith.constant 0 : i32
      %dma_wait3A_199 = tpu.memref_slice %arg4[%add3A_71, %dma_wait3A_198] : memref<8192x2048xf32, #tpu.memory_space<hbm>> -> memref<16x2048xf32, #tpu.memory_space<hbm>>
      tpu.wait_dma2 semaphore(%run_scoped3A : memref<!tpu.dma_semaphore, #tpu.memory_space<semaphore_mem>>) src(%arg6 : memref<16x2048xf32, #tpu.memory_space<vmem>>) dst(%dma_wait3A_199 : memref<16x2048xf32, #tpu.memory_space<hbm>>)
      tpu.yield
    }) : () -> ()
    %get3A_72 = arith.constant 96 : index
    %get3A_73 = tpu.vector_load %arg5[%get3A_72] {strides = array<i32>} : memref<256xi32, #tpu.memory_space<vmem>>, vector<16xi32>,
    %dma_start3A_74 = arith.constant 0 : i32
    %dma_start3A_75 = arith.constant 0 : i32
    %dma_start3A_76 = tpu.memref_slice %arg2[%dma_start3A_74, %dma_start3A_75] : memref<10240x2048xf32, #tpu.memory_space<hbm>> -> memref<10240x2048xf32, #tpu.memory_space<hbm>>
    tpu.enqueue_indirect_dma source(%dma_start3A_76 : memref<10240x2048xf32, #tpu.memory_space<hbm>>) target(%arg6 : memref<16x2048xf32, #tpu.memory_space<vmem>>) offsets(%get3A_73 : vector<16xi32>) semaphore(%arg7 : memref<!tpu.dma_semaphore, #tpu.memory_space<semaphore_mem>>)
    %dma_wait3A_77 = arith.constant 0 : i32
    %dma_wait3A_78 = arith.constant 0 : i32
    %dma_wait3A_79 = tpu.memref_slice %arg2[%dma_wait3A_77, %dma_wait3A_78] : memref<10240x2048xf32, #tpu.memory_space<hbm>> -> memref<10240x2048xf32, #tpu.memory_space<hbm>>
    tpu.wait_indirect_dma semaphore(%arg7 : memref<!tpu.dma_semaphore, #tpu.memory_space<semaphore_mem>>) src(%dma_wait3A_79 : memref<10240x2048xf32, #tpu.memory_space<hbm>>) dst(%arg6 : memref<16x2048xf32, #tpu.memory_space<vmem>>)
    %mul3A_80 = arith.constant 256 : i32
    %mul3A_81 = arith.muli %add3A, %mul3A_80 : i32
    %add3A_82 = arith.constant 96 : i32
    %add3A_83 = arith.addi %mul3A_81, %add3A_82 : i32
    "tpu.region"() ({
      %run_scoped3A = tpu.sem_alloc : memref<!tpu.dma_semaphore, #tpu.memory_space<semaphore_mem>>
      %dma_start3A_192 = arith.constant 0 : i32
      %dma_start3A_193 = tpu.memref_slice %arg4[%add3A_83, %dma_start3A_192] : memref<8192x2048xf32, #tpu.memory_space<hbm>> -> memref<16x2048xf32, #tpu.memory_space<hbm>>
      %dma_start3A_194 = arith.constant 0 : i32
      %dma_start3A_195 = tpu.memref_slice %arg4[%add3A_83, %dma_start3A_194] : memref<8192x2048xf32, #tpu.memory_space<hbm>> -> memref<16x2048xf32, #tpu.memory_space<hbm>>
      tpu.enqueue_dma source(%arg6 : memref<16x2048xf32, #tpu.memory_space<vmem>>) target(%dma_start3A_195 : memref<16x2048xf32, #tpu.memory_space<hbm>>) target_semaphore(%run_scoped3A : memref<!tpu.dma_semaphore, #tpu.memory_space<semaphore_mem>>)
      %dma_wait3A_196 = arith.constant 0 : i32
      %dma_wait3A_197 = tpu.memref_slice %arg4[%add3A_83, %dma_wait3A_196] : memref<8192x2048xf32, #tpu.memory_space<hbm>> -> memref<16x2048xf32, #tpu.memory_space<hbm>>
      %dma_wait3A_198 = arith.constant 0 : i32
      %dma_wait3A_199 = tpu.memref_slice %arg4[%add3A_83, %dma_wait3A_198] : memref<8192x2048xf32, #tpu.memory_space<hbm>> -> memref<16x2048xf32, #tpu.memory_space<hbm>>
      tpu.wait_dma2 semaphore(%run_scoped3A : memref<!tpu.dma_semaphore, #tpu.memory_space<semaphore_mem>>) src(%arg6 : memref<16x2048xf32, #tpu.memory_space<vmem>>) dst(%dma_wait3A_199 : memref<16x2048xf32, #tpu.memory_space<hbm>>)
      tpu.yield
    }) : () -> ()
    %get3A_84 = arith.constant 112 : index
    %get3A_85 = tpu.vector_load %arg5[%get3A_84] {strides = array<i32>} : memref<256xi32, #tpu.memory_space<vmem>>, vector<16xi32>,
    %dma_start3A_86 = arith.constant 0 : i32
    %dma_start3A_87 = arith.constant 0 : i32
    %dma_start3A_88 = tpu.memref_slice %arg2[%dma_start3A_86, %dma_start3A_87] : memref<10240x2048xf32, #tpu.memory_space<hbm>> -> memref<10240x2048xf32, #tpu.memory_space<hbm>>
    tpu.enqueue_indirect_dma source(%dma_start3A_88 : memref<10240x2048xf32, #tpu.memory_space<hbm>>) target(%arg6 : memref<16x2048xf32, #tpu.memory_space<vmem>>) offsets(%get3A_85 : vector<16xi32>) semaphore(%arg7 : memref<!tpu.dma_semaphore, #tpu.memory_space<semaphore_mem>>)
    %dma_wait3A_89 = arith.constant 0 : i32
    %dma_wait3A_90 = arith.constant 0 : i32
    %dma_wait3A_91 = tpu.memref_slice %arg2[%dma_wait3A_89, %dma_wait3A_90] : memref<10240x2048xf32, #tpu.memory_space<hbm>> -> memref<10240x2048xf32, #tpu.memory_space<hbm>>
    tpu.wait_indirect_dma semaphore(%arg7 : memref<!tpu.dma_semaphore, #tpu.memory_space<semaphore_mem>>) src(%dma_wait3A_91 : memref<10240x2048xf32, #tpu.memory_space<hbm>>) dst(%arg6 : memref<16x2048xf32, #tpu.memory_space<vmem>>)
    %mul3A_92 = arith.constant 256 : i32
    %mul3A_93 = arith.muli %add3A, %mul3A_92 : i32
    %add3A_94 = arith.constant 112 : i32
    %add3A_95 = arith.addi %mul3A_93, %add3A_94 : i32
    "tpu.region"() ({
      %run_scoped3A = tpu.sem_alloc : memref<!tpu.dma_semaphore, #tpu.memory_space<semaphore_mem>>
      %dma_start3A_192 = arith.constant 0 : i32
      %dma_start3A_193 = tpu.memref_slice %arg4[%add3A_95, %dma_start3A_192] : memref<8192x2048xf32, #tpu.memory_space<hbm>> -> memref<16x2048xf32, #tpu.memory_space<hbm>>
      %dma_start3A_194 = arith.constant 0 : i32
      %dma_start3A_195 = tpu.memref_slice %arg4[%add3A_95, %dma_start3A_194] : memref<8192x2048xf32, #tpu.memory_space<hbm>> -> memref<16x2048xf32, #tpu.memory_space<hbm>>
      tpu.enqueue_dma source(%arg6 : memref<16x2048xf32, #tpu.memory_space<vmem>>) target(%dma_start3A_195 : memref<16x2048xf32, #tpu.memory_space<hbm>>) target_semaphore(%run_scoped3A : memref<!tpu.dma_semaphore, #tpu.memory_space<semaphore_mem>>)
      %dma_wait3A_196 = arith.constant 0 : i32
      %dma_wait3A_197 = tpu.memref_slice %arg4[%add3A_95, %dma_wait3A_196] : memref<8192x2048xf32, #tpu.memory_space<hbm>> -> memref<16x2048xf32, #tpu.memory_space<hbm>>
      %dma_wait3A_198 = arith.constant 0 : i32
      %dma_wait3A_199 = tpu.memref_slice %arg4[%add3A_95, %dma_wait3A_198] : memref<8192x2048xf32, #tpu.memory_space<hbm>> -> memref<16x2048xf32, #tpu.memory_space<hbm>>
      tpu.wait_dma2 semaphore(%run_scoped3A : memref<!tpu.dma_semaphore, #tpu.memory_space<semaphore_mem>>) src(%arg6 : memref<16x2048xf32, #tpu.memory_space<vmem>>) dst(%dma_wait3A_199 : memref<16x2048xf32, #tpu.memory_space<hbm>>)
      tpu.yield
    }) : () -> ()
    %get3A_96 = arith.constant 128 : index
    %get3A_97 = tpu.vector_load %arg5[%get3A_96] {strides = array<i32>} : memref<256xi32, #tpu.memory_space<vmem>>, vector<16xi32>,
    %dma_start3A_98 = arith.constant 0 : i32
    %dma_start3A_99 = arith.constant 0 : i32
    %dma_start3A_100 = tpu.memref_slice %arg2[%dma_start3A_98, %dma_start3A_99] : memref<10240x2048xf32, #tpu.memory_space<hbm>> -> memref<10240x2048xf32, #tpu.memory_space<hbm>>
    tpu.enqueue_indirect_dma source(%dma_start3A_100 : memref<10240x2048xf32, #tpu.memory_space<hbm>>) target(%arg6 : memref<16x2048xf32, #tpu.memory_space<vmem>>) offsets(%get3A_97 : vector<16xi32>) semaphore(%arg7 : memref<!tpu.dma_semaphore, #tpu.memory_space<semaphore_mem>>)
    %dma_wait3A_101 = arith.constant 0 : i32
    %dma_wait3A_102 = arith.constant 0 : i32
    %dma_wait3A_103 = tpu.memref_slice %arg2[%dma_wait3A_101, %dma_wait3A_102] : memref<10240x2048xf32, #tpu.memory_space<hbm>> -> memref<10240x2048xf32, #tpu.memory_space<hbm>>
    tpu.wait_indirect_dma semaphore(%arg7 : memref<!tpu.dma_semaphore, #tpu.memory_space<semaphore_mem>>) src(%dma_wait3A_103 : memref<10240x2048xf32, #tpu.memory_space<hbm>>) dst(%arg6 : memref<16x2048xf32, #tpu.memory_space<vmem>>)
    %mul3A_104 = arith.constant 256 : i32
    %mul3A_105 = arith.muli %add3A, %mul3A_104 : i32
    %add3A_106 = arith.constant 128 : i32
    %add3A_107 = arith.addi %mul3A_105, %add3A_106 : i32
    "tpu.region"() ({
      %run_scoped3A = tpu.sem_alloc : memref<!tpu.dma_semaphore, #tpu.memory_space<semaphore_mem>>
      %dma_start3A_192 = arith.constant 0 : i32
      %dma_start3A_193 = tpu.memref_slice %arg4[%add3A_107, %dma_start3A_192] : memref<8192x2048xf32, #tpu.memory_space<hbm>> -> memref<16x2048xf32, #tpu.memory_space<hbm>>
      %dma_start3A_194 = arith.constant 0 : i32
      %dma_start3A_195 = tpu.memref_slice %arg4[%add3A_107, %dma_start3A_194] : memref<8192x2048xf32, #tpu.memory_space<hbm>> -> memref<16x2048xf32, #tpu.memory_space<hbm>>
      tpu.enqueue_dma source(%arg6 : memref<16x2048xf32, #tpu.memory_space<vmem>>) target(%dma_start3A_195 : memref<16x2048xf32, #tpu.memory_space<hbm>>) target_semaphore(%run_scoped3A : memref<!tpu.dma_semaphore, #tpu.memory_space<semaphore_mem>>)
      %dma_wait3A_196 = arith.constant 0 : i32
      %dma_wait3A_197 = tpu.memref_slice %arg4[%add3A_107, %dma_wait3A_196] : memref<8192x2048xf32, #tpu.memory_space<hbm>> -> memref<16x2048xf32, #tpu.memory_space<hbm>>
      %dma_wait3A_198 = arith.constant 0 : i32
      %dma_wait3A_199 = tpu.memref_slice %arg4[%add3A_107, %dma_wait3A_198] : memref<8192x2048xf32, #tpu.memory_space<hbm>> -> memref<16x2048xf32, #tpu.memory_space<hbm>>
      tpu.wait_dma2 semaphore(%run_scoped3A : memref<!tpu.dma_semaphore, #tpu.memory_space<semaphore_mem>>) src(%arg6 : memref<16x2048xf32, #tpu.memory_space<vmem>>) dst(%dma_wait3A_199 : memref<16x2048xf32, #tpu.memory_space<hbm>>)
      tpu.yield
    }) : () -> ()
    %get3A_108 = arith.constant 144 : index
    %get3A_109 = tpu.vector_load %arg5[%get3A_108] {strides = array<i32>} : memref<256xi32, #tpu.memory_space<vmem>>, vector<16xi32>,
    %dma_start3A_110 = arith.constant 0 : i32
    %dma_start3A_111 = arith.constant 0 : i32
    %dma_start3A_112 = tpu.memref_slice %arg2[%dma_start3A_110, %dma_start3A_111] : memref<10240x2048xf32, #tpu.memory_space<hbm>> -> memref<10240x2048xf32, #tpu.memory_space<hbm>>
    tpu.enqueue_indirect_dma source(%dma_start3A_112 : memref<10240x2048xf32, #tpu.memory_space<hbm>>) target(%arg6 : memref<16x2048xf32, #tpu.memory_space<vmem>>) offsets(%get3A_109 : vector<16xi32>) semaphore(%arg7 : memref<!tpu.dma_semaphore, #tpu.memory_space<semaphore_mem>>)
    %dma_wait3A_113 = arith.constant 0 : i32
    %dma_wait3A_114 = arith.constant 0 : i32
    %dma_wait3A_115 = tpu.memref_slice %arg2[%dma_wait3A_113, %dma_wait3A_114] : memref<10240x2048xf32, #tpu.memory_space<hbm>> -> memref<10240x2048xf32, #tpu.memory_space<hbm>>
    tpu.wait_indirect_dma semaphore(%arg7 : memref<!tpu.dma_semaphore, #tpu.memory_space<semaphore_mem>>) src(%dma_wait3A_115 : memref<10240x2048xf32, #tpu.memory_space<hbm>>) dst(%arg6 : memref<16x2048xf32, #tpu.memory_space<vmem>>)
    %mul3A_116 = arith.constant 256 : i32
    %mul3A_117 = arith.muli %add3A, %mul3A_116 : i32
    %add3A_118 = arith.constant 144 : i32
    %add3A_119 = arith.addi %mul3A_117, %add3A_118 : i32
    "tpu.region"() ({
      %run_scoped3A = tpu.sem_alloc : memref<!tpu.dma_semaphore, #tpu.memory_space<semaphore_mem>>
      %dma_start3A_192 = arith.constant 0 : i32
      %dma_start3A_193 = tpu.memref_slice %arg4[%add3A_119, %dma_start3A_192] : memref<8192x2048xf32, #tpu.memory_space<hbm>> -> memref<16x2048xf32, #tpu.memory_space<hbm>>
      %dma_start3A_194 = arith.constant 0 : i32
      %dma_start3A_195 = tpu.memref_slice %arg4[%add3A_119, %dma_start3A_194] : memref<8192x2048xf32, #tpu.memory_space<hbm>> -> memref<16x2048xf32, #tpu.memory_space<hbm>>
      tpu.enqueue_dma source(%arg6 : memref<16x2048xf32, #tpu.memory_space<vmem>>) target(%dma_start3A_195 : memref<16x2048xf32, #tpu.memory_space<hbm>>) target_semaphore(%run_scoped3A : memref<!tpu.dma_semaphore, #tpu.memory_space<semaphore_mem>>)
      %dma_wait3A_196 = arith.constant 0 : i32
      %dma_wait3A_197 = tpu.memref_slice %arg4[%add3A_119, %dma_wait3A_196] : memref<8192x2048xf32, #tpu.memory_space<hbm>> -> memref<16x2048xf32, #tpu.memory_space<hbm>>
      %dma_wait3A_198 = arith.constant 0 : i32
      %dma_wait3A_199 = tpu.memref_slice %arg4[%add3A_119, %dma_wait3A_198] : memref<8192x2048xf32, #tpu.memory_space<hbm>> -> memref<16x2048xf32, #tpu.memory_space<hbm>>
      tpu.wait_dma2 semaphore(%run_scoped3A : memref<!tpu.dma_semaphore, #tpu.memory_space<semaphore_mem>>) src(%arg6 : memref<16x2048xf32, #tpu.memory_space<vmem>>) dst(%dma_wait3A_199 : memref<16x2048xf32, #tpu.memory_space<hbm>>)
      tpu.yield
    }) : () -> ()
    %get3A_120 = arith.constant 160 : index
    %get3A_121 = tpu.vector_load %arg5[%get3A_120] {strides = array<i32>} : memref<256xi32, #tpu.memory_space<vmem>>, vector<16xi32>,
    %dma_start3A_122 = arith.constant 0 : i32
    %dma_start3A_123 = arith.constant 0 : i32
    %dma_start3A_124 = tpu.memref_slice %arg2[%dma_start3A_122, %dma_start3A_123] : memref<10240x2048xf32, #tpu.memory_space<hbm>> -> memref<10240x2048xf32, #tpu.memory_space<hbm>>
    tpu.enqueue_indirect_dma source(%dma_start3A_124 : memref<10240x2048xf32, #tpu.memory_space<hbm>>) target(%arg6 : memref<16x2048xf32, #tpu.memory_space<vmem>>) offsets(%get3A_121 : vector<16xi32>) semaphore(%arg7 : memref<!tpu.dma_semaphore, #tpu.memory_space<semaphore_mem>>)
    %dma_wait3A_125 = arith.constant 0 : i32
    %dma_wait3A_126 = arith.constant 0 : i32
    %dma_wait3A_127 = tpu.memref_slice %arg2[%dma_wait3A_125, %dma_wait3A_126] : memref<10240x2048xf32, #tpu.memory_space<hbm>> -> memref<10240x2048xf32, #tpu.memory_space<hbm>>
    tpu.wait_indirect_dma semaphore(%arg7 : memref<!tpu.dma_semaphore, #tpu.memory_space<semaphore_mem>>) src(%dma_wait3A_127 : memref<10240x2048xf32, #tpu.memory_space<hbm>>) dst(%arg6 : memref<16x2048xf32, #tpu.memory_space<vmem>>)
    %mul3A_128 = arith.constant 256 : i32
    %mul3A_129 = arith.muli %add3A, %mul3A_128 : i32
    %add3A_130 = arith.constant 160 : i32
    %add3A_131 = arith.addi %mul3A_129, %add3A_130 : i32
    "tpu.region"() ({
      %run_scoped3A = tpu.sem_alloc : memref<!tpu.dma_semaphore, #tpu.memory_space<semaphore_mem>>
      %dma_start3A_192 = arith.constant 0 : i32
      %dma_start3A_193 = tpu.memref_slice %arg4[%add3A_131, %dma_start3A_192] : memref<8192x2048xf32, #tpu.memory_space<hbm>> -> memref<16x2048xf32, #tpu.memory_space<hbm>>
      %dma_start3A_194 = arith.constant 0 : i32
      %dma_start3A_195 = tpu.memref_slice %arg4[%add3A_131, %dma_start3A_194] : memref<8192x2048xf32, #tpu.memory_space<hbm>> -> memref<16x2048xf32, #tpu.memory_space<hbm>>
      tpu.enqueue_dma source(%arg6 : memref<16x2048xf32, #tpu.memory_space<vmem>>) target(%dma_start3A_195 : memref<16x2048xf32, #tpu.memory_space<hbm>>) target_semaphore(%run_scoped3A : memref<!tpu.dma_semaphore, #tpu.memory_space<semaphore_mem>>)
      %dma_wait3A_196 = arith.constant 0 : i32
      %dma_wait3A_197 = tpu.memref_slice %arg4[%add3A_131, %dma_wait3A_196] : memref<8192x2048xf32, #tpu.memory_space<hbm>> -> memref<16x2048xf32, #tpu.memory_space<hbm>>
      %dma_wait3A_198 = arith.constant 0 : i32
      %dma_wait3A_199 = tpu.memref_slice %arg4[%add3A_131, %dma_wait3A_198] : memref<8192x2048xf32, #tpu.memory_space<hbm>> -> memref<16x2048xf32, #tpu.memory_space<hbm>>
      tpu.wait_dma2 semaphore(%run_scoped3A : memref<!tpu.dma_semaphore, #tpu.memory_space<semaphore_mem>>) src(%arg6 : memref<16x2048xf32, #tpu.memory_space<vmem>>) dst(%dma_wait3A_199 : memref<16x2048xf32, #tpu.memory_space<hbm>>)
      tpu.yield
    }) : () -> ()
    %get3A_132 = arith.constant 176 : index
    %get3A_133 = tpu.vector_load %arg5[%get3A_132] {strides = array<i32>} : memref<256xi32, #tpu.memory_space<vmem>>, vector<16xi32>,
    %dma_start3A_134 = arith.constant 0 : i32
    %dma_start3A_135 = arith.constant 0 : i32
    %dma_start3A_136 = tpu.memref_slice %arg2[%dma_start3A_134, %dma_start3A_135] : memref<10240x2048xf32, #tpu.memory_space<hbm>> -> memref<10240x2048xf32, #tpu.memory_space<hbm>>
    tpu.enqueue_indirect_dma source(%dma_start3A_136 : memref<10240x2048xf32, #tpu.memory_space<hbm>>) target(%arg6 : memref<16x2048xf32, #tpu.memory_space<vmem>>) offsets(%get3A_133 : vector<16xi32>) semaphore(%arg7 : memref<!tpu.dma_semaphore, #tpu.memory_space<semaphore_mem>>)
    %dma_wait3A_137 = arith.constant 0 : i32
    %dma_wait3A_138 = arith.constant 0 : i32
    %dma_wait3A_139 = tpu.memref_slice %arg2[%dma_wait3A_137, %dma_wait3A_138] : memref<10240x2048xf32, #tpu.memory_space<hbm>> -> memref<10240x2048xf32, #tpu.memory_space<hbm>>
    tpu.wait_indirect_dma semaphore(%arg7 : memref<!tpu.dma_semaphore, #tpu.memory_space<semaphore_mem>>) src(%dma_wait3A_139 : memref<10240x2048xf32, #tpu.memory_space<hbm>>) dst(%arg6 : memref<16x2048xf32, #tpu.memory_space<vmem>>)
    %mul3A_140 = arith.constant 256 : i32
    %mul3A_141 = arith.muli %add3A, %mul3A_140 : i32
    %add3A_142 = arith.constant 176 : i32
    %add3A_143 = arith.addi %mul3A_141, %add3A_142 : i32
    "tpu.region"() ({
      %run_scoped3A = tpu.sem_alloc : memref<!tpu.dma_semaphore, #tpu.memory_space<semaphore_mem>>
      %dma_start3A_192 = arith.constant 0 : i32
      %dma_start3A_193 = tpu.memref_slice %arg4[%add3A_143, %dma_start3A_192] : memref<8192x2048xf32, #tpu.memory_space<hbm>> -> memref<16x2048xf32, #tpu.memory_space<hbm>>
      %dma_start3A_194 = arith.constant 0 : i32
      %dma_start3A_195 = tpu.memref_slice %arg4[%add3A_143, %dma_start3A_194] : memref<8192x2048xf32, #tpu.memory_space<hbm>> -> memref<16x2048xf32, #tpu.memory_space<hbm>>
      tpu.enqueue_dma source(%arg6 : memref<16x2048xf32, #tpu.memory_space<vmem>>) target(%dma_start3A_195 : memref<16x2048xf32, #tpu.memory_space<hbm>>) target_semaphore(%run_scoped3A : memref<!tpu.dma_semaphore, #tpu.memory_space<semaphore_mem>>)
      %dma_wait3A_196 = arith.constant 0 : i32
      %dma_wait3A_197 = tpu.memref_slice %arg4[%add3A_143, %dma_wait3A_196] : memref<8192x2048xf32, #tpu.memory_space<hbm>> -> memref<16x2048xf32, #tpu.memory_space<hbm>>
      %dma_wait3A_198 = arith.constant 0 : i32
      %dma_wait3A_199 = tpu.memref_slice %arg4[%add3A_143, %dma_wait3A_198] : memref<8192x2048xf32, #tpu.memory_space<hbm>> -> memref<16x2048xf32, #tpu.memory_space<hbm>>
      tpu.wait_dma2 semaphore(%run_scoped3A : memref<!tpu.dma_semaphore, #tpu.memory_space<semaphore_mem>>) src(%arg6 : memref<16x2048xf32, #tpu.memory_space<vmem>>) dst(%dma_wait3A_199 : memref<16x2048xf32, #tpu.memory_space<hbm>>)
      tpu.yield
    }) : () -> ()
    %get3A_144 = arith.constant 192 : index
    %get3A_145 = tpu.vector_load %arg5[%get3A_144] {strides = array<i32>} : memref<256xi32, #tpu.memory_space<vmem>>, vector<16xi32>,
    %dma_start3A_146 = arith.constant 0 : i32
    %dma_start3A_147 = arith.constant 0 : i32
    %dma_start3A_148 = tpu.memref_slice %arg2[%dma_start3A_146, %dma_start3A_147] : memref<10240x2048xf32, #tpu.memory_space<hbm>> -> memref<10240x2048xf32, #tpu.memory_space<hbm>>
    tpu.enqueue_indirect_dma source(%dma_start3A_148 : memref<10240x2048xf32, #tpu.memory_space<hbm>>) target(%arg6 : memref<16x2048xf32, #tpu.memory_space<vmem>>) offsets(%get3A_145 : vector<16xi32>) semaphore(%arg7 : memref<!tpu.dma_semaphore, #tpu.memory_space<semaphore_mem>>)
    %dma_wait3A_149 = arith.constant 0 : i32
    %dma_wait3A_150 = arith.constant 0 : i32
    %dma_wait3A_151 = tpu.memref_slice %arg2[%dma_wait3A_149, %dma_wait3A_150] : memref<10240x2048xf32, #tpu.memory_space<hbm>> -> memref<10240x2048xf32, #tpu.memory_space<hbm>>
    tpu.wait_indirect_dma semaphore(%arg7 : memref<!tpu.dma_semaphore, #tpu.memory_space<semaphore_mem>>) src(%dma_wait3A_151 : memref<10240x2048xf32, #tpu.memory_space<hbm>>) dst(%arg6 : memref<16x2048xf32, #tpu.memory_space<vmem>>)
    %mul3A_152 = arith.constant 256 : i32
    %mul3A_153 = arith.muli %add3A, %mul3A_152 : i32
    %add3A_154 = arith.constant 192 : i32
    %add3A_155 = arith.addi %mul3A_153, %add3A_154 : i32
    "tpu.region"() ({
      %run_scoped3A = tpu.sem_alloc : memref<!tpu.dma_semaphore, #tpu.memory_space<semaphore_mem>>
      %dma_start3A_192 = arith.constant 0 : i32
      %dma_start3A_193 = tpu.memref_slice %arg4[%add3A_155, %dma_start3A_192] : memref<8192x2048xf32, #tpu.memory_space<hbm>> -> memref<16x2048xf32, #tpu.memory_space<hbm>>
      %dma_start3A_194 = arith.constant 0 : i32
      %dma_start3A_195 = tpu.memref_slice %arg4[%add3A_155, %dma_start3A_194] : memref<8192x2048xf32, #tpu.memory_space<hbm>> -> memref<16x2048xf32, #tpu.memory_space<hbm>>
      tpu.enqueue_dma source(%arg6 : memref<16x2048xf32, #tpu.memory_space<vmem>>) target(%dma_start3A_195 : memref<16x2048xf32, #tpu.memory_space<hbm>>) target_semaphore(%run_scoped3A : memref<!tpu.dma_semaphore, #tpu.memory_space<semaphore_mem>>)
      %dma_wait3A_196 = arith.constant 0 : i32
      %dma_wait3A_197 = tpu.memref_slice %arg4[%add3A_155, %dma_wait3A_196] : memref<8192x2048xf32, #tpu.memory_space<hbm>> -> memref<16x2048xf32, #tpu.memory_space<hbm>>
      %dma_wait3A_198 = arith.constant 0 : i32
      %dma_wait3A_199 = tpu.memref_slice %arg4[%add3A_155, %dma_wait3A_198] : memref<8192x2048xf32, #tpu.memory_space<hbm>> -> memref<16x2048xf32, #tpu.memory_space<hbm>>
      tpu.wait_dma2 semaphore(%run_scoped3A : memref<!tpu.dma_semaphore, #tpu.memory_space<semaphore_mem>>) src(%arg6 : memref<16x2048xf32, #tpu.memory_space<vmem>>) dst(%dma_wait3A_199 : memref<16x2048xf32, #tpu.memory_space<hbm>>)
      tpu.yield
    }) : () -> ()
    %get3A_156 = arith.constant 208 : index
    %get3A_157 = tpu.vector_load %arg5[%get3A_156] {strides = array<i32>} : memref<256xi32, #tpu.memory_space<vmem>>, vector<16xi32>,
    %dma_start3A_158 = arith.constant 0 : i32
    %dma_start3A_159 = arith.constant 0 : i32
    %dma_start3A_160 = tpu.memref_slice %arg2[%dma_start3A_158, %dma_start3A_159] : memref<10240x2048xf32, #tpu.memory_space<hbm>> -> memref<10240x2048xf32, #tpu.memory_space<hbm>>
    tpu.enqueue_indirect_dma source(%dma_start3A_160 : memref<10240x2048xf32, #tpu.memory_space<hbm>>) target(%arg6 : memref<16x2048xf32, #tpu.memory_space<vmem>>) offsets(%get3A_157 : vector<16xi32>) semaphore(%arg7 : memref<!tpu.dma_semaphore, #tpu.memory_space<semaphore_mem>>)
    %dma_wait3A_161 = arith.constant 0 : i32
    %dma_wait3A_162 = arith.constant 0 : i32
    %dma_wait3A_163 = tpu.memref_slice %arg2[%dma_wait3A_161, %dma_wait3A_162] : memref<10240x2048xf32, #tpu.memory_space<hbm>> -> memref<10240x2048xf32, #tpu.memory_space<hbm>>
    tpu.wait_indirect_dma semaphore(%arg7 : memref<!tpu.dma_semaphore, #tpu.memory_space<semaphore_mem>>) src(%dma_wait3A_163 : memref<10240x2048xf32, #tpu.memory_space<hbm>>) dst(%arg6 : memref<16x2048xf32, #tpu.memory_space<vmem>>)
    %mul3A_164 = arith.constant 256 : i32
    %mul3A_165 = arith.muli %add3A, %mul3A_164 : i32
    %add3A_166 = arith.constant 208 : i32
    %add3A_167 = arith.addi %mul3A_165, %add3A_166 : i32
    "tpu.region"() ({
      %run_scoped3A = tpu.sem_alloc : memref<!tpu.dma_semaphore, #tpu.memory_space<semaphore_mem>>
      %dma_start3A_192 = arith.constant 0 : i32
      %dma_start3A_193 = tpu.memref_slice %arg4[%add3A_167, %dma_start3A_192] : memref<8192x2048xf32, #tpu.memory_space<hbm>> -> memref<16x2048xf32, #tpu.memory_space<hbm>>
      %dma_start3A_194 = arith.constant 0 : i32
      %dma_start3A_195 = tpu.memref_slice %arg4[%add3A_167, %dma_start3A_194] : memref<8192x2048xf32, #tpu.memory_space<hbm>> -> memref<16x2048xf32, #tpu.memory_space<hbm>>
      tpu.enqueue_dma source(%arg6 : memref<16x2048xf32, #tpu.memory_space<vmem>>) target(%dma_start3A_195 : memref<16x2048xf32, #tpu.memory_space<hbm>>) target_semaphore(%run_scoped3A : memref<!tpu.dma_semaphore, #tpu.memory_space<semaphore_mem>>)
      %dma_wait3A_196 = arith.constant 0 : i32
      %dma_wait3A_197 = tpu.memref_slice %arg4[%add3A_167, %dma_wait3A_196] : memref<8192x2048xf32, #tpu.memory_space<hbm>> -> memref<16x2048xf32, #tpu.memory_space<hbm>>
      %dma_wait3A_198 = arith.constant 0 : i32
      %dma_wait3A_199 = tpu.memref_slice %arg4[%add3A_167, %dma_wait3A_198] : memref<8192x2048xf32, #tpu.memory_space<hbm>> -> memref<16x2048xf32, #tpu.memory_space<hbm>>
      tpu.wait_dma2 semaphore(%run_scoped3A : memref<!tpu.dma_semaphore, #tpu.memory_space<semaphore_mem>>) src(%arg6 : memref<16x2048xf32, #tpu.memory_space<vmem>>) dst(%dma_wait3A_199 : memref<16x2048xf32, #tpu.memory_space<hbm>>)
      tpu.yield
    }) : () -> ()
    %get3A_168 = arith.constant 224 : index
    %get3A_169 = tpu.vector_load %arg5[%get3A_168] {strides = array<i32>} : memref<256xi32, #tpu.memory_space<vmem>>, vector<16xi32>,
    %dma_start3A_170 = arith.constant 0 : i32
    %dma_start3A_171 = arith.constant 0 : i32
    %dma_start3A_172 = tpu.memref_slice %arg2[%dma_start3A_170, %dma_start3A_171] : memref<10240x2048xf32, #tpu.memory_space<hbm>> -> memref<10240x2048xf32, #tpu.memory_space<hbm>>
    tpu.enqueue_indirect_dma source(%dma_start3A_172 : memref<10240x2048xf32, #tpu.memory_space<hbm>>) target(%arg6 : memref<16x2048xf32, #tpu.memory_space<vmem>>) offsets(%get3A_169 : vector<16xi32>) semaphore(%arg7 : memref<!tpu.dma_semaphore, #tpu.memory_space<semaphore_mem>>)
    %dma_wait3A_173 = arith.constant 0 : i32
    %dma_wait3A_174 = arith.constant 0 : i32
    %dma_wait3A_175 = tpu.memref_slice %arg2[%dma_wait3A_173, %dma_wait3A_174] : memref<10240x2048xf32, #tpu.memory_space<hbm>> -> memref<10240x2048xf32, #tpu.memory_space<hbm>>
    tpu.wait_indirect_dma semaphore(%arg7 : memref<!tpu.dma_semaphore, #tpu.memory_space<semaphore_mem>>) src(%dma_wait3A_175 : memref<10240x2048xf32, #tpu.memory_space<hbm>>) dst(%arg6 : memref<16x2048xf32, #tpu.memory_space<vmem>>)
    %mul3A_176 = arith.constant 256 : i32
    %mul3A_177 = arith.muli %add3A, %mul3A_176 : i32
    %add3A_178 = arith.constant 224 : i32
    %add3A_179 = arith.addi %mul3A_177, %add3A_178 : i32
    "tpu.region"() ({
      %run_scoped3A = tpu.sem_alloc : memref<!tpu.dma_semaphore, #tpu.memory_space<semaphore_mem>>
      %dma_start3A_192 = arith.constant 0 : i32
      %dma_start3A_193 = tpu.memref_slice %arg4[%add3A_179, %dma_start3A_192] : memref<8192x2048xf32, #tpu.memory_space<hbm>> -> memref<16x2048xf32, #tpu.memory_space<hbm>>
      %dma_start3A_194 = arith.constant 0 : i32
      %dma_start3A_195 = tpu.memref_slice %arg4[%add3A_179, %dma_start3A_194] : memref<8192x2048xf32, #tpu.memory_space<hbm>> -> memref<16x2048xf32, #tpu.memory_space<hbm>>
      tpu.enqueue_dma source(%arg6 : memref<16x2048xf32, #tpu.memory_space<vmem>>) target(%dma_start3A_195 : memref<16x2048xf32, #tpu.memory_space<hbm>>) target_semaphore(%run_scoped3A : memref<!tpu.dma_semaphore, #tpu.memory_space<semaphore_mem>>)
      %dma_wait3A_196 = arith.constant 0 : i32
      %dma_wait3A_197 = tpu.memref_slice %arg4[%add3A_179, %dma_wait3A_196] : memref<8192x2048xf32, #tpu.memory_space<hbm>> -> memref<16x2048xf32, #tpu.memory_space<hbm>>
      %dma_wait3A_198 = arith.constant 0 : i32
      %dma_wait3A_199 = tpu.memref_slice %arg4[%add3A_179, %dma_wait3A_198] : memref<8192x2048xf32, #tpu.memory_space<hbm>> -> memref<16x2048xf32, #tpu.memory_space<hbm>>
      tpu.wait_dma2 semaphore(%run_scoped3A : memref<!tpu.dma_semaphore, #tpu.memory_space<semaphore_mem>>) src(%arg6 : memref<16x2048xf32, #tpu.memory_space<vmem>>) dst(%dma_wait3A_199 : memref<16x2048xf32, #tpu.memory_space<hbm>>)
      tpu.yield
    }) : () -> ()
    %get3A_180 = arith.constant 240 : index
    %get3A_181 = tpu.vector_load %arg5[%get3A_180] {strides = array<i32>} : memref<256xi32, #tpu.memory_space<vmem>>, vector<16xi32>,
    %dma_start3A_182 = arith.constant 0 : i32
    %dma_start3A_183 = arith.constant 0 : i32
    %dma_start3A_184 = tpu.memref_slice %arg2[%dma_start3A_182, %dma_start3A_183] : memref<10240x2048xf32, #tpu.memory_space<hbm>> -> memref<10240x2048xf32, #tpu.memory_space<hbm>>
    tpu.enqueue_indirect_dma source(%dma_start3A_184 : memref<10240x2048xf32, #tpu.memory_space<hbm>>) target(%arg6 : memref<16x2048xf32, #tpu.memory_space<vmem>>) offsets(%get3A_181 : vector<16xi32>) semaphore(%arg7 : memref<!tpu.dma_semaphore, #tpu.memory_space<semaphore_mem>>)
    %dma_wait3A_185 = arith.constant 0 : i32
    %dma_wait3A_186 = arith.constant 0 : i32
    %dma_wait3A_187 = tpu.memref_slice %arg2[%dma_wait3A_185, %dma_wait3A_186] : memref<10240x2048xf32, #tpu.memory_space<hbm>> -> memref<10240x2048xf32, #tpu.memory_space<hbm>>
    tpu.wait_indirect_dma semaphore(%arg7 : memref<!tpu.dma_semaphore, #tpu.memory_space<semaphore_mem>>) src(%dma_wait3A_187 : memref<10240x2048xf32, #tpu.memory_space<hbm>>) dst(%arg6 : memref<16x2048xf32, #tpu.memory_space<vmem>>)
    %mul3A_188 = arith.constant 256 : i32
    %mul3A_189 = arith.muli %add3A, %mul3A_188 : i32
    %add3A_190 = arith.constant 240 : i32
    %add3A_191 = arith.addi %mul3A_189, %add3A_190 : i32
    "tpu.region"() ({
      %run_scoped3A = tpu.sem_alloc : memref<!tpu.dma_semaphore, #tpu.memory_space<semaphore_mem>>
      %dma_start3A_192 = arith.constant 0 : i32
      %dma_start3A_193 = tpu.memref_slice %arg4[%add3A_191, %dma_start3A_192] : memref<8192x2048xf32, #tpu.memory_space<hbm>> -> memref<16x2048xf32, #tpu.memory_space<hbm>>
      %dma_start3A_194 = arith.constant 0 : i32
      %dma_start3A_195 = tpu.memref_slice %arg4[%add3A_191, %dma_start3A_194] : memref<8192x2048xf32, #tpu.memory_space<hbm>> -> memref<16x2048xf32, #tpu.memory_space<hbm>>
      tpu.enqueue_dma source(%arg6 : memref<16x2048xf32, #tpu.memory_space<vmem>>) target(%dma_start3A_195 : memref<16x2048xf32, #tpu.memory_space<hbm>>) target_semaphore(%run_scoped3A : memref<!tpu.dma_semaphore, #tpu.memory_space<semaphore_mem>>)
      %dma_wait3A_196 = arith.constant 0 : i32
      %dma_wait3A_197 = tpu.memref_slice %arg4[%add3A_191, %dma_wait3A_196] : memref<8192x2048xf32, #tpu.memory_space<hbm>> -> memref<16x2048xf32, #tpu.memory_space<hbm>>
      %dma_wait3A_198 = arith.constant 0 : i32
      %dma_wait3A_199 = tpu.memref_slice %arg4[%add3A_191, %dma_wait3A_198] : memref<8192x2048xf32, #tpu.memory_space<hbm>> -> memref<16x2048xf32, #tpu.memory_space<hbm>>
      tpu.wait_dma2 semaphore(%run_scoped3A : memref<!tpu.dma_semaphore, #tpu.memory_space<semaphore_mem>>) src(%arg6 : memref<16x2048xf32, #tpu.memory_space<vmem>>) dst(%dma_wait3A_199 : memref<16x2048xf32, #tpu.memory_space<hbm>>)
      tpu.yield
    }) : () -> ()
    return
  }
}

module attributes {stable_mosaic.version = 14 : i64} {
  func.func @_mm_body(%arg0: i32, %arg1: i32, %arg2: memref<48xi32, #tpu.memory_space<smem>>, %arg3: memref<256x2048xf32, #tpu.memory_space<vmem>>, %arg4: memref<1x1024x2048xf32, #tpu.memory_space<vmem>>, %arg5: memref<1x1x1024xf32, #tpu.memory_space<vmem>>, %arg6: memref<256x1024xf32, #tpu.memory_space<vmem>>) attributes {dimension_semantics = [#tpu.dimension_semantics<arbitrary>, #tpu.dimension_semantics<arbitrary>], iteration_bounds = array<i64: 2, 40>, scalar_prefetch = 1 : i64, scratch_operands = 0 : i64, tpu.core_type = #tpu.core_type<tc>, window_params = [{transform_indices = @transform_0, window_bounds = array<i64: 256, 2048>}, {transform_indices = @transform_1, window_bounds = array<i64: 1, 1024, 2048>}, {transform_indices = @transform_2, window_bounds = array<i64: 1, 1, 1024>}, {transform_indices = @transform_3, window_bounds = array<i64: 256, 1024>}]} {
    %get3A = arith.constant 0 : index
    %get3A_0 = arith.constant 0 : index
    %get3A_1 = vector.load %arg3[%get3A, %get3A_0] : memref<256x2048xf32, #tpu.memory_space<vmem>>, vector<256x2048xf32>
    %convert_element_type3A = arith.truncf %get3A_1 : vector<256x2048xf32> to vector<256x2048xbf16>
    %get3A_2 = arith.constant 0 : index
    %get3A_3 = arith.constant 0 : index
    %get3A_4 = arith.constant 0 : index
    %get3A_5 = vector.load %arg4[%get3A_2, %get3A_3, %get3A_4] : memref<1x1024x2048xf32, #tpu.memory_space<vmem>>, vector<1x1024x2048xf32>
    %get3A_6 = vector.shape_cast %get3A_5 : vector<1x1024x2048xf32> to vector<1024x2048xf32>
    %convert_element_type3A_7 = arith.truncf %get3A_6 : vector<1024x2048xf32> to vector<1024x2048xbf16>
    %dot_general3A = arith.constant dense<0.000000e+00> : vector<256x1024xf32>
    %dot_general3A_8 = tpu.matmul %convert_element_type3A, %convert_element_type3A_7, %dot_general3A {dimension_numbers = #tpu.dot_dimension_numbers<[1], [1], [0], [0], [0, 0, 1, 0], [], []>, transpose_lhs_hint = false} : vector<256x2048xbf16>, vector<1024x2048xbf16>, vector<256x1024xf32> -> vector<256x1024xf32>
    %get3A_9 = arith.constant 0 : index
    %get3A_10 = arith.constant 0 : index
    %get3A_11 = arith.constant 0 : index
    %get3A_12 = vector.load %arg5[%get3A_9, %get3A_10, %get3A_11] : memref<1x1x1024xf32, #tpu.memory_space<vmem>>, vector<1x1x1024xf32>
    %get3A_13 = vector.shape_cast %get3A_12 : vector<1x1x1024xf32> to vector<1x1024xf32>
    %add3A = vector.broadcast %get3A_13 : vector<1x1024xf32> to vector<256x1024xf32>
    %add3A_14 = arith.addf %dot_general3A_8, %add3A : vector<256x1024xf32>
    %swap3A = arith.constant 0 : index
    %swap3A_15 = arith.constant 0 : index
    %swap3A_16 = vector.load %arg6[%swap3A, %swap3A_15] : memref<256x1024xf32, #tpu.memory_space<vmem>>, vector<256x1024xf32>
    tpu.vector_store %arg6[%swap3A, %swap3A_15], %add3A_14 {strides = array<i32>} : memref<256x1024xf32, #tpu.memory_space<vmem>>, vector<256x1024xf32>,
    return
  }
  func.func @transform_0(%arg0: i32, %arg1: i32, %arg2: memref<48xi32, #tpu.memory_space<smem>>) -> (i32, i32) {
    %c0_i32 = arith.constant 0 : i32
    %c0_i32_0 = arith.constant 0 : i32
    return %arg1, %c0_i32 : i32, i32
  }
  func.func @transform_1(%arg0: i32, %arg1: i32, %arg2: memref<48xi32, #tpu.memory_space<smem>>) -> (i32, i32, i32) {
    %get3A = arith.index_cast %arg1 : i32 to index
    %get3A_0 = memref.load %arg2[%get3A] : memref<48xi32, #tpu.memory_space<smem>>
    %c0_i32 = arith.constant 0 : i32
    %c0_i32_1 = arith.constant 0 : i32
    return %get3A_0, %arg0, %c0_i32 : i32, i32, i32
  }
  func.func @transform_2(%arg0: i32, %arg1: i32, %arg2: memref<48xi32, #tpu.memory_space<smem>>) -> (i32, i32, i32) {
    %get3A = arith.index_cast %arg1 : i32 to index
    %get3A_0 = memref.load %arg2[%get3A] : memref<48xi32, #tpu.memory_space<smem>>
    %c0_i32 = arith.constant 0 : i32
    %c0_i32_1 = arith.constant 0 : i32
    return %get3A_0, %c0_i32, %arg0 : i32, i32, i32
  }
  func.func @transform_3(%arg0: i32, %arg1: i32, %arg2: memref<48xi32, #tpu.memory_space<smem>>) -> (i32, i32) {
    %c0_i32 = arith.constant 0 : i32
    return %arg1, %arg0 : i32, i32
  }
}

</mosaic_0001>

<sc_bundles>
// kernel: kernel.12.cloned.1.call-start
scs
__scs_entry_jumppad:
0x0: {  	(pc) =	sbr.rel $0x88, $3  }
0x1: {  	(tag) =	ssettag $0x0;
	lr =	simm.s32 $0x1  }
0x2: {  	[smem:$0x3F9D] =	sst lr;
	_ =	strace $0xD0000000  }
0x3: {  	_ = 	snop  }
0x4: {  	_ = 	snop  }
0x5: {  	_ = 	snop  }
0x6: {  	_ = 	snop  }
0x7: {  	_ = 	snop  }
__scs_overlays_trampoline_lowered:
0x8: {  	[smem:$0x3FAC] =	sst s0  }
0x9: {  	[smem:$0x3FAD] =	sst s1  }
0xa: {  	[smem:$0x3FAE] =	sst s2  }
0xb: {  	[smem:$0x3FAF] =	sst s3  }
0xc: {  	[smem:$0x3FB0] =	sst s4  }
0xd: {  	[smem:$0x3FB1] =	sst s5  }
0xe: {  	[smem:$0x3FB2] =	sst s6  }
0xf: {  	[smem:$0x3FB3] =	sst s7  }
0x10: {  	[smem:$0x3FB4] =	sst s8  }
0x11: {  	[smem:$0x3FB5] =	sst s9;
	s0 =	simm.s32 @!p0 $0x0  }
0x12: {  	s1 =	sld [smem:$0x3F9B];
	s0 =	simm.s32 @p0 $0x1  }
0x13: {  	[smem:$0x3FB6] =	sst s0;
	s0 =	simm.s32 @!p1 $0x0  }
0x14: {  	s2 =	sld [smem:$0x3F9A];
	s0 =	simm.s32 @p1 $0x1  }
0x15: {  	[smem:$0x3FB7] =	sst s0;
	s0 =	simm.s32 @!p2 $0x0  }
0x16: {  	s3 =	sld [smem:$0x3FDB];
	s0 =	simm.s32 @p2 $0x1  }
0x17: {  	s4 =	simm.s32 $0x1BF5;
	[smem:$0x3FB9] =	sst s0  }
0x18: {  	s0 =	sld [smem:$0x3F9C];
	_ =	swait.ge [sflag:s4], $0x0  }
0x19: {  	s7 =	sld [smem:$0x3F9D]  }
0x1a: {  	s8 =	sadd.s32 $0xFFFFE003, lr  }
0x1b: {  	s9 =	sadd.s32 $0xFFFFFEF7, lr;
	s5 =	simm.s32 $0xFFFFFFFF;
	p2 =	slt.u32 s8, $0xFFFFF086  }
0x1c: {  	p1 =	slt.u32 s9, $0xF7A;
	s5 =	simm.s32 @!p2 $0x0  }
0x1d: {  	s5 =	simm.s32 @p1 $0x1;
	p0 =	seq.s32 s7, s2  }
0x1e: {  	s7 =	smul.u32 @!p0 $0xF7A, s2;
	p2 =	seq.s32 @!p0 s5, $0x0  }
0x1f: {  	s9 =	smul.u32 $0xF7A, s1;
	s8 =	simm.s32 @!p0 $0x1BF5;
	p2 =	por !p2, p0  }
0x20: {  	[sflag:s8] =	ssyncset.s32 @!p0 $0xFFFFF086;
	s6 =	sadd.s32 @!p0 s3, s7;
	s7 =	simm.s32 @!p0 $0x108  }
0x21: {  	s3 =	sadd.s32 s3, s9;
	s6 =	sadd.s32 @!p0 $0x88, s6;
	s7 =	simm.s32 @p2 $0x1082  }
0x22: {  	[simem:s7], [sflag:s8] =	dma.local @!p0 [hbm:s6], $0xF7A  }
0x23: {  	s9 =	sor.u32 $0xD0000000, s2;
	s6 =	simm.s32 $0x108;
	_ =	swait.ge @!p0 [sflag:s8], $0x0  }
0x24: {  	s3 =	sadd.s32 $0x88, s3;
	s6 =	simm.s32 @!p1 $0x1082;
	[sflag:s4] =	ssyncset.s32 $0xFFFFF086  }
0x25: {  	[simem:s6], [sflag:s4] =	dma.local [hbm:s3], $0xF7A  }
0x26: {  	[smem:$0x3F9D] =	sst s1;
	(tag) =	ssettag s2;
	_ =	strace s9  }
0x27: {  	s1 =	sld [smem:$0x3FAD]  }
0x28: {  	s2 =	sld [smem:$0x3FAE]  }
0x29: {  	s4 =	sld [smem:$0x3FB0]  }
0x2a: {  	p0 =	seq.s32 s5, $0x0;
	s5 =	sld [smem:$0x3FB1]  }
0x2b: {  	s6 =	sld [smem:$0x3FB2]  }
0x2c: {  	s7 =	sld [smem:$0x3FB3]  }
0x2d: {  	s3 =	simm.s32 $0x108;
	s8 =	sld [smem:$0x3FB4]  }
0x2e: {  	s3 =	simm.s32 @!p0 $0x1082;
	s9 =	sld [smem:$0x3FB5]  }
0x2f: {  	lr =	sadd.s32 s0, s3;
	s0 =	sld [smem:$0x3FAC]  }
0x30: {  	s3 =	sld [smem:$0x3FAF]  }
0x31: {  	[smem:$0x3FB8] =	sst s10  }
0x32: {  	s10 =	sld [smem:$0x3FB6];
	_ =	sdelay $0x3  }
0x33: {  	p0 =	seq.s32 s10, $0x1;
	s10 =	sld [smem:$0x3FB8];
	_ =	sdelay $0x3  }
0x34: {  	[smem:$0x3FB8] =	sst s10  }
0x35: {  	s10 =	sld [smem:$0x3FB7];
	_ =	sdelay $0x3  }
0x36: {  	p1 =	seq.s32 s10, $0x1;
	s10 =	sld [smem:$0x3FB8];
	_ =	sdelay $0x3  }
0x37: {  	[smem:$0x3FB8] =	sst s10  }
0x38: {  	s10 =	sld [smem:$0x3FB9]  }
0x39: {  	_ = 	snop;
	(pc) =	sbr.ind lr, $3  }
0x3a: {  	_ = 	snop  }
0x3b: {  	_ = 	snop  }
0x3c: {  	p2 =	seq.s32 s10, $0x1;
	s10 =	sld [smem:$0x3FB8]  }
0x3d: {  	_ =	shalt  }
0x3e: {  	_ =	shalt  }
0x3f: {  	_ =	shalt  }
0x40: {  	_ =	shalt  }
0x41: {  	_ =	shalt  }
0x42: {  	_ =	shalt  }
0x43: {  	_ =	shalt  }
0x44: {  	_ =	shalt  }
0x45: {  	_ =	shalt  }
0x46: {  	_ =	shalt  }
0x47: {  	_ =	shalt  }
0x48: {  	_ =	shalt  }
0x49: {  	_ =	shalt  }
0x4a: {  	_ =	shalt  }
0x4b: {  	_ =	shalt  }
0x4c: {  	_ =	shalt  }
0x4d: {  	_ =	shalt  }
0x4e: {  	_ =	shalt  }
0x4f: {  	_ =	shalt  }
0x50: {  	_ =	shalt  }
0x51: {  	_ =	shalt  }
0x52: {  	_ =	shalt  }
0x53: {  	_ =	shalt  }
0x54: {  	_ =	shalt  }
0x55: {  	_ =	shalt  }
0x56: {  	_ =	shalt  }
0x57: {  	_ =	shalt  }
0x58: {  	_ =	shalt  }
0x59: {  	_ =	shalt  }
0x5a: {  	_ =	shalt  }
0x5b: {  	_ =	shalt  }
0x5c: {  	_ =	shalt  }
0x5d: {  	_ =	shalt  }
0x5e: {  	_ =	shalt  }
0x5f: {  	_ =	shalt  }
0x60: {  	_ =	shalt  }
0x61: {  	_ =	shalt  }
0x62: {  	_ =	shalt  }
0x63: {  	_ =	shalt  }
0x64: {  	_ =	shalt  }
0x65: {  	_ =	shalt  }
0x66: {  	_ =	shalt  }
0x67: {  	_ =	shalt  }
0x68: {  	_ =	shalt  }
0x69: {  	_ =	shalt  }
0x6a: {  	_ =	shalt  }
0x6b: {  	_ =	shalt  }
0x6c: {  	_ =	shalt  }
0x6d: {  	_ =	shalt  }
0x6e: {  	_ =	shalt  }
0x6f: {  	_ =	shalt  }
0x70: {  	_ =	shalt  }
0x71: {  	_ =	shalt  }
0x72: {  	_ =	shalt  }
0x73: {  	_ =	shalt  }
0x74: {  	_ =	shalt  }
0x75: {  	_ =	shalt  }
0x76: {  	_ =	shalt  }
0x77: {  	_ =	shalt  }
0x78: {  	_ =	shalt  }
0x79: {  	_ =	shalt  }
0x7a: {  	_ =	shalt  }
0x7b: {  	_ =	shalt  }
0x7c: {  	_ =	shalt  }
0x7d: {  	_ =	shalt  }
0x7e: {  	_ =	shalt  }
0x7f: {  	_ =	shalt  }
0x80: {  	_ =	shalt  }
0x81: {  	_ =	shalt  }
0x82: {  	_ =	shalt  }
0x83: {  	_ =	shalt  }
0x84: {  	_ =	shalt  }
0x85: {  	_ =	shalt  }
0x86: {  	_ =	shalt  }
0x87: {  	_ =	shalt  }
.Lfunc_end0:
.L_simem_size_0:
called_computation.2_lowered:
.L_overlay_start_0:
0x88: {  	s2 =	sld [smem:$0x3FD9]  }
0x89: {  	s3 =	sld [smem:$0x3FFE];
	_ =	sdelay $0x1  }
0x8a: {  	s1 =	srdreg.scid  }
0x8b: {  	s0 =	sand.u32 $0x1, s1  }
0x8c: {  	s17 =	sshll.u32 s0, $0xA;
	s2 =	sadd.s32 s3, s2  }
0x8d: {  	s2 =	sadd.s32 s2, s17  }
0x8e: {  	[smem:$0x3FC4] =	sst s2  }
0x8f: {  	_ = 	snop  }
0x90: {  	s2 =	sld [smem:$0x3FD0];
	(tm) =	ssettm $0x1  }
0x91: {  	s18 =	sld [smem:$0x3FFB];
	_ =	sdelay $0x3  }
0x92: {  	_ =	strace s18  }
0x93: {  	s3 =	sld [smem:$0x3FFC];
	_ =	sdelay $0x3  }
0x94: {  	_ =	strace s3  }
0x95: {  	s3 =	sld [smem:$0x3FFD];
	_ =	sdelay $0x3  }
0x96: {  	_ =	strace s3  }
0x97: {  	_ =	strace $0x8FFFFFFF  }
0x98: {  	s19 =	sld [smem:$0x3FDB];
	_ =	sdelay $0x1  }
0x99: {  	s4 =	simm.s32 $_scs_section_size  }
0x9a: {  	s5 =	simm.s32 $_size__tile_overlayer_lowered;
	s6 =	simm.s32 $_tile_overlayer_lowered  }
0x9b: {  	s22 =	simm.s32 $0x1BFF;
	s21 =	sshll.u32 s6, $0x1;
	s3 =	sadd.s32 s4, s19  }
0x9c: {  	s7 =	simm.s32 $0x0;
	s20 =	sshll.u32 s5, $0x1;
	s5 =	sadd.s32 s21, s3  }
0x9d: {  	[timem:s7], [sflag:s22] =	dma.local [hbm:s5], s20  }
0x9e: {  	_ =	swait.ge [sflag:s22], s20  }
0x9f: {  	s4 =	ssub.s32 $0x0, s20;
	[sflag:s22] =	ssyncset.done $0x0  }
0xa0: {  	[sflag:s22] =	ssyncadd.s32 s4;
	_ =	sdelay $0x1  }
0xa1: {  	s23 =	simm.s32 $0x1B8B  }
0xa2: {  	_ =	swait.ge [sflag:s23], $0x1  }
0xa3: {  	[sflag:s23] =	ssyncset.done $0x0  }
0xa4: {  	s25 =	simm.s32 $0x1B8E;
	s24 =	sld [smem:$0x3FFE];
	[sflag:s23] =	ssyncadd.s32 $0xFFFFFFFF  }
0xa5: {  	s26 =	simm.s32 $execute0_lowered;
	[smem:$0x3FD2] =	sst s25  }
0xa6: {  	s5 =	sshll.u32 s26, $0x1;
	_ =	strace $0x8000004C;
	[dreg:$0x1] =	wrdreg $0xFFFFFFFF  }
0xa7: {  	s28 =	simm.s32 $_size_execute0_lowered;
	s3 =	sadd.s32 s3, s5;
	[dreg:$0x0] =	wrdreg $0x0  }
0xa8: {  	s5 =	sshll.u32 s28, $0x1;
	[dreg:$0x2] =	wrdreg s3  }
0xa9: {  	[dreg:$0x3] =	wrdreg s5  }
0xaa: {  	[dreg:$0x4] =	wrdreg $0xC0  }
0xab: {  	_ =	task [dreg:s7], $0x5FFFF  }
0xac: {  	[dreg:$0x1] =	wrdreg $0xFFFFFFFF  }
0xad: {  	[dreg:$0x0] =	wrdreg $0x60  }
0xae: {  	[dreg:$0x2] =	wrdreg s24  }
0xaf: {  	[dreg:$0x3] =	wrdreg s2  }
0xb0: {  	[dreg:$0x4] =	wrdreg $0x9  }
0xb1: {  	_ =	task.clear_ibuf [dreg:s7], $0x5FFFF;
	_ =	strace $0x9000004C  }
0xb2: {  	s29 =	simm.s32 $0x9;
	_ =	strace $0x8000004E  }
0xb3: {  	_ =	swait.ge [sflag:s29], $0x1  }
0xb4: {  	[sflag:s29] =	ssyncadd.s32 $0xFFFFFFFF  }
0xb5: {  	_ =	strace $0x9000004E  }
0xb6: {  	_ =	sfence  }
0xb7: {  	s30 =	sld [smem:$0x0];
	_ =	sdelay $0x2  }
0xb8: {  	s31 =	sshll.u32 s1, $0xD;
	s1 =	sshrl.u32 s1, $0x2  }
0xb9: {  	s3 =	sand.u32 $0x4000, s31;
	s1 =	sadd.s32 s1, s30  }
0xba: {  	s0 =	sor.u32 s3, s0;
	s1 =	sshll.u32 s1, $0x11  }
0xbb: {  	s0 =	sor.u32 s1, s0  }
0xbc: {  	s0 =	sadd.s32 $0x8F2B, s0  }
0xbd: {  	[sflag:s0] =	ssyncadd.remote.s32 $0x1  }
0xbe: {  	_ =	sfence.sel $0xFFFF  }
0xbf: {  	[dreg:$0x0] =	wrdreg $0xFFFFFFFF;
	(pc) =	sbr.abs _section_cstart, $3  }
0xc0: {  	[dreg:$0x1] =	wrdreg $0xFFFFFFFF  }
0xc1: {  	_ =	task.clear_ibuf [dreg:s7], $0x2FFFF;
	_ =	strace $0x9FFFFFFF  }
0xc2: {  	(tm) =	ssettm $0x7FFFFFFF  }
0xc3: {  	_ =	shalt  }
tec
execute0_lowered:
.L_overlay_start_1:
0x0: {  	(tag) =	ssettag $0x1  }
0x1: {  	s1 =	srdreg.scid;
	s11 =	rddreg [dreg:$0x0]  }
0x2: {  	s0 =	stileid.u32;
	s4 =	rddreg [dreg:$0x1]  }
0x3: {  	s14 =	simm.s32 $0x2;
	s15 =	simm.s32 $0x100;
	s1 =	sand.u32 $0x1, s1  }
0x4: {  	s16 =	simm.s32 $0x900;
	s2 =	sshll.u32 s0, $0x9;
	s3 =	sshll.u32 s1, $0x8  }
0x5: {  	s17 =	simm.s32 $0x1100;
	s18 =	simm.s32 $0x1900;
	s3 =	sor.u32 s3, s2  }
0x6: {  	s28 =	simm.s32 $0x6100;
	s29 =	simm.s32 $0x6900;
	s5 =	sshrl.u32 s3, $0x3  }
0x7: {  	s2 =	simm.s32 $0x0;
	s3 =	sshll.u32 s3, $0x8;
	s5 =	sadd.s32 s5, s11  }
0x8: {  	[smem:$0x7FF] =	sst s2;
	s3 =	sadd.s32 s4, s3;
	s5 =	sadd.s32 $0x1600, s5  }
0x9: {  	_ =	strace $0x8000004D;
	s4 =	sadd.s32 $0x1000, s3;
	[dreg:$0x3] =	wrdreg s5  }
0xa: {  	s30 =	simm.s32 $0x7100;
	s19 =	sadd.s32 $0x2000, s3;
	[dreg:$0x4] =	wrdreg s4  }
0xb: {  	s31 =	simm.s32 $0x7900;
	s20 =	sadd.s32 $0x3000, s3;
	[dreg:$0x5] =	wrdreg s19  }
0xc: {  	s1 =	ssub.s32 $0x2, s1;
	s21 =	sadd.s32 $0x4000, s3;
	[dreg:$0x6] =	wrdreg s20  }
0xd: {  	s6 =	sshrl.u32 s1, $0x1;
	s22 =	sadd.s32 $0x5000, s3;
	[dreg:$0x7] =	wrdreg s21  }
0xe: {  	s1 =	ssub.s32 s1, s6;
	s23 =	sadd.s32 $0x6000, s3;
	[dreg:$0x8] =	wrdreg s22  }
0xf: {  	s6 =	sadd.s32 $0x281C00, s11;
	s24 =	sadd.s32 $0x7000, s3;
	[dreg:$0x9] =	wrdreg s23  }
0x10: {  	s13 =	smax.u32 s1, $0x1;
	s7 =	sadd.s32 $0x8000, s3;
	[dreg:$0xa] =	wrdreg s24  }
0x11: {  	s1 =	simm.s32 $0x1;
	s8 =	sadd.s32 $0x9000, s3;
	[dreg:$0xb] =	wrdreg s7  }
0x12: {  	s9 =	sadd.s32 $0xA000, s3;
	s10 =	sadd.s32 $0xB000, s3;
	[dreg:$0xc] =	wrdreg s8  }
0x13: {  	s12 =	sadd.s32 $0xC000, s3;
	s25 =	sadd.s32 $0xD000, s3;
	[dreg:$0xd] =	wrdreg s9  }
0x14: {  	s26 =	sadd.s32 $0xE000, s3;
	s4 =	sadd.s32 $0x281A00, s11;
	[dreg:$0xe] =	wrdreg s10  }
0x15: {  	s5 =	sadd.s32 $0x281B00, s11;
	s7 =	sadd.s32 $0x281D00, s11;
	[dreg:$0xf] =	wrdreg s12  }
0x16: {  	s8 =	sadd.s32 $0x281E00, s11;
	s9 =	sadd.s32 $0x281F00, s11;
	[dreg:$0x10] =	wrdreg s25  }
0x17: {  	s10 =	sadd.s32 $0x282000, s11;
	s11 =	sadd.s32 $0x282100, s11;
	[dreg:$0x11] =	wrdreg s26  }
0x18: {  	v2 =	vlaneseq.u32;
	s12 =	sadd.s32 $0xF000, s3;
	s19 =	simm.s32 $0x2100;
	s20 =	simm.s32 $0x2900  }
0x19: {  	vm0 =	vmmov $0xffff;
	v1 =	vshrl.u32 v2, $0x3;
	s21 =	simm.s32 $0x3100;
	s22 =	simm.s32 $0x3900;
	s23 =	simm.s32 $0x4100  }
0x1a: {  	v0 =	vand.u32 $0x7, v2;
	v2 =	vor.u32 $0x8, v2;
	v1 =	vmul.u32 $0x8, v1;
	s24 =	simm.s32 $0x4900;
	s25 =	simm.s32 $0x5100;
	s26 =	simm.s32 $0x5900  }
.LBB2_1:
0x1b: {  	s0 =	rddreg [dreg:$0x3]  }
0x1c: {  	[tilespmem:s2], [sflag:$0x2] =	stream.linear.gather [hbm4b:s0+s2], $0x100, $0x38;
	[tilespmem:$0x8100] =	vst v63  }
0x1d: {  	_ =	swait.ge [sflag:s14], $0x100  }
0x1e: {  	[sflag:s14] =	ssyncset.done $0x0  }
0x1f: {  	[sflag:s14] =	ssyncadd.s32 $0xFFFFFF00  }
0x20: {  	v3 =	vld [tilespmem:$0x0];
	_ =	sdelay $0x4  }
0x21: {  	v4 =	vshll.u32 v3, $0x4  }
0x22: {  	v3 =	vand.u32 $0x7, v3;
	v4 =	vand.u32 $0xFFFFFF80, v4  }
0x23: {  	v3 =	vor.u32 v3, v4  }
0x24: {  	v4 =	vperm.xlane v3, v0;
	_ =	sdelay $0x1  }
0x25: {  	v4 =	vadd.s32 v1, v4;
	_ =	sdelay $0x4  }
0x26: {  	[tilespmem:s15], [sflag:$0x1] =	stream.indirect_vreg.gather [hbm4b:s4+s2], $0x80, v4, vm0, $0xb8;
	[tilespmem:$0x8100] =	vst v63  }
0x27: {  	_ = 	snop  }
0x28: {  	[tilespmem:s16], [sflag:$0x1] =	stream.indirect_vreg.gather [hbm4b:s5+s2], $0x80, v4, vm0, $0xb8;
	[tilespmem:$0x8100] =	vst v63  }
0x29: {  	_ = 	snop  }
0x2a: {  	[tilespmem:s17], [sflag:$0x1] =	stream.indirect_vreg.gather [hbm4b:s6+s2], $0x80, v4, vm0, $0xb8;
	[tilespmem:$0x8100] =	vst v63  }
0x2b: {  	_ = 	snop  }
0x2c: {  	[tilespmem:s18], [sflag:$0x1] =	stream.indirect_vreg.gather [hbm4b:s7+s2], $0x80, v4, vm0, $0xb8;
	[tilespmem:$0x8100] =	vst v63  }
0x2d: {  	_ = 	snop  }
0x2e: {  	[tilespmem:s19], [sflag:$0x1] =	stream.indirect_vreg.gather [hbm4b:s8+s2], $0x80, v4, vm0, $0xb8;
	[tilespmem:$0x8100] =	vst v63  }
0x2f: {  	v3 =	vperm.xlane v3, v2  }
0x30: {  	[tilespmem:s20], [sflag:$0x1] =	stream.indirect_vreg.gather [hbm4b:s9+s2], $0x80, v4, vm0, $0xb8;
	[tilespmem:$0x8100] =	vst v63  }
0x31: {  	v3 =	vadd.s32 v1, v3  }
0x32: {  	[tilespmem:s21], [sflag:$0x1] =	stream.indirect_vreg.gather [hbm4b:s10+s2], $0x80, v4, vm0, $0xb8;
	[tilespmem:$0x8100] =	vst v63  }
0x33: {  	_ = 	snop  }
0x34: {  	[tilespmem:s22], [sflag:$0x1] =	stream.indirect_vreg.gather [hbm4b:s11+s2], $0x80, v4, vm0, $0xb8;
	[tilespmem:$0x8100] =	vst v63  }
0x35: {  	_ = 	snop  }
0x36: {  	[tilespmem:s23], [sflag:$0x1] =	stream.indirect_vreg.gather [hbm4b:s4+s2], $0x80, v3, vm0, $0xb8;
	[tilespmem:$0x8100] =	vst v63  }
0x37: {  	_ = 	snop  }
0x38: {  	[tilespmem:s24], [sflag:$0x1] =	stream.indirect_vreg.gather [hbm4b:s5+s2], $0x80, v3, vm0, $0xb8;
	[tilespmem:$0x8100] =	vst v63  }
0x39: {  	_ = 	snop  }
0x3a: {  	[tilespmem:s25], [sflag:$0x1] =	stream.indirect_vreg.gather [hbm4b:s6+s2], $0x80, v3, vm0, $0xb8;
	[tilespmem:$0x8100] =	vst v63  }
0x3b: {  	_ = 	snop  }
0x3c: {  	[tilespmem:s26], [sflag:$0x1] =	stream.indirect_vreg.gather [hbm4b:s7+s2], $0x80, v3, vm0, $0xb8;
	[tilespmem:$0x8100] =	vst v63  }
0x3d: {  	_ = 	snop  }
0x3e: {  	[tilespmem:s28], [sflag:$0x1] =	stream.indirect_vreg.gather [hbm4b:s8+s2], $0x80, v3, vm0, $0xb8;
	[tilespmem:$0x8100] =	vst v63  }
0x3f: {  	_ = 	snop  }
0x40: {  	[tilespmem:s29], [sflag:$0x1] =	stream.indirect_vreg.gather [hbm4b:s9+s2], $0x80, v3, vm0, $0xb8;
	[tilespmem:$0x8100] =	vst v63  }
0x41: {  	_ = 	snop  }
0x42: {  	[tilespmem:s30], [sflag:$0x1] =	stream.indirect_vreg.gather [hbm4b:s10+s2], $0x80, v3, vm0, $0xb8;
	[tilespmem:$0x8100] =	vst v63  }
0x43: {  	_ = 	snop  }
0x44: {  	[tilespmem:s31], [sflag:$0x1] =	stream.indirect_vreg.gather [hbm4b:s11+s2], $0x80, v3, vm0, $0xb8;
	[tilespmem:$0x8100] =	vst v63  }
0x45: {  	_ =	swait.ge [sflag:s1], $0x8000  }
0x46: {  	[sflag:s1] =	ssyncset.done $0x0  }
0x47: {  	[sflag:s1] =	ssyncadd.s32 $0xFFFF8000  }
0x48: {  	[hbm4b:s3+s2] =	stream.linear.scatter [tilespmem:s15], [sflag:$0x2], $0x8000, $0x38;
	[tilespmem:$0x8100] =	vst v63  }
0x49: {  	_ =	swait.ge [sflag:s14], $0x8000  }
0x4a: {  	[sflag:s14] =	ssyncset.done $0x0  }
0x4b: {  	[sflag:s14] =	ssyncadd.s32 $0xFFFF8000  }
0x4c: {  	v3 =	vld [tilespmem:$0x10];
	_ =	sdelay $0x4  }
0x4d: {  	v49 =	vshll.u32 v3, $0x4  }
0x4e: {  	v3 =	vand.u32 $0x7, v3;
	v4 =	vand.u32 $0xFFFFFF80, v49  }
0x4f: {  	v3 =	vor.u32 v3, v4  }
0x50: {  	v4 =	vperm.xlane v3, v0;
	_ =	sdelay $0x1  }
0x51: {  	v4 =	vadd.s32 v1, v4;
	_ =	sdelay $0x4  }
0x52: {  	[tilespmem:s15], [sflag:$0x1] =	stream.indirect_vreg.gather [hbm4b:s4+s2], $0x80, v4, vm0, $0xb8;
	[tilespmem:$0x8100] =	vst v63  }
0x53: {  	_ = 	snop  }
0x54: {  	[tilespmem:s16], [sflag:$0x1] =	stream.indirect_vreg.gather [hbm4b:s5+s2], $0x80, v4, vm0, $0xb8;
	[tilespmem:$0x8100] =	vst v63  }
0x55: {  	_ = 	snop  }
0x56: {  	[tilespmem:s17], [sflag:$0x1] =	stream.indirect_vreg.gather [hbm4b:s6+s2], $0x80, v4, vm0, $0xb8;
	[tilespmem:$0x8100] =	vst v63  }
0x57: {  	_ = 	snop  }
0x58: {  	[tilespmem:s18], [sflag:$0x1] =	stream.indirect_vreg.gather [hbm4b:s7+s2], $0x80, v4, vm0, $0xb8;
	[tilespmem:$0x8100] =	vst v63  }
0x59: {  	_ = 	snop  }
0x5a: {  	[tilespmem:s19], [sflag:$0x1] =	stream.indirect_vreg.gather [hbm4b:s8+s2], $0x80, v4, vm0, $0xb8;
	[tilespmem:$0x8100] =	vst v63  }
0x5b: {  	v3 =	vperm.xlane v3, v2  }
0x5c: {  	[tilespmem:s20], [sflag:$0x1] =	stream.indirect_vreg.gather [hbm4b:s9+s2], $0x80, v4, vm0, $0xb8;
	[tilespmem:$0x8100] =	vst v63  }
0x5d: {  	v3 =	vadd.s32 v1, v3  }
0x5e: {  	[tilespmem:s21], [sflag:$0x1] =	stream.indirect_vreg.gather [hbm4b:s10+s2], $0x80, v4, vm0, $0xb8;
	[tilespmem:$0x8100] =	vst v63  }
0x5f: {  	_ = 	snop  }
0x60: {  	[tilespmem:s22], [sflag:$0x1] =	stream.indirect_vreg.gather [hbm4b:s11+s2], $0x80, v4, vm0, $0xb8;
	[tilespmem:$0x8100] =	vst v63  }
0x61: {  	_ = 	snop  }
0x62: {  	[tilespmem:s23], [sflag:$0x1] =	stream.indirect_vreg.gather [hbm4b:s4+s2], $0x80, v3, vm0, $0xb8;
	[tilespmem:$0x8100] =	vst v63  }
0x63: {  	_ = 	snop  }
0x64: {  	[tilespmem:s24], [sflag:$0x1] =	stream.indirect_vreg.gather [hbm4b:s5+s2], $0x80, v3, vm0, $0xb8;
	[tilespmem:$0x8100] =	vst v63  }
0x65: {  	_ = 	snop  }
0x66: {  	[tilespmem:s25], [sflag:$0x1] =	stream.indirect_vreg.gather [hbm4b:s6+s2], $0x80, v3, vm0, $0xb8;
	[tilespmem:$0x8100] =	vst v63  }
0x67: {  	_ = 	snop  }
0x68: {  	[tilespmem:s26], [sflag:$0x1] =	stream.indirect_vreg.gather [hbm4b:s7+s2], $0x80, v3, vm0, $0xb8;
	[tilespmem:$0x8100] =	vst v63  }
0x69: {  	_ = 	snop  }
0x6a: {  	[tilespmem:s28], [sflag:$0x1] =	stream.indirect_vreg.gather [hbm4b:s8+s2], $0x80, v3, vm0, $0xb8;
	[tilespmem:$0x8100] =	vst v63  }
0x6b: {  	_ = 	snop  }
0x6c: {  	[tilespmem:s29], [sflag:$0x1] =	stream.indirect_vreg.gather [hbm4b:s9+s2], $0x80, v3, vm0, $0xb8;
	[tilespmem:$0x8100] =	vst v63  }
0x6d: {  	_ = 	snop  }
0x6e: {  	[tilespmem:s30], [sflag:$0x1] =	stream.indirect_vreg.gather [hbm4b:s10+s2], $0x80, v3, vm0, $0xb8;
	[tilespmem:$0x8100] =	vst v63  }
0x6f: {  	_ = 	snop  }
0x70: {  	[tilespmem:s31], [sflag:$0x1] =	stream.indirect_vreg.gather [hbm4b:s11+s2], $0x80, v3, vm0, $0xb8;
	[tilespmem:$0x8100] =	vst v63  }
0x71: {  	_ =	swait.ge [sflag:s1], $0x8000  }
0x72: {  	[sflag:s1] =	ssyncset.done $0x0  }
0x73: {  	s0 =	rddreg [dreg:$0x4];
	[sflag:s1] =	ssyncadd.s32 $0xFFFF8000  }
0x74: {  	[hbm4b:s0+s2] =	stream.linear.scatter [tilespmem:s15], [sflag:$0x2], $0x8000, $0x38;
	[tilespmem:$0x8100] =	vst v63  }
0x75: {  	_ =	swait.ge [sflag:s14], $0x8000  }
0x76: {  	[sflag:s14] =	ssyncset.done $0x0  }
0x77: {  	[sflag:s14] =	ssyncadd.s32 $0xFFFF8000  }
0x78: {  	v3 =	vld [tilespmem:$0x20];
	_ =	sdelay $0x4  }
0x79: {  	v50 =	vshll.u32 v3, $0x4  }
0x7a: {  	v3 =	vand.u32 $0x7, v3;
	v4 =	vand.u32 $0xFFFFFF80, v50  }
0x7b: {  	v3 =	vor.u32 v3, v4  }
0x7c: {  	v4 =	vperm.xlane v3, v0;
	_ =	sdelay $0x1  }
0x7d: {  	v4 =	vadd.s32 v1, v4;
	_ =	sdelay $0x4  }
0x7e: {  	[tilespmem:s15], [sflag:$0x1] =	stream.indirect_vreg.gather [hbm4b:s4+s2], $0x80, v4, vm0, $0xb8;
	[tilespmem:$0x8100] =	vst v63  }
0x7f: {  	_ = 	snop  }
0x80: {  	[tilespmem:s16], [sflag:$0x1] =	stream.indirect_vreg.gather [hbm4b:s5+s2], $0x80, v4, vm0, $0xb8;
	[tilespmem:$0x8100] =	vst v63  }
0x81: {  	_ = 	snop  }
0x82: {  	[tilespmem:s17], [sflag:$0x1] =	stream.indirect_vreg.gather [hbm4b:s6+s2], $0x80, v4, vm0, $0xb8;
	[tilespmem:$0x8100] =	vst v63  }
0x83: {  	_ = 	snop  }
0x84: {  	[tilespmem:s18], [sflag:$0x1] =	stream.indirect_vreg.gather [hbm4b:s7+s2], $0x80, v4, vm0, $0xb8;
	[tilespmem:$0x8100] =	vst v63  }
0x85: {  	_ = 	snop  }
0x86: {  	[tilespmem:s19], [sflag:$0x1] =	stream.indirect_vreg.gather [hbm4b:s8+s2], $0x80, v4, vm0, $0xb8;
	[tilespmem:$0x8100] =	vst v63  }
0x87: {  	v3 =	vperm.xlane v3, v2  }
0x88: {  	[tilespmem:s20], [sflag:$0x1] =	stream.indirect_vreg.gather [hbm4b:s9+s2], $0x80, v4, vm0, $0xb8;
	[tilespmem:$0x8100] =	vst v63  }
0x89: {  	v3 =	vadd.s32 v1, v3  }
0x8a: {  	[tilespmem:s21], [sflag:$0x1] =	stream.indirect_vreg.gather [hbm4b:s10+s2], $0x80, v4, vm0, $0xb8;
	[tilespmem:$0x8100] =	vst v63  }
0x8b: {  	_ = 	snop  }
0x8c: {  	[tilespmem:s22], [sflag:$0x1] =	stream.indirect_vreg.gather [hbm4b:s11+s2], $0x80, v4, vm0, $0xb8;
	[tilespmem:$0x8100] =	vst v63  }
0x8d: {  	_ = 	snop  }
0x8e: {  	[tilespmem:s23], [sflag:$0x1] =	stream.indirect_vreg.gather [hbm4b:s4+s2], $0x80, v3, vm0, $0xb8;
	[tilespmem:$0x8100] =	vst v63  }
0x8f: {  	_ = 	snop  }
0x90: {  	[tilespmem:s24], [sflag:$0x1] =	stream.indirect_vreg.gather [hbm4b:s5+s2], $0x80, v3, vm0, $0xb8;
	[tilespmem:$0x8100] =	vst v63  }
0x91: {  	_ = 	snop  }
0x92: {  	[tilespmem:s25], [sflag:$0x1] =	stream.indirect_vreg.gather [hbm4b:s6+s2], $0x80, v3, vm0, $0xb8;
	[tilespmem:$0x8100] =	vst v63  }
0x93: {  	_ = 	snop  }
0x94: {  	[tilespmem:s26], [sflag:$0x1] =	stream.indirect_vreg.gather [hbm4b:s7+s2], $0x80, v3, vm0, $0xb8;
	[tilespmem:$0x8100] =	vst v63  }
0x95: {  	_ = 	snop  }
0x96: {  	[tilespmem:s28], [sflag:$0x1] =	stream.indirect_vreg.gather [hbm4b:s8+s2], $0x80, v3, vm0, $0xb8;
	[tilespmem:$0x8100] =	vst v63  }
0x97: {  	_ = 	snop  }
0x98: {  	[tilespmem:s29], [sflag:$0x1] =	stream.indirect_vreg.gather [hbm4b:s9+s2], $0x80, v3, vm0, $0xb8;
	[tilespmem:$0x8100] =	vst v63  }
0x99: {  	_ = 	snop  }
0x9a: {  	[tilespmem:s30], [sflag:$0x1] =	stream.indirect_vreg.gather [hbm4b:s10+s2], $0x80, v3, vm0, $0xb8;
	[tilespmem:$0x8100] =	vst v63  }
0x9b: {  	_ = 	snop  }
0x9c: {  	[tilespmem:s31], [sflag:$0x1] =	stream.indirect_vreg.gather [hbm4b:s11+s2], $0x80, v3, vm0, $0xb8;
	[tilespmem:$0x8100] =	vst v63  }
0x9d: {  	_ =	swait.ge [sflag:s1], $0x8000  }
0x9e: {  	[sflag:s1] =	ssyncset.done $0x0  }
0x9f: {  	s0 =	rddreg [dreg:$0x5];
	[sflag:s1] =	ssyncadd.s32 $0xFFFF8000  }
0xa0: {  	[hbm4b:s0+s2] =	stream.linear.scatter [tilespmem:s15], [sflag:$0x2], $0x8000, $0x38;
	[tilespmem:$0x8100] =	vst v63  }
0xa1: {  	_ =	swait.ge [sflag:s14], $0x8000  }
0xa2: {  	[sflag:s14] =	ssyncset.done $0x0  }
0xa3: {  	[sflag:s14] =	ssyncadd.s32 $0xFFFF8000  }
0xa4: {  	v3 =	vld [tilespmem:$0x30];
	_ =	sdelay $0x4  }
0xa5: {  	v51 =	vshll.u32 v3, $0x4  }
0xa6: {  	v3 =	vand.u32 $0x7, v3;
	v4 =	vand.u32 $0xFFFFFF80, v51  }
0xa7: {  	v3 =	vor.u32 v3, v4  }
0xa8: {  	v4 =	vperm.xlane v3, v0;
	_ =	sdelay $0x1  }
0xa9: {  	v4 =	vadd.s32 v1, v4;
	_ =	sdelay $0x4  }
0xaa: {  	[tilespmem:s15], [sflag:$0x1] =	stream.indirect_vreg.gather [hbm4b:s4+s2], $0x80, v4, vm0, $0xb8;
	[tilespmem:$0x8100] =	vst v63  }
0xab: {  	_ = 	snop  }
0xac: {  	[tilespmem:s16], [sflag:$0x1] =	stream.indirect_vreg.gather [hbm4b:s5+s2], $0x80, v4, vm0, $0xb8;
	[tilespmem:$0x8100] =	vst v63  }
0xad: {  	_ = 	snop  }
0xae: {  	[tilespmem:s17], [sflag:$0x1] =	stream.indirect_vreg.gather [hbm4b:s6+s2], $0x80, v4, vm0, $0xb8;
	[tilespmem:$0x8100] =	vst v63  }
0xaf: {  	_ = 	snop  }
0xb0: {  	[tilespmem:s18], [sflag:$0x1] =	stream.indirect_vreg.gather [hbm4b:s7+s2], $0x80, v4, vm0, $0xb8;
	[tilespmem:$0x8100] =	vst v63  }
0xb1: {  	_ = 	snop  }
0xb2: {  	[tilespmem:s19], [sflag:$0x1] =	stream.indirect_vreg.gather [hbm4b:s8+s2], $0x80, v4, vm0, $0xb8;
	[tilespmem:$0x8100] =	vst v63  }
0xb3: {  	v3 =	vperm.xlane v3, v2  }
0xb4: {  	[tilespmem:s20], [sflag:$0x1] =	stream.indirect_vreg.gather [hbm4b:s9+s2], $0x80, v4, vm0, $0xb8;
	[tilespmem:$0x8100] =	vst v63  }
0xb5: {  	v3 =	vadd.s32 v1, v3  }
0xb6: {  	[tilespmem:s21], [sflag:$0x1] =	stream.indirect_vreg.gather [hbm4b:s10+s2], $0x80, v4, vm0, $0xb8;
	[tilespmem:$0x8100] =	vst v63  }
0xb7: {  	_ = 	snop  }
0xb8: {  	[tilespmem:s22], [sflag:$0x1] =	stream.indirect_vreg.gather [hbm4b:s11+s2], $0x80, v4, vm0, $0xb8;
	[tilespmem:$0x8100] =	vst v63  }
0xb9: {  	_ = 	snop  }
0xba: {  	[tilespmem:s23], [sflag:$0x1] =	stream.indirect_vreg.gather [hbm4b:s4+s2], $0x80, v3, vm0, $0xb8;
	[tilespmem:$0x8100] =	vst v63  }
0xbb: {  	_ = 	snop  }
0xbc: {  	[tilespmem:s24], [sflag:$0x1] =	stream.indirect_vreg.gather [hbm4b:s5+s2], $0x80, v3, vm0, $0xb8;
	[tilespmem:$0x8100] =	vst v63  }
0xbd: {  	_ = 	snop  }
0xbe: {  	[tilespmem:s25], [sflag:$0x1] =	stream.indirect_vreg.gather [hbm4b:s6+s2], $0x80, v3, vm0, $0xb8;
	[tilespmem:$0x8100] =	vst v63  }
0xbf: {  	_ = 	snop  }
0xc0: {  	[tilespmem:s26], [sflag:$0x1] =	stream.indirect_vreg.gather [hbm4b:s7+s2], $0x80, v3, vm0, $0xb8;
	[tilespmem:$0x8100] =	vst v63  }
0xc1: {  	_ = 	snop  }
0xc2: {  	[tilespmem:s28], [sflag:$0x1] =	stream.indirect_vreg.gather [hbm4b:s8+s2], $0x80, v3, vm0, $0xb8;
	[tilespmem:$0x8100] =	vst v63  }
0xc3: {  	_ = 	snop  }
0xc4: {  	[tilespmem:s29], [sflag:$0x1] =	stream.indirect_vreg.gather [hbm4b:s9+s2], $0x80, v3, vm0, $0xb8;
	[tilespmem:$0x8100] =	vst v63  }
0xc5: {  	_ = 	snop  }
0xc6: {  	[tilespmem:s30], [sflag:$0x1] =	stream.indirect_vreg.gather [hbm4b:s10+s2], $0x80, v3, vm0, $0xb8;
	[tilespmem:$0x8100] =	vst v63  }
0xc7: {  	_ = 	snop  }
0xc8: {  	[tilespmem:s31], [sflag:$0x1] =	stream.indirect_vreg.gather [hbm4b:s11+s2], $0x80, v3, vm0, $0xb8;
	[tilespmem:$0x8100] =	vst v63  }
0xc9: {  	_ =	swait.ge [sflag:s1], $0x8000  }
0xca: {  	[sflag:s1] =	ssyncset.done $0x0  }
0xcb: {  	s0 =	rddreg [dreg:$0x6];
	[sflag:s1] =	ssyncadd.s32 $0xFFFF8000  }
0xcc: {  	[hbm4b:s0+s2] =	stream.linear.scatter [tilespmem:s15], [sflag:$0x2], $0x8000, $0x38;
	[tilespmem:$0x8100] =	vst v63  }
0xcd: {  	_ =	swait.ge [sflag:s14], $0x8000  }
0xce: {  	[sflag:s14] =	ssyncset.done $0x0  }
0xcf: {  	[sflag:s14] =	ssyncadd.s32 $0xFFFF8000  }
0xd0: {  	v3 =	vld [tilespmem:$0x40];
	_ =	sdelay $0x4  }
0xd1: {  	v52 =	vshll.u32 v3, $0x4  }
0xd2: {  	v3 =	vand.u32 $0x7, v3;
	v4 =	vand.u32 $0xFFFFFF80, v52  }
0xd3: {  	v3 =	vor.u32 v3, v4  }
0xd4: {  	v4 =	vperm.xlane v3, v0;
	_ =	sdelay $0x1  }
0xd5: {  	v4 =	vadd.s32 v1, v4;
	_ =	sdelay $0x4  }
0xd6: {  	[tilespmem:s15], [sflag:$0x1] =	stream.indirect_vreg.gather [hbm4b:s4+s2], $0x80, v4, vm0, $0xb8;
	[tilespmem:$0x8100] =	vst v63  }
0xd7: {  	_ = 	snop  }
0xd8: {  	[tilespmem:s16], [sflag:$0x1] =	stream.indirect_vreg.gather [hbm4b:s5+s2], $0x80, v4, vm0, $0xb8;
	[tilespmem:$0x8100] =	vst v63  }
0xd9: {  	_ = 	snop  }
0xda: {  	[tilespmem:s17], [sflag:$0x1] =	stream.indirect_vreg.gather [hbm4b:s6+s2], $0x80, v4, vm0, $0xb8;
	[tilespmem:$0x8100] =	vst v63  }
0xdb: {  	_ = 	snop  }
0xdc: {  	[tilespmem:s18], [sflag:$0x1] =	stream.indirect_vreg.gather [hbm4b:s7+s2], $0x80, v4, vm0, $0xb8;
	[tilespmem:$0x8100] =	vst v63  }
0xdd: {  	_ = 	snop  }
0xde: {  	[tilespmem:s19], [sflag:$0x1] =	stream.indirect_vreg.gather [hbm4b:s8+s2], $0x80, v4, vm0, $0xb8;
	[tilespmem:$0x8100] =	vst v63  }
0xdf: {  	v3 =	vperm.xlane v3, v2  }
0xe0: {  	[tilespmem:s20], [sflag:$0x1] =	stream.indirect_vreg.gather [hbm4b:s9+s2], $0x80, v4, vm0, $0xb8;
	[tilespmem:$0x8100] =	vst v63  }
0xe1: {  	v3 =	vadd.s32 v1, v3  }
0xe2: {  	[tilespmem:s21], [sflag:$0x1] =	stream.indirect_vreg.gather [hbm4b:s10+s2], $0x80, v4, vm0, $0xb8;
	[tilespmem:$0x8100] =	vst v63  }
0xe3: {  	_ = 	snop  }
0xe4: {  	[tilespmem:s22], [sflag:$0x1] =	stream.indirect_vreg.gather [hbm4b:s11+s2], $0x80, v4, vm0, $0xb8;
	[tilespmem:$0x8100] =	vst v63  }
0xe5: {  	_ = 	snop  }
0xe6: {  	[tilespmem:s23], [sflag:$0x1] =	stream.indirect_vreg.gather [hbm4b:s4+s2], $0x80, v3, vm0, $0xb8;
	[tilespmem:$0x8100] =	vst v63  }
0xe7: {  	_ = 	snop  }
0xe8: {  	[tilespmem:s24], [sflag:$0x1] =	stream.indirect_vreg.gather [hbm4b:s5+s2], $0x80, v3, vm0, $0xb8;
	[tilespmem:$0x8100] =	vst v63  }
0xe9: {  	_ = 	snop  }
0xea: {  	[tilespmem:s25], [sflag:$0x1] =	stream.indirect_vreg.gather [hbm4b:s6+s2], $0x80, v3, vm0, $0xb8;
	[tilespmem:$0x8100] =	vst v63  }
0xeb: {  	_ = 	snop  }
0xec: {  	[tilespmem:s26], [sflag:$0x1] =	stream.indirect_vreg.gather [hbm4b:s7+s2], $0x80, v3, vm0, $0xb8;
	[tilespmem:$0x8100] =	vst v63  }
0xed: {  	_ = 	snop  }
0xee: {  	[tilespmem:s28], [sflag:$0x1] =	stream.indirect_vreg.gather [hbm4b:s8+s2], $0x80, v3, vm0, $0xb8;
	[tilespmem:$0x8100] =	vst v63  }
0xef: {  	_ = 	snop  }
0xf0: {  	[tilespmem:s29], [sflag:$0x1] =	stream.indirect_vreg.gather [hbm4b:s9+s2], $0x80, v3, vm0, $0xb8;
	[tilespmem:$0x8100] =	vst v63  }
0xf1: {  	_ = 	snop  }
0xf2: {  	[tilespmem:s30], [sflag:$0x1] =	stream.indirect_vreg.gather [hbm4b:s10+s2], $0x80, v3, vm0, $0xb8;
	[tilespmem:$0x8100] =	vst v63  }
0xf3: {  	_ = 	snop  }
0xf4: {  	[tilespmem:s31], [sflag:$0x1] =	stream.indirect_vreg.gather [hbm4b:s11+s2], $0x80, v3, vm0, $0xb8;
	[tilespmem:$0x8100] =	vst v63  }
0xf5: {  	_ =	swait.ge [sflag:s1], $0x8000  }
0xf6: {  	[sflag:s1] =	ssyncset.done $0x0  }
0xf7: {  	s0 =	rddreg [dreg:$0x7];
	[sflag:s1] =	ssyncadd.s32 $0xFFFF8000  }
0xf8: {  	[hbm4b:s0+s2] =	stream.linear.scatter [tilespmem:s15], [sflag:$0x2], $0x8000, $0x38;
	[tilespmem:$0x8100] =	vst v63  }
0xf9: {  	_ =	swait.ge [sflag:s14], $0x8000  }
0xfa: {  	[sflag:s14] =	ssyncset.done $0x0  }
0xfb: {  	[sflag:s14] =	ssyncadd.s32 $0xFFFF8000  }
0xfc: {  	v3 =	vld [tilespmem:$0x50];
	_ =	sdelay $0x4  }
0xfd: {  	v53 =	vshll.u32 v3, $0x4  }
0xfe: {  	v3 =	vand.u32 $0x7, v3;
	v4 =	vand.u32 $0xFFFFFF80, v53  }
0xff: {  	v3 =	vor.u32 v3, v4  }
0x100: {  	v4 =	vperm.xlane v3, v0;
	_ =	sdelay $0x1  }
0x101: {  	v4 =	vadd.s32 v1, v4;
	_ =	sdelay $0x4  }
0x102: {  	[tilespmem:s15], [sflag:$0x1] =	stream.indirect_vreg.gather [hbm4b:s4+s2], $0x80, v4, vm0, $0xb8;
	[tilespmem:$0x8100] =	vst v63  }
0x103: {  	_ = 	snop  }
0x104: {  	[tilespmem:s16], [sflag:$0x1] =	stream.indirect_vreg.gather [hbm4b:s5+s2], $0x80, v4, vm0, $0xb8;
	[tilespmem:$0x8100] =	vst v63  }
0x105: {  	_ = 	snop  }
0x106: {  	[tilespmem:s17], [sflag:$0x1] =	stream.indirect_vreg.gather [hbm4b:s6+s2], $0x80, v4, vm0, $0xb8;
	[tilespmem:$0x8100] =	vst v63  }
0x107: {  	_ = 	snop  }
0x108: {  	[tilespmem:s18], [sflag:$0x1] =	stream.indirect_vreg.gather [hbm4b:s7+s2], $0x80, v4, vm0, $0xb8;
	[tilespmem:$0x8100] =	vst v63  }
0x109: {  	_ = 	snop  }
0x10a: {  	[tilespmem:s19], [sflag:$0x1] =	stream.indirect_vreg.gather [hbm4b:s8+s2], $0x80, v4, vm0, $0xb8;
	[tilespmem:$0x8100] =	vst v63  }
0x10b: {  	v3 =	vperm.xlane v3, v2  }
0x10c: {  	[tilespmem:s20], [sflag:$0x1] =	stream.indirect_vreg.gather [hbm4b:s9+s2], $0x80, v4, vm0, $0xb8;
	[tilespmem:$0x8100] =	vst v63  }
0x10d: {  	v3 =	vadd.s32 v1, v3  }
0x10e: {  	[tilespmem:s21], [sflag:$0x1] =	stream.indirect_vreg.gather [hbm4b:s10+s2], $0x80, v4, vm0, $0xb8;
	[tilespmem:$0x8100] =	vst v63  }
0x10f: {  	_ = 	snop  }
0x110: {  	[tilespmem:s22], [sflag:$0x1] =	stream.indirect_vreg.gather [hbm4b:s11+s2], $0x80, v4, vm0, $0xb8;
	[tilespmem:$0x8100] =	vst v63  }
0x111: {  	_ = 	snop  }
0x112: {  	[tilespmem:s23], [sflag:$0x1] =	stream.indirect_vreg.gather [hbm4b:s4+s2], $0x80, v3, vm0, $0xb8;
	[tilespmem:$0x8100] =	vst v63  }
0x113: {  	_ = 	snop  }
0x114: {  	[tilespmem:s24], [sflag:$0x1] =	stream.indirect_vreg.gather [hbm4b:s5+s2], $0x80, v3, vm0, $0xb8;
	[tilespmem:$0x8100] =	vst v63  }
0x115: {  	_ = 	snop  }
0x116: {  	[tilespmem:s25], [sflag:$0x1] =	stream.indirect_vreg.gather [hbm4b:s6+s2], $0x80, v3, vm0, $0xb8;
	[tilespmem:$0x8100] =	vst v63  }
0x117: {  	_ = 	snop  }
0x118: {  	[tilespmem:s26], [sflag:$0x1] =	stream.indirect_vreg.gather [hbm4b:s7+s2], $0x80, v3, vm0, $0xb8;
	[tilespmem:$0x8100] =	vst v63  }
0x119: {  	_ = 	snop  }
0x11a: {  	[tilespmem:s28], [sflag:$0x1] =	stream.indirect_vreg.gather [hbm4b:s8+s2], $0x80, v3, vm0, $0xb8;
	[tilespmem:$0x8100] =	vst v63  }
0x11b: {  	_ = 	snop  }
0x11c: {  	[tilespmem:s29], [sflag:$0x1] =	stream.indirect_vreg.gather [hbm4b:s9+s2], $0x80, v3, vm0, $0xb8;
	[tilespmem:$0x8100] =	vst v63  }
0x11d: {  	_ = 	snop  }
0x11e: {  	[tilespmem:s30], [sflag:$0x1] =	stream.indirect_vreg.gather [hbm4b:s10+s2], $0x80, v3, vm0, $0xb8;
	[tilespmem:$0x8100] =	vst v63  }
0x11f: {  	_ = 	snop  }
0x120: {  	[tilespmem:s31], [sflag:$0x1] =	stream.indirect_vreg.gather [hbm4b:s11+s2], $0x80, v3, vm0, $0xb8;
	[tilespmem:$0x8100] =	vst v63  }
0x121: {  	_ =	swait.ge [sflag:s1], $0x8000  }
0x122: {  	[sflag:s1] =	ssyncset.done $0x0  }
0x123: {  	s0 =	rddreg [dreg:$0x8];
	[sflag:s1] =	ssyncadd.s32 $0xFFFF8000  }
0x124: {  	[hbm4b:s0+s2] =	stream.linear.scatter [tilespmem:s15], [sflag:$0x2], $0x8000, $0x38;
	[tilespmem:$0x8100] =	vst v63  }
0x125: {  	_ =	swait.ge [sflag:s14], $0x8000  }
0x126: {  	[sflag:s14] =	ssyncset.done $0x0  }
0x127: {  	[sflag:s14] =	ssyncadd.s32 $0xFFFF8000  }
0x128: {  	v3 =	vld [tilespmem:$0x60];
	_ =	sdelay $0x4  }
0x129: {  	v54 =	vshll.u32 v3, $0x4  }
0x12a: {  	v3 =	vand.u32 $0x7, v3;
	v4 =	vand.u32 $0xFFFFFF80, v54  }
0x12b: {  	v3 =	vor.u32 v3, v4  }
0x12c: {  	v4 =	vperm.xlane v3, v0;
	_ =	sdelay $0x1  }
0x12d: {  	v4 =	vadd.s32 v1, v4;
	_ =	sdelay $0x4  }
0x12e: {  	[tilespmem:s15], [sflag:$0x1] =	stream.indirect_vreg.gather [hbm4b:s4+s2], $0x80, v4, vm0, $0xb8;
	[tilespmem:$0x8100] =	vst v63  }
0x12f: {  	_ = 	snop  }
0x130: {  	[tilespmem:s16], [sflag:$0x1] =	stream.indirect_vreg.gather [hbm4b:s5+s2], $0x80, v4, vm0, $0xb8;
	[tilespmem:$0x8100] =	vst v63  }
0x131: {  	_ = 	snop  }
0x132: {  	[tilespmem:s17], [sflag:$0x1] =	stream.indirect_vreg.gather [hbm4b:s6+s2], $0x80, v4, vm0, $0xb8;
	[tilespmem:$0x8100] =	vst v63  }
0x133: {  	_ = 	snop  }
0x134: {  	[tilespmem:s18], [sflag:$0x1] =	stream.indirect_vreg.gather [hbm4b:s7+s2], $0x80, v4, vm0, $0xb8;
	[tilespmem:$0x8100] =	vst v63  }
0x135: {  	_ = 	snop  }
0x136: {  	[tilespmem:s19], [sflag:$0x1] =	stream.indirect_vreg.gather [hbm4b:s8+s2], $0x80, v4, vm0, $0xb8;
	[tilespmem:$0x8100] =	vst v63  }
0x137: {  	v3 =	vperm.xlane v3, v2  }
0x138: {  	[tilespmem:s20], [sflag:$0x1] =	stream.indirect_vreg.gather [hbm4b:s9+s2], $0x80, v4, vm0, $0xb8;
	[tilespmem:$0x8100] =	vst v63  }
0x139: {  	v3 =	vadd.s32 v1, v3  }
0x13a: {  	[tilespmem:s21], [sflag:$0x1] =	stream.indirect_vreg.gather [hbm4b:s10+s2], $0x80, v4, vm0, $0xb8;
	[tilespmem:$0x8100] =	vst v63  }
0x13b: {  	_ = 	snop  }
0x13c: {  	[tilespmem:s22], [sflag:$0x1] =	stream.indirect_vreg.gather [hbm4b:s11+s2], $0x80, v4, vm0, $0xb8;
	[tilespmem:$0x8100] =	vst v63  }
0x13d: {  	_ = 	snop  }
0x13e: {  	[tilespmem:s23], [sflag:$0x1] =	stream.indirect_vreg.gather [hbm4b:s4+s2], $0x80, v3, vm0, $0xb8;
	[tilespmem:$0x8100] =	vst v63  }
0x13f: {  	_ = 	snop  }
0x140: {  	[tilespmem:s24], [sflag:$0x1] =	stream.indirect_vreg.gather [hbm4b:s5+s2], $0x80, v3, vm0, $0xb8;
	[tilespmem:$0x8100] =	vst v63  }
0x141: {  	_ = 	snop  }
0x142: {  	[tilespmem:s25], [sflag:$0x1] =	stream.indirect_vreg.gather [hbm4b:s6+s2], $0x80, v3, vm0, $0xb8;
	[tilespmem:$0x8100] =	vst v63  }
0x143: {  	_ = 	snop  }
0x144: {  	[tilespmem:s26], [sflag:$0x1] =	stream.indirect_vreg.gather [hbm4b:s7+s2], $0x80, v3, vm0, $0xb8;
	[tilespmem:$0x8100] =	vst v63  }
0x145: {  	_ = 	snop  }
0x146: {  	[tilespmem:s28], [sflag:$0x1] =	stream.indirect_vreg.gather [hbm4b:s8+s2], $0x80, v3, vm0, $0xb8;
	[tilespmem:$0x8100] =	vst v63  }
0x147: {  	_ = 	snop  }
0x148: {  	[tilespmem:s29], [sflag:$0x1] =	stream.indirect_vreg.gather [hbm4b:s9+s2], $0x80, v3, vm0, $0xb8;
	[tilespmem:$0x8100] =	vst v63  }
0x149: {  	_ = 	snop  }
0x14a: {  	[tilespmem:s30], [sflag:$0x1] =	stream.indirect_vreg.gather [hbm4b:s10+s2], $0x80, v3, vm0, $0xb8;
	[tilespmem:$0x8100] =	vst v63  }
0x14b: {  	_ = 	snop  }
0x14c: {  	[tilespmem:s31], [sflag:$0x1] =	stream.indirect_vreg.gather [hbm4b:s11+s2], $0x80, v3, vm0, $0xb8;
	[tilespmem:$0x8100] =	vst v63  }
0x14d: {  	_ =	swait.ge [sflag:s1], $0x8000  }
0x14e: {  	[sflag:s1] =	ssyncset.done $0x0  }
0x14f: {  	s0 =	rddreg [dreg:$0x9];
	[sflag:s1] =	ssyncadd.s32 $0xFFFF8000  }
0x150: {  	[hbm4b:s0+s2] =	stream.linear.scatter [tilespmem:s15], [sflag:$0x2], $0x8000, $0x38;
	[tilespmem:$0x8100] =	vst v63  }
0x151: {  	_ =	swait.ge [sflag:s14], $0x8000  }
0x152: {  	[sflag:s14] =	ssyncset.done $0x0  }
0x153: {  	[sflag:s14] =	ssyncadd.s32 $0xFFFF8000  }
0x154: {  	v3 =	vld [tilespmem:$0x70];
	_ =	sdelay $0x4  }
0x155: {  	v55 =	vshll.u32 v3, $0x4  }
0x156: {  	v3 =	vand.u32 $0x7, v3;
	v4 =	vand.u32 $0xFFFFFF80, v55  }
0x157: {  	v3 =	vor.u32 v3, v4  }
0x158: {  	v4 =	vperm.xlane v3, v0;
	_ =	sdelay $0x1  }
0x159: {  	v4 =	vadd.s32 v1, v4;
	_ =	sdelay $0x4  }
0x15a: {  	[tilespmem:s15], [sflag:$0x1] =	stream.indirect_vreg.gather [hbm4b:s4+s2], $0x80, v4, vm0, $0xb8;
	[tilespmem:$0x8100] =	vst v63  }
0x15b: {  	_ = 	snop  }
0x15c: {  	[tilespmem:s16], [sflag:$0x1] =	stream.indirect_vreg.gather [hbm4b:s5+s2], $0x80, v4, vm0, $0xb8;
	[tilespmem:$0x8100] =	vst v63  }
0x15d: {  	_ = 	snop  }
0x15e: {  	[tilespmem:s17], [sflag:$0x1] =	stream.indirect_vreg.gather [hbm4b:s6+s2], $0x80, v4, vm0, $0xb8;
	[tilespmem:$0x8100] =	vst v63  }
0x15f: {  	_ = 	snop  }
0x160: {  	[tilespmem:s18], [sflag:$0x1] =	stream.indirect_vreg.gather [hbm4b:s7+s2], $0x80, v4, vm0, $0xb8;
	[tilespmem:$0x8100] =	vst v63  }
0x161: {  	_ = 	snop  }
0x162: {  	[tilespmem:s19], [sflag:$0x1] =	stream.indirect_vreg.gather [hbm4b:s8+s2], $0x80, v4, vm0, $0xb8;
	[tilespmem:$0x8100] =	vst v63  }
0x163: {  	v3 =	vperm.xlane v3, v2  }
0x164: {  	[tilespmem:s20], [sflag:$0x1] =	stream.indirect_vreg.gather [hbm4b:s9+s2], $0x80, v4, vm0, $0xb8;
	[tilespmem:$0x8100] =	vst v63  }
0x165: {  	v3 =	vadd.s32 v1, v3  }
0x166: {  	[tilespmem:s21], [sflag:$0x1] =	stream.indirect_vreg.gather [hbm4b:s10+s2], $0x80, v4, vm0, $0xb8;
	[tilespmem:$0x8100] =	vst v63  }
0x167: {  	_ = 	snop  }
0x168: {  	[tilespmem:s22], [sflag:$0x1] =	stream.indirect_vreg.gather [hbm4b:s11+s2], $0x80, v4, vm0, $0xb8;
	[tilespmem:$0x8100] =	vst v63  }
0x169: {  	_ = 	snop  }
0x16a: {  	[tilespmem:s23], [sflag:$0x1] =	stream.indirect_vreg.gather [hbm4b:s4+s2], $0x80, v3, vm0, $0xb8;
	[tilespmem:$0x8100] =	vst v63  }
0x16b: {  	_ = 	snop  }
0x16c: {  	[tilespmem:s24], [sflag:$0x1] =	stream.indirect_vreg.gather [hbm4b:s5+s2], $0x80, v3, vm0, $0xb8;
	[tilespmem:$0x8100] =	vst v63  }
0x16d: {  	_ = 	snop  }
0x16e: {  	[tilespmem:s25], [sflag:$0x1] =	stream.indirect_vreg.gather [hbm4b:s6+s2], $0x80, v3, vm0, $0xb8;
	[tilespmem:$0x8100] =	vst v63  }
0x16f: {  	_ = 	snop  }
0x170: {  	[tilespmem:s26], [sflag:$0x1] =	stream.indirect_vreg.gather [hbm4b:s7+s2], $0x80, v3, vm0, $0xb8;
	[tilespmem:$0x8100] =	vst v63  }
0x171: {  	_ = 	snop  }
0x172: {  	[tilespmem:s28], [sflag:$0x1] =	stream.indirect_vreg.gather [hbm4b:s8+s2], $0x80, v3, vm0, $0xb8;
	[tilespmem:$0x8100] =	vst v63  }
0x173: {  	_ = 	snop  }
0x174: {  	[tilespmem:s29], [sflag:$0x1] =	stream.indirect_vreg.gather [hbm4b:s9+s2], $0x80, v3, vm0, $0xb8;
	[tilespmem:$0x8100] =	vst v63  }
0x175: {  	_ = 	snop  }
0x176: {  	[tilespmem:s30], [sflag:$0x1] =	stream.indirect_vreg.gather [hbm4b:s10+s2], $0x80, v3, vm0, $0xb8;
	[tilespmem:$0x8100] =	vst v63  }
0x177: {  	_ = 	snop  }
0x178: {  	[tilespmem:s31], [sflag:$0x1] =	stream.indirect_vreg.gather [hbm4b:s11+s2], $0x80, v3, vm0, $0xb8;
	[tilespmem:$0x8100] =	vst v63  }
0x179: {  	_ =	swait.ge [sflag:s1], $0x8000  }
0x17a: {  	[sflag:s1] =	ssyncset.done $0x0  }
0x17b: {  	s0 =	rddreg [dreg:$0xa];
	[sflag:s1] =	ssyncadd.s32 $0xFFFF8000  }
0x17c: {  	[hbm4b:s0+s2] =	stream.linear.scatter [tilespmem:s15], [sflag:$0x2], $0x8000, $0x38;
	[tilespmem:$0x8100] =	vst v63  }
0x17d: {  	_ =	swait.ge [sflag:s14], $0x8000  }
0x17e: {  	[sflag:s14] =	ssyncset.done $0x0  }
0x17f: {  	[sflag:s14] =	ssyncadd.s32 $0xFFFF8000  }
0x180: {  	v3 =	vld [tilespmem:$0x80];
	_ =	sdelay $0x4  }
0x181: {  	v56 =	vshll.u32 v3, $0x4  }
0x182: {  	v3 =	vand.u32 $0x7, v3;
	v4 =	vand.u32 $0xFFFFFF80, v56  }
0x183: {  	v3 =	vor.u32 v3, v4  }
0x184: {  	v4 =	vperm.xlane v3, v0;
	_ =	sdelay $0x1  }
0x185: {  	v4 =	vadd.s32 v1, v4;
	_ =	sdelay $0x4  }
0x186: {  	[tilespmem:s15], [sflag:$0x1] =	stream.indirect_vreg.gather [hbm4b:s4+s2], $0x80, v4, vm0, $0xb8;
	[tilespmem:$0x8100] =	vst v63  }
0x187: {  	_ = 	snop  }
0x188: {  	[tilespmem:s16], [sflag:$0x1] =	stream.indirect_vreg.gather [hbm4b:s5+s2], $0x80, v4, vm0, $0xb8;
	[tilespmem:$0x8100] =	vst v63  }
0x189: {  	_ = 	snop  }
0x18a: {  	[tilespmem:s17], [sflag:$0x1] =	stream.indirect_vreg.gather [hbm4b:s6+s2], $0x80, v4, vm0, $0xb8;
	[tilespmem:$0x8100] =	vst v63  }
0x18b: {  	_ = 	snop  }
0x18c: {  	[tilespmem:s18], [sflag:$0x1] =	stream.indirect_vreg.gather [hbm4b:s7+s2], $0x80, v4, vm0, $0xb8;
	[tilespmem:$0x8100] =	vst v63  }
0x18d: {  	_ = 	snop  }
0x18e: {  	[tilespmem:s19], [sflag:$0x1] =	stream.indirect_vreg.gather [hbm4b:s8+s2], $0x80, v4, vm0, $0xb8;
	[tilespmem:$0x8100] =	vst v63  }
0x18f: {  	v3 =	vperm.xlane v3, v2  }
0x190: {  	[tilespmem:s20], [sflag:$0x1] =	stream.indirect_vreg.gather [hbm4b:s9+s2], $0x80, v4, vm0, $0xb8;
	[tilespmem:$0x8100] =	vst v63  }
0x191: {  	v3 =	vadd.s32 v1, v3  }
0x192: {  	[tilespmem:s21], [sflag:$0x1] =	stream.indirect_vreg.gather [hbm4b:s10+s2], $0x80, v4, vm0, $0xb8;
	[tilespmem:$0x8100] =	vst v63  }
0x193: {  	_ = 	snop  }
0x194: {  	[tilespmem:s22], [sflag:$0x1] =	stream.indirect_vreg.gather [hbm4b:s11+s2], $0x80, v4, vm0, $0xb8;
	[tilespmem:$0x8100] =	vst v63  }
0x195: {  	_ = 	snop  }
0x196: {  	[tilespmem:s23], [sflag:$0x1] =	stream.indirect_vreg.gather [hbm4b:s4+s2], $0x80, v3, vm0, $0xb8;
	[tilespmem:$0x8100] =	vst v63  }
0x197: {  	_ = 	snop  }
0x198: {  	[tilespmem:s24], [sflag:$0x1] =	stream.indirect_vreg.gather [hbm4b:s5+s2], $0x80, v3, vm0, $0xb8;
	[tilespmem:$0x8100] =	vst v63  }
0x199: {  	_ = 	snop  }
0x19a: {  	[tilespmem:s25], [sflag:$0x1] =	stream.indirect_vreg.gather [hbm4b:s6+s2], $0x80, v3, vm0, $0xb8;
	[tilespmem:$0x8100] =	vst v63  }
0x19b: {  	_ = 	snop  }
0x19c: {  	[tilespmem:s26], [sflag:$0x1] =	stream.indirect_vreg.gather [hbm4b:s7+s2], $0x80, v3, vm0, $0xb8;
	[tilespmem:$0x8100] =	vst v63  }
0x19d: {  	_ = 	snop  }
0x19e: {  	[tilespmem:s28], [sflag:$0x1] =	stream.indirect_vreg.gather [hbm4b:s8+s2], $0x80, v3, vm0, $0xb8;
	[tilespmem:$0x8100] =	vst v63  }
0x19f: {  	_ = 	snop  }
0x1a0: {  	[tilespmem:s29], [sflag:$0x1] =	stream.indirect_vreg.gather [hbm4b:s9+s2], $0x80, v3, vm0, $0xb8;
	[tilespmem:$0x8100] =	vst v63  }
0x1a1: {  	_ = 	snop  }
0x1a2: {  	[tilespmem:s30], [sflag:$0x1] =	stream.indirect_vreg.gather [hbm4b:s10+s2], $0x80, v3, vm0, $0xb8;
	[tilespmem:$0x8100] =	vst v63  }
0x1a3: {  	_ = 	snop  }
0x1a4: {  	[tilespmem:s31], [sflag:$0x1] =	stream.indirect_vreg.gather [hbm4b:s11+s2], $0x80, v3, vm0, $0xb8;
	[tilespmem:$0x8100] =	vst v63  }
0x1a5: {  	_ =	swait.ge [sflag:s1], $0x8000  }
0x1a6: {  	[sflag:s1] =	ssyncset.done $0x0  }
0x1a7: {  	s0 =	rddreg [dreg:$0xb];
	[sflag:s1] =	ssyncadd.s32 $0xFFFF8000  }
0x1a8: {  	[hbm4b:s0+s2] =	stream.linear.scatter [tilespmem:s15], [sflag:$0x2], $0x8000, $0x38;
	[tilespmem:$0x8100] =	vst v63  }
0x1a9: {  	_ =	swait.ge [sflag:s14], $0x8000  }
0x1aa: {  	[sflag:s14] =	ssyncset.done $0x0  }
0x1ab: {  	[sflag:s14] =	ssyncadd.s32 $0xFFFF8000  }
0x1ac: {  	v3 =	vld [tilespmem:$0x90];
	_ =	sdelay $0x4  }
0x1ad: {  	v57 =	vshll.u32 v3, $0x4  }
0x1ae: {  	v3 =	vand.u32 $0x7, v3;
	v4 =	vand.u32 $0xFFFFFF80, v57  }
0x1af: {  	v3 =	vor.u32 v3, v4  }
0x1b0: {  	v4 =	vperm.xlane v3, v0;
	_ =	sdelay $0x1  }
0x1b1: {  	v4 =	vadd.s32 v1, v4;
	_ =	sdelay $0x4  }
0x1b2: {  	[tilespmem:s15], [sflag:$0x1] =	stream.indirect_vreg.gather [hbm4b:s4+s2], $0x80, v4, vm0, $0xb8;
	[tilespmem:$0x8100] =	vst v63  }
0x1b3: {  	_ = 	snop  }
0x1b4: {  	[tilespmem:s16], [sflag:$0x1] =	stream.indirect_vreg.gather [hbm4b:s5+s2], $0x80, v4, vm0, $0xb8;
	[tilespmem:$0x8100] =	vst v63  }
0x1b5: {  	_ = 	snop  }
0x1b6: {  	[tilespmem:s17], [sflag:$0x1] =	stream.indirect_vreg.gather [hbm4b:s6+s2], $0x80, v4, vm0, $0xb8;
	[tilespmem:$0x8100] =	vst v63  }
0x1b7: {  	_ = 	snop  }
0x1b8: {  	[tilespmem:s18], [sflag:$0x1] =	stream.indirect_vreg.gather [hbm4b:s7+s2], $0x80, v4, vm0, $0xb8;
	[tilespmem:$0x8100] =	vst v63  }
0x1b9: {  	_ = 	snop  }
0x1ba: {  	[tilespmem:s19], [sflag:$0x1] =	stream.indirect_vreg.gather [hbm4b:s8+s2], $0x80, v4, vm0, $0xb8;
	[tilespmem:$0x8100] =	vst v63  }
0x1bb: {  	v3 =	vperm.xlane v3, v2  }
0x1bc: {  	[tilespmem:s20], [sflag:$0x1] =	stream.indirect_vreg.gather [hbm4b:s9+s2], $0x80, v4, vm0, $0xb8;
	[tilespmem:$0x8100] =	vst v63  }
0x1bd: {  	v3 =	vadd.s32 v1, v3  }
0x1be: {  	[tilespmem:s21], [sflag:$0x1] =	stream.indirect_vreg.gather [hbm4b:s10+s2], $0x80, v4, vm0, $0xb8;
	[tilespmem:$0x8100] =	vst v63  }
0x1bf: {  	_ = 	snop  }
0x1c0: {  	[tilespmem:s22], [sflag:$0x1] =	stream.indirect_vreg.gather [hbm4b:s11+s2], $0x80, v4, vm0, $0xb8;
	[tilespmem:$0x8100] =	vst v63  }
0x1c1: {  	_ = 	snop  }
0x1c2: {  	[tilespmem:s23], [sflag:$0x1] =	stream.indirect_vreg.gather [hbm4b:s4+s2], $0x80, v3, vm0, $0xb8;
	[tilespmem:$0x8100] =	vst v63  }
0x1c3: {  	_ = 	snop  }
0x1c4: {  	[tilespmem:s24], [sflag:$0x1] =	stream.indirect_vreg.gather [hbm4b:s5+s2], $0x80, v3, vm0, $0xb8;
	[tilespmem:$0x8100] =	vst v63  }
0x1c5: {  	_ = 	snop  }
0x1c6: {  	[tilespmem:s25], [sflag:$0x1] =	stream.indirect_vreg.gather [hbm4b:s6+s2], $0x80, v3, vm0, $0xb8;
	[tilespmem:$0x8100] =	vst v63  }
0x1c7: {  	_ = 	snop  }
0x1c8: {  	[tilespmem:s26], [sflag:$0x1] =	stream.indirect_vreg.gather [hbm4b:s7+s2], $0x80, v3, vm0, $0xb8;
	[tilespmem:$0x8100] =	vst v63  }
0x1c9: {  	_ = 	snop  }
0x1ca: {  	[tilespmem:s28], [sflag:$0x1] =	stream.indirect_vreg.gather [hbm4b:s8+s2], $0x80, v3, vm0, $0xb8;
	[tilespmem:$0x8100] =	vst v63  }
0x1cb: {  	_ = 	snop  }
0x1cc: {  	[tilespmem:s29], [sflag:$0x1] =	stream.indirect_vreg.gather [hbm4b:s9+s2], $0x80, v3, vm0, $0xb8;
	[tilespmem:$0x8100] =	vst v63  }
0x1cd: {  	_ = 	snop  }
0x1ce: {  	[tilespmem:s30], [sflag:$0x1] =	stream.indirect_vreg.gather [hbm4b:s10+s2], $0x80, v3, vm0, $0xb8;
	[tilespmem:$0x8100] =	vst v63  }
0x1cf: {  	_ = 	snop  }
0x1d0: {  	[tilespmem:s31], [sflag:$0x1] =	stream.indirect_vreg.gather [hbm4b:s11+s2], $0x80, v3, vm0, $0xb8;
	[tilespmem:$0x8100] =	vst v63  }
0x1d1: {  	_ =	swait.ge [sflag:s1], $0x8000  }
0x1d2: {  	[sflag:s1] =	ssyncset.done $0x0  }
0x1d3: {  	s0 =	rddreg [dreg:$0xc];
	[sflag:s1] =	ssyncadd.s32 $0xFFFF8000  }
0x1d4: {  	[hbm4b:s0+s2] =	stream.linear.scatter [tilespmem:s15], [sflag:$0x2], $0x8000, $0x38;
	[tilespmem:$0x8100] =	vst v63  }
0x1d5: {  	_ =	swait.ge [sflag:s14], $0x8000  }
0x1d6: {  	[sflag:s14] =	ssyncset.done $0x0  }
0x1d7: {  	[sflag:s14] =	ssyncadd.s32 $0xFFFF8000  }
0x1d8: {  	v3 =	vld [tilespmem:$0xA0];
	_ =	sdelay $0x4  }
0x1d9: {  	v58 =	vshll.u32 v3, $0x4  }
0x1da: {  	v3 =	vand.u32 $0x7, v3;
	v4 =	vand.u32 $0xFFFFFF80, v58  }
0x1db: {  	v3 =	vor.u32 v3, v4  }
0x1dc: {  	v4 =	vperm.xlane v3, v0;
	_ =	sdelay $0x1  }
0x1dd: {  	v4 =	vadd.s32 v1, v4;
	_ =	sdelay $0x4  }
0x1de: {  	[tilespmem:s15], [sflag:$0x1] =	stream.indirect_vreg.gather [hbm4b:s4+s2], $0x80, v4, vm0, $0xb8;
	[tilespmem:$0x8100] =	vst v63  }
0x1df: {  	_ = 	snop  }
0x1e0: {  	[tilespmem:s16], [sflag:$0x1] =	stream.indirect_vreg.gather [hbm4b:s5+s2], $0x80, v4, vm0, $0xb8;
	[tilespmem:$0x8100] =	vst v63  }
0x1e1: {  	_ = 	snop  }
0x1e2: {  	[tilespmem:s17], [sflag:$0x1] =	stream.indirect_vreg.gather [hbm4b:s6+s2], $0x80, v4, vm0, $0xb8;
	[tilespmem:$0x8100] =	vst v63  }
0x1e3: {  	_ = 	snop  }
0x1e4: {  	[tilespmem:s18], [sflag:$0x1] =	stream.indirect_vreg.gather [hbm4b:s7+s2], $0x80, v4, vm0, $0xb8;
	[tilespmem:$0x8100] =	vst v63  }
0x1e5: {  	_ = 	snop  }
0x1e6: {  	[tilespmem:s19], [sflag:$0x1] =	stream.indirect_vreg.gather [hbm4b:s8+s2], $0x80, v4, vm0, $0xb8;
	[tilespmem:$0x8100] =	vst v63  }
0x1e7: {  	v3 =	vperm.xlane v3, v2  }
0x1e8: {  	[tilespmem:s20], [sflag:$0x1] =	stream.indirect_vreg.gather [hbm4b:s9+s2], $0x80, v4, vm0, $0xb8;
	[tilespmem:$0x8100] =	vst v63  }
0x1e9: {  	v3 =	vadd.s32 v1, v3  }
0x1ea: {  	[tilespmem:s21], [sflag:$0x1] =	stream.indirect_vreg.gather [hbm4b:s10+s2], $0x80, v4, vm0, $0xb8;
	[tilespmem:$0x8100] =	vst v63  }
0x1eb: {  	_ = 	snop  }
0x1ec: {  	[tilespmem:s22], [sflag:$0x1] =	stream.indirect_vreg.gather [hbm4b:s11+s2], $0x80, v4, vm0, $0xb8;
	[tilespmem:$0x8100] =	vst v63  }
0x1ed: {  	_ = 	snop  }
0x1ee: {  	[tilespmem:s23], [sflag:$0x1] =	stream.indirect_vreg.gather [hbm4b:s4+s2], $0x80, v3, vm0, $0xb8;
	[tilespmem:$0x8100] =	vst v63  }
0x1ef: {  	_ = 	snop  }
0x1f0: {  	[tilespmem:s24], [sflag:$0x1] =	stream.indirect_vreg.gather [hbm4b:s5+s2], $0x80, v3, vm0, $0xb8;
	[tilespmem:$0x8100] =	vst v63  }
0x1f1: {  	_ = 	snop  }
0x1f2: {  	[tilespmem:s25], [sflag:$0x1] =	stream.indirect_vreg.gather [hbm4b:s6+s2], $0x80, v3, vm0, $0xb8;
	[tilespmem:$0x8100] =	vst v63  }
0x1f3: {  	_ = 	snop  }
0x1f4: {  	[tilespmem:s26], [sflag:$0x1] =	stream.indirect_vreg.gather [hbm4b:s7+s2], $0x80, v3, vm0, $0xb8;
	[tilespmem:$0x8100] =	vst v63  }
0x1f5: {  	_ = 	snop  }
0x1f6: {  	[tilespmem:s28], [sflag:$0x1] =	stream.indirect_vreg.gather [hbm4b:s8+s2], $0x80, v3, vm0, $0xb8;
	[tilespmem:$0x8100] =	vst v63  }
0x1f7: {  	_ = 	snop  }
0x1f8: {  	[tilespmem:s29], [sflag:$0x1] =	stream.indirect_vreg.gather [hbm4b:s9+s2], $0x80, v3, vm0, $0xb8;
	[tilespmem:$0x8100] =	vst v63  }
0x1f9: {  	_ = 	snop  }
0x1fa: {  	[tilespmem:s30], [sflag:$0x1] =	stream.indirect_vreg.gather [hbm4b:s10+s2], $0x80, v3, vm0, $0xb8;
	[tilespmem:$0x8100] =	vst v63  }
0x1fb: {  	_ = 	snop  }
0x1fc: {  	[tilespmem:s31], [sflag:$0x1] =	stream.indirect_vreg.gather [hbm4b:s11+s2], $0x80, v3, vm0, $0xb8;
	[tilespmem:$0x8100] =	vst v63  }
0x1fd: {  	_ =	swait.ge [sflag:s1], $0x8000  }
0x1fe: {  	[sflag:s1] =	ssyncset.done $0x0  }
0x1ff: {  	s0 =	rddreg [dreg:$0xd];
	[sflag:s1] =	ssyncadd.s32 $0xFFFF8000  }
0x200: {  	[hbm4b:s0+s2] =	stream.linear.scatter [tilespmem:s15], [sflag:$0x2], $0x8000, $0x38;
	[tilespmem:$0x8100] =	vst v63  }
0x201: {  	_ =	swait.ge [sflag:s14], $0x8000  }
0x202: {  	[sflag:s14] =	ssyncset.done $0x0  }
0x203: {  	[sflag:s14] =	ssyncadd.s32 $0xFFFF8000  }
0x204: {  	v3 =	vld [tilespmem:$0xB0];
	_ =	sdelay $0x4  }
0x205: {  	v59 =	vshll.u32 v3, $0x4  }
0x206: {  	v3 =	vand.u32 $0x7, v3;
	v4 =	vand.u32 $0xFFFFFF80, v59  }
0x207: {  	v3 =	vor.u32 v3, v4  }
0x208: {  	v4 =	vperm.xlane v3, v0;
	_ =	sdelay $0x1  }
0x209: {  	v4 =	vadd.s32 v1, v4;
	_ =	sdelay $0x4  }
0x20a: {  	[tilespmem:s15], [sflag:$0x1] =	stream.indirect_vreg.gather [hbm4b:s4+s2], $0x80, v4, vm0, $0xb8;
	[tilespmem:$0x8100] =	vst v63  }
0x20b: {  	_ = 	snop  }
0x20c: {  	[tilespmem:s16], [sflag:$0x1] =	stream.indirect_vreg.gather [hbm4b:s5+s2], $0x80, v4, vm0, $0xb8;
	[tilespmem:$0x8100] =	vst v63  }
0x20d: {  	_ = 	snop  }
0x20e: {  	[tilespmem:s17], [sflag:$0x1] =	stream.indirect_vreg.gather [hbm4b:s6+s2], $0x80, v4, vm0, $0xb8;
	[tilespmem:$0x8100] =	vst v63  }
0x20f: {  	_ = 	snop  }
0x210: {  	[tilespmem:s18], [sflag:$0x1] =	stream.indirect_vreg.gather [hbm4b:s7+s2], $0x80, v4, vm0, $0xb8;
	[tilespmem:$0x8100] =	vst v63  }
0x211: {  	_ = 	snop  }
0x212: {  	[tilespmem:s19], [sflag:$0x1] =	stream.indirect_vreg.gather [hbm4b:s8+s2], $0x80, v4, vm0, $0xb8;
	[tilespmem:$0x8100] =	vst v63  }
0x213: {  	v3 =	vperm.xlane v3, v2  }
0x214: {  	[tilespmem:s20], [sflag:$0x1] =	stream.indirect_vreg.gather [hbm4b:s9+s2], $0x80, v4, vm0, $0xb8;
	[tilespmem:$0x8100] =	vst v63  }
0x215: {  	v3 =	vadd.s32 v1, v3  }
0x216: {  	[tilespmem:s21], [sflag:$0x1] =	stream.indirect_vreg.gather [hbm4b:s10+s2], $0x80, v4, vm0, $0xb8;
	[tilespmem:$0x8100] =	vst v63  }
0x217: {  	_ = 	snop  }
0x218: {  	[tilespmem:s22], [sflag:$0x1] =	stream.indirect_vreg.gather [hbm4b:s11+s2], $0x80, v4, vm0, $0xb8;
	[tilespmem:$0x8100] =	vst v63  }
0x219: {  	_ = 	snop  }
0x21a: {  	[tilespmem:s23], [sflag:$0x1] =	stream.indirect_vreg.gather [hbm4b:s4+s2], $0x80, v3, vm0, $0xb8;
	[tilespmem:$0x8100] =	vst v63  }
0x21b: {  	_ = 	snop  }
0x21c: {  	[tilespmem:s24], [sflag:$0x1] =	stream.indirect_vreg.gather [hbm4b:s5+s2], $0x80, v3, vm0, $0xb8;
	[tilespmem:$0x8100] =	vst v63  }
0x21d: {  	_ = 	snop  }
0x21e: {  	[tilespmem:s25], [sflag:$0x1] =	stream.indirect_vreg.gather [hbm4b:s6+s2], $0x80, v3, vm0, $0xb8;
	[tilespmem:$0x8100] =	vst v63  }
0x21f: {  	_ = 	snop  }
0x220: {  	[tilespmem:s26], [sflag:$0x1] =	stream.indirect_vreg.gather [hbm4b:s7+s2], $0x80, v3, vm0, $0xb8;
	[tilespmem:$0x8100] =	vst v63  }
0x221: {  	_ = 	snop  }
0x222: {  	[tilespmem:s28], [sflag:$0x1] =	stream.indirect_vreg.gather [hbm4b:s8+s2], $0x80, v3, vm0, $0xb8;
	[tilespmem:$0x8100] =	vst v63  }
0x223: {  	_ = 	snop  }
0x224: {  	[tilespmem:s29], [sflag:$0x1] =	stream.indirect_vreg.gather [hbm4b:s9+s2], $0x80, v3, vm0, $0xb8;
	[tilespmem:$0x8100] =	vst v63  }
0x225: {  	_ = 	snop  }
0x226: {  	[tilespmem:s30], [sflag:$0x1] =	stream.indirect_vreg.gather [hbm4b:s10+s2], $0x80, v3, vm0, $0xb8;
	[tilespmem:$0x8100] =	vst v63  }
0x227: {  	_ = 	snop  }
0x228: {  	[tilespmem:s31], [sflag:$0x1] =	stream.indirect_vreg.gather [hbm4b:s11+s2], $0x80, v3, vm0, $0xb8;
	[tilespmem:$0x8100] =	vst v63  }
0x229: {  	_ =	swait.ge [sflag:s1], $0x8000  }
0x22a: {  	[sflag:s1] =	ssyncset.done $0x0  }
0x22b: {  	s0 =	rddreg [dreg:$0xe];
	[sflag:s1] =	ssyncadd.s32 $0xFFFF8000  }
0x22c: {  	[hbm4b:s0+s2] =	stream.linear.scatter [tilespmem:s15], [sflag:$0x2], $0x8000, $0x38;
	[tilespmem:$0x8100] =	vst v63  }
0x22d: {  	_ =	swait.ge [sflag:s14], $0x8000  }
0x22e: {  	[sflag:s14] =	ssyncset.done $0x0  }
0x22f: {  	[sflag:s14] =	ssyncadd.s32 $0xFFFF8000  }
0x230: {  	v3 =	vld [tilespmem:$0xC0];
	_ =	sdelay $0x4  }
0x231: {  	v60 =	vshll.u32 v3, $0x4  }
0x232: {  	v3 =	vand.u32 $0x7, v3;
	v4 =	vand.u32 $0xFFFFFF80, v60  }
0x233: {  	v3 =	vor.u32 v3, v4  }
0x234: {  	v4 =	vperm.xlane v3, v0;
	_ =	sdelay $0x1  }
0x235: {  	v4 =	vadd.s32 v1, v4;
	_ =	sdelay $0x4  }
0x236: {  	[tilespmem:s15], [sflag:$0x1] =	stream.indirect_vreg.gather [hbm4b:s4+s2], $0x80, v4, vm0, $0xb8;
	[tilespmem:$0x8100] =	vst v63  }
0x237: {  	_ = 	snop  }
0x238: {  	[tilespmem:s16], [sflag:$0x1] =	stream.indirect_vreg.gather [hbm4b:s5+s2], $0x80, v4, vm0, $0xb8;
	[tilespmem:$0x8100] =	vst v63  }
0x239: {  	_ = 	snop  }
0x23a: {  	[tilespmem:s17], [sflag:$0x1] =	stream.indirect_vreg.gather [hbm4b:s6+s2], $0x80, v4, vm0, $0xb8;
	[tilespmem:$0x8100] =	vst v63  }
0x23b: {  	_ = 	snop  }
0x23c: {  	[tilespmem:s18], [sflag:$0x1] =	stream.indirect_vreg.gather [hbm4b:s7+s2], $0x80, v4, vm0, $0xb8;
	[tilespmem:$0x8100] =	vst v63  }
0x23d: {  	_ = 	snop  }
0x23e: {  	[tilespmem:s19], [sflag:$0x1] =	stream.indirect_vreg.gather [hbm4b:s8+s2], $0x80, v4, vm0, $0xb8;
	[tilespmem:$0x8100] =	vst v63  }
0x23f: {  	v3 =	vperm.xlane v3, v2  }
0x240: {  	[tilespmem:s20], [sflag:$0x1] =	stream.indirect_vreg.gather [hbm4b:s9+s2], $0x80, v4, vm0, $0xb8;
	[tilespmem:$0x8100] =	vst v63  }
0x241: {  	v3 =	vadd.s32 v1, v3  }
0x242: {  	[tilespmem:s21], [sflag:$0x1] =	stream.indirect_vreg.gather [hbm4b:s10+s2], $0x80, v4, vm0, $0xb8;
	[tilespmem:$0x8100] =	vst v63  }
0x243: {  	_ = 	snop  }
0x244: {  	[tilespmem:s22], [sflag:$0x1] =	stream.indirect_vreg.gather [hbm4b:s11+s2], $0x80, v4, vm0, $0xb8;
	[tilespmem:$0x8100] =	vst v63  }
0x245: {  	_ = 	snop  }
0x246: {  	[tilespmem:s23], [sflag:$0x1] =	stream.indirect_vreg.gather [hbm4b:s4+s2], $0x80, v3, vm0, $0xb8;
	[tilespmem:$0x8100] =	vst v63  }
0x247: {  	_ = 	snop  }
0x248: {  	[tilespmem:s24], [sflag:$0x1] =	stream.indirect_vreg.gather [hbm4b:s5+s2], $0x80, v3, vm0, $0xb8;
	[tilespmem:$0x8100] =	vst v63  }
0x249: {  	_ = 	snop  }
0x24a: {  	[tilespmem:s25], [sflag:$0x1] =	stream.indirect_vreg.gather [hbm4b:s6+s2], $0x80, v3, vm0, $0xb8;
	[tilespmem:$0x8100] =	vst v63  }
0x24b: {  	_ = 	snop  }
0x24c: {  	[tilespmem:s26], [sflag:$0x1] =	stream.indirect_vreg.gather [hbm4b:s7+s2], $0x80, v3, vm0, $0xb8;
	[tilespmem:$0x8100] =	vst v63  }
0x24d: {  	_ = 	snop  }
0x24e: {  	[tilespmem:s28], [sflag:$0x1] =	stream.indirect_vreg.gather [hbm4b:s8+s2], $0x80, v3, vm0, $0xb8;
	[tilespmem:$0x8100] =	vst v63  }
0x24f: {  	_ = 	snop  }
0x250: {  	[tilespmem:s29], [sflag:$0x1] =	stream.indirect_vreg.gather [hbm4b:s9+s2], $0x80, v3, vm0, $0xb8;
	[tilespmem:$0x8100] =	vst v63  }
0x251: {  	_ = 	snop  }
0x252: {  	[tilespmem:s30], [sflag:$0x1] =	stream.indirect_vreg.gather [hbm4b:s10+s2], $0x80, v3, vm0, $0xb8;
	[tilespmem:$0x8100] =	vst v63  }
0x253: {  	_ = 	snop  }
0x254: {  	[tilespmem:s31], [sflag:$0x1] =	stream.indirect_vreg.gather [hbm4b:s11+s2], $0x80, v3, vm0, $0xb8;
	[tilespmem:$0x8100] =	vst v63  }
0x255: {  	_ =	swait.ge [sflag:s1], $0x8000  }
0x256: {  	[sflag:s1] =	ssyncset.done $0x0  }
0x257: {  	s0 =	rddreg [dreg:$0xf];
	[sflag:s1] =	ssyncadd.s32 $0xFFFF8000  }
0x258: {  	[hbm4b:s0+s2] =	stream.linear.scatter [tilespmem:s15], [sflag:$0x2], $0x8000, $0x38;
	[tilespmem:$0x8100] =	vst v63  }
0x259: {  	_ =	swait.ge [sflag:s14], $0x8000  }
0x25a: {  	[sflag:s14] =	ssyncset.done $0x0  }
0x25b: {  	[sflag:s14] =	ssyncadd.s32 $0xFFFF8000  }
0x25c: {  	v3 =	vld [tilespmem:$0xD0];
	_ =	sdelay $0x4  }
0x25d: {  	v61 =	vshll.u32 v3, $0x4  }
0x25e: {  	v3 =	vand.u32 $0x7, v3;
	v4 =	vand.u32 $0xFFFFFF80, v61  }
0x25f: {  	v3 =	vor.u32 v3, v4  }
0x260: {  	v4 =	vperm.xlane v3, v0;
	_ =	sdelay $0x1  }
0x261: {  	v4 =	vadd.s32 v1, v4;
	_ =	sdelay $0x4  }
0x262: {  	[tilespmem:s15], [sflag:$0x1] =	stream.indirect_vreg.gather [hbm4b:s4+s2], $0x80, v4, vm0, $0xb8;
	[tilespmem:$0x8100] =	vst v63  }
0x263: {  	_ = 	snop  }
0x264: {  	[tilespmem:s16], [sflag:$0x1] =	stream.indirect_vreg.gather [hbm4b:s5+s2], $0x80, v4, vm0, $0xb8;
	[tilespmem:$0x8100] =	vst v63  }
0x265: {  	_ = 	snop  }
0x266: {  	[tilespmem:s17], [sflag:$0x1] =	stream.indirect_vreg.gather [hbm4b:s6+s2], $0x80, v4, vm0, $0xb8;
	[tilespmem:$0x8100] =	vst v63  }
0x267: {  	_ = 	snop  }
0x268: {  	[tilespmem:s18], [sflag:$0x1] =	stream.indirect_vreg.gather [hbm4b:s7+s2], $0x80, v4, vm0, $0xb8;
	[tilespmem:$0x8100] =	vst v63  }
0x269: {  	_ = 	snop  }
0x26a: {  	[tilespmem:s19], [sflag:$0x1] =	stream.indirect_vreg.gather [hbm4b:s8+s2], $0x80, v4, vm0, $0xb8;
	[tilespmem:$0x8100] =	vst v63  }
0x26b: {  	v3 =	vperm.xlane v3, v2  }
0x26c: {  	[tilespmem:s20], [sflag:$0x1] =	stream.indirect_vreg.gather [hbm4b:s9+s2], $0x80, v4, vm0, $0xb8;
	[tilespmem:$0x8100] =	vst v63  }
0x26d: {  	v3 =	vadd.s32 v1, v3  }
0x26e: {  	[tilespmem:s21], [sflag:$0x1] =	stream.indirect_vreg.gather [hbm4b:s10+s2], $0x80, v4, vm0, $0xb8;
	[tilespmem:$0x8100] =	vst v63  }
0x26f: {  	_ = 	snop  }
0x270: {  	[tilespmem:s22], [sflag:$0x1] =	stream.indirect_vreg.gather [hbm4b:s11+s2], $0x80, v4, vm0, $0xb8;
	[tilespmem:$0x8100] =	vst v63  }
0x271: {  	_ = 	snop  }
0x272: {  	[tilespmem:s23], [sflag:$0x1] =	stream.indirect_vreg.gather [hbm4b:s4+s2], $0x80, v3, vm0, $0xb8;
	[tilespmem:$0x8100] =	vst v63  }
0x273: {  	_ = 	snop  }
0x274: {  	[tilespmem:s24], [sflag:$0x1] =	stream.indirect_vreg.gather [hbm4b:s5+s2], $0x80, v3, vm0, $0xb8;
	[tilespmem:$0x8100] =	vst v63  }
0x275: {  	_ = 	snop  }
0x276: {  	[tilespmem:s25], [sflag:$0x1] =	stream.indirect_vreg.gather [hbm4b:s6+s2], $0x80, v3, vm0, $0xb8;
	[tilespmem:$0x8100] =	vst v63  }
0x277: {  	_ = 	snop  }
0x278: {  	[tilespmem:s26], [sflag:$0x1] =	stream.indirect_vreg.gather [hbm4b:s7+s2], $0x80, v3, vm0, $0xb8;
	[tilespmem:$0x8100] =	vst v63  }
0x279: {  	_ = 	snop  }
0x27a: {  	[tilespmem:s28], [sflag:$0x1] =	stream.indirect_vreg.gather [hbm4b:s8+s2], $0x80, v3, vm0, $0xb8;
	[tilespmem:$0x8100] =	vst v63  }
0x27b: {  	_ = 	snop  }
0x27c: {  	[tilespmem:s29], [sflag:$0x1] =	stream.indirect_vreg.gather [hbm4b:s9+s2], $0x80, v3, vm0, $0xb8;
	[tilespmem:$0x8100] =	vst v63  }
0x27d: {  	_ = 	snop  }
0x27e: {  	[tilespmem:s30], [sflag:$0x1] =	stream.indirect_vreg.gather [hbm4b:s10+s2], $0x80, v3, vm0, $0xb8;
	[tilespmem:$0x8100] =	vst v63  }
0x27f: {  	_ = 	snop  }
0x280: {  	[tilespmem:s31], [sflag:$0x1] =	stream.indirect_vreg.gather [hbm4b:s11+s2], $0x80, v3, vm0, $0xb8;
	[tilespmem:$0x8100] =	vst v63  }
0x281: {  	_ =	swait.ge [sflag:s1], $0x8000  }
0x282: {  	[sflag:s1] =	ssyncset.done $0x0  }
0x283: {  	s0 =	rddreg [dreg:$0x10];
	[sflag:s1] =	ssyncadd.s32 $0xFFFF8000  }
0x284: {  	[hbm4b:s0+s2] =	stream.linear.scatter [tilespmem:s15], [sflag:$0x2], $0x8000, $0x38;
	[tilespmem:$0x8100] =	vst v63  }
0x285: {  	_ =	swait.ge [sflag:s14], $0x8000  }
0x286: {  	[sflag:s14] =	ssyncset.done $0x0  }
0x287: {  	[sflag:s14] =	ssyncadd.s32 $0xFFFF8000  }
0x288: {  	v3 =	vld [tilespmem:$0xE0];
	_ =	sdelay $0x4  }
0x289: {  	v62 =	vshll.u32 v3, $0x4  }
0x28a: {  	v3 =	vand.u32 $0x7, v3;
	v4 =	vand.u32 $0xFFFFFF80, v62  }
0x28b: {  	v3 =	vor.u32 v3, v4  }
0x28c: {  	v4 =	vperm.xlane v3, v0;
	_ =	sdelay $0x1  }
0x28d: {  	v4 =	vadd.s32 v1, v4;
	_ =	sdelay $0x4  }
0x28e: {  	[tilespmem:s15], [sflag:$0x1] =	stream.indirect_vreg.gather [hbm4b:s4+s2], $0x80, v4, vm0, $0xb8;
	[tilespmem:$0x8100] =	vst v63  }
0x28f: {  	_ = 	snop  }
0x290: {  	[tilespmem:s16], [sflag:$0x1] =	stream.indirect_vreg.gather [hbm4b:s5+s2], $0x80, v4, vm0, $0xb8;
	[tilespmem:$0x8100] =	vst v63  }
0x291: {  	_ = 	snop  }
0x292: {  	[tilespmem:s17], [sflag:$0x1] =	stream.indirect_vreg.gather [hbm4b:s6+s2], $0x80, v4, vm0, $0xb8;
	[tilespmem:$0x8100] =	vst v63  }
0x293: {  	_ = 	snop  }
0x294: {  	[tilespmem:s18], [sflag:$0x1] =	stream.indirect_vreg.gather [hbm4b:s7+s2], $0x80, v4, vm0, $0xb8;
	[tilespmem:$0x8100] =	vst v63  }
0x295: {  	_ = 	snop  }
0x296: {  	[tilespmem:s19], [sflag:$0x1] =	stream.indirect_vreg.gather [hbm4b:s8+s2], $0x80, v4, vm0, $0xb8;
	[tilespmem:$0x8100] =	vst v63  }
0x297: {  	v3 =	vperm.xlane v3, v2  }
0x298: {  	[tilespmem:s20], [sflag:$0x1] =	stream.indirect_vreg.gather [hbm4b:s9+s2], $0x80, v4, vm0, $0xb8;
	[tilespmem:$0x8100] =	vst v63  }
0x299: {  	v3 =	vadd.s32 v1, v3  }
0x29a: {  	[tilespmem:s21], [sflag:$0x1] =	stream.indirect_vreg.gather [hbm4b:s10+s2], $0x80, v4, vm0, $0xb8;
	[tilespmem:$0x8100] =	vst v63  }
0x29b: {  	_ = 	snop  }
0x29c: {  	[tilespmem:s22], [sflag:$0x1] =	stream.indirect_vreg.gather [hbm4b:s11+s2], $0x80, v4, vm0, $0xb8;
	[tilespmem:$0x8100] =	vst v63  }
0x29d: {  	_ = 	snop  }
0x29e: {  	[tilespmem:s23], [sflag:$0x1] =	stream.indirect_vreg.gather [hbm4b:s4+s2], $0x80, v3, vm0, $0xb8;
	[tilespmem:$0x8100] =	vst v63  }
0x29f: {  	_ = 	snop  }
0x2a0: {  	[tilespmem:s24], [sflag:$0x1] =	stream.indirect_vreg.gather [hbm4b:s5+s2], $0x80, v3, vm0, $0xb8;
	[tilespmem:$0x8100] =	vst v63  }
0x2a1: {  	_ = 	snop  }
0x2a2: {  	[tilespmem:s25], [sflag:$0x1] =	stream.indirect_vreg.gather [hbm4b:s6+s2], $0x80, v3, vm0, $0xb8;
	[tilespmem:$0x8100] =	vst v63  }
0x2a3: {  	_ = 	snop  }
0x2a4: {  	[tilespmem:s26], [sflag:$0x1] =	stream.indirect_vreg.gather [hbm4b:s7+s2], $0x80, v3, vm0, $0xb8;
	[tilespmem:$0x8100] =	vst v63  }
0x2a5: {  	_ = 	snop  }
0x2a6: {  	[tilespmem:s28], [sflag:$0x1] =	stream.indirect_vreg.gather [hbm4b:s8+s2], $0x80, v3, vm0, $0xb8;
	[tilespmem:$0x8100] =	vst v63  }
0x2a7: {  	_ = 	snop  }
0x2a8: {  	[tilespmem:s29], [sflag:$0x1] =	stream.indirect_vreg.gather [hbm4b:s9+s2], $0x80, v3, vm0, $0xb8;
	[tilespmem:$0x8100] =	vst v63  }
0x2a9: {  	_ = 	snop  }
0x2aa: {  	[tilespmem:s30], [sflag:$0x1] =	stream.indirect_vreg.gather [hbm4b:s10+s2], $0x80, v3, vm0, $0xb8;
	[tilespmem:$0x8100] =	vst v63  }
0x2ab: {  	_ = 	snop  }
0x2ac: {  	[tilespmem:s31], [sflag:$0x1] =	stream.indirect_vreg.gather [hbm4b:s11+s2], $0x80, v3, vm0, $0xb8;
	[tilespmem:$0x8100] =	vst v63  }
0x2ad: {  	_ =	swait.ge [sflag:s1], $0x8000  }
0x2ae: {  	[sflag:s1] =	ssyncset.done $0x0  }
0x2af: {  	s0 =	rddreg [dreg:$0x11];
	[sflag:s1] =	ssyncadd.s32 $0xFFFF8000  }
0x2b0: {  	[hbm4b:s0+s2] =	stream.linear.scatter [tilespmem:s15], [sflag:$0x2], $0x8000, $0x38;
	[tilespmem:$0x8100] =	vst v63  }
0x2b1: {  	_ =	swait.ge [sflag:s14], $0x8000  }
0x2b2: {  	[sflag:s14] =	ssyncset.done $0x0  }
0x2b3: {  	[sflag:s14] =	ssyncadd.s32 $0xFFFF8000  }
0x2b4: {  	v3 =	vld [tilespmem:$0xF0];
	_ =	sdelay $0x4  }
0x2b5: {  	v63 =	vshll.u32 v3, $0x4  }
0x2b6: {  	v3 =	vand.u32 $0x7, v3;
	v4 =	vand.u32 $0xFFFFFF80, v63  }
0x2b7: {  	v3 =	vor.u32 v3, v4  }
0x2b8: {  	v4 =	vperm.xlane v3, v0;
	_ =	sdelay $0x1  }
0x2b9: {  	v4 =	vadd.s32 v1, v4;
	_ =	sdelay $0x4  }
0x2ba: {  	[tilespmem:s15], [sflag:$0x1] =	stream.indirect_vreg.gather [hbm4b:s4+s2], $0x80, v4, vm0, $0xb8;
	[tilespmem:$0x8100] =	vst v63  }
0x2bb: {  	_ = 	snop  }
0x2bc: {  	[tilespmem:s16], [sflag:$0x1] =	stream.indirect_vreg.gather [hbm4b:s5+s2], $0x80, v4, vm0, $0xb8;
	[tilespmem:$0x8100] =	vst v63  }
0x2bd: {  	_ = 	snop  }
0x2be: {  	[tilespmem:s17], [sflag:$0x1] =	stream.indirect_vreg.gather [hbm4b:s6+s2], $0x80, v4, vm0, $0xb8;
	[tilespmem:$0x8100] =	vst v63  }
0x2bf: {  	_ = 	snop  }
0x2c0: {  	[tilespmem:s18], [sflag:$0x1] =	stream.indirect_vreg.gather [hbm4b:s7+s2], $0x80, v4, vm0, $0xb8;
	[tilespmem:$0x8100] =	vst v63  }
0x2c1: {  	_ = 	snop  }
0x2c2: {  	[tilespmem:s19], [sflag:$0x1] =	stream.indirect_vreg.gather [hbm4b:s8+s2], $0x80, v4, vm0, $0xb8;
	[tilespmem:$0x8100] =	vst v63  }
0x2c3: {  	v3 =	vperm.xlane v3, v2  }
0x2c4: {  	[tilespmem:s20], [sflag:$0x1] =	stream.indirect_vreg.gather [hbm4b:s9+s2], $0x80, v4, vm0, $0xb8;
	[tilespmem:$0x8100] =	vst v63  }
0x2c5: {  	v3 =	vadd.s32 v1, v3  }
0x2c6: {  	[tilespmem:s21], [sflag:$0x1] =	stream.indirect_vreg.gather [hbm4b:s10+s2], $0x80, v4, vm0, $0xb8;
	[tilespmem:$0x8100] =	vst v63  }
0x2c7: {  	_ = 	snop  }
0x2c8: {  	[tilespmem:s22], [sflag:$0x1] =	stream.indirect_vreg.gather [hbm4b:s11+s2], $0x80, v4, vm0, $0xb8;
	[tilespmem:$0x8100] =	vst v63  }
0x2c9: {  	_ = 	snop  }
0x2ca: {  	[tilespmem:s23], [sflag:$0x1] =	stream.indirect_vreg.gather [hbm4b:s4+s2], $0x80, v3, vm0, $0xb8;
	[tilespmem:$0x8100] =	vst v63  }
0x2cb: {  	_ = 	snop  }
0x2cc: {  	[tilespmem:s24], [sflag:$0x1] =	stream.indirect_vreg.gather [hbm4b:s5+s2], $0x80, v3, vm0, $0xb8;
	[tilespmem:$0x8100] =	vst v63  }
0x2cd: {  	_ = 	snop  }
0x2ce: {  	[tilespmem:s25], [sflag:$0x1] =	stream.indirect_vreg.gather [hbm4b:s6+s2], $0x80, v3, vm0, $0xb8;
	[tilespmem:$0x8100] =	vst v63  }
0x2cf: {  	_ = 	snop  }
0x2d0: {  	[tilespmem:s26], [sflag:$0x1] =	stream.indirect_vreg.gather [hbm4b:s7+s2], $0x80, v3, vm0, $0xb8;
	[tilespmem:$0x8100] =	vst v63  }
0x2d1: {  	_ = 	snop  }
0x2d2: {  	[tilespmem:s28], [sflag:$0x1] =	stream.indirect_vreg.gather [hbm4b:s8+s2], $0x80, v3, vm0, $0xb8;
	[tilespmem:$0x8100] =	vst v63  }
0x2d3: {  	_ = 	snop  }
0x2d4: {  	[tilespmem:s29], [sflag:$0x1] =	stream.indirect_vreg.gather [hbm4b:s9+s2], $0x80, v3, vm0, $0xb8;
	[tilespmem:$0x8100] =	vst v63  }
0x2d5: {  	_ = 	snop  }
0x2d6: {  	[tilespmem:s30], [sflag:$0x1] =	stream.indirect_vreg.gather [hbm4b:s10+s2], $0x80, v3, vm0, $0xb8;
	[tilespmem:$0x8100] =	vst v63  }
0x2d7: {  	_ = 	snop  }
0x2d8: {  	[tilespmem:s31], [sflag:$0x1] =	stream.indirect_vreg.gather [hbm4b:s11+s2], $0x80, v3, vm0, $0xb8;
	[tilespmem:$0x8100] =	vst v63  }
0x2d9: {  	_ =	swait.ge [sflag:s1], $0x8000  }
0x2da: {  	p0 =	sne.s32 s13, $0x1;
	[sflag:s1] =	ssyncset.done $0x0  }
.Ltmp0:
0x2db: {  	[sflag:s1] =	ssyncadd.s32 $0xFFFF8000;
	(pc) =	sbr.rel @p0 .LBB2_1-.Ltmp0, $4  }
0x2dc: {  	[hbm4b:s12+s2] =	stream.linear.scatter [tilespmem:s15], [sflag:$0x2], $0x8000, $0x38;
	[tilespmem:$0x8100] =	vst v63  }
0x2dd: {  	_ =	swait.ge [sflag:s14], $0x8000  }
0x2de: {  	[sflag:s14] =	ssyncset.done $0x0  }
0x2df: {  	s13 =	sadd.s32 $0xFFFFFFFF, s13;
	[sflag:s14] =	ssyncadd.s32 $0xFFFF8000  }
0x2e0: {  	_ =	sfence.sel $0x180000  }
0x2e1: {  	[bflag:$0x0] =	sbarrier.arrive $0xFFFF  }
0x2e2: {  	_ =	strace $0x9000004D  }
0x2e3: {  	s0 =	stileid.u32;
	[bflag:$0x2] =	sbarrier.arrive $0xFFFF  }
0x2e4: {  	p0 =	sne.s32 s0, $0x0;
	s0 =	rddreg [dreg:$0x2]  }
0x2e5: {  	s0 =	sadd.s32 @!p0 $0x100000, s0  }
0x2e6: {  	[sflag:s0] =	ssyncadd.tile.s32 @!p0 $0x1;
	_ =	shalt  }
.Lfunc_end2:
_tile_overlayer_lowered:
.L_overlay_start_2:
0x2e7: {  	(tag) =	ssettag $0x2  }
0x2e8: {  	s0 =	rddreg [dreg:$0x0];
	s2 =	stileid.u32  }
0x2e9: {  	s1 =	rddreg [dreg:$0x1];
	p0 =	sne.s32 s2, $0x0  }
0x2ea: {  	s3 =	rddreg [dreg:$0x2];
	[bflag:$0x3] =	sbarrier.arrive $0xFFFF;
	s2 =	simm.s32 @!p0 $0x1C02  }
0x2eb: {  	[timem:s3], [sflag:s2] =	dma.local @!p0 [hbm:s0], s1  }
0x2ec: {  	s0 =	simm.s32 @!p0 $0x2  }
0x2ed: {  	_ =	swait.ge @!p0 [sflag:s0], s1  }
0x2ee: {  	s1 =	ssub.s32 @!p0 $0x0, s1;
	[sflag:s0] =	ssyncset.done @!p0 $0x0  }
0x2ef: {  	[sflag:s0] =	ssyncadd.s32 @!p0 s1  }
0x2f0: {  	[bflag:$0x3] =	sbarrier.arrive $0xFFFF  }
0x2f1: {  	_ =	shalt  }

// kernel: kernel.6.cloned.1.call-start
scs
__scs_entry_jumppad:
0x0: {  	(pc) =	sbr.rel $0x88, $3  }
0x1: {  	(tag) =	ssettag $0x0;
	lr =	simm.s32 $0x1  }
0x2: {  	[smem:$0x3F9D] =	sst lr;
	_ =	strace $0xD0000000  }
0x3: {  	_ = 	snop  }
0x4: {  	_ = 	snop  }
0x5: {  	_ = 	snop  }
0x6: {  	_ = 	snop  }
0x7: {  	_ = 	snop  }
__scs_overlays_trampoline_lowered:
0x8: {  	[smem:$0x3FAC] =	sst s0  }
0x9: {  	[smem:$0x3FAD] =	sst s1  }
0xa: {  	[smem:$0x3FAE] =	sst s2  }
0xb: {  	[smem:$0x3FAF] =	sst s3  }
0xc: {  	[smem:$0x3FB0] =	sst s4  }
0xd: {  	[smem:$0x3FB1] =	sst s5  }
0xe: {  	[smem:$0x3FB2] =	sst s6  }
0xf: {  	[smem:$0x3FB3] =	sst s7  }
0x10: {  	[smem:$0x3FB4] =	sst s8  }
0x11: {  	[smem:$0x3FB5] =	sst s9;
	s0 =	simm.s32 @!p0 $0x0  }
0x12: {  	s1 =	sld [smem:$0x3F9B];
	s0 =	simm.s32 @p0 $0x1  }
0x13: {  	[smem:$0x3FB6] =	sst s0;
	s0 =	simm.s32 @!p1 $0x0  }
0x14: {  	s2 =	sld [smem:$0x3F9A];
	s0 =	simm.s32 @p1 $0x1  }
0x15: {  	[smem:$0x3FB7] =	sst s0;
	s0 =	simm.s32 @!p2 $0x0  }
0x16: {  	s3 =	sld [smem:$0x3FDB];
	s0 =	simm.s32 @p2 $0x1  }
0x17: {  	s4 =	simm.s32 $0x1BF5;
	[smem:$0x3FB9] =	sst s0  }
0x18: {  	s0 =	sld [smem:$0x3F9C];
	_ =	swait.ge [sflag:s4], $0x0  }
0x19: {  	s7 =	sld [smem:$0x3F9D]  }
0x1a: {  	s8 =	sadd.s32 $0xFFFFE003, lr  }
0x1b: {  	s9 =	sadd.s32 $0xFFFFFEF7, lr;
	s5 =	simm.s32 $0xFFFFFFFF;
	p2 =	slt.u32 s8, $0xFFFFF086  }
0x1c: {  	p1 =	slt.u32 s9, $0xF7A;
	s5 =	simm.s32 @!p2 $0x0  }
0x1d: {  	s5 =	simm.s32 @p1 $0x1;
	p0 =	seq.s32 s7, s2  }
0x1e: {  	s7 =	smul.u32 @!p0 $0xF7A, s2;
	p2 =	seq.s32 @!p0 s5, $0x0  }
0x1f: {  	s9 =	smul.u32 $0xF7A, s1;
	s8 =	simm.s32 @!p0 $0x1BF5;
	p2 =	por !p2, p0  }
0x20: {  	[sflag:s8] =	ssyncset.s32 @!p0 $0xFFFFF086;
	s6 =	sadd.s32 @!p0 s3, s7;
	s7 =	simm.s32 @!p0 $0x108  }
0x21: {  	s3 =	sadd.s32 s3, s9;
	s6 =	sadd.s32 @!p0 $0x88, s6;
	s7 =	simm.s32 @p2 $0x1082  }
0x22: {  	[simem:s7], [sflag:s8] =	dma.local @!p0 [hbm:s6], $0xF7A  }
0x23: {  	s9 =	sor.u32 $0xD0000000, s2;
	s6 =	simm.s32 $0x108;
	_ =	swait.ge @!p0 [sflag:s8], $0x0  }
0x24: {  	s3 =	sadd.s32 $0x88, s3;
	s6 =	simm.s32 @!p1 $0x1082;
	[sflag:s4] =	ssyncset.s32 $0xFFFFF086  }
0x25: {  	[simem:s6], [sflag:s4] =	dma.local [hbm:s3], $0xF7A  }
0x26: {  	[smem:$0x3F9D] =	sst s1;
	(tag) =	ssettag s2;
	_ =	strace s9  }
0x27: {  	s1 =	sld [smem:$0x3FAD]  }
0x28: {  	s2 =	sld [smem:$0x3FAE]  }
0x29: {  	s4 =	sld [smem:$0x3FB0]  }
0x2a: {  	p0 =	seq.s32 s5, $0x0;
	s5 =	sld [smem:$0x3FB1]  }
0x2b: {  	s6 =	sld [smem:$0x3FB2]  }
0x2c: {  	s7 =	sld [smem:$0x3FB3]  }
0x2d: {  	s3 =	simm.s32 $0x108;
	s8 =	sld [smem:$0x3FB4]  }
0x2e: {  	s3 =	simm.s32 @!p0 $0x1082;
	s9 =	sld [smem:$0x3FB5]  }
0x2f: {  	lr =	sadd.s32 s0, s3;
	s0 =	sld [smem:$0x3FAC]  }
0x30: {  	s3 =	sld [smem:$0x3FAF]  }
0x31: {  	[smem:$0x3FB8] =	sst s10  }
0x32: {  	s10 =	sld [smem:$0x3FB6];
	_ =	sdelay $0x3  }
0x33: {  	p0 =	seq.s32 s10, $0x1;
	s10 =	sld [smem:$0x3FB8];
	_ =	sdelay $0x3  }
0x34: {  	[smem:$0x3FB8] =	sst s10  }
0x35: {  	s10 =	sld [smem:$0x3FB7];
	_ =	sdelay $0x3  }
0x36: {  	p1 =	seq.s32 s10, $0x1;
	s10 =	sld [smem:$0x3FB8];
	_ =	sdelay $0x3  }
0x37: {  	[smem:$0x3FB8] =	sst s10  }
0x38: {  	s10 =	sld [smem:$0x3FB9]  }
0x39: {  	_ = 	snop;
	(pc) =	sbr.ind lr, $3  }
0x3a: {  	_ = 	snop  }
0x3b: {  	_ = 	snop  }
0x3c: {  	p2 =	seq.s32 s10, $0x1;
	s10 =	sld [smem:$0x3FB8]  }
0x3d: {  	_ =	shalt  }
0x3e: {  	_ =	shalt  }
0x3f: {  	_ =	shalt  }
0x40: {  	_ =	shalt  }
0x41: {  	_ =	shalt  }
0x42: {  	_ =	shalt  }
0x43: {  	_ =	shalt  }
0x44: {  	_ =	shalt  }
0x45: {  	_ =	shalt  }
0x46: {  	_ =	shalt  }
0x47: {  	_ =	shalt  }
0x48: {  	_ =	shalt  }
0x49: {  	_ =	shalt  }
0x4a: {  	_ =	shalt  }
0x4b: {  	_ =	shalt  }
0x4c: {  	_ =	shalt  }
0x4d: {  	_ =	shalt  }
0x4e: {  	_ =	shalt  }
0x4f: {  	_ =	shalt  }
0x50: {  	_ =	shalt  }
0x51: {  	_ =	shalt  }
0x52: {  	_ =	shalt  }
0x53: {  	_ =	shalt  }
0x54: {  	_ =	shalt  }
0x55: {  	_ =	shalt  }
0x56: {  	_ =	shalt  }
0x57: {  	_ =	shalt  }
0x58: {  	_ =	shalt  }
0x59: {  	_ =	shalt  }
0x5a: {  	_ =	shalt  }
0x5b: {  	_ =	shalt  }
0x5c: {  	_ =	shalt  }
0x5d: {  	_ =	shalt  }
0x5e: {  	_ =	shalt  }
0x5f: {  	_ =	shalt  }
0x60: {  	_ =	shalt  }
0x61: {  	_ =	shalt  }
0x62: {  	_ =	shalt  }
0x63: {  	_ =	shalt  }
0x64: {  	_ =	shalt  }
0x65: {  	_ =	shalt  }
0x66: {  	_ =	shalt  }
0x67: {  	_ =	shalt  }
0x68: {  	_ =	shalt  }
0x69: {  	_ =	shalt  }
0x6a: {  	_ =	shalt  }
0x6b: {  	_ =	shalt  }
0x6c: {  	_ =	shalt  }
0x6d: {  	_ =	shalt  }
0x6e: {  	_ =	shalt  }
0x6f: {  	_ =	shalt  }
0x70: {  	_ =	shalt  }
0x71: {  	_ =	shalt  }
0x72: {  	_ =	shalt  }
0x73: {  	_ =	shalt  }
0x74: {  	_ =	shalt  }
0x75: {  	_ =	shalt  }
0x76: {  	_ =	shalt  }
0x77: {  	_ =	shalt  }
0x78: {  	_ =	shalt  }
0x79: {  	_ =	shalt  }
0x7a: {  	_ =	shalt  }
0x7b: {  	_ =	shalt  }
0x7c: {  	_ =	shalt  }
0x7d: {  	_ =	shalt  }
0x7e: {  	_ =	shalt  }
0x7f: {  	_ =	shalt  }
0x80: {  	_ =	shalt  }
0x81: {  	_ =	shalt  }
0x82: {  	_ =	shalt  }
0x83: {  	_ =	shalt  }
0x84: {  	_ =	shalt  }
0x85: {  	_ =	shalt  }
0x86: {  	_ =	shalt  }
0x87: {  	_ =	shalt  }
.Lfunc_end0:
.L_simem_size_0:
called_computation_lowered:
.L_overlay_start_0:
0x88: {  	s2 =	sld [smem:$0x3FD9]  }
0x89: {  	s3 =	sld [smem:$0x3FFE];
	_ =	sdelay $0x1  }
0x8a: {  	s1 =	srdreg.scid  }
0x8b: {  	s0 =	sand.u32 $0x1, s1  }
0x8c: {  	s17 =	sshll.u32 s0, $0xA;
	s2 =	sadd.s32 s3, s2  }
0x8d: {  	s2 =	sadd.s32 s2, s17  }
0x8e: {  	[smem:$0x3FC4] =	sst s2  }
0x8f: {  	_ = 	snop  }
0x90: {  	s2 =	sld [smem:$0x3FC8]  }
0x91: {  	s18 =	sld [smem:$0x3FD0];
	(tm) =	ssettm $0x1  }
0x92: {  	s4 =	sld [smem:$0x3FFB];
	_ =	sdelay $0x3  }
0x93: {  	_ =	strace s4  }
0x94: {  	s4 =	sld [smem:$0x3FFC];
	_ =	sdelay $0x3  }
0x95: {  	_ =	strace s4  }
0x96: {  	s4 =	sld [smem:$0x3FFD];
	_ =	sdelay $0x3  }
0x97: {  	_ =	strace s4  }
0x98: {  	_ =	strace $0x8FFFFFFF  }
0x99: {  	s19 =	sld [smem:$0x3FDB];
	_ =	sdelay $0x1  }
0x9a: {  	s5 =	simm.s32 $_scs_section_size  }
0x9b: {  	s6 =	simm.s32 $_size__tile_overlayer_lowered;
	s7 =	simm.s32 $_tile_overlayer_lowered  }
0x9c: {  	s22 =	simm.s32 $0x1BFF;
	s21 =	sshll.u32 s7, $0x1;
	s4 =	sadd.s32 s5, s19  }
0x9d: {  	s8 =	simm.s32 $0x0;
	s20 =	sshll.u32 s6, $0x1;
	s6 =	sadd.s32 s21, s4  }
0x9e: {  	[timem:s8], [sflag:s22] =	dma.local [hbm:s6], s20  }
0x9f: {  	_ =	swait.ge [sflag:s22], s20  }
0xa0: {  	s5 =	ssub.s32 $0x0, s20;
	[sflag:s22] =	ssyncset.done $0x0  }
0xa1: {  	[sflag:s22] =	ssyncadd.s32 s5;
	_ =	sdelay $0x1  }
0xa2: {  	s23 =	simm.s32 $0x1B8B  }
0xa3: {  	_ =	swait.ge [sflag:s23], $0x1  }
0xa4: {  	[sflag:s23] =	ssyncset.done $0x0  }
0xa5: {  	s25 =	simm.s32 $0x1B8E;
	s24 =	sld [smem:$0x3FFE];
	[sflag:s23] =	ssyncadd.s32 $0xFFFFFFFF  }
0xa6: {  	s26 =	simm.s32 $execute0_lowered;
	[smem:$0x3FD2] =	sst s25  }
0xa7: {  	s6 =	sshll.u32 s26, $0x1;
	_ =	strace $0x80000046;
	[dreg:$0x1] =	wrdreg $0xFFFFFFFF  }
0xa8: {  	s28 =	simm.s32 $_size_execute0_lowered;
	s4 =	sadd.s32 s4, s6;
	[dreg:$0x0] =	wrdreg $0x0  }
0xa9: {  	s6 =	sshll.u32 s28, $0x1;
	[dreg:$0x2] =	wrdreg s4  }
0xaa: {  	[dreg:$0x3] =	wrdreg s6  }
0xab: {  	[dreg:$0x4] =	wrdreg $0xC0  }
0xac: {  	_ =	task [dreg:s8], $0x5FFFF  }
0xad: {  	[dreg:$0x1] =	wrdreg $0xFFFFFFFF  }
0xae: {  	[dreg:$0x0] =	wrdreg $0x60  }
0xaf: {  	[dreg:$0x2] =	wrdreg s2  }
0xb0: {  	[dreg:$0x3] =	wrdreg s24  }
0xb1: {  	[dreg:$0x4] =	wrdreg s18  }
0xb2: {  	[dreg:$0x5] =	wrdreg $0x9  }
0xb3: {  	_ =	task.clear_ibuf [dreg:s8], $0x6FFFF;
	_ =	strace $0x90000046  }
0xb4: {  	s29 =	simm.s32 $0x9;
	_ =	strace $0x80000048  }
0xb5: {  	_ =	swait.ge [sflag:s29], $0x1  }
0xb6: {  	[sflag:s29] =	ssyncadd.s32 $0xFFFFFFFF  }
0xb7: {  	_ =	strace $0x90000048  }
0xb8: {  	_ =	sfence  }
0xb9: {  	s30 =	sld [smem:$0x0];
	_ =	sdelay $0x2  }
0xba: {  	s31 =	sshll.u32 s1, $0xD;
	s1 =	sshrl.u32 s1, $0x2  }
0xbb: {  	s3 =	sand.u32 $0x4000, s31;
	s1 =	sadd.s32 s1, s30  }
0xbc: {  	s0 =	sor.u32 s3, s0;
	s1 =	sshll.u32 s1, $0x11  }
0xbd: {  	s0 =	sor.u32 s1, s0  }
0xbe: {  	s0 =	sadd.s32 $0x8F2B, s0  }
0xbf: {  	[sflag:s0] =	ssyncadd.remote.s32 $0x1  }
0xc0: {  	_ =	sfence.sel $0xFFFF  }
0xc1: {  	[dreg:$0x0] =	wrdreg $0xFFFFFFFF;
	(pc) =	sbr.abs _section_cstart, $3  }
0xc2: {  	[dreg:$0x1] =	wrdreg $0xFFFFFFFF  }
0xc3: {  	_ =	task.clear_ibuf [dreg:s8], $0x2FFFF;
	_ =	strace $0x9FFFFFFF  }
0xc4: {  	(tm) =	ssettm $0x7FFFFFFF  }
0xc5: {  	_ =	shalt  }
tec
execute0_lowered:
.L_overlay_start_1:
0x0: {  	(tag) =	ssettag $0x1  }
0x1: {  	s5 =	stileid.u32  }
0x2: {  	s4 =	rddreg [dreg:$0x0];
	s0 =	simm.s32 $0x1;
	s1 =	simm.s32 $0x1  }
0x3: {  	s2 =	simm.s32 $0x1;
	s3 =	simm.s32 $0x1;
	s6 =	simm.s32 $0x1  }
0x4: {  	s7 =	simm.s32 $0x1;
	s8 =	simm.s32 $0x1;
	s9 =	simm.s32 $0x1  }
0x5: {  	s10 =	simm.s32 $0x1;
	s24 =	rddreg [dreg:$0x1];
	s25 =	srdreg.scid  }
0x6: {  	s11 =	simm.s32 $0xA80;
	s12 =	simm.s32 $0xB80;
	s13 =	simm.s32 $0xB00  }
0x7: {  	s14 =	simm.s32 $0xD80;
	s15 =	simm.s32 $0x0;
	p0 =	sne.s32 s5, $0x0  }
0x8: {  	p1 =	sgt.u32 s5, $0x1;
	s26 =	sand.u32 $0x1, s25;
	s28 =	sshll.u32 s5, $0x6  }
0x9: {  	s0 =	simm.s32 @!p0 $0x0;
	s1 =	simm.s32 @!p1 $0x0;
	p1 =	sgt.u32 s5, $0x2  }
0xa: {  	vm0 =	vcmask $0x300;
	v12 =	vimm.s32 $0xFFFFFFFF;
	s29 =	ssub.s32 $0x2, s26;
	s30 =	sadd.s32 s28, s24;
	s4 =	sadd.s32 s4, s28  }
0xb: {  	vm9 =	vcmask $0x704;
	vm10 =	vcmask $0xB08;
	s2 =	simm.s32 @!p1 $0x0;
	p1 =	sgt.u32 s5, $0x3;
	v0 =	vmov s0;
	s0 =	simm.s32 $0x1  }
0xc: {  	vm11 =	vcmask $0xF0C;
	v19 =	vimm.s32 $0xFFFFFFFE;
	v1 =	vmov s1;
	s1 =	simm.s32 $0x1;
	s3 =	simm.s32 @!p1 $0x0;
	p1 =	sgt.u32 s5, $0x4  }
0xd: {  	vm12 =	vcmask $0x1310;
	v21 =	vimm.s32 $0xFFFFFFFD;
	vm13 =	vcmask $0x1714;
	s31 =	sshrl.u32 s29, $0x1;
	s6 =	simm.s32 @!p1 $0x0;
	p1 =	sgt.u32 s5, $0x5  }
0xe: {  	v23 =	vimm.s32 $0xFFFFFFFC;
	v24 =	vimm.s32 $0xFFFFFFFB;
	v2 =	vmov s2;
	s2 =	simm.s32 $0x1;
	s7 =	simm.s32 @!p1 $0x0;
	p1 =	sgt.u32 s5, $0x6  }
0xf: {  	v26 =	vimm.s32 $0xFFFFFFFA;
	vm14 =	vcmask $0x1B18;
	v3 =	vmov s3;
	s3 =	sadd.s32 $0x1400, s24;
	s8 =	simm.s32 @!p1 $0x0;
	p1 =	sgt.u32 s5, $0x7  }
0x10: {  	v27 =	vlaneseq.u32;
	vm15 =	vcmask $0x1F1C;
	v4 =	vmov s6;
	s6 =	simm.s32 $0x1;
	s9 =	simm.s32 @!p1 $0x0;
	p1 =	sgt.u32 s5, $0x8  }
0x11: {  	v29 =	vimm.s32 $0xFFFFFFF9;
	v32 =	vimm.s32 $0x1;
	v5 =	vmov s7;
	s7 =	sadd.s32 $0x1600, s30;
	s10 =	simm.s32 @!p1 $0x0;
	p1 =	sgt.u32 s5, $0x9  }
0x12: {  	v33 =	vimm.s32 $0x0;
	v34 =	vimm.s32 $0x2;
	v7 =	vmov s9;
	s9 =	simm.s32 $0x200;
	s0 =	simm.s32 @!p1 $0x0;
	p1 =	sgt.u32 s5, $0xA  }
0x13: {  	v35 =	vimm.s32 $0x3;
	v36 =	vimm.s32 $0x4;
	v8 =	vmov s10;
	s10 =	ssub.s32 s29, s31;
	s1 =	simm.s32 @!p1 $0x0;
	p1 =	sgt.u32 s5, $0xB  }
0x14: {  	v37 =	vimm.s32 $0x5;
	v6 =	vmov s8;
	v9 =	vmov s0;
	s0 =	simm.s32 $0x1;
	s8 =	smax.u32 s10, $0x1;
	s10 =	simm.s32 $0x280  }
0x15: {  	v38 =	vimm.s32 $0x6;
	v39 =	vimm.s32 $0x7;
	v10 =	vmov s1;
	s2 =	simm.s32 @!p1 $0x0;
	p1 =	sgt.u32 s5, $0xC;
	s1 =	simm.s32 $0x1  }
.Ltmp0:
0x16: {  	v40 =	vimm.s32 $0x8;
	v14 =	vnsel vm0, $0x0, v12;
	v16 =	vnsel vm9, $0x0, v12;
	s0 =	simm.s32 @!p1 $0x0;
	p1 =	sgt.u32 s5, $0xD;
	(pc) =	sbr.rel .LBB2_1-.Ltmp0, $4  }
0x17: {  	v18 =	vnsel vm10, $0x0, v12;
	v20 =	vnsel vm11, $0x0, v12;
	v11 =	vmov s2;
	s2 =	simm.s32 $0x0;
	s1 =	simm.s32 @!p1 $0x0;
	p1 =	seq.s32 s5, $0xF  }
0x18: {  	v22 =	vnsel vm12, $0x0, v12;
	v25 =	vnsel vm13, $0x0, v12;
	v13 =	vmov s0;
	s0 =	simm.s32 $0x1;
	[smem:$0x7FF] =	sst s2;
	s5 =	sshll.u32 s5, $0x4  }
0x19: {  	v28 =	vnsel vm14, $0x0, v12;
	v31 =	vshrl.u32 v27, $0x3;
	v15 =	vmov s1;
	s0 =	simm.s32 @!p1 $0x0;
	s1 =	rddreg [dreg:$0x2];
	p1 =	sne.s32 s26, $0x0  }
0x1a: {  	v30 =	vnsel vm15, $0x0, v12;
	v31 =	vadd.s32 $0xFFFFFFFF, v31;
	v17 =	vmov s0;
	s0 =	rddreg [dreg:$0x3];
	_ =	strace $0x80000047;
	s5 =	sadd.s32 s1, s5  }
.LBB2_8:
0x1b: {  	[bflag:$0x0] =	sbarrier.arrive $0xFFFF  }
.LBB2_9:
0x1c: {  	s15 =	sadd.s32 $0x1, s15  }
0x1d: {  	p2 =	sne.s32 s15, s8  }
.Ltmp1:
0x1e: {  	_ = 	snop;
	(pc) =	sbr.rel @!p2 .LBB2_10-.Ltmp1, $1  }
0x1f: {  	_ =	sdelay $0x3  }
.LBB2_1:
.Ltmp2:
0x20: {  	(pc) =	sbr.rel @p1 .LBB2_8-.Ltmp2, $1  }
0x21: {  	_ =	sdelay $0x3  }
0x22: {  	s16 =	simm.s32 $0x0  }
0x23: {  	[tilespmem:s16], [sflag:$0x1] =	stream.linear.gather [hbm4b:s4+s16], $0x200, $0x38;
	[tilespmem:$0xE00] =	vst v63  }
0x24: {  	_ =	swait.ge [sflag:s6], $0x200  }
0x25: {  	[sflag:s6] =	ssyncset.done $0x0  }
0x26: {  	s30 =	simm.s32 $0x0;
	[sflag:s6] =	ssyncadd.s32 $0xFFFFFE00  }
0x27: {  	v41 =	vld [tilespmem:s30+$0x0];
	_ =	sdelay $0x4  }
0x28: {  	v42 =	vadd.s32 v26, v41;
	v43 =	vadd.s32 v29, v41  }
0x29: {  	v44 =	vadd.s32 v23, v41;
	v45 =	vadd.s32 v24, v41;
	v46 =	vadd.s32 v19, v41  }
0x2a: {  	v47 =	vadd.s32 v21, v41;
	v48 =	vsub.s32 $0x0, v41;
	v49 =	vadd.s32 v12, v41  }
0x2b: {  	v50 =	vsub.s32 $0x0, v43;
	v51 =	vsub.s32 $0x0, v45;
	v53 =	vsub.s32 $0x0, v46  }
0x2c: {  	v54 =	vsub.s32 $0x0, v47;
	v41 =	vmin.u32 v41, v48;
	v57 =	vsub.s32 $0x0, v49  }
0x2d: {  	vm0 =	vlt.s32 v41, $0x1;
	v48 =	vmin.u32 v49, v57;
	v47 =	vmin.u32 v47, v54  }
0x2e: {  	v46 =	vmin.u32 v46, v53;
	v41 =	vnsel vm0, $0x1, v41;
	vm9 =	vlt.s32 v48, $0x1  }
0x2f: {  	vm10 =	vlt.s32 v46, $0x1;
	v41 =	vsub.s32 $0x1, v41;
	v48 =	vnsel vm9, $0x1, v48  }
0x30: {  	vm11 =	vlt.s32 v47, $0x1;
	v46 =	vnsel vm10, $0x1, v46;
	v48 =	vsub.s32 $0x1, v48;
	(xrf0) =	vadd.scan.msk.s32 $0xffff, v41  }
0x31: {  	v55 =	vsub.s32 $0x0, v44;
	v47 =	vnsel vm11, $0x1, v47;
	v46 =	vsub.s32 $0x1, v46;
	(xrf0) =	vadd.scan.msk.s32 $0xffff, v48  }
0x32: {  	s31 =	simm.s32 $0x10;
	v52 =	vsub.s32 $0x0, v42;
	v44 =	vmin.u32 v44, v55;
	v47 =	vsub.s32 $0x1, v47;
	(xrf0) =	vadd.scan.msk.s32 $0xffff, v46  }
0x33: {  	v43 =	vmin.u32 v43, v50;
	v45 =	vmin.u32 v45, v51;
	vm12 =	vlt.s32 v44, $0x1;
	v41 =	vld [tilespmem:s31+$0x0];
	(xrf0) =	vadd.scan.msk.s32 $0xffff, v47  }
0x34: {  	v42 =	vmin.u32 v42, v52;
	vm13 =	vlt.s32 v45, $0x1;
	v44 =	vnsel vm12, $0x1, v44  }
0x35: {  	vm14 =	vlt.s32 v42, $0x1;
	v45 =	vnsel vm13, $0x1, v45;
	v44 =	vsub.s32 $0x1, v44  }
0x36: {  	vm15 =	vlt.s32 v43, $0x1;
	v42 =	vnsel vm14, $0x1, v42;
	v45 =	vsub.s32 $0x1, v45;
	(xrf0) =	vadd.scan.msk.s32 $0xffff, v44;
	v60, _, _ =	vpop (xrf0)  }
0x37: {  	v58 =	vimm.s32 $0x0;
	v43 =	vnsel vm15, $0x1, v43;
	v59 =	vsub.s32 $0x1, v42;
	(xrf0) =	vadd.scan.msk.s32 $0xffff, v45;
	v62, _, _ =	vpop (xrf0)  }
0x38: {  	v43 =	vsub.s32 $0x1, v43;
	v42 =	vadd.s32 v26, v41;
	v44 =	vadd.s32 v29, v41;
	(xrf0) =	vadd.scan.msk.s32 $0xffff, v59;
	v56, _, _ =	vpop (xrf0)  }
0x39: {  	v47 =	vadd.s32 v23, v41;
	v45 =	vadd.s32 v24, v41;
	v61 =	vbroadcast v60, $0xF;
	(xrf0) =	vadd.scan.msk.s32 $0xffff, v43;
	v57, _, _ =	vpop (xrf0)  }
0x3a: {  	v46 =	vadd.s32 v21, v41;
	v63 =	vbroadcast v62, $0xF;
	v59 =	vbroadcast v57, $0xF  }
0x3b: {  	v48 =	vsub.s32 $0x0, v41;
	v50 =	vand.u32 v14, v61;
	v52 =	vbroadcast v56, $0xF  }
0x3c: {  	v49 =	vadd.s32 v58, v50;
	v58 =	vand.u32 v16, v63;
	v60, _, _ =	vpop (xrf0);
	v51 =	vand.u32 v20, v59  }
0x3d: {  	v49 =	vadd.s32 v58, v49;
	v61 =	vand.u32 v18, v52;
	v53 =	vbroadcast v60, $0xF;
	v62, _, _ =	vpop (xrf0)  }
0x3e: {  	v43 =	vadd.s32 v19, v41;
	v50 =	vadd.s32 v61, v49;
	v49 =	vbroadcast v62, $0xF;
	v63, _, _ =	vpop (xrf0)  }
0x3f: {  	s16 =	simm.s32 $0x80;
	v52 =	vadd.s32 v51, v50;
	v53 =	vand.u32 v22, v53;
	v50 =	vbroadcast v63, $0xF;
	v51, _, _ =	vpop (xrf0)  }
.LBB2_3:
0x40: {  	p2 =	sne.s32 s16, $0x7C0;
	v52 =	vadd.s32 v53, v52;
	v49 =	vand.u32 v25, v49;
	v51 =	vbroadcast v51, $0xF  }
0x41: {  	v53 =	vadd.s32 v12, v41;
	v49 =	vadd.s32 v49, v52;
	v50 =	vand.u32 v28, v50  }
0x42: {  	v52 =	vsub.s32 $0x0, v44;
	v49 =	vadd.s32 v50, v49;
	v50 =	vand.u32 v30, v51  }
0x43: {  	v54 =	vsub.s32 $0x0, v42;
	v51 =	vsub.s32 $0x0, v45;
	v49 =	vadd.s32 v50, v49  }
0x44: {  	v55 =	vsub.s32 $0x0, v46;
	v56 =	vsub.s32 $0x0, v47;
	v50 =	vsub.s32 $0x0, v43  }
0x45: {  	v41 =	vmin.u32 v41, v48;
	v48 =	vsub.s32 $0x0, v53;
	v44 =	vmin.u32 v44, v52  }
0x46: {  	v47 =	vmin.u32 v47, v56;
	v42 =	vmin.u32 v42, v54;
	v45 =	vmin.u32 v45, v51  }
0x47: {  	vm0 =	vlt.s32 v41, $0x1;
	v46 =	vmin.u32 v46, v55;
	v48 =	vmin.u32 v53, v48  }
0x48: {  	v41 =	vnsel vm0, $0x1, v41;
	vm0 =	vlt.s32 v48, $0x1;
	v43 =	vmin.u32 v43, v50  }
0x49: {  	v41 =	vsub.s32 $0x1, v41;
	v48 =	vnsel vm0, $0x1, v48;
	vm0 =	vlt.s32 v43, $0x1  }
0x4a: {  	s17 =	sshra.s32 s16, $0x2;
	v48 =	vsub.s32 $0x1, v48;
	v43 =	vnsel vm0, $0x1, v43;
	vm0 =	vlt.s32 v46, $0x1;
	(xrf0) =	vadd.scan.msk.s32 $0xffff, v41  }
0x4b: {  	v43 =	vsub.s32 $0x1, v43;
	v46 =	vnsel vm0, $0x1, v46;
	vm0 =	vlt.s32 v47, $0x1;
	v41 =	vld [tilespmem:s17+$0x0];
	(xrf0) =	vadd.scan.msk.s32 $0xffff, v48  }
0x4c: {  	v46 =	vsub.s32 $0x1, v46;
	v47 =	vnsel vm0, $0x1, v47;
	vm0 =	vlt.s32 v45, $0x1;
	(xrf0) =	vadd.scan.msk.s32 $0xffff, v43  }
0x4d: {  	v45 =	vnsel vm0, $0x1, v45;
	vm0 =	vlt.s32 v42, $0x1;
	v43 =	vsub.s32 $0x1, v47;
	(xrf0) =	vadd.scan.msk.s32 $0xffff, v46  }
0x4e: {  	v45 =	vsub.s32 $0x1, v45;
	v42 =	vnsel vm0, $0x1, v42;
	vm0 =	vlt.s32 v44, $0x1;
	(xrf0) =	vadd.scan.msk.s32 $0xffff, v43  }
0x4f: {  	v46 =	vnsel vm0, $0x1, v44;
	v43 =	vsub.s32 $0x1, v42;
	(xrf0) =	vadd.scan.msk.s32 $0xffff, v45  }
0x50: {  	v46 =	vsub.s32 $0x1, v46;
	v42 =	vadd.s32 v26, v41;
	v44 =	vadd.s32 v29, v41;
	v48, _, _ =	vpop (xrf0);
	(xrf0) =	vadd.scan.msk.s32 $0xffff, v43  }
0x51: {  	v47 =	vadd.s32 v23, v41;
	v45 =	vadd.s32 v24, v41;
	v50 =	vbroadcast v48, $0xF;
	v48, _, _ =	vpop (xrf0);
	(xrf0) =	vadd.scan.msk.s32 $0xffff, v46  }
0x52: {  	v43 =	vadd.s32 v19, v41;
	v46 =	vadd.s32 v21, v41;
	v51 =	vbroadcast v48, $0xF;
	v52, _, _ =	vpop (xrf0)  }
.Ltmp3:
0x53: {  	v48 =	vsub.s32 $0x0, v41;
	v50 =	vand.u32 v14, v50;
	v56 =	vbroadcast v52, $0xF;
	v53, _, _ =	vpop (xrf0);
	(pc) =	sbr.rel @p2 .LBB2_3-.Ltmp3, $4  }
0x54: {  	v49 =	vadd.s32 v49, v50;
	v50 =	vand.u32 v16, v51;
	v57 =	vbroadcast v53, $0xF;
	v53, _, _ =	vpop (xrf0)  }
0x55: {  	v49 =	vadd.s32 v50, v49;
	v50 =	vand.u32 v18, v56;
	v53 =	vbroadcast v53, $0xF;
	v52, _, _ =	vpop (xrf0)  }
0x56: {  	v50 =	vadd.s32 v50, v49;
	v55 =	vand.u32 v20, v57;
	v49 =	vbroadcast v52, $0xF;
	v54, _, _ =	vpop (xrf0)  }
0x57: {  	s16 =	sadd.s32 $0x40, s16;
	v52 =	vadd.s32 v55, v50;
	v53 =	vand.u32 v22, v53;
	v50 =	vbroadcast v54, $0xF;
	v51, _, _ =	vpop (xrf0)  }
0x58: {  	v54 =	vadd.s32 v12, v41  }
0x59: {  	v55 =	vsub.s32 $0x0, v44;
	v56 =	vsub.s32 $0x0, v45;
	v57 =	vsub.s32 $0x0, v42  }
0x5a: {  	v41 =	vmin.u32 v41, v48;
	v60 =	vsub.s32 $0x0, v47;
	v61 =	vsub.s32 $0x0, v43  }
0x5b: {  	v62 =	vsub.s32 $0x0, v46;
	v44 =	vmin.u32 v44, v55;
	v47 =	vmin.u32 v47, v60  }
0x5c: {  	v45 =	vmin.u32 v45, v56;
	v63 =	vsub.s32 $0x0, v54;
	v42 =	vmin.u32 v42, v57  }
0x5d: {  	vm0 =	vlt.s32 v41, $0x1;
	v46 =	vmin.u32 v46, v62;
	v54 =	vmin.u32 v54, v63  }
0x5e: {  	v43 =	vmin.u32 v43, v61;
	v41 =	vnsel vm0, $0x1, v41;
	vm5 =	vlt.s32 v54, $0x1  }
0x5f: {  	vm6 =	vlt.s32 v43, $0x1;
	v41 =	vsub.s32 $0x1, v41;
	v56 =	vnsel vm5, $0x1, v54  }
0x60: {  	vm7 =	vlt.s32 v46, $0x1;
	v43 =	vnsel vm6, $0x1, v43;
	(xrf0) =	vadd.scan.msk.s32 $0xffff, v41;
	v48 =	vsub.s32 $0x1, v56  }
0x61: {  	vm8 =	vlt.s32 v47, $0x1;
	v58 =	vnsel vm7, $0x1, v46;
	v57 =	vsub.s32 $0x1, v43;
	(xrf0) =	vadd.scan.msk.s32 $0xffff, v48  }
0x62: {  	vm9 =	vlt.s32 v45, $0x1;
	v59 =	vnsel vm8, $0x1, v47;
	v43 =	vsub.s32 $0x1, v58;
	(xrf0) =	vadd.scan.msk.s32 $0xffff, v57  }
0x63: {  	vm10 =	vlt.s32 v42, $0x1;
	v45 =	vnsel vm9, $0x1, v45;
	v60 =	vsub.s32 $0x1, v59;
	(xrf0) =	vadd.scan.msk.s32 $0xffff, v43  }
0x64: {  	vm11 =	vlt.s32 v44, $0x1;
	v42 =	vnsel vm10, $0x1, v42;
	v61 =	vsub.s32 $0x1, v45;
	(xrf0) =	vadd.scan.msk.s32 $0xffff, v60  }
0x65: {  	v62 =	vadd.s32 v53, v52;
	v44 =	vnsel vm11, $0x1, v44;
	v42 =	vsub.s32 $0x1, v42;
	(xrf0) =	vadd.scan.msk.s32 $0xffff, v61  }
0x66: {  	v63 =	vand.u32 v25, v49;
	v44 =	vsub.s32 $0x1, v44;
	v48 =	vbroadcast v51, $0xF;
	v49, _, _ =	vpop (xrf0);
	(xrf0) =	vadd.scan.msk.s32 $0xffff, v42  }
0x67: {  	v41 =	vadd.s32 v63, v62;
	v51 =	vand.u32 v28, v50;
	v52 =	vbroadcast v49, $0xF;
	v53, _, _ =	vpop (xrf0);
	(xrf0) =	vadd.scan.msk.s32 $0xffff, v44  }
0x68: {  	v41 =	vadd.s32 v51, v41;
	v54 =	vand.u32 v30, v48;
	v55 =	vbroadcast v53, $0xF;
	v56, _, _ =	vpop (xrf0)  }
0x69: {  	v41 =	vadd.s32 v54, v41;
	v57 =	vand.u32 v14, v52;
	v58 =	vbroadcast v56, $0xF;
	v59, _, _ =	vpop (xrf0)  }
0x6a: {  	v41 =	vadd.s32 v41, v57;
	v60 =	vand.u32 v16, v55;
	v61 =	vbroadcast v59, $0xF;
	v62, _, _ =	vpop (xrf0)  }
0x6b: {  	v41 =	vadd.s32 v60, v41;
	v63 =	vand.u32 v18, v58;
	v48 =	vbroadcast v62, $0xF;
	v49, _, _ =	vpop (xrf0)  }
0x6c: {  	v41 =	vadd.s32 v63, v41;
	v50 =	vand.u32 v20, v61;
	v51 =	vbroadcast v49, $0xF;
	v52, _, _ =	vpop (xrf0)  }
0x6d: {  	v41 =	vadd.s32 v50, v41;
	v53 =	vand.u32 v22, v48;
	v54 =	vbroadcast v52, $0xF;
	v55, _, _ =	vpop (xrf0)  }
0x6e: {  	v41 =	vadd.s32 v53, v41;
	v56 =	vand.u32 v25, v51;
	v57 =	vbroadcast v55, $0xF  }
0x6f: {  	v41 =	vadd.s32 v56, v41;
	v58 =	vand.u32 v28, v54  }
0x70: {  	v41 =	vadd.s32 v58, v41;
	v59 =	vand.u32 v30, v57  }
0x71: {  	v41 =	vadd.s32 v59, v41  }
0x72: {  	s16 =	simm.s32 $0x0;
	[tilespmem:$0x200] =	vst v41  }
0x73: {  	[hbm4b:s5+s16] =	stream.linear.scatter [tilespmem:s9], [sflag:$0x1], $0x80, $0x38;
	[tilespmem:$0xE00] =	vst v63  }
0x74: {  	_ =	swait.ge [sflag:s6], $0x80  }
0x75: {  	[sflag:s6] =	ssyncset.done $0x0  }
0x76: {  	[sflag:s6] =	ssyncadd.s32 $0xFFFFFF80  }
0x77: {  	[bflag:$0x0] =	sbarrier.arrive $0xFFFF  }
0x78: {  	[tilespmem:s10], [sflag:$0x1] =	stream.linear.gather [hbm4b:s1+s16], $0x800, $0x38;
	[tilespmem:$0xE00] =	vst v63  }
0x79: {  	_ =	swait.ge [sflag:s6], $0x800  }
0x7a: {  	[sflag:s6] =	ssyncset.done $0x0  }
0x7b: {  	[sflag:s6] =	ssyncadd.s32 $0xFFFFF800  }
0x7c: {  	v41 =	vld [tilespmem:$0x280]  }
0x7d: {  	v42 =	vld [tilespmem:$0x300]  }
0x7e: {  	v60 =	vld [tilespmem:$0x380]  }
0x7f: {  	v61 =	vld [tilespmem:$0x400]  }
0x80: {  	v62 =	vld [tilespmem:$0x480]  }
0x81: {  	v63 =	vld [tilespmem:$0x500]  }
0x82: {  	v48 =	vld [tilespmem:$0x580];
	v59 =	vadd.s32 v41, v42  }
0x83: {  	v49 =	vld [tilespmem:$0x600];
	v47 =	vadd.s32 v60, v59  }
0x84: {  	v50 =	vld [tilespmem:$0x680];
	v47 =	vadd.s32 v61, v47  }
0x85: {  	v51 =	vld [tilespmem:$0x700];
	v47 =	vadd.s32 v62, v47  }
0x86: {  	v52 =	vld [tilespmem:$0x780];
	v47 =	vadd.s32 v63, v47  }
0x87: {  	v53 =	vld [tilespmem:$0x800];
	v47 =	vadd.s32 v48, v47  }
0x88: {  	v54 =	vld [tilespmem:$0x880];
	v47 =	vadd.s32 v49, v47  }
0x89: {  	v55 =	vld [tilespmem:$0x900];
	v47 =	vadd.s32 v50, v47  }
0x8a: {  	v56 =	vld [tilespmem:$0x980];
	v47 =	vadd.s32 v51, v47  }
0x8b: {  	v57 =	vld [tilespmem:$0xA00];
	v47 =	vadd.s32 v52, v47  }
0x8c: {  	v41 =	vmul.u32 v0, v41;
	v42 =	vmul.u32 v1, v42;
	v47 =	vadd.s32 v53, v47  }
0x8d: {  	v43 =	vmul.u32 v2, v60;
	v47 =	vadd.s32 v54, v47  }
0x8e: {  	v60 =	vmul.u32 v3, v61;
	v41 =	vadd.s32 v41, v42;
	v61 =	vadd.s32 v55, v47  }
0x8f: {  	v41 =	vadd.s32 v43, v41;
	v62 =	vmul.u32 v4, v62;
	v44 =	vadd.s32 v56, v61  }
0x90: {  	v41 =	vadd.s32 v60, v41;
	v63 =	vmul.u32 v5, v63;
	v44 =	vadd.s32 v57, v44  }
0x91: {  	v41 =	vadd.s32 v62, v41;
	v48 =	vmul.u32 v6, v48;
	v44 =	vand.u32 v31, v44  }
0x92: {  	v41 =	vadd.s32 v63, v41;
	v49 =	vmul.u32 v7, v49;
	v44 =	vadd.s32 $0xFF, v44  }
0x93: {  	v41 =	vadd.s32 v48, v41;
	v50 =	vmul.u32 v8, v50;
	v44 =	vand.u32 $0xFFFFFF00, v44  }
0x94: {  	v41 =	vadd.s32 v49, v41;
	v51 =	vmul.u32 v9, v51;
	(xrf0) =	vadd.scan.msk.s32 $0xffff, v44  }
0x95: {  	v41 =	vadd.s32 v50, v41;
	v52 =	vmul.u32 v10, v52  }
0x96: {  	v41 =	vadd.s32 v51, v41;
	v53 =	vmul.u32 v11, v53  }
0x97: {  	v41 =	vadd.s32 v52, v41;
	v54 =	vmul.u32 v13, v54  }
0x98: {  	v41 =	vadd.s32 v53, v41;
	v55 =	vmul.u32 v15, v55  }
0x99: {  	v41 =	vadd.s32 v54, v41;
	v56 =	vmul.u32 v17, v56  }
0x9a: {  	v41 =	vadd.s32 v55, v41;
	v57, _, _ =	vpop (xrf0)  }
0x9b: {  	v41 =	vadd.s32 v56, v41;
	v42 =	vsub.s32 v57, v44  }
0x9c: {  	v41 =	vadd.s32 v42, v41;
	[tilespmem:$0xB00] =	vst v42  }
0x9d: {  	s16 =	simm.s32 $0x0;
	[tilespmem:$0xA80] =	vst v41  }
0x9e: {  	v43 =	vld [tilespmem:s16+$0x0];
	_ =	sdelay $0x4  }
0x9f: {  	v41 =	vadd.s32 v12, v43;
	v58 =	vadd.s32 v24, v43;
	v45 =	vadd.s32 v26, v43  }
0xa0: {  	v59 =	vadd.s32 v21, v43;
	v46 =	vadd.s32 v23, v43;
	v61 =	vsub.s32 $0x0, v43  }
0xa1: {  	v63 =	vadd.s32 v19, v43;
	v60 =	vsub.s32 $0x0, v58;
	v62 =	vsub.s32 $0x0, v59  }
0xa2: {  	v56 =	vsub.s32 $0x0, v46;
	v48 =	vmin.u32 v43, v61;
	v57 =	vsub.s32 $0x0, v41  }
0xa3: {  	v42 =	vmin.u32 v58, v60;
	v49 =	vmin.u32 v59, v62;
	vm1 =	vlt.s32 v48, $0x1  }
0xa4: {  	v58 =	vsub.s32 $0x0, v63;
	v59 =	vsub.s32 $0x0, v45;
	v41 =	vmin.u32 v41, v57  }
0xa5: {  	v46 =	vmin.u32 v46, v56;
	vm12 =	vlt.s32 v42, $0x1;
	v48 =	vnsel vm1, $0x1, v48  }
0xa6: {  	v60 =	vmin.u32 v63, v58;
	vm13 =	vlt.s32 v49, $0x1;
	v44 =	vsub.s32 $0x1, v48  }
0xa7: {  	vm14 =	vlt.s32 v46, $0x1;
	vm2 =	vlt.s32 v41, $0x1;
	v61 =	vnsel vm13, $0x1, v49;
	(xrf0) =	vadd.scan.msk.s32 $0xffff, v44  }
0xa8: {  	v48 =	vmin.u32 v45, v59;
	v62 =	vnsel vm14, $0x1, v46;
	v47 =	vsub.s32 $0x1, v61  }
0xa9: {  	v63 =	vnsel vm2, $0x1, v41;
	vm15 =	vlt.s32 v60, $0x1;
	v42 =	vnsel vm12, $0x1, v42;
	(xrf0) =	vadd.scan.msk.s32 $0xffff, v47  }
0xaa: {  	v49 =	vadd.s32 v29, v43;
	v41 =	vsub.s32 $0x1, v62;
	v46 =	vsub.s32 $0x1, v63  }
0xab: {  	s17 =	simm.s32 $0x40;
	v45 =	vld [tilespmem:$0xA80];
	v50 =	vnsel vm15, $0x1, v60;
	v42 =	vsub.s32 $0x1, v42;
	v51 =	vsub.s32 $0x0, v49;
	(xrf0) =	vadd.scan.msk.s32 $0xffff, v46  }
.LBB2_5:
0xac: {  	p2 =	sne.s32 s17, $0x7C0;
	v50 =	vsub.s32 $0x1, v50;
	vm0 =	vlt.s32 v48, $0x1;
	v49 =	vmin.u32 v49, v51;
	(xrf0) =	vadd.scan.msk.s32 $0xffff, v41;
	s18 =	smov.u32 s17;
	s17 =	sadd.s32 $0x40, s17  }
0xad: {  	v43 =	vld.idx.msk [tilespmem:v43+s11+$0x0], $0xffff;
	v48 =	vnsel vm0, $0x1, v48;
	vm0 =	vlt.s32 v49, $0x1;
	v51, _, _ =	vpop (xrf0);
	(xrf0) =	vadd.scan.msk.s32 $0xffff, v50  }
0xae: {  	v56 =	vbroadcast v51, $0xF;
	v48 =	vsub.s32 $0x1, v48;
	v49 =	vnsel vm0, $0x1, v49;
	(xrf0) =	vadd.scan.msk.s32 $0xffff, v42  }
0xaf: {  	v49 =	vsub.s32 $0x1, v49;
	v53, _, _ =	vpop (xrf0);
	(xrf0) =	vadd.scan.msk.s32 $0xffff, v48  }
0xb0: {  	v56 =	vand.u32 v14, v56;
	v54 =	vadd.s32 v12, v53;
	v53 =	vbroadcast v53, $0xF;
	(xrf0) =	vadd.scan.msk.s32 $0xffff, v49  }
0xb1: {  	v45 =	vadd.s32 v45, v56;
	v47 =	vmul.u32 v47, v54;
	v52, _, _ =	vpop (xrf0)  }
0xb2: {  	s18 =	sshra.s32 s18, $0x2;
	v51 =	vadd.s32 v12, v51;
	v54 =	vadd.s32 v12, v52;
	v52 =	vbroadcast v52, $0xF;
	v55, _, _ =	vpop (xrf0)  }
0xb3: {  	v60 =	vmul.u32 v44, v51;
	v51 =	vadd.s32 v12, v55;
	v55 =	vbroadcast v55, $0xF;
	v56, _, _ =	vpop (xrf0)  }
0xb4: {  	v53 =	vand.u32 v20, v53;
	v52 =	vand.u32 v16, v52;
	v57 =	vbroadcast v56, $0xF;
	v58, _, _ =	vpop (xrf0)  }
0xb5: {  	v43 =	vadd.s32 v43, v60;
	v46 =	vmul.u32 v46, v54;
	v54 =	vbroadcast v58, $0xF;
	v44, _, _ =	vpop (xrf0)  }
0xb6: {  	v45 =	vadd.s32 v52, v45;
	v52 =	vand.u32 v18, v57;
	v57 =	vbroadcast v44, $0xF;
	v59, _, _ =	vpop (xrf0)  }
0xb7: {  	v45 =	vadd.s32 v52, v45;
	v52 =	vadd.s32 v12, v58;
	v58 =	vbroadcast v59, $0xF  }
0xb8: {  	v45 =	vadd.s32 v53, v45;
	v53 =	vand.u32 v22, v55;
	v55 =	vadd.s32 v12, v59  }
0xb9: {  	v56 =	vadd.s32 v12, v56;
	v45 =	vadd.s32 v53, v45;
	v53 =	vand.u32 v25, v54  }
0xba: {  	v49 =	vmul.u32 v49, v55;
	v45 =	vadd.s32 v53, v45;
	v53 =	vand.u32 v28, v57  }
0xbb: {  	v50 =	vmul.u32 v50, v56;
	v45 =	vadd.s32 v53, v45;
	v53 =	vand.u32 v30, v58  }
0xbc: {  	v43 =	vadd.s32 v46, v43;
	v42 =	vmul.u32 v42, v52;
	v45 =	vadd.s32 v53, v45  }
0xbd: {  	v41 =	vmul.u32 v41, v51;
	v44 =	vadd.s32 v12, v44;
	[tilespmem:$0xA80] =	vst v45;
	v45 =	vadd.s32 v50, v43  }
0xbe: {  	v44 =	vmul.u32 v48, v44;
	v43 =	vld [tilespmem:s18+$0x0];
	v45 =	vadd.s32 v47, v45  }
0xbf: {  	v41 =	vadd.s32 v41, v45  }
0xc0: {  	v41 =	vadd.s32 v42, v41  }
0xc1: {  	v41 =	vadd.s32 v44, v41  }
0xc2: {  	v41 =	vadd.s32 v49, v41  }
0xc3: {  	v42 =	vadd.s32 v12, v43;
	v44 =	vadd.s32 v24, v43;
	v46 =	vadd.s32 v26, v43;
	[tilespmem:s16+$0xB80] =	vst v41;
	s16 =	smov.u32 s18  }
0xc4: {  	v41 =	vadd.s32 v21, v43;
	v47 =	vadd.s32 v23, v43;
	v45 =	vld [tilespmem:$0xA80];
	v48 =	vsub.s32 $0x0, v44  }
0xc5: {  	v49 =	vsub.s32 $0x0, v43;
	v50 =	vsub.s32 $0x0, v41;
	v51 =	vmin.u32 v44, v48  }
0xc6: {  	v44 =	vadd.s32 v19, v43;
	v48 =	vsub.s32 $0x0, v47;
	vm0 =	vlt.s32 v51, $0x1  }
0xc7: {  	v49 =	vmin.u32 v43, v49;
	v52 =	vsub.s32 $0x0, v42;
	v41 =	vmin.u32 v41, v50  }
0xc8: {  	v53 =	vsub.s32 $0x0, v46;
	vm1 =	vlt.s32 v49, $0x1;
	v50 =	vsub.s32 $0x0, v44  }
0xc9: {  	v42 =	vmin.u32 v42, v52;
	v49 =	vnsel vm1, $0x1, v49;
	v50 =	vmin.u32 v44, v50  }
0xca: {  	vm1 =	vlt.s32 v41, $0x1;
	v44 =	vsub.s32 $0x1, v49;
	v49 =	vmin.u32 v47, v48  }
.Ltmp4:
0xcb: {  	v41 =	vnsel vm1, $0x1, v41;
	v48 =	vmin.u32 v46, v53;
	vm1 =	vlt.s32 v49, $0x1;
	(xrf0) =	vadd.scan.msk.s32 $0xffff, v44;
	(pc) =	sbr.rel @p2 .LBB2_5-.Ltmp4, $4  }
0xcc: {  	vm2 =	vlt.s32 v42, $0x1;
	v47 =	vsub.s32 $0x1, v41;
	v41 =	vnsel vm1, $0x1, v49  }
0xcd: {  	v42 =	vnsel vm2, $0x1, v42;
	vm1 =	vlt.s32 v50, $0x1;
	v41 =	vsub.s32 $0x1, v41;
	(xrf0) =	vadd.scan.msk.s32 $0xffff, v47  }
0xce: {  	v46 =	vsub.s32 $0x1, v42;
	v42 =	vnsel vm0, $0x1, v51;
	v49 =	vadd.s32 v29, v43  }
0xcf: {  	v42 =	vsub.s32 $0x1, v42;
	v50 =	vnsel vm1, $0x1, v50;
	v51 =	vsub.s32 $0x0, v49;
	(xrf0) =	vadd.scan.msk.s32 $0xffff, v46  }
0xd0: {  	_ =	sdelay $0x3  }
0xd1: {  	v50 =	vsub.s32 $0x1, v50;
	vm0 =	vlt.s32 v48, $0x1;
	v49 =	vmin.u32 v49, v51;
	(xrf0) =	vadd.scan.msk.s32 $0xffff, v41;
	v43 =	vld.idx.msk [tilespmem:v43+s11+$0x0], $0xffff  }
0xd2: {  	v48 =	vnsel vm0, $0x1, v48;
	vm15 =	vlt.s32 v49, $0x1;
	v59, _, _ =	vpop (xrf0);
	(xrf0) =	vadd.scan.msk.s32 $0xffff, v50  }
0xd3: {  	v52 =	vbroadcast v59, $0xF;
	v49 =	vnsel vm15, $0x1, v49;
	(xrf0) =	vadd.scan.msk.s32 $0xffff, v42;
	v51 =	vadd.s32 v12, v59  }
0xd4: {  	v48 =	vsub.s32 $0x1, v48;
	v49 =	vsub.s32 $0x1, v49;
	v53, _, _ =	vpop (xrf0);
	v44 =	vmul.u32 v44, v51  }
0xd5: {  	(xrf0) =	vadd.scan.msk.s32 $0xffff, v48;
	v52 =	vand.u32 v14, v52;
	v54 =	vadd.s32 v12, v53;
	v53 =	vbroadcast v53, $0xF  }
0xd6: {  	(xrf0) =	vadd.scan.msk.s32 $0xffff, v49;
	v45 =	vadd.s32 v45, v52;
	v47 =	vmul.u32 v47, v54;
	v60, _, _ =	vpop (xrf0);
	v43 =	vadd.s32 v43, v44  }
0xd7: {  	v61 =	vadd.s32 v12, v60;
	v52 =	vbroadcast v60, $0xF;
	v55, _, _ =	vpop (xrf0);
	v53 =	vand.u32 v20, v53  }
0xd8: {  	v51 =	vadd.s32 v12, v55;
	v55 =	vbroadcast v55, $0xF;
	v56, _, _ =	vpop (xrf0);
	v46 =	vmul.u32 v46, v61  }
0xd9: {  	v52 =	vand.u32 v16, v52;
	v57 =	vbroadcast v56, $0xF;
	v58, _, _ =	vpop (xrf0);
	v61 =	vadd.s32 v12, v56  }
0xda: {  	v62 =	vbroadcast v58, $0xF;
	v45 =	vadd.s32 v52, v45;
	v52 =	vadd.s32 v12, v58  }
0xdb: {  	v44, _, _ =	vpop (xrf0);
	v60 =	vand.u32 v22, v55;
	v50 =	vmul.u32 v50, v61;
	v43 =	vadd.s32 v46, v43  }
0xdc: {  	v63 =	vand.u32 v18, v57;
	v57 =	vbroadcast v44, $0xF;
	v59, _, _ =	vpop (xrf0);
	v44 =	vadd.s32 v12, v44  }
0xdd: {  	v45 =	vadd.s32 v63, v45;
	v58 =	vbroadcast v59, $0xF;
	v62 =	vand.u32 v25, v62  }
0xde: {  	v63 =	vadd.s32 v12, v59;
	v43 =	vadd.s32 v50, v43;
	v59 =	vmul.u32 v42, v52  }
0xdf: {  	v45 =	vadd.s32 v53, v45;
	v56 =	vand.u32 v28, v57;
	v57 =	vmul.u32 v41, v51  }
0xe0: {  	v44 =	vmul.u32 v48, v44;
	v43 =	vadd.s32 v47, v43;
	v45 =	vadd.s32 v60, v45  }
0xe1: {  	v60 =	vmul.u32 v49, v63;
	v45 =	vadd.s32 v62, v45;
	v41 =	vadd.s32 v57, v43  }
0xe2: {  	v62 =	vand.u32 v30, v58;
	v61 =	vadd.s32 v56, v45;
	v41 =	vadd.s32 v59, v41  }
0xe3: {  	v63 =	vadd.s32 v62, v61;
	v41 =	vadd.s32 v44, v41  }
0xe4: {  	[tilespmem:$0xA80] =	vst v63;
	v41 =	vadd.s32 v60, v41  }
.Ltmp5:
0xe5: {  	[tilespmem:s16+$0xB80] =	vst v41;
	(pc) =	sbr.rel @p0 .LBB2_9-.Ltmp5, $4  }
0xe6: {  	[hbm4b:s7+s2] =	stream.linear.scatter [tilespmem:s12], [sflag:$0x1], $0x200, $0x38;
	[tilespmem:$0xE00] =	vst v63  }
0xe7: {  	_ =	swait.ge [sflag:s6], $0x200  }
0xe8: {  	[sflag:s6] =	ssyncset.done $0x0  }
0xe9: {  	[sflag:s6] =	ssyncadd.s32 $0xFFFFFE00  }
0xea: {  	_ =	sdelay $0x3  }
0xeb: {  	v41 =	vld.idx.msk [tilespmem:v32+s13+$0x0], $0xffff  }
0xec: {  	v42 =	vld.idx.msk [tilespmem:v34+s13+$0x0], $0xffff  }
0xed: {  	v44 =	vld.idx.msk [tilespmem:v35+s13+$0x0], $0xffff  }
0xee: {  	v45 =	vld.idx.msk [tilespmem:v36+s13+$0x0], $0xffff  }
0xef: {  	v47 =	vld.idx.msk [tilespmem:v37+s13+$0x0], $0xffff  }
0xf0: {  	v49 =	vld.idx.msk [tilespmem:v39+s13+$0x0], $0xffff  }
0xf1: {  	v43 =	vmul.u32 $0x100, v27;
	v59 =	vld.idx.msk [tilespmem:v40+s13+$0x0], $0xffff;
	_ =	sdelay $0x1  }
0xf2: {  	v46 =	vor.u32 $0x1, v43  }
0xf3: {  	v41 =	vsub.s32 v46, v41  }
0xf4: {  	v56 =	vld.idx.msk [tilespmem:v38+s13+$0x0], $0xffff;
	v42 =	vsub.s32 v46, v42;
	v44 =	vsub.s32 v46, v44;
	v58 =	vsub.s32 v46, v45  }
0xf5: {  	v61 =	vsub.s32 v46, v47;
	v63 =	vsub.s32 v46, v49;
	v49 =	vsub.s32 v46, v59  }
0xf6: {  	vm0 =	vgt.s32 v41, $0x0;
	vm1 =	vgt.s32 v42, $0x0;
	vm6 =	vgt.s32 v44, $0x0  }
0xf7: {  	vm7 =	vgt.s32 v58, $0x0;
	v57 =	vsel vm0, $0x1, v33;
	v48 =	vsel vm1, $0x1, v33  }
0xf8: {  	vm8 =	vgt.s32 v61, $0x0;
	v60 =	vsel vm6, $0x1, v33;
	v42 =	vadd.s32 v57, v48  }
0xf9: {  	v41 =	vsub.s32 v46, v56;
	v62 =	vsel vm7, $0x1, v33;
	v42 =	vadd.s32 v60, v42  }
0xfa: {  	v44 =	vsel vm8, $0x1, v33;
	vm9 =	vgt.s32 v41, $0x0;
	v42 =	vadd.s32 v62, v42  }
0xfb: {  	vm10 =	vgt.s32 v63, $0x0;
	v48 =	vsel vm9, $0x1, v33;
	v42 =	vadd.s32 v44, v42  }
0xfc: {  	vm11 =	vgt.s32 v49, $0x0;
	v50 =	vsel vm10, $0x1, v33;
	v42 =	vadd.s32 v48, v42  }
0xfd: {  	v52 =	vsel vm11, $0x1, v33;
	v51 =	vadd.s32 v50, v42  }
0xfe: {  	v41 =	vadd.s32 v52, v51  }
0xff: {  	v41 =	vmin.u32 v41, $0x7  }
0x100: {  	[tilespmem:$0xD80] =	vst v41  }
0x101: {  	v41 =	vld.idx.msk [tilespmem:v32+s13+$0x0], $0xffff  }
0x102: {  	v53 =	vld.idx.msk [tilespmem:v34+s13+$0x0], $0xffff  }
0x103: {  	v54 =	vld.idx.msk [tilespmem:v35+s13+$0x0], $0xffff  }
0x104: {  	v55 =	vld.idx.msk [tilespmem:v36+s13+$0x0], $0xffff  }
0x105: {  	v57 =	vld.idx.msk [tilespmem:v37+s13+$0x0], $0xffff  }
0x106: {  	v61 =	vld.idx.msk [tilespmem:v39+s13+$0x0], $0xffff  }
0x107: {  	v63 =	vld.idx.msk [tilespmem:v40+s13+$0x0], $0xffff;
	_ =	sdelay $0x1  }
0x108: {  	v56 =	vor.u32 $0x1001, v43  }
0x109: {  	v41 =	vsub.s32 v56, v41  }
0x10a: {  	v58 =	vld.idx.msk [tilespmem:v38+s13+$0x0], $0xffff;
	v42 =	vsub.s32 v56, v53;
	v44 =	vsub.s32 v56, v54;
	v62 =	vsub.s32 v56, v55  }
0x10b: {  	v47 =	vsub.s32 v56, v57;
	v52 =	vsub.s32 v56, v61;
	v54 =	vsub.s32 v56, v63  }
0x10c: {  	vm12 =	vgt.s32 v41, $0x0;
	vm13 =	vgt.s32 v42, $0x0;
	vm14 =	vgt.s32 v44, $0x0  }
0x10d: {  	vm15 =	vgt.s32 v62, $0x0;
	v59 =	vsel vm12, $0x1, v33;
	v60 =	vsel vm13, $0x1, v33  }
0x10e: {  	vm4 =	vgt.s32 v47, $0x0;
	v48 =	vsel vm14, $0x1, v33;
	v42 =	vadd.s32 v59, v60  }
0x10f: {  	v41 =	vsub.s32 v56, v58;
	v50 =	vsel vm15, $0x1, v33;
	v42 =	vadd.s32 v48, v42  }
0x110: {  	v51 =	vsel vm4, $0x1, v33;
	vm5 =	vgt.s32 v41, $0x0;
	v42 =	vadd.s32 v50, v42  }
0x111: {  	vm6 =	vgt.s32 v52, $0x0;
	v53 =	vsel vm5, $0x1, v33;
	v42 =	vadd.s32 v51, v42  }
0x112: {  	vm7 =	vgt.s32 v54, $0x0;
	v55 =	vsel vm6, $0x1, v33;
	v42 =	vadd.s32 v53, v42  }
0x113: {  	v57 =	vsel vm7, $0x1, v33;
	v56 =	vadd.s32 v55, v42  }
0x114: {  	v41 =	vadd.s32 v57, v56  }
0x115: {  	v41 =	vmin.u32 v41, $0x7  }
0x116: {  	[tilespmem:$0xD90] =	vst v41  }
0x117: {  	v41 =	vld.idx.msk [tilespmem:v32+s13+$0x0], $0xffff  }
0x118: {  	v58 =	vld.idx.msk [tilespmem:v34+s13+$0x0], $0xffff  }
0x119: {  	v59 =	vld.idx.msk [tilespmem:v35+s13+$0x0], $0xffff  }
0x11a: {  	v60 =	vld.idx.msk [tilespmem:v36+s13+$0x0], $0xffff  }
0x11b: {  	v61 =	vld.idx.msk [tilespmem:v37+s13+$0x0], $0xffff  }
0x11c: {  	v53 =	vld.idx.msk [tilespmem:v39+s13+$0x0], $0xffff;
	_ =	sdelay $0x1  }
0x11d: {  	v43 =	vor.u32 $0x2001, v43  }
0x11e: {  	v62 =	vld.idx.msk [tilespmem:v38+s13+$0x0], $0xffff;
	v41 =	vsub.s32 v43, v41  }
0x11f: {  	v55 =	vld.idx.msk [tilespmem:v40+s13+$0x0], $0xffff;
	v42 =	vsub.s32 v43, v58;
	v44 =	vsub.s32 v43, v59;
	v54 =	vsub.s32 v43, v60  }
0x120: {  	v57 =	vsub.s32 v43, v61;
	v59 =	vsub.s32 v43, v53;
	vm8 =	vgt.s32 v41, $0x0  }
0x121: {  	vm9 =	vgt.s32 v42, $0x0;
	vm10 =	vgt.s32 v44, $0x0;
	vm11 =	vgt.s32 v54, $0x0  }
0x122: {  	vm12 =	vgt.s32 v57, $0x0;
	v63 =	vsel vm8, $0x1, v33;
	v52 =	vsel vm9, $0x1, v33  }
0x123: {  	v41 =	vsub.s32 v43, v62;
	v56 =	vsel vm10, $0x1, v33;
	v42 =	vadd.s32 v63, v52  }
0x124: {  	v43 =	vsub.s32 v43, v55;
	v58 =	vsel vm11, $0x1, v33;
	v42 =	vadd.s32 v56, v42  }
0x125: {  	v44 =	vsel vm12, $0x1, v33;
	vm13 =	vgt.s32 v41, $0x0;
	v42 =	vadd.s32 v58, v42  }
0x126: {  	vm14 =	vgt.s32 v59, $0x0;
	v60 =	vsel vm13, $0x1, v33;
	v42 =	vadd.s32 v44, v42  }
0x127: {  	v62 =	vsel vm14, $0x1, v33;
	vm15 =	vgt.s32 v43, $0x0;
	v61 =	vadd.s32 v60, v42  }
0x128: {  	v63 =	vsel vm15, $0x1, v33;
	v41 =	vadd.s32 v62, v61  }
0x129: {  	v41 =	vadd.s32 v63, v41  }
0x12a: {  	v41 =	vmin.u32 v41, $0x7  }
.Ltmp6:
0x12b: {  	[tilespmem:$0xDA0] =	vst v41;
	(pc) =	sbr.rel .LBB2_9-.Ltmp6, $4  }
0x12c: {  	[hbm4b:s3+s2] =	stream.linear.scatter [tilespmem:s14], [sflag:$0x1], $0x80, $0x38;
	[tilespmem:$0xE00] =	vst v63  }
0x12d: {  	_ =	swait.ge [sflag:s6], $0x80  }
0x12e: {  	[sflag:s6] =	ssyncset.done $0x0  }
0x12f: {  	[sflag:s6] =	ssyncadd.s32 $0xFFFFFF80  }
.LBB2_10:
0x130: {  	_ =	sfence.sel $0x180000  }
0x131: {  	[bflag:$0x0] =	sbarrier.arrive $0xFFFF  }
0x132: {  	_ =	strace $0x90000047  }
0x133: {  	s0 =	sadd.s32 @!p0 $0x100000, s0;
	[bflag:$0x2] =	sbarrier.arrive $0xFFFF  }
0x134: {  	[sflag:s0] =	ssyncadd.tile.s32 @!p0 $0x1;
	_ =	shalt  }
.Lfunc_end2:
_tile_overlayer_lowered:
.L_overlay_start_2:
0x135: {  	(tag) =	ssettag $0x2  }
0x136: {  	s0 =	rddreg [dreg:$0x0];
	s2 =	stileid.u32  }
0x137: {  	s1 =	rddreg [dreg:$0x1];
	p0 =	sne.s32 s2, $0x0  }
0x138: {  	s3 =	rddreg [dreg:$0x2];
	[bflag:$0x3] =	sbarrier.arrive $0xFFFF;
	s2 =	simm.s32 @!p0 $0x1C01  }
0x139: {  	[timem:s3], [sflag:s2] =	dma.local @!p0 [hbm:s0], s1  }
0x13a: {  	s0 =	simm.s32 @!p0 $0x1  }
0x13b: {  	_ =	swait.ge @!p0 [sflag:s0], s1  }
0x13c: {  	s1 =	ssub.s32 @!p0 $0x0, s1;
	[sflag:s0] =	ssyncset.done @!p0 $0x0  }
0x13d: {  	[sflag:s0] =	ssyncadd.s32 @!p0 s1  }
0x13e: {  	[bflag:$0x3] =	sbarrier.arrive $0xFFFF  }
0x13f: {  	_ =	shalt  }

// kernel: kernel.9.cloned.1.call-start
scs
__scs_entry_jumppad:
0x0: {  	(pc) =	sbr.rel $0x88, $3  }
0x1: {  	(tag) =	ssettag $0x0;
	lr =	simm.s32 $0x1  }
0x2: {  	[smem:$0x3F9D] =	sst lr;
	_ =	strace $0xD0000000  }
0x3: {  	_ = 	snop  }
0x4: {  	_ = 	snop  }
0x5: {  	_ = 	snop  }
0x6: {  	_ = 	snop  }
0x7: {  	_ = 	snop  }
__scs_overlays_trampoline_lowered:
0x8: {  	[smem:$0x3FAC] =	sst s0  }
0x9: {  	[smem:$0x3FAD] =	sst s1  }
0xa: {  	[smem:$0x3FAE] =	sst s2  }
0xb: {  	[smem:$0x3FAF] =	sst s3  }
0xc: {  	[smem:$0x3FB0] =	sst s4  }
0xd: {  	[smem:$0x3FB1] =	sst s5  }
0xe: {  	[smem:$0x3FB2] =	sst s6  }
0xf: {  	[smem:$0x3FB3] =	sst s7  }
0x10: {  	[smem:$0x3FB4] =	sst s8  }
0x11: {  	[smem:$0x3FB5] =	sst s9;
	s0 =	simm.s32 @!p0 $0x0  }
0x12: {  	s1 =	sld [smem:$0x3F9B];
	s0 =	simm.s32 @p0 $0x1  }
0x13: {  	[smem:$0x3FB6] =	sst s0;
	s0 =	simm.s32 @!p1 $0x0  }
0x14: {  	s2 =	sld [smem:$0x3F9A];
	s0 =	simm.s32 @p1 $0x1  }
0x15: {  	[smem:$0x3FB7] =	sst s0;
	s0 =	simm.s32 @!p2 $0x0  }
0x16: {  	s3 =	sld [smem:$0x3FDB];
	s0 =	simm.s32 @p2 $0x1  }
0x17: {  	s4 =	simm.s32 $0x1BF5;
	[smem:$0x3FB9] =	sst s0  }
0x18: {  	s0 =	sld [smem:$0x3F9C];
	_ =	swait.ge [sflag:s4], $0x0  }
0x19: {  	s7 =	sld [smem:$0x3F9D]  }
0x1a: {  	s8 =	sadd.s32 $0xFFFFE003, lr  }
0x1b: {  	s9 =	sadd.s32 $0xFFFFFEF7, lr;
	s5 =	simm.s32 $0xFFFFFFFF;
	p2 =	slt.u32 s8, $0xFFFFF086  }
0x1c: {  	p1 =	slt.u32 s9, $0xF7A;
	s5 =	simm.s32 @!p2 $0x0  }
0x1d: {  	s5 =	simm.s32 @p1 $0x1;
	p0 =	seq.s32 s7, s2  }
0x1e: {  	s7 =	smul.u32 @!p0 $0xF7A, s2;
	p2 =	seq.s32 @!p0 s5, $0x0  }
0x1f: {  	s9 =	smul.u32 $0xF7A, s1;
	s8 =	simm.s32 @!p0 $0x1BF5;
	p2 =	por !p2, p0  }
0x20: {  	[sflag:s8] =	ssyncset.s32 @!p0 $0xFFFFF086;
	s6 =	sadd.s32 @!p0 s3, s7;
	s7 =	simm.s32 @!p0 $0x108  }
0x21: {  	s3 =	sadd.s32 s3, s9;
	s6 =	sadd.s32 @!p0 $0x88, s6;
	s7 =	simm.s32 @p2 $0x1082  }
0x22: {  	[simem:s7], [sflag:s8] =	dma.local @!p0 [hbm:s6], $0xF7A  }
0x23: {  	s9 =	sor.u32 $0xD0000000, s2;
	s6 =	simm.s32 $0x108;
	_ =	swait.ge @!p0 [sflag:s8], $0x0  }
0x24: {  	s3 =	sadd.s32 $0x88, s3;
	s6 =	simm.s32 @!p1 $0x1082;
	[sflag:s4] =	ssyncset.s32 $0xFFFFF086  }
0x25: {  	[simem:s6], [sflag:s4] =	dma.local [hbm:s3], $0xF7A  }
0x26: {  	[smem:$0x3F9D] =	sst s1;
	(tag) =	ssettag s2;
	_ =	strace s9  }
0x27: {  	s1 =	sld [smem:$0x3FAD]  }
0x28: {  	s2 =	sld [smem:$0x3FAE]  }
0x29: {  	s4 =	sld [smem:$0x3FB0]  }
0x2a: {  	p0 =	seq.s32 s5, $0x0;
	s5 =	sld [smem:$0x3FB1]  }
0x2b: {  	s6 =	sld [smem:$0x3FB2]  }
0x2c: {  	s7 =	sld [smem:$0x3FB3]  }
0x2d: {  	s3 =	simm.s32 $0x108;
	s8 =	sld [smem:$0x3FB4]  }
0x2e: {  	s3 =	simm.s32 @!p0 $0x1082;
	s9 =	sld [smem:$0x3FB5]  }
0x2f: {  	lr =	sadd.s32 s0, s3;
	s0 =	sld [smem:$0x3FAC]  }
0x30: {  	s3 =	sld [smem:$0x3FAF]  }
0x31: {  	[smem:$0x3FB8] =	sst s10  }
0x32: {  	s10 =	sld [smem:$0x3FB6];
	_ =	sdelay $0x3  }
0x33: {  	p0 =	seq.s32 s10, $0x1;
	s10 =	sld [smem:$0x3FB8];
	_ =	sdelay $0x3  }
0x34: {  	[smem:$0x3FB8] =	sst s10  }
0x35: {  	s10 =	sld [smem:$0x3FB7];
	_ =	sdelay $0x3  }
0x36: {  	p1 =	seq.s32 s10, $0x1;
	s10 =	sld [smem:$0x3FB8];
	_ =	sdelay $0x3  }
0x37: {  	[smem:$0x3FB8] =	sst s10  }
0x38: {  	s10 =	sld [smem:$0x3FB9]  }
0x39: {  	_ = 	snop;
	(pc) =	sbr.ind lr, $3  }
0x3a: {  	_ = 	snop  }
0x3b: {  	_ = 	snop  }
0x3c: {  	p2 =	seq.s32 s10, $0x1;
	s10 =	sld [smem:$0x3FB8]  }
0x3d: {  	_ =	shalt  }
0x3e: {  	_ =	shalt  }
0x3f: {  	_ =	shalt  }
0x40: {  	_ =	shalt  }
0x41: {  	_ =	shalt  }
0x42: {  	_ =	shalt  }
0x43: {  	_ =	shalt  }
0x44: {  	_ =	shalt  }
0x45: {  	_ =	shalt  }
0x46: {  	_ =	shalt  }
0x47: {  	_ =	shalt  }
0x48: {  	_ =	shalt  }
0x49: {  	_ =	shalt  }
0x4a: {  	_ =	shalt  }
0x4b: {  	_ =	shalt  }
0x4c: {  	_ =	shalt  }
0x4d: {  	_ =	shalt  }
0x4e: {  	_ =	shalt  }
0x4f: {  	_ =	shalt  }
0x50: {  	_ =	shalt  }
0x51: {  	_ =	shalt  }
0x52: {  	_ =	shalt  }
0x53: {  	_ =	shalt  }
0x54: {  	_ =	shalt  }
0x55: {  	_ =	shalt  }
0x56: {  	_ =	shalt  }
0x57: {  	_ =	shalt  }
0x58: {  	_ =	shalt  }
0x59: {  	_ =	shalt  }
0x5a: {  	_ =	shalt  }
0x5b: {  	_ =	shalt  }
0x5c: {  	_ =	shalt  }
0x5d: {  	_ =	shalt  }
0x5e: {  	_ =	shalt  }
0x5f: {  	_ =	shalt  }
0x60: {  	_ =	shalt  }
0x61: {  	_ =	shalt  }
0x62: {  	_ =	shalt  }
0x63: {  	_ =	shalt  }
0x64: {  	_ =	shalt  }
0x65: {  	_ =	shalt  }
0x66: {  	_ =	shalt  }
0x67: {  	_ =	shalt  }
0x68: {  	_ =	shalt  }
0x69: {  	_ =	shalt  }
0x6a: {  	_ =	shalt  }
0x6b: {  	_ =	shalt  }
0x6c: {  	_ =	shalt  }
0x6d: {  	_ =	shalt  }
0x6e: {  	_ =	shalt  }
0x6f: {  	_ =	shalt  }
0x70: {  	_ =	shalt  }
0x71: {  	_ =	shalt  }
0x72: {  	_ =	shalt  }
0x73: {  	_ =	shalt  }
0x74: {  	_ =	shalt  }
0x75: {  	_ =	shalt  }
0x76: {  	_ =	shalt  }
0x77: {  	_ =	shalt  }
0x78: {  	_ =	shalt  }
0x79: {  	_ =	shalt  }
0x7a: {  	_ =	shalt  }
0x7b: {  	_ =	shalt  }
0x7c: {  	_ =	shalt  }
0x7d: {  	_ =	shalt  }
0x7e: {  	_ =	shalt  }
0x7f: {  	_ =	shalt  }
0x80: {  	_ =	shalt  }
0x81: {  	_ =	shalt  }
0x82: {  	_ =	shalt  }
0x83: {  	_ =	shalt  }
0x84: {  	_ =	shalt  }
0x85: {  	_ =	shalt  }
0x86: {  	_ =	shalt  }
0x87: {  	_ =	shalt  }
.Lfunc_end0:
.L_simem_size_0:
called_computation.1_lowered:
.L_overlay_start_0:
0x88: {  	s2 =	sld [smem:$0x3FD9]  }
0x89: {  	s3 =	sld [smem:$0x3FFE];
	_ =	sdelay $0x1  }
0x8a: {  	s1 =	srdreg.scid  }
0x8b: {  	s0 =	sand.u32 $0x1, s1  }
0x8c: {  	s17 =	sshll.u32 s0, $0xA;
	s2 =	sadd.s32 s3, s2  }
0x8d: {  	s2 =	sadd.s32 s2, s17  }
0x8e: {  	[smem:$0x3FC4] =	sst s2  }
0x8f: {  	_ = 	snop  }
0x90: {  	s2 =	sld [smem:$0x3FC9];
	(tm) =	ssettm $0x1  }
0x91: {  	s18 =	sld [smem:$0x3FFB];
	_ =	sdelay $0x3  }
0x92: {  	_ =	strace s18  }
0x93: {  	s3 =	sld [smem:$0x3FFC];
	_ =	sdelay $0x3  }
0x94: {  	_ =	strace s3  }
0x95: {  	s3 =	sld [smem:$0x3FFD];
	_ =	sdelay $0x3  }
0x96: {  	_ =	strace s3  }
0x97: {  	_ =	strace $0x8FFFFFFF  }
0x98: {  	s19 =	sld [smem:$0x3FDB];
	_ =	sdelay $0x1  }
0x99: {  	s4 =	simm.s32 $_scs_section_size  }
0x9a: {  	s5 =	simm.s32 $_size__tile_overlayer_lowered;
	s6 =	simm.s32 $_tile_overlayer_lowered  }
0x9b: {  	s22 =	simm.s32 $0x1BFF;
	s21 =	sshll.u32 s6, $0x1;
	s3 =	sadd.s32 s4, s19  }
0x9c: {  	s7 =	simm.s32 $0x0;
	s20 =	sshll.u32 s5, $0x1;
	s5 =	sadd.s32 s21, s3  }
0x9d: {  	[timem:s7], [sflag:s22] =	dma.local [hbm:s5], s20  }
0x9e: {  	_ =	swait.ge [sflag:s22], s20  }
0x9f: {  	s4 =	ssub.s32 $0x0, s20;
	[sflag:s22] =	ssyncset.done $0x0  }
0xa0: {  	[sflag:s22] =	ssyncadd.s32 s4;
	_ =	sdelay $0x1  }
0xa1: {  	s23 =	simm.s32 $0x1B8B  }
0xa2: {  	_ =	swait.ge [sflag:s23], $0x1  }
0xa3: {  	[sflag:s23] =	ssyncset.done $0x0  }
0xa4: {  	s25 =	simm.s32 $0x1B8E;
	s24 =	sld [smem:$0x3FFE];
	[sflag:s23] =	ssyncadd.s32 $0xFFFFFFFF  }
0xa5: {  	s26 =	simm.s32 $execute0_lowered;
	[smem:$0x3FD2] =	sst s25  }
0xa6: {  	s5 =	sshll.u32 s26, $0x1;
	_ =	strace $0x80000049;
	[dreg:$0x1] =	wrdreg $0xFFFFFFFF  }
0xa7: {  	s28 =	simm.s32 $_size_execute0_lowered;
	s3 =	sadd.s32 s3, s5;
	[dreg:$0x0] =	wrdreg $0x0  }
0xa8: {  	s5 =	sshll.u32 s28, $0x1;
	[dreg:$0x2] =	wrdreg s3  }
0xa9: {  	[dreg:$0x3] =	wrdreg s5  }
0xaa: {  	[dreg:$0x4] =	wrdreg $0xC0  }
0xab: {  	_ =	task [dreg:s7], $0x5FFFF  }
0xac: {  	[dreg:$0x1] =	wrdreg $0xFFFFFFFF  }
0xad: {  	[dreg:$0x0] =	wrdreg $0x60  }
0xae: {  	[dreg:$0x2] =	wrdreg s2  }
0xaf: {  	[dreg:$0x3] =	wrdreg s24  }
0xb0: {  	[dreg:$0x4] =	wrdreg $0x9  }
0xb1: {  	_ =	task.clear_ibuf [dreg:s7], $0x5FFFF;
	_ =	strace $0x90000049  }
0xb2: {  	s29 =	simm.s32 $0x9;
	_ =	strace $0x8000004B  }
0xb3: {  	_ =	swait.ge [sflag:s29], $0x1  }
0xb4: {  	[sflag:s29] =	ssyncadd.s32 $0xFFFFFFFF  }
0xb5: {  	_ =	strace $0x9000004B  }
0xb6: {  	_ =	sfence  }
0xb7: {  	s30 =	sld [smem:$0x0];
	_ =	sdelay $0x2  }
0xb8: {  	s31 =	sshll.u32 s1, $0xD;
	s1 =	sshrl.u32 s1, $0x2  }
0xb9: {  	s3 =	sand.u32 $0x4000, s31;
	s1 =	sadd.s32 s1, s30  }
0xba: {  	s0 =	sor.u32 s3, s0;
	s1 =	sshll.u32 s1, $0x11  }
0xbb: {  	s0 =	sor.u32 s1, s0  }
0xbc: {  	s0 =	sadd.s32 $0x8F2B, s0  }
0xbd: {  	[sflag:s0] =	ssyncadd.remote.s32 $0x1  }
0xbe: {  	_ =	sfence.sel $0xFFFF  }
0xbf: {  	[dreg:$0x0] =	wrdreg $0xFFFFFFFF;
	(pc) =	sbr.abs _section_cstart, $3  }
0xc0: {  	[dreg:$0x1] =	wrdreg $0xFFFFFFFF  }
0xc1: {  	_ =	task.clear_ibuf [dreg:s7], $0x2FFFF;
	_ =	strace $0x9FFFFFFF  }
0xc2: {  	(tm) =	ssettm $0x7FFFFFFF  }
0xc3: {  	_ =	shalt  }
tec
execute0_lowered:
.L_overlay_start_1:
0x0: {  	(tag) =	ssettag $0x1  }
0x1: {  	s1 =	srdreg.scid;
	s3 =	rddreg [dreg:$0x0]  }
0x2: {  	s0 =	stileid.u32;
	s11 =	rddreg [dreg:$0x1]  }
0x3: {  	s14 =	simm.s32 $0x2;
	s15 =	simm.s32 $0x100;
	s1 =	sand.u32 $0x1, s1  }
0x4: {  	s16 =	simm.s32 $0x900;
	s2 =	sshll.u32 s0, $0x9;
	s4 =	sshll.u32 s1, $0x8  }
0x5: {  	s17 =	simm.s32 $0x1100;
	s18 =	simm.s32 $0x1900;
	s4 =	sor.u32 s4, s2  }
0x6: {  	s28 =	simm.s32 $0x6100;
	s29 =	simm.s32 $0x6900;
	s5 =	sshrl.u32 s4, $0x3  }
0x7: {  	s2 =	simm.s32 $0x0;
	s4 =	sshll.u32 s4, $0x8;
	s5 =	sadd.s32 s5, s11  }
0x8: {  	[smem:$0x7FF] =	sst s2;
	s3 =	sadd.s32 s3, s4;
	s5 =	sadd.s32 $0x1600, s5  }
0x9: {  	_ =	strace $0x8000004A;
	s4 =	sadd.s32 $0x1000, s3;
	[dreg:$0x3] =	wrdreg s5  }
0xa: {  	s30 =	simm.s32 $0x7100;
	s19 =	sadd.s32 $0x2000, s3;
	[dreg:$0x4] =	wrdreg s4  }
0xb: {  	s31 =	simm.s32 $0x7900;
	s20 =	sadd.s32 $0x3000, s3;
	[dreg:$0x5] =	wrdreg s19  }
0xc: {  	s1 =	ssub.s32 $0x2, s1;
	s21 =	sadd.s32 $0x4000, s3;
	[dreg:$0x6] =	wrdreg s20  }
0xd: {  	s6 =	sshrl.u32 s1, $0x1;
	s22 =	sadd.s32 $0x5000, s3;
	[dreg:$0x7] =	wrdreg s21  }
0xe: {  	s1 =	ssub.s32 s1, s6;
	s23 =	sadd.s32 $0x6000, s3;
	[dreg:$0x8] =	wrdreg s22  }
0xf: {  	s6 =	sadd.s32 $0x1C00, s11;
	s24 =	sadd.s32 $0x7000, s3;
	[dreg:$0x9] =	wrdreg s23  }
0x10: {  	s13 =	smax.u32 s1, $0x1;
	s7 =	sadd.s32 $0x8000, s3;
	[dreg:$0xa] =	wrdreg s24  }
0x11: {  	s1 =	simm.s32 $0x1;
	s8 =	sadd.s32 $0x9000, s3;
	[dreg:$0xb] =	wrdreg s7  }
0x12: {  	s9 =	sadd.s32 $0xA000, s3;
	s10 =	sadd.s32 $0xB000, s3;
	[dreg:$0xc] =	wrdreg s8  }
0x13: {  	s12 =	sadd.s32 $0xC000, s3;
	s25 =	sadd.s32 $0xD000, s3;
	[dreg:$0xd] =	wrdreg s9  }
0x14: {  	s26 =	sadd.s32 $0xE000, s3;
	s4 =	sadd.s32 $0x1A00, s11;
	[dreg:$0xe] =	wrdreg s10  }
0x15: {  	s5 =	sadd.s32 $0x1B00, s11;
	s7 =	sadd.s32 $0x1D00, s11;
	[dreg:$0xf] =	wrdreg s12  }
0x16: {  	s8 =	sadd.s32 $0x1E00, s11;
	s9 =	sadd.s32 $0x1F00, s11;
	[dreg:$0x10] =	wrdreg s25  }
0x17: {  	s10 =	sadd.s32 $0x2000, s11;
	s11 =	sadd.s32 $0x2100, s11;
	[dreg:$0x11] =	wrdreg s26  }
0x18: {  	v2 =	vlaneseq.u32;
	s12 =	sadd.s32 $0xF000, s3;
	s19 =	simm.s32 $0x2100;
	s20 =	simm.s32 $0x2900  }
0x19: {  	vm0 =	vmmov $0xffff;
	v1 =	vshrl.u32 v2, $0x3;
	s21 =	simm.s32 $0x3100;
	s22 =	simm.s32 $0x3900;
	s23 =	simm.s32 $0x4100  }
0x1a: {  	v0 =	vand.u32 $0x7, v2;
	v2 =	vor.u32 $0x8, v2;
	v1 =	vmul.u32 $0x8, v1;
	s24 =	simm.s32 $0x4900;
	s25 =	simm.s32 $0x5100;
	s26 =	simm.s32 $0x5900  }
.LBB2_1:
0x1b: {  	s0 =	rddreg [dreg:$0x3]  }
0x1c: {  	[tilespmem:s2], [sflag:$0x2] =	stream.linear.gather [hbm4b:s0+s2], $0x100, $0x38;
	[tilespmem:$0x8100] =	vst v63  }
0x1d: {  	_ =	swait.ge [sflag:s14], $0x100  }
0x1e: {  	[sflag:s14] =	ssyncset.done $0x0  }
0x1f: {  	[sflag:s14] =	ssyncadd.s32 $0xFFFFFF00  }
0x20: {  	[tilespmem:s15], [sflag:$0x2] =	stream.linear.gather [hbm4b:s3+s2], $0x8000, $0x38;
	[tilespmem:$0x8100] =	vst v63  }
0x21: {  	_ =	swait.ge [sflag:s14], $0x8000  }
0x22: {  	[sflag:s14] =	ssyncset.done $0x0  }
0x23: {  	[sflag:s14] =	ssyncadd.s32 $0xFFFF8000  }
0x24: {  	v3 =	vld [tilespmem:$0x0];
	_ =	sdelay $0x4  }
0x25: {  	v4 =	vshll.u32 v3, $0x4  }
0x26: {  	v3 =	vand.u32 $0x7, v3;
	v4 =	vand.u32 $0xFFFFFF80, v4  }
0x27: {  	v3 =	vor.u32 v3, v4  }
0x28: {  	v4 =	vperm.xlane v3, v0;
	_ =	sdelay $0x1  }
0x29: {  	v4 =	vadd.s32 v1, v4;
	_ =	sdelay $0x4  }
0x2a: {  	[hbm4b:s4+s2] =	stream.indirect_vreg.scatter [tilespmem:s15], [sflag:$0x1], $0x80, v4, vm0, $0xb8;
	[tilespmem:$0x8100] =	vst v63  }
0x2b: {  	_ = 	snop  }
0x2c: {  	[hbm4b:s5+s2] =	stream.indirect_vreg.scatter [tilespmem:s16], [sflag:$0x1], $0x80, v4, vm0, $0xb8;
	[tilespmem:$0x8100] =	vst v63  }
0x2d: {  	_ = 	snop  }
0x2e: {  	[hbm4b:s6+s2] =	stream.indirect_vreg.scatter [tilespmem:s17], [sflag:$0x1], $0x80, v4, vm0, $0xb8;
	[tilespmem:$0x8100] =	vst v63  }
0x2f: {  	_ = 	snop  }
0x30: {  	[hbm4b:s7+s2] =	stream.indirect_vreg.scatter [tilespmem:s18], [sflag:$0x1], $0x80, v4, vm0, $0xb8;
	[tilespmem:$0x8100] =	vst v63  }
0x31: {  	_ = 	snop  }
0x32: {  	[hbm4b:s8+s2] =	stream.indirect_vreg.scatter [tilespmem:s19], [sflag:$0x1], $0x80, v4, vm0, $0xb8;
	[tilespmem:$0x8100] =	vst v63  }
0x33: {  	v3 =	vperm.xlane v3, v2  }
0x34: {  	[hbm4b:s9+s2] =	stream.indirect_vreg.scatter [tilespmem:s20], [sflag:$0x1], $0x80, v4, vm0, $0xb8;
	[tilespmem:$0x8100] =	vst v63  }
0x35: {  	v3 =	vadd.s32 v1, v3  }
0x36: {  	[hbm4b:s10+s2] =	stream.indirect_vreg.scatter [tilespmem:s21], [sflag:$0x1], $0x80, v4, vm0, $0xb8;
	[tilespmem:$0x8100] =	vst v63  }
0x37: {  	_ = 	snop  }
0x38: {  	[hbm4b:s11+s2] =	stream.indirect_vreg.scatter [tilespmem:s22], [sflag:$0x1], $0x80, v4, vm0, $0xb8;
	[tilespmem:$0x8100] =	vst v63  }
0x39: {  	_ = 	snop  }
0x3a: {  	[hbm4b:s4+s2] =	stream.indirect_vreg.scatter [tilespmem:s23], [sflag:$0x1], $0x80, v3, vm0, $0xb8;
	[tilespmem:$0x8100] =	vst v63  }
0x3b: {  	_ = 	snop  }
0x3c: {  	[hbm4b:s5+s2] =	stream.indirect_vreg.scatter [tilespmem:s24], [sflag:$0x1], $0x80, v3, vm0, $0xb8;
	[tilespmem:$0x8100] =	vst v63  }
0x3d: {  	_ = 	snop  }
0x3e: {  	[hbm4b:s6+s2] =	stream.indirect_vreg.scatter [tilespmem:s25], [sflag:$0x1], $0x80, v3, vm0, $0xb8;
	[tilespmem:$0x8100] =	vst v63  }
0x3f: {  	_ = 	snop  }
0x40: {  	[hbm4b:s7+s2] =	stream.indirect_vreg.scatter [tilespmem:s26], [sflag:$0x1], $0x80, v3, vm0, $0xb8;
	[tilespmem:$0x8100] =	vst v63  }
0x41: {  	_ = 	snop  }
0x42: {  	[hbm4b:s8+s2] =	stream.indirect_vreg.scatter [tilespmem:s28], [sflag:$0x1], $0x80, v3, vm0, $0xb8;
	[tilespmem:$0x8100] =	vst v63  }
0x43: {  	_ = 	snop  }
0x44: {  	[hbm4b:s9+s2] =	stream.indirect_vreg.scatter [tilespmem:s29], [sflag:$0x1], $0x80, v3, vm0, $0xb8;
	[tilespmem:$0x8100] =	vst v63  }
0x45: {  	_ = 	snop  }
0x46: {  	[hbm4b:s10+s2] =	stream.indirect_vreg.scatter [tilespmem:s30], [sflag:$0x1], $0x80, v3, vm0, $0xb8;
	[tilespmem:$0x8100] =	vst v63  }
0x47: {  	_ = 	snop  }
0x48: {  	[hbm4b:s11+s2] =	stream.indirect_vreg.scatter [tilespmem:s31], [sflag:$0x1], $0x80, v3, vm0, $0xb8;
	[tilespmem:$0x8100] =	vst v63  }
0x49: {  	_ =	swait.ge [sflag:s1], $0x8000  }
0x4a: {  	[sflag:s1] =	ssyncset.done $0x0  }
0x4b: {  	s0 =	rddreg [dreg:$0x4];
	[sflag:s1] =	ssyncadd.s32 $0xFFFF8000  }
0x4c: {  	[tilespmem:s15], [sflag:$0x2] =	stream.linear.gather [hbm4b:s0+s2], $0x8000, $0x38;
	[tilespmem:$0x8100] =	vst v63  }
0x4d: {  	_ =	swait.ge [sflag:s14], $0x8000  }
0x4e: {  	[sflag:s14] =	ssyncset.done $0x0  }
0x4f: {  	[sflag:s14] =	ssyncadd.s32 $0xFFFF8000  }
0x50: {  	v3 =	vld [tilespmem:$0x10];
	_ =	sdelay $0x4  }
0x51: {  	v49 =	vshll.u32 v3, $0x4  }
0x52: {  	v3 =	vand.u32 $0x7, v3;
	v4 =	vand.u32 $0xFFFFFF80, v49  }
0x53: {  	v3 =	vor.u32 v3, v4  }
0x54: {  	v4 =	vperm.xlane v3, v0;
	_ =	sdelay $0x1  }
0x55: {  	v4 =	vadd.s32 v1, v4;
	_ =	sdelay $0x4  }
0x56: {  	[hbm4b:s4+s2] =	stream.indirect_vreg.scatter [tilespmem:s15], [sflag:$0x1], $0x80, v4, vm0, $0xb8;
	[tilespmem:$0x8100] =	vst v63  }
0x57: {  	_ = 	snop  }
0x58: {  	[hbm4b:s5+s2] =	stream.indirect_vreg.scatter [tilespmem:s16], [sflag:$0x1], $0x80, v4, vm0, $0xb8;
	[tilespmem:$0x8100] =	vst v63  }
0x59: {  	_ = 	snop  }
0x5a: {  	[hbm4b:s6+s2] =	stream.indirect_vreg.scatter [tilespmem:s17], [sflag:$0x1], $0x80, v4, vm0, $0xb8;
	[tilespmem:$0x8100] =	vst v63  }
0x5b: {  	_ = 	snop  }
0x5c: {  	[hbm4b:s7+s2] =	stream.indirect_vreg.scatter [tilespmem:s18], [sflag:$0x1], $0x80, v4, vm0, $0xb8;
	[tilespmem:$0x8100] =	vst v63  }
0x5d: {  	_ = 	snop  }
0x5e: {  	[hbm4b:s8+s2] =	stream.indirect_vreg.scatter [tilespmem:s19], [sflag:$0x1], $0x80, v4, vm0, $0xb8;
	[tilespmem:$0x8100] =	vst v63  }
0x5f: {  	v3 =	vperm.xlane v3, v2  }
0x60: {  	[hbm4b:s9+s2] =	stream.indirect_vreg.scatter [tilespmem:s20], [sflag:$0x1], $0x80, v4, vm0, $0xb8;
	[tilespmem:$0x8100] =	vst v63  }
0x61: {  	v3 =	vadd.s32 v1, v3  }
0x62: {  	[hbm4b:s10+s2] =	stream.indirect_vreg.scatter [tilespmem:s21], [sflag:$0x1], $0x80, v4, vm0, $0xb8;
	[tilespmem:$0x8100] =	vst v63  }
0x63: {  	_ = 	snop  }
0x64: {  	[hbm4b:s11+s2] =	stream.indirect_vreg.scatter [tilespmem:s22], [sflag:$0x1], $0x80, v4, vm0, $0xb8;
	[tilespmem:$0x8100] =	vst v63  }
0x65: {  	_ = 	snop  }
0x66: {  	[hbm4b:s4+s2] =	stream.indirect_vreg.scatter [tilespmem:s23], [sflag:$0x1], $0x80, v3, vm0, $0xb8;
	[tilespmem:$0x8100] =	vst v63  }
0x67: {  	_ = 	snop  }
0x68: {  	[hbm4b:s5+s2] =	stream.indirect_vreg.scatter [tilespmem:s24], [sflag:$0x1], $0x80, v3, vm0, $0xb8;
	[tilespmem:$0x8100] =	vst v63  }
0x69: {  	_ = 	snop  }
0x6a: {  	[hbm4b:s6+s2] =	stream.indirect_vreg.scatter [tilespmem:s25], [sflag:$0x1], $0x80, v3, vm0, $0xb8;
	[tilespmem:$0x8100] =	vst v63  }
0x6b: {  	_ = 	snop  }
0x6c: {  	[hbm4b:s7+s2] =	stream.indirect_vreg.scatter [tilespmem:s26], [sflag:$0x1], $0x80, v3, vm0, $0xb8;
	[tilespmem:$0x8100] =	vst v63  }
0x6d: {  	_ = 	snop  }
0x6e: {  	[hbm4b:s8+s2] =	stream.indirect_vreg.scatter [tilespmem:s28], [sflag:$0x1], $0x80, v3, vm0, $0xb8;
	[tilespmem:$0x8100] =	vst v63  }
0x6f: {  	_ = 	snop  }
0x70: {  	[hbm4b:s9+s2] =	stream.indirect_vreg.scatter [tilespmem:s29], [sflag:$0x1], $0x80, v3, vm0, $0xb8;
	[tilespmem:$0x8100] =	vst v63  }
0x71: {  	_ = 	snop  }
0x72: {  	[hbm4b:s10+s2] =	stream.indirect_vreg.scatter [tilespmem:s30], [sflag:$0x1], $0x80, v3, vm0, $0xb8;
	[tilespmem:$0x8100] =	vst v63  }
0x73: {  	_ = 	snop  }
0x74: {  	[hbm4b:s11+s2] =	stream.indirect_vreg.scatter [tilespmem:s31], [sflag:$0x1], $0x80, v3, vm0, $0xb8;
	[tilespmem:$0x8100] =	vst v63  }
0x75: {  	_ =	swait.ge [sflag:s1], $0x8000  }
0x76: {  	[sflag:s1] =	ssyncset.done $0x0  }
0x77: {  	s0 =	rddreg [dreg:$0x5];
	[sflag:s1] =	ssyncadd.s32 $0xFFFF8000  }
0x78: {  	[tilespmem:s15], [sflag:$0x2] =	stream.linear.gather [hbm4b:s0+s2], $0x8000, $0x38;
	[tilespmem:$0x8100] =	vst v63  }
0x79: {  	_ =	swait.ge [sflag:s14], $0x8000  }
0x7a: {  	[sflag:s14] =	ssyncset.done $0x0  }
0x7b: {  	[sflag:s14] =	ssyncadd.s32 $0xFFFF8000  }
0x7c: {  	v3 =	vld [tilespmem:$0x20];
	_ =	sdelay $0x4  }
0x7d: {  	v50 =	vshll.u32 v3, $0x4  }
0x7e: {  	v3 =	vand.u32 $0x7, v3;
	v4 =	vand.u32 $0xFFFFFF80, v50  }
0x7f: {  	v3 =	vor.u32 v3, v4  }
0x80: {  	v4 =	vperm.xlane v3, v0;
	_ =	sdelay $0x1  }
0x81: {  	v4 =	vadd.s32 v1, v4;
	_ =	sdelay $0x4  }
0x82: {  	[hbm4b:s4+s2] =	stream.indirect_vreg.scatter [tilespmem:s15], [sflag:$0x1], $0x80, v4, vm0, $0xb8;
	[tilespmem:$0x8100] =	vst v63  }
0x83: {  	_ = 	snop  }
0x84: {  	[hbm4b:s5+s2] =	stream.indirect_vreg.scatter [tilespmem:s16], [sflag:$0x1], $0x80, v4, vm0, $0xb8;
	[tilespmem:$0x8100] =	vst v63  }
0x85: {  	_ = 	snop  }
0x86: {  	[hbm4b:s6+s2] =	stream.indirect_vreg.scatter [tilespmem:s17], [sflag:$0x1], $0x80, v4, vm0, $0xb8;
	[tilespmem:$0x8100] =	vst v63  }
0x87: {  	_ = 	snop  }
0x88: {  	[hbm4b:s7+s2] =	stream.indirect_vreg.scatter [tilespmem:s18], [sflag:$0x1], $0x80, v4, vm0, $0xb8;
	[tilespmem:$0x8100] =	vst v63  }
0x89: {  	_ = 	snop  }
0x8a: {  	[hbm4b:s8+s2] =	stream.indirect_vreg.scatter [tilespmem:s19], [sflag:$0x1], $0x80, v4, vm0, $0xb8;
	[tilespmem:$0x8100] =	vst v63  }
0x8b: {  	v3 =	vperm.xlane v3, v2  }
0x8c: {  	[hbm4b:s9+s2] =	stream.indirect_vreg.scatter [tilespmem:s20], [sflag:$0x1], $0x80, v4, vm0, $0xb8;
	[tilespmem:$0x8100] =	vst v63  }
0x8d: {  	v3 =	vadd.s32 v1, v3  }
0x8e: {  	[hbm4b:s10+s2] =	stream.indirect_vreg.scatter [tilespmem:s21], [sflag:$0x1], $0x80, v4, vm0, $0xb8;
	[tilespmem:$0x8100] =	vst v63  }
0x8f: {  	_ = 	snop  }
0x90: {  	[hbm4b:s11+s2] =	stream.indirect_vreg.scatter [tilespmem:s22], [sflag:$0x1], $0x80, v4, vm0, $0xb8;
	[tilespmem:$0x8100] =	vst v63  }
0x91: {  	_ = 	snop  }
0x92: {  	[hbm4b:s4+s2] =	stream.indirect_vreg.scatter [tilespmem:s23], [sflag:$0x1], $0x80, v3, vm0, $0xb8;
	[tilespmem:$0x8100] =	vst v63  }
0x93: {  	_ = 	snop  }
0x94: {  	[hbm4b:s5+s2] =	stream.indirect_vreg.scatter [tilespmem:s24], [sflag:$0x1], $0x80, v3, vm0, $0xb8;
	[tilespmem:$0x8100] =	vst v63  }
0x95: {  	_ = 	snop  }
0x96: {  	[hbm4b:s6+s2] =	stream.indirect_vreg.scatter [tilespmem:s25], [sflag:$0x1], $0x80, v3, vm0, $0xb8;
	[tilespmem:$0x8100] =	vst v63  }
0x97: {  	_ = 	snop  }
0x98: {  	[hbm4b:s7+s2] =	stream.indirect_vreg.scatter [tilespmem:s26], [sflag:$0x1], $0x80, v3, vm0, $0xb8;
	[tilespmem:$0x8100] =	vst v63  }
0x99: {  	_ = 	snop  }
0x9a: {  	[hbm4b:s8+s2] =	stream.indirect_vreg.scatter [tilespmem:s28], [sflag:$0x1], $0x80, v3, vm0, $0xb8;
	[tilespmem:$0x8100] =	vst v63  }
0x9b: {  	_ = 	snop  }
0x9c: {  	[hbm4b:s9+s2] =	stream.indirect_vreg.scatter [tilespmem:s29], [sflag:$0x1], $0x80, v3, vm0, $0xb8;
	[tilespmem:$0x8100] =	vst v63  }
0x9d: {  	_ = 	snop  }
0x9e: {  	[hbm4b:s10+s2] =	stream.indirect_vreg.scatter [tilespmem:s30], [sflag:$0x1], $0x80, v3, vm0, $0xb8;
	[tilespmem:$0x8100] =	vst v63  }
0x9f: {  	_ = 	snop  }
0xa0: {  	[hbm4b:s11+s2] =	stream.indirect_vreg.scatter [tilespmem:s31], [sflag:$0x1], $0x80, v3, vm0, $0xb8;
	[tilespmem:$0x8100] =	vst v63  }
0xa1: {  	_ =	swait.ge [sflag:s1], $0x8000  }
0xa2: {  	[sflag:s1] =	ssyncset.done $0x0  }
0xa3: {  	s0 =	rddreg [dreg:$0x6];
	[sflag:s1] =	ssyncadd.s32 $0xFFFF8000  }
0xa4: {  	[tilespmem:s15], [sflag:$0x2] =	stream.linear.gather [hbm4b:s0+s2], $0x8000, $0x38;
	[tilespmem:$0x8100] =	vst v63  }
0xa5: {  	_ =	swait.ge [sflag:s14], $0x8000  }
0xa6: {  	[sflag:s14] =	ssyncset.done $0x0  }
0xa7: {  	[sflag:s14] =	ssyncadd.s32 $0xFFFF8000  }
0xa8: {  	v3 =	vld [tilespmem:$0x30];
	_ =	sdelay $0x4  }
0xa9: {  	v51 =	vshll.u32 v3, $0x4  }
0xaa: {  	v3 =	vand.u32 $0x7, v3;
	v4 =	vand.u32 $0xFFFFFF80, v51  }
0xab: {  	v3 =	vor.u32 v3, v4  }
0xac: {  	v4 =	vperm.xlane v3, v0;
	_ =	sdelay $0x1  }
0xad: {  	v4 =	vadd.s32 v1, v4;
	_ =	sdelay $0x4  }
0xae: {  	[hbm4b:s4+s2] =	stream.indirect_vreg.scatter [tilespmem:s15], [sflag:$0x1], $0x80, v4, vm0, $0xb8;
	[tilespmem:$0x8100] =	vst v63  }
0xaf: {  	_ = 	snop  }
0xb0: {  	[hbm4b:s5+s2] =	stream.indirect_vreg.scatter [tilespmem:s16], [sflag:$0x1], $0x80, v4, vm0, $0xb8;
	[tilespmem:$0x8100] =	vst v63  }
0xb1: {  	_ = 	snop  }
0xb2: {  	[hbm4b:s6+s2] =	stream.indirect_vreg.scatter [tilespmem:s17], [sflag:$0x1], $0x80, v4, vm0, $0xb8;
	[tilespmem:$0x8100] =	vst v63  }
0xb3: {  	_ = 	snop  }
0xb4: {  	[hbm4b:s7+s2] =	stream.indirect_vreg.scatter [tilespmem:s18], [sflag:$0x1], $0x80, v4, vm0, $0xb8;
	[tilespmem:$0x8100] =	vst v63  }
0xb5: {  	_ = 	snop  }
0xb6: {  	[hbm4b:s8+s2] =	stream.indirect_vreg.scatter [tilespmem:s19], [sflag:$0x1], $0x80, v4, vm0, $0xb8;
	[tilespmem:$0x8100] =	vst v63  }
0xb7: {  	v3 =	vperm.xlane v3, v2  }
0xb8: {  	[hbm4b:s9+s2] =	stream.indirect_vreg.scatter [tilespmem:s20], [sflag:$0x1], $0x80, v4, vm0, $0xb8;
	[tilespmem:$0x8100] =	vst v63  }
0xb9: {  	v3 =	vadd.s32 v1, v3  }
0xba: {  	[hbm4b:s10+s2] =	stream.indirect_vreg.scatter [tilespmem:s21], [sflag:$0x1], $0x80, v4, vm0, $0xb8;
	[tilespmem:$0x8100] =	vst v63  }
0xbb: {  	_ = 	snop  }
0xbc: {  	[hbm4b:s11+s2] =	stream.indirect_vreg.scatter [tilespmem:s22], [sflag:$0x1], $0x80, v4, vm0, $0xb8;
	[tilespmem:$0x8100] =	vst v63  }
0xbd: {  	_ = 	snop  }
0xbe: {  	[hbm4b:s4+s2] =	stream.indirect_vreg.scatter [tilespmem:s23], [sflag:$0x1], $0x80, v3, vm0, $0xb8;
	[tilespmem:$0x8100] =	vst v63  }
0xbf: {  	_ = 	snop  }
0xc0: {  	[hbm4b:s5+s2] =	stream.indirect_vreg.scatter [tilespmem:s24], [sflag:$0x1], $0x80, v3, vm0, $0xb8;
	[tilespmem:$0x8100] =	vst v63  }
0xc1: {  	_ = 	snop  }
0xc2: {  	[hbm4b:s6+s2] =	stream.indirect_vreg.scatter [tilespmem:s25], [sflag:$0x1], $0x80, v3, vm0, $0xb8;
	[tilespmem:$0x8100] =	vst v63  }
0xc3: {  	_ = 	snop  }
0xc4: {  	[hbm4b:s7+s2] =	stream.indirect_vreg.scatter [tilespmem:s26], [sflag:$0x1], $0x80, v3, vm0, $0xb8;
	[tilespmem:$0x8100] =	vst v63  }
0xc5: {  	_ = 	snop  }
0xc6: {  	[hbm4b:s8+s2] =	stream.indirect_vreg.scatter [tilespmem:s28], [sflag:$0x1], $0x80, v3, vm0, $0xb8;
	[tilespmem:$0x8100] =	vst v63  }
0xc7: {  	_ = 	snop  }
0xc8: {  	[hbm4b:s9+s2] =	stream.indirect_vreg.scatter [tilespmem:s29], [sflag:$0x1], $0x80, v3, vm0, $0xb8;
	[tilespmem:$0x8100] =	vst v63  }
0xc9: {  	_ = 	snop  }
0xca: {  	[hbm4b:s10+s2] =	stream.indirect_vreg.scatter [tilespmem:s30], [sflag:$0x1], $0x80, v3, vm0, $0xb8;
	[tilespmem:$0x8100] =	vst v63  }
0xcb: {  	_ = 	snop  }
0xcc: {  	[hbm4b:s11+s2] =	stream.indirect_vreg.scatter [tilespmem:s31], [sflag:$0x1], $0x80, v3, vm0, $0xb8;
	[tilespmem:$0x8100] =	vst v63  }
0xcd: {  	_ =	swait.ge [sflag:s1], $0x8000  }
0xce: {  	[sflag:s1] =	ssyncset.done $0x0  }
0xcf: {  	s0 =	rddreg [dreg:$0x7];
	[sflag:s1] =	ssyncadd.s32 $0xFFFF8000  }
0xd0: {  	[tilespmem:s15], [sflag:$0x2] =	stream.linear.gather [hbm4b:s0+s2], $0x8000, $0x38;
	[tilespmem:$0x8100] =	vst v63  }
0xd1: {  	_ =	swait.ge [sflag:s14], $0x8000  }
0xd2: {  	[sflag:s14] =	ssyncset.done $0x0  }
0xd3: {  	[sflag:s14] =	ssyncadd.s32 $0xFFFF8000  }
0xd4: {  	v3 =	vld [tilespmem:$0x40];
	_ =	sdelay $0x4  }
0xd5: {  	v52 =	vshll.u32 v3, $0x4  }
0xd6: {  	v3 =	vand.u32 $0x7, v3;
	v4 =	vand.u32 $0xFFFFFF80, v52  }
0xd7: {  	v3 =	vor.u32 v3, v4  }
0xd8: {  	v4 =	vperm.xlane v3, v0;
	_ =	sdelay $0x1  }
0xd9: {  	v4 =	vadd.s32 v1, v4;
	_ =	sdelay $0x4  }
0xda: {  	[hbm4b:s4+s2] =	stream.indirect_vreg.scatter [tilespmem:s15], [sflag:$0x1], $0x80, v4, vm0, $0xb8;
	[tilespmem:$0x8100] =	vst v63  }
0xdb: {  	_ = 	snop  }
0xdc: {  	[hbm4b:s5+s2] =	stream.indirect_vreg.scatter [tilespmem:s16], [sflag:$0x1], $0x80, v4, vm0, $0xb8;
	[tilespmem:$0x8100] =	vst v63  }
0xdd: {  	_ = 	snop  }
0xde: {  	[hbm4b:s6+s2] =	stream.indirect_vreg.scatter [tilespmem:s17], [sflag:$0x1], $0x80, v4, vm0, $0xb8;
	[tilespmem:$0x8100] =	vst v63  }
0xdf: {  	_ = 	snop  }
0xe0: {  	[hbm4b:s7+s2] =	stream.indirect_vreg.scatter [tilespmem:s18], [sflag:$0x1], $0x80, v4, vm0, $0xb8;
	[tilespmem:$0x8100] =	vst v63  }
0xe1: {  	_ = 	snop  }
0xe2: {  	[hbm4b:s8+s2] =	stream.indirect_vreg.scatter [tilespmem:s19], [sflag:$0x1], $0x80, v4, vm0, $0xb8;
	[tilespmem:$0x8100] =	vst v63  }
0xe3: {  	v3 =	vperm.xlane v3, v2  }
0xe4: {  	[hbm4b:s9+s2] =	stream.indirect_vreg.scatter [tilespmem:s20], [sflag:$0x1], $0x80, v4, vm0, $0xb8;
	[tilespmem:$0x8100] =	vst v63  }
0xe5: {  	v3 =	vadd.s32 v1, v3  }
0xe6: {  	[hbm4b:s10+s2] =	stream.indirect_vreg.scatter [tilespmem:s21], [sflag:$0x1], $0x80, v4, vm0, $0xb8;
	[tilespmem:$0x8100] =	vst v63  }
0xe7: {  	_ = 	snop  }
0xe8: {  	[hbm4b:s11+s2] =	stream.indirect_vreg.scatter [tilespmem:s22], [sflag:$0x1], $0x80, v4, vm0, $0xb8;
	[tilespmem:$0x8100] =	vst v63  }
0xe9: {  	_ = 	snop  }
0xea: {  	[hbm4b:s4+s2] =	stream.indirect_vreg.scatter [tilespmem:s23], [sflag:$0x1], $0x80, v3, vm0, $0xb8;
	[tilespmem:$0x8100] =	vst v63  }
0xeb: {  	_ = 	snop  }
0xec: {  	[hbm4b:s5+s2] =	stream.indirect_vreg.scatter [tilespmem:s24], [sflag:$0x1], $0x80, v3, vm0, $0xb8;
	[tilespmem:$0x8100] =	vst v63  }
0xed: {  	_ = 	snop  }
0xee: {  	[hbm4b:s6+s2] =	stream.indirect_vreg.scatter [tilespmem:s25], [sflag:$0x1], $0x80, v3, vm0, $0xb8;
	[tilespmem:$0x8100] =	vst v63  }
0xef: {  	_ = 	snop  }
0xf0: {  	[hbm4b:s7+s2] =	stream.indirect_vreg.scatter [tilespmem:s26], [sflag:$0x1], $0x80, v3, vm0, $0xb8;
	[tilespmem:$0x8100] =	vst v63  }
0xf1: {  	_ = 	snop  }
0xf2: {  	[hbm4b:s8+s2] =	stream.indirect_vreg.scatter [tilespmem:s28], [sflag:$0x1], $0x80, v3, vm0, $0xb8;
	[tilespmem:$0x8100] =	vst v63  }
0xf3: {  	_ = 	snop  }
0xf4: {  	[hbm4b:s9+s2] =	stream.indirect_vreg.scatter [tilespmem:s29], [sflag:$0x1], $0x80, v3, vm0, $0xb8;
	[tilespmem:$0x8100] =	vst v63  }
0xf5: {  	_ = 	snop  }
0xf6: {  	[hbm4b:s10+s2] =	stream.indirect_vreg.scatter [tilespmem:s30], [sflag:$0x1], $0x80, v3, vm0, $0xb8;
	[tilespmem:$0x8100] =	vst v63  }
0xf7: {  	_ = 	snop  }
0xf8: {  	[hbm4b:s11+s2] =	stream.indirect_vreg.scatter [tilespmem:s31], [sflag:$0x1], $0x80, v3, vm0, $0xb8;
	[tilespmem:$0x8100] =	vst v63  }
0xf9: {  	_ =	swait.ge [sflag:s1], $0x8000  }
0xfa: {  	[sflag:s1] =	ssyncset.done $0x0  }
0xfb: {  	s0 =	rddreg [dreg:$0x8];
	[sflag:s1] =	ssyncadd.s32 $0xFFFF8000  }
0xfc: {  	[tilespmem:s15], [sflag:$0x2] =	stream.linear.gather [hbm4b:s0+s2], $0x8000, $0x38;
	[tilespmem:$0x8100] =	vst v63  }
0xfd: {  	_ =	swait.ge [sflag:s14], $0x8000  }
0xfe: {  	[sflag:s14] =	ssyncset.done $0x0  }
0xff: {  	[sflag:s14] =	ssyncadd.s32 $0xFFFF8000  }
0x100: {  	v3 =	vld [tilespmem:$0x50];
	_ =	sdelay $0x4  }
0x101: {  	v53 =	vshll.u32 v3, $0x4  }
0x102: {  	v3 =	vand.u32 $0x7, v3;
	v4 =	vand.u32 $0xFFFFFF80, v53  }
0x103: {  	v3 =	vor.u32 v3, v4  }
0x104: {  	v4 =	vperm.xlane v3, v0;
	_ =	sdelay $0x1  }
0x105: {  	v4 =	vadd.s32 v1, v4;
	_ =	sdelay $0x4  }
0x106: {  	[hbm4b:s4+s2] =	stream.indirect_vreg.scatter [tilespmem:s15], [sflag:$0x1], $0x80, v4, vm0, $0xb8;
	[tilespmem:$0x8100] =	vst v63  }
0x107: {  	_ = 	snop  }
0x108: {  	[hbm4b:s5+s2] =	stream.indirect_vreg.scatter [tilespmem:s16], [sflag:$0x1], $0x80, v4, vm0, $0xb8;
	[tilespmem:$0x8100] =	vst v63  }
0x109: {  	_ = 	snop  }
0x10a: {  	[hbm4b:s6+s2] =	stream.indirect_vreg.scatter [tilespmem:s17], [sflag:$0x1], $0x80, v4, vm0, $0xb8;
	[tilespmem:$0x8100] =	vst v63  }
0x10b: {  	_ = 	snop  }
0x10c: {  	[hbm4b:s7+s2] =	stream.indirect_vreg.scatter [tilespmem:s18], [sflag:$0x1], $0x80, v4, vm0, $0xb8;
	[tilespmem:$0x8100] =	vst v63  }
0x10d: {  	_ = 	snop  }
0x10e: {  	[hbm4b:s8+s2] =	stream.indirect_vreg.scatter [tilespmem:s19], [sflag:$0x1], $0x80, v4, vm0, $0xb8;
	[tilespmem:$0x8100] =	vst v63  }
0x10f: {  	v3 =	vperm.xlane v3, v2  }
0x110: {  	[hbm4b:s9+s2] =	stream.indirect_vreg.scatter [tilespmem:s20], [sflag:$0x1], $0x80, v4, vm0, $0xb8;
	[tilespmem:$0x8100] =	vst v63  }
0x111: {  	v3 =	vadd.s32 v1, v3  }
0x112: {  	[hbm4b:s10+s2] =	stream.indirect_vreg.scatter [tilespmem:s21], [sflag:$0x1], $0x80, v4, vm0, $0xb8;
	[tilespmem:$0x8100] =	vst v63  }
0x113: {  	_ = 	snop  }
0x114: {  	[hbm4b:s11+s2] =	stream.indirect_vreg.scatter [tilespmem:s22], [sflag:$0x1], $0x80, v4, vm0, $0xb8;
	[tilespmem:$0x8100] =	vst v63  }
0x115: {  	_ = 	snop  }
0x116: {  	[hbm4b:s4+s2] =	stream.indirect_vreg.scatter [tilespmem:s23], [sflag:$0x1], $0x80, v3, vm0, $0xb8;
	[tilespmem:$0x8100] =	vst v63  }
0x117: {  	_ = 	snop  }
0x118: {  	[hbm4b:s5+s2] =	stream.indirect_vreg.scatter [tilespmem:s24], [sflag:$0x1], $0x80, v3, vm0, $0xb8;
	[tilespmem:$0x8100] =	vst v63  }
0x119: {  	_ = 	snop  }
0x11a: {  	[hbm4b:s6+s2] =	stream.indirect_vreg.scatter [tilespmem:s25], [sflag:$0x1], $0x80, v3, vm0, $0xb8;
	[tilespmem:$0x8100] =	vst v63  }
0x11b: {  	_ = 	snop  }
0x11c: {  	[hbm4b:s7+s2] =	stream.indirect_vreg.scatter [tilespmem:s26], [sflag:$0x1], $0x80, v3, vm0, $0xb8;
	[tilespmem:$0x8100] =	vst v63  }
0x11d: {  	_ = 	snop  }
0x11e: {  	[hbm4b:s8+s2] =	stream.indirect_vreg.scatter [tilespmem:s28], [sflag:$0x1], $0x80, v3, vm0, $0xb8;
	[tilespmem:$0x8100] =	vst v63  }
0x11f: {  	_ = 	snop  }
0x120: {  	[hbm4b:s9+s2] =	stream.indirect_vreg.scatter [tilespmem:s29], [sflag:$0x1], $0x80, v3, vm0, $0xb8;
	[tilespmem:$0x8100] =	vst v63  }
0x121: {  	_ = 	snop  }
0x122: {  	[hbm4b:s10+s2] =	stream.indirect_vreg.scatter [tilespmem:s30], [sflag:$0x1], $0x80, v3, vm0, $0xb8;
	[tilespmem:$0x8100] =	vst v63  }
0x123: {  	_ = 	snop  }
0x124: {  	[hbm4b:s11+s2] =	stream.indirect_vreg.scatter [tilespmem:s31], [sflag:$0x1], $0x80, v3, vm0, $0xb8;
	[tilespmem:$0x8100] =	vst v63  }
0x125: {  	_ =	swait.ge [sflag:s1], $0x8000  }
0x126: {  	[sflag:s1] =	ssyncset.done $0x0  }
0x127: {  	s0 =	rddreg [dreg:$0x9];
	[sflag:s1] =	ssyncadd.s32 $0xFFFF8000  }
0x128: {  	[tilespmem:s15], [sflag:$0x2] =	stream.linear.gather [hbm4b:s0+s2], $0x8000, $0x38;
	[tilespmem:$0x8100] =	vst v63  }
0x129: {  	_ =	swait.ge [sflag:s14], $0x8000  }
0x12a: {  	[sflag:s14] =	ssyncset.done $0x0  }
0x12b: {  	[sflag:s14] =	ssyncadd.s32 $0xFFFF8000  }
0x12c: {  	v3 =	vld [tilespmem:$0x60];
	_ =	sdelay $0x4  }
0x12d: {  	v54 =	vshll.u32 v3, $0x4  }
0x12e: {  	v3 =	vand.u32 $0x7, v3;
	v4 =	vand.u32 $0xFFFFFF80, v54  }
0x12f: {  	v3 =	vor.u32 v3, v4  }
0x130: {  	v4 =	vperm.xlane v3, v0;
	_ =	sdelay $0x1  }
0x131: {  	v4 =	vadd.s32 v1, v4;
	_ =	sdelay $0x4  }
0x132: {  	[hbm4b:s4+s2] =	stream.indirect_vreg.scatter [tilespmem:s15], [sflag:$0x1], $0x80, v4, vm0, $0xb8;
	[tilespmem:$0x8100] =	vst v63  }
0x133: {  	_ = 	snop  }
0x134: {  	[hbm4b:s5+s2] =	stream.indirect_vreg.scatter [tilespmem:s16], [sflag:$0x1], $0x80, v4, vm0, $0xb8;
	[tilespmem:$0x8100] =	vst v63  }
0x135: {  	_ = 	snop  }
0x136: {  	[hbm4b:s6+s2] =	stream.indirect_vreg.scatter [tilespmem:s17], [sflag:$0x1], $0x80, v4, vm0, $0xb8;
	[tilespmem:$0x8100] =	vst v63  }
0x137: {  	_ = 	snop  }
0x138: {  	[hbm4b:s7+s2] =	stream.indirect_vreg.scatter [tilespmem:s18], [sflag:$0x1], $0x80, v4, vm0, $0xb8;
	[tilespmem:$0x8100] =	vst v63  }
0x139: {  	_ = 	snop  }
0x13a: {  	[hbm4b:s8+s2] =	stream.indirect_vreg.scatter [tilespmem:s19], [sflag:$0x1], $0x80, v4, vm0, $0xb8;
	[tilespmem:$0x8100] =	vst v63  }
0x13b: {  	v3 =	vperm.xlane v3, v2  }
0x13c: {  	[hbm4b:s9+s2] =	stream.indirect_vreg.scatter [tilespmem:s20], [sflag:$0x1], $0x80, v4, vm0, $0xb8;
	[tilespmem:$0x8100] =	vst v63  }
0x13d: {  	v3 =	vadd.s32 v1, v3  }
0x13e: {  	[hbm4b:s10+s2] =	stream.indirect_vreg.scatter [tilespmem:s21], [sflag:$0x1], $0x80, v4, vm0, $0xb8;
	[tilespmem:$0x8100] =	vst v63  }
0x13f: {  	_ = 	snop  }
0x140: {  	[hbm4b:s11+s2] =	stream.indirect_vreg.scatter [tilespmem:s22], [sflag:$0x1], $0x80, v4, vm0, $0xb8;
	[tilespmem:$0x8100] =	vst v63  }
0x141: {  	_ = 	snop  }
0x142: {  	[hbm4b:s4+s2] =	stream.indirect_vreg.scatter [tilespmem:s23], [sflag:$0x1], $0x80, v3, vm0, $0xb8;
	[tilespmem:$0x8100] =	vst v63  }
0x143: {  	_ = 	snop  }
0x144: {  	[hbm4b:s5+s2] =	stream.indirect_vreg.scatter [tilespmem:s24], [sflag:$0x1], $0x80, v3, vm0, $0xb8;
	[tilespmem:$0x8100] =	vst v63  }
0x145: {  	_ = 	snop  }
0x146: {  	[hbm4b:s6+s2] =	stream.indirect_vreg.scatter [tilespmem:s25], [sflag:$0x1], $0x80, v3, vm0, $0xb8;
	[tilespmem:$0x8100] =	vst v63  }
0x147: {  	_ = 	snop  }
0x148: {  	[hbm4b:s7+s2] =	stream.indirect_vreg.scatter [tilespmem:s26], [sflag:$0x1], $0x80, v3, vm0, $0xb8;
	[tilespmem:$0x8100] =	vst v63  }
0x149: {  	_ = 	snop  }
0x14a: {  	[hbm4b:s8+s2] =	stream.indirect_vreg.scatter [tilespmem:s28], [sflag:$0x1], $0x80, v3, vm0, $0xb8;
	[tilespmem:$0x8100] =	vst v63  }
0x14b: {  	_ = 	snop  }
0x14c: {  	[hbm4b:s9+s2] =	stream.indirect_vreg.scatter [tilespmem:s29], [sflag:$0x1], $0x80, v3, vm0, $0xb8;
	[tilespmem:$0x8100] =	vst v63  }
0x14d: {  	_ = 	snop  }
0x14e: {  	[hbm4b:s10+s2] =	stream.indirect_vreg.scatter [tilespmem:s30], [sflag:$0x1], $0x80, v3, vm0, $0xb8;
	[tilespmem:$0x8100] =	vst v63  }
0x14f: {  	_ = 	snop  }
0x150: {  	[hbm4b:s11+s2] =	stream.indirect_vreg.scatter [tilespmem:s31], [sflag:$0x1], $0x80, v3, vm0, $0xb8;
	[tilespmem:$0x8100] =	vst v63  }
0x151: {  	_ =	swait.ge [sflag:s1], $0x8000  }
0x152: {  	[sflag:s1] =	ssyncset.done $0x0  }
0x153: {  	s0 =	rddreg [dreg:$0xa];
	[sflag:s1] =	ssyncadd.s32 $0xFFFF8000  }
0x154: {  	[tilespmem:s15], [sflag:$0x2] =	stream.linear.gather [hbm4b:s0+s2], $0x8000, $0x38;
	[tilespmem:$0x8100] =	vst v63  }
0x155: {  	_ =	swait.ge [sflag:s14], $0x8000  }
0x156: {  	[sflag:s14] =	ssyncset.done $0x0  }
0x157: {  	[sflag:s14] =	ssyncadd.s32 $0xFFFF8000  }
0x158: {  	v3 =	vld [tilespmem:$0x70];
	_ =	sdelay $0x4  }
0x159: {  	v55 =	vshll.u32 v3, $0x4  }
0x15a: {  	v3 =	vand.u32 $0x7, v3;
	v4 =	vand.u32 $0xFFFFFF80, v55  }
0x15b: {  	v3 =	vor.u32 v3, v4  }
0x15c: {  	v4 =	vperm.xlane v3, v0;
	_ =	sdelay $0x1  }
0x15d: {  	v4 =	vadd.s32 v1, v4;
	_ =	sdelay $0x4  }
0x15e: {  	[hbm4b:s4+s2] =	stream.indirect_vreg.scatter [tilespmem:s15], [sflag:$0x1], $0x80, v4, vm0, $0xb8;
	[tilespmem:$0x8100] =	vst v63  }
0x15f: {  	_ = 	snop  }
0x160: {  	[hbm4b:s5+s2] =	stream.indirect_vreg.scatter [tilespmem:s16], [sflag:$0x1], $0x80, v4, vm0, $0xb8;
	[tilespmem:$0x8100] =	vst v63  }
0x161: {  	_ = 	snop  }
0x162: {  	[hbm4b:s6+s2] =	stream.indirect_vreg.scatter [tilespmem:s17], [sflag:$0x1], $0x80, v4, vm0, $0xb8;
	[tilespmem:$0x8100] =	vst v63  }
0x163: {  	_ = 	snop  }
0x164: {  	[hbm4b:s7+s2] =	stream.indirect_vreg.scatter [tilespmem:s18], [sflag:$0x1], $0x80, v4, vm0, $0xb8;
	[tilespmem:$0x8100] =	vst v63  }
0x165: {  	_ = 	snop  }
0x166: {  	[hbm4b:s8+s2] =	stream.indirect_vreg.scatter [tilespmem:s19], [sflag:$0x1], $0x80, v4, vm0, $0xb8;
	[tilespmem:$0x8100] =	vst v63  }
0x167: {  	v3 =	vperm.xlane v3, v2  }
0x168: {  	[hbm4b:s9+s2] =	stream.indirect_vreg.scatter [tilespmem:s20], [sflag:$0x1], $0x80, v4, vm0, $0xb8;
	[tilespmem:$0x8100] =	vst v63  }
0x169: {  	v3 =	vadd.s32 v1, v3  }
0x16a: {  	[hbm4b:s10+s2] =	stream.indirect_vreg.scatter [tilespmem:s21], [sflag:$0x1], $0x80, v4, vm0, $0xb8;
	[tilespmem:$0x8100] =	vst v63  }
0x16b: {  	_ = 	snop  }
0x16c: {  	[hbm4b:s11+s2] =	stream.indirect_vreg.scatter [tilespmem:s22], [sflag:$0x1], $0x80, v4, vm0, $0xb8;
	[tilespmem:$0x8100] =	vst v63  }
0x16d: {  	_ = 	snop  }
0x16e: {  	[hbm4b:s4+s2] =	stream.indirect_vreg.scatter [tilespmem:s23], [sflag:$0x1], $0x80, v3, vm0, $0xb8;
	[tilespmem:$0x8100] =	vst v63  }
0x16f: {  	_ = 	snop  }
0x170: {  	[hbm4b:s5+s2] =	stream.indirect_vreg.scatter [tilespmem:s24], [sflag:$0x1], $0x80, v3, vm0, $0xb8;
	[tilespmem:$0x8100] =	vst v63  }
0x171: {  	_ = 	snop  }
0x172: {  	[hbm4b:s6+s2] =	stream.indirect_vreg.scatter [tilespmem:s25], [sflag:$0x1], $0x80, v3, vm0, $0xb8;
	[tilespmem:$0x8100] =	vst v63  }
0x173: {  	_ = 	snop  }
0x174: {  	[hbm4b:s7+s2] =	stream.indirect_vreg.scatter [tilespmem:s26], [sflag:$0x1], $0x80, v3, vm0, $0xb8;
	[tilespmem:$0x8100] =	vst v63  }
0x175: {  	_ = 	snop  }
0x176: {  	[hbm4b:s8+s2] =	stream.indirect_vreg.scatter [tilespmem:s28], [sflag:$0x1], $0x80, v3, vm0, $0xb8;
	[tilespmem:$0x8100] =	vst v63  }
0x177: {  	_ = 	snop  }
0x178: {  	[hbm4b:s9+s2] =	stream.indirect_vreg.scatter [tilespmem:s29], [sflag:$0x1], $0x80, v3, vm0, $0xb8;
	[tilespmem:$0x8100] =	vst v63  }
0x179: {  	_ = 	snop  }
0x17a: {  	[hbm4b:s10+s2] =	stream.indirect_vreg.scatter [tilespmem:s30], [sflag:$0x1], $0x80, v3, vm0, $0xb8;
	[tilespmem:$0x8100] =	vst v63  }
0x17b: {  	_ = 	snop  }
0x17c: {  	[hbm4b:s11+s2] =	stream.indirect_vreg.scatter [tilespmem:s31], [sflag:$0x1], $0x80, v3, vm0, $0xb8;
	[tilespmem:$0x8100] =	vst v63  }
0x17d: {  	_ =	swait.ge [sflag:s1], $0x8000  }
0x17e: {  	[sflag:s1] =	ssyncset.done $0x0  }
0x17f: {  	s0 =	rddreg [dreg:$0xb];
	[sflag:s1] =	ssyncadd.s32 $0xFFFF8000  }
0x180: {  	[tilespmem:s15], [sflag:$0x2] =	stream.linear.gather [hbm4b:s0+s2], $0x8000, $0x38;
	[tilespmem:$0x8100] =	vst v63  }
0x181: {  	_ =	swait.ge [sflag:s14], $0x8000  }
0x182: {  	[sflag:s14] =	ssyncset.done $0x0  }
0x183: {  	[sflag:s14] =	ssyncadd.s32 $0xFFFF8000  }
0x184: {  	v3 =	vld [tilespmem:$0x80];
	_ =	sdelay $0x4  }
0x185: {  	v56 =	vshll.u32 v3, $0x4  }
0x186: {  	v3 =	vand.u32 $0x7, v3;
	v4 =	vand.u32 $0xFFFFFF80, v56  }
0x187: {  	v3 =	vor.u32 v3, v4  }
0x188: {  	v4 =	vperm.xlane v3, v0;
	_ =	sdelay $0x1  }
0x189: {  	v4 =	vadd.s32 v1, v4;
	_ =	sdelay $0x4  }
0x18a: {  	[hbm4b:s4+s2] =	stream.indirect_vreg.scatter [tilespmem:s15], [sflag:$0x1], $0x80, v4, vm0, $0xb8;
	[tilespmem:$0x8100] =	vst v63  }
0x18b: {  	_ = 	snop  }
0x18c: {  	[hbm4b:s5+s2] =	stream.indirect_vreg.scatter [tilespmem:s16], [sflag:$0x1], $0x80, v4, vm0, $0xb8;
	[tilespmem:$0x8100] =	vst v63  }
0x18d: {  	_ = 	snop  }
0x18e: {  	[hbm4b:s6+s2] =	stream.indirect_vreg.scatter [tilespmem:s17], [sflag:$0x1], $0x80, v4, vm0, $0xb8;
	[tilespmem:$0x8100] =	vst v63  }
0x18f: {  	_ = 	snop  }
0x190: {  	[hbm4b:s7+s2] =	stream.indirect_vreg.scatter [tilespmem:s18], [sflag:$0x1], $0x80, v4, vm0, $0xb8;
	[tilespmem:$0x8100] =	vst v63  }
0x191: {  	_ = 	snop  }
0x192: {  	[hbm4b:s8+s2] =	stream.indirect_vreg.scatter [tilespmem:s19], [sflag:$0x1], $0x80, v4, vm0, $0xb8;
	[tilespmem:$0x8100] =	vst v63  }
0x193: {  	v3 =	vperm.xlane v3, v2  }
0x194: {  	[hbm4b:s9+s2] =	stream.indirect_vreg.scatter [tilespmem:s20], [sflag:$0x1], $0x80, v4, vm0, $0xb8;
	[tilespmem:$0x8100] =	vst v63  }
0x195: {  	v3 =	vadd.s32 v1, v3  }
0x196: {  	[hbm4b:s10+s2] =	stream.indirect_vreg.scatter [tilespmem:s21], [sflag:$0x1], $0x80, v4, vm0, $0xb8;
	[tilespmem:$0x8100] =	vst v63  }
0x197: {  	_ = 	snop  }
0x198: {  	[hbm4b:s11+s2] =	stream.indirect_vreg.scatter [tilespmem:s22], [sflag:$0x1], $0x80, v4, vm0, $0xb8;
	[tilespmem:$0x8100] =	vst v63  }
0x199: {  	_ = 	snop  }
0x19a: {  	[hbm4b:s4+s2] =	stream.indirect_vreg.scatter [tilespmem:s23], [sflag:$0x1], $0x80, v3, vm0, $0xb8;
	[tilespmem:$0x8100] =	vst v63  }
0x19b: {  	_ = 	snop  }
0x19c: {  	[hbm4b:s5+s2] =	stream.indirect_vreg.scatter [tilespmem:s24], [sflag:$0x1], $0x80, v3, vm0, $0xb8;
	[tilespmem:$0x8100] =	vst v63  }
0x19d: {  	_ = 	snop  }
0x19e: {  	[hbm4b:s6+s2] =	stream.indirect_vreg.scatter [tilespmem:s25], [sflag:$0x1], $0x80, v3, vm0, $0xb8;
	[tilespmem:$0x8100] =	vst v63  }
0x19f: {  	_ = 	snop  }
0x1a0: {  	[hbm4b:s7+s2] =	stream.indirect_vreg.scatter [tilespmem:s26], [sflag:$0x1], $0x80, v3, vm0, $0xb8;
	[tilespmem:$0x8100] =	vst v63  }
0x1a1: {  	_ = 	snop  }
0x1a2: {  	[hbm4b:s8+s2] =	stream.indirect_vreg.scatter [tilespmem:s28], [sflag:$0x1], $0x80, v3, vm0, $0xb8;
	[tilespmem:$0x8100] =	vst v63  }
0x1a3: {  	_ = 	snop  }
0x1a4: {  	[hbm4b:s9+s2] =	stream.indirect_vreg.scatter [tilespmem:s29], [sflag:$0x1], $0x80, v3, vm0, $0xb8;
	[tilespmem:$0x8100] =	vst v63  }
0x1a5: {  	_ = 	snop  }
0x1a6: {  	[hbm4b:s10+s2] =	stream.indirect_vreg.scatter [tilespmem:s30], [sflag:$0x1], $0x80, v3, vm0, $0xb8;
	[tilespmem:$0x8100] =	vst v63  }
0x1a7: {  	_ = 	snop  }
0x1a8: {  	[hbm4b:s11+s2] =	stream.indirect_vreg.scatter [tilespmem:s31], [sflag:$0x1], $0x80, v3, vm0, $0xb8;
	[tilespmem:$0x8100] =	vst v63  }
0x1a9: {  	_ =	swait.ge [sflag:s1], $0x8000  }
0x1aa: {  	[sflag:s1] =	ssyncset.done $0x0  }
0x1ab: {  	s0 =	rddreg [dreg:$0xc];
	[sflag:s1] =	ssyncadd.s32 $0xFFFF8000  }
0x1ac: {  	[tilespmem:s15], [sflag:$0x2] =	stream.linear.gather [hbm4b:s0+s2], $0x8000, $0x38;
	[tilespmem:$0x8100] =	vst v63  }
0x1ad: {  	_ =	swait.ge [sflag:s14], $0x8000  }
0x1ae: {  	[sflag:s14] =	ssyncset.done $0x0  }
0x1af: {  	[sflag:s14] =	ssyncadd.s32 $0xFFFF8000  }
0x1b0: {  	v3 =	vld [tilespmem:$0x90];
	_ =	sdelay $0x4  }
0x1b1: {  	v57 =	vshll.u32 v3, $0x4  }
0x1b2: {  	v3 =	vand.u32 $0x7, v3;
	v4 =	vand.u32 $0xFFFFFF80, v57  }
0x1b3: {  	v3 =	vor.u32 v3, v4  }
0x1b4: {  	v4 =	vperm.xlane v3, v0;
	_ =	sdelay $0x1  }
0x1b5: {  	v4 =	vadd.s32 v1, v4;
	_ =	sdelay $0x4  }
0x1b6: {  	[hbm4b:s4+s2] =	stream.indirect_vreg.scatter [tilespmem:s15], [sflag:$0x1], $0x80, v4, vm0, $0xb8;
	[tilespmem:$0x8100] =	vst v63  }
0x1b7: {  	_ = 	snop  }
0x1b8: {  	[hbm4b:s5+s2] =	stream.indirect_vreg.scatter [tilespmem:s16], [sflag:$0x1], $0x80, v4, vm0, $0xb8;
	[tilespmem:$0x8100] =	vst v63  }
0x1b9: {  	_ = 	snop  }
0x1ba: {  	[hbm4b:s6+s2] =	stream.indirect_vreg.scatter [tilespmem:s17], [sflag:$0x1], $0x80, v4, vm0, $0xb8;
	[tilespmem:$0x8100] =	vst v63  }
0x1bb: {  	_ = 	snop  }
0x1bc: {  	[hbm4b:s7+s2] =	stream.indirect_vreg.scatter [tilespmem:s18], [sflag:$0x1], $0x80, v4, vm0, $0xb8;
	[tilespmem:$0x8100] =	vst v63  }
0x1bd: {  	_ = 	snop  }
0x1be: {  	[hbm4b:s8+s2] =	stream.indirect_vreg.scatter [tilespmem:s19], [sflag:$0x1], $0x80, v4, vm0, $0xb8;
	[tilespmem:$0x8100] =	vst v63  }
0x1bf: {  	v3 =	vperm.xlane v3, v2  }
0x1c0: {  	[hbm4b:s9+s2] =	stream.indirect_vreg.scatter [tilespmem:s20], [sflag:$0x1], $0x80, v4, vm0, $0xb8;
	[tilespmem:$0x8100] =	vst v63  }
0x1c1: {  	v3 =	vadd.s32 v1, v3  }
0x1c2: {  	[hbm4b:s10+s2] =	stream.indirect_vreg.scatter [tilespmem:s21], [sflag:$0x1], $0x80, v4, vm0, $0xb8;
	[tilespmem:$0x8100] =	vst v63  }
0x1c3: {  	_ = 	snop  }
0x1c4: {  	[hbm4b:s11+s2] =	stream.indirect_vreg.scatter [tilespmem:s22], [sflag:$0x1], $0x80, v4, vm0, $0xb8;
	[tilespmem:$0x8100] =	vst v63  }
0x1c5: {  	_ = 	snop  }
0x1c6: {  	[hbm4b:s4+s2] =	stream.indirect_vreg.scatter [tilespmem:s23], [sflag:$0x1], $0x80, v3, vm0, $0xb8;
	[tilespmem:$0x8100] =	vst v63  }
0x1c7: {  	_ = 	snop  }
0x1c8: {  	[hbm4b:s5+s2] =	stream.indirect_vreg.scatter [tilespmem:s24], [sflag:$0x1], $0x80, v3, vm0, $0xb8;
	[tilespmem:$0x8100] =	vst v63  }
0x1c9: {  	_ = 	snop  }
0x1ca: {  	[hbm4b:s6+s2] =	stream.indirect_vreg.scatter [tilespmem:s25], [sflag:$0x1], $0x80, v3, vm0, $0xb8;
	[tilespmem:$0x8100] =	vst v63  }
0x1cb: {  	_ = 	snop  }
0x1cc: {  	[hbm4b:s7+s2] =	stream.indirect_vreg.scatter [tilespmem:s26], [sflag:$0x1], $0x80, v3, vm0, $0xb8;
	[tilespmem:$0x8100] =	vst v63  }
0x1cd: {  	_ = 	snop  }
0x1ce: {  	[hbm4b:s8+s2] =	stream.indirect_vreg.scatter [tilespmem:s28], [sflag:$0x1], $0x80, v3, vm0, $0xb8;
	[tilespmem:$0x8100] =	vst v63  }
0x1cf: {  	_ = 	snop  }
0x1d0: {  	[hbm4b:s9+s2] =	stream.indirect_vreg.scatter [tilespmem:s29], [sflag:$0x1], $0x80, v3, vm0, $0xb8;
	[tilespmem:$0x8100] =	vst v63  }
0x1d1: {  	_ = 	snop  }
0x1d2: {  	[hbm4b:s10+s2] =	stream.indirect_vreg.scatter [tilespmem:s30], [sflag:$0x1], $0x80, v3, vm0, $0xb8;
	[tilespmem:$0x8100] =	vst v63  }
0x1d3: {  	_ = 	snop  }
0x1d4: {  	[hbm4b:s11+s2] =	stream.indirect_vreg.scatter [tilespmem:s31], [sflag:$0x1], $0x80, v3, vm0, $0xb8;
	[tilespmem:$0x8100] =	vst v63  }
0x1d5: {  	_ =	swait.ge [sflag:s1], $0x8000  }
0x1d6: {  	[sflag:s1] =	ssyncset.done $0x0  }
0x1d7: {  	s0 =	rddreg [dreg:$0xd];
	[sflag:s1] =	ssyncadd.s32 $0xFFFF8000  }
0x1d8: {  	[tilespmem:s15], [sflag:$0x2] =	stream.linear.gather [hbm4b:s0+s2], $0x8000, $0x38;
	[tilespmem:$0x8100] =	vst v63  }
0x1d9: {  	_ =	swait.ge [sflag:s14], $0x8000  }
0x1da: {  	[sflag:s14] =	ssyncset.done $0x0  }
0x1db: {  	[sflag:s14] =	ssyncadd.s32 $0xFFFF8000  }
0x1dc: {  	v3 =	vld [tilespmem:$0xA0];
	_ =	sdelay $0x4  }
0x1dd: {  	v58 =	vshll.u32 v3, $0x4  }
0x1de: {  	v3 =	vand.u32 $0x7, v3;
	v4 =	vand.u32 $0xFFFFFF80, v58  }
0x1df: {  	v3 =	vor.u32 v3, v4  }
0x1e0: {  	v4 =	vperm.xlane v3, v0;
	_ =	sdelay $0x1  }
0x1e1: {  	v4 =	vadd.s32 v1, v4;
	_ =	sdelay $0x4  }
0x1e2: {  	[hbm4b:s4+s2] =	stream.indirect_vreg.scatter [tilespmem:s15], [sflag:$0x1], $0x80, v4, vm0, $0xb8;
	[tilespmem:$0x8100] =	vst v63  }
0x1e3: {  	_ = 	snop  }
0x1e4: {  	[hbm4b:s5+s2] =	stream.indirect_vreg.scatter [tilespmem:s16], [sflag:$0x1], $0x80, v4, vm0, $0xb8;
	[tilespmem:$0x8100] =	vst v63  }
0x1e5: {  	_ = 	snop  }
0x1e6: {  	[hbm4b:s6+s2] =	stream.indirect_vreg.scatter [tilespmem:s17], [sflag:$0x1], $0x80, v4, vm0, $0xb8;
	[tilespmem:$0x8100] =	vst v63  }
0x1e7: {  	_ = 	snop  }
0x1e8: {  	[hbm4b:s7+s2] =	stream.indirect_vreg.scatter [tilespmem:s18], [sflag:$0x1], $0x80, v4, vm0, $0xb8;
	[tilespmem:$0x8100] =	vst v63  }
0x1e9: {  	_ = 	snop  }
0x1ea: {  	[hbm4b:s8+s2] =	stream.indirect_vreg.scatter [tilespmem:s19], [sflag:$0x1], $0x80, v4, vm0, $0xb8;
	[tilespmem:$0x8100] =	vst v63  }
0x1eb: {  	v3 =	vperm.xlane v3, v2  }
0x1ec: {  	[hbm4b:s9+s2] =	stream.indirect_vreg.scatter [tilespmem:s20], [sflag:$0x1], $0x80, v4, vm0, $0xb8;
	[tilespmem:$0x8100] =	vst v63  }
0x1ed: {  	v3 =	vadd.s32 v1, v3  }
0x1ee: {  	[hbm4b:s10+s2] =	stream.indirect_vreg.scatter [tilespmem:s21], [sflag:$0x1], $0x80, v4, vm0, $0xb8;
	[tilespmem:$0x8100] =	vst v63  }
0x1ef: {  	_ = 	snop  }
0x1f0: {  	[hbm4b:s11+s2] =	stream.indirect_vreg.scatter [tilespmem:s22], [sflag:$0x1], $0x80, v4, vm0, $0xb8;
	[tilespmem:$0x8100] =	vst v63  }
0x1f1: {  	_ = 	snop  }
0x1f2: {  	[hbm4b:s4+s2] =	stream.indirect_vreg.scatter [tilespmem:s23], [sflag:$0x1], $0x80, v3, vm0, $0xb8;
	[tilespmem:$0x8100] =	vst v63  }
0x1f3: {  	_ = 	snop  }
0x1f4: {  	[hbm4b:s5+s2] =	stream.indirect_vreg.scatter [tilespmem:s24], [sflag:$0x1], $0x80, v3, vm0, $0xb8;
	[tilespmem:$0x8100] =	vst v63  }
0x1f5: {  	_ = 	snop  }
0x1f6: {  	[hbm4b:s6+s2] =	stream.indirect_vreg.scatter [tilespmem:s25], [sflag:$0x1], $0x80, v3, vm0, $0xb8;
	[tilespmem:$0x8100] =	vst v63  }
0x1f7: {  	_ = 	snop  }
0x1f8: {  	[hbm4b:s7+s2] =	stream.indirect_vreg.scatter [tilespmem:s26], [sflag:$0x1], $0x80, v3, vm0, $0xb8;
	[tilespmem:$0x8100] =	vst v63  }
0x1f9: {  	_ = 	snop  }
0x1fa: {  	[hbm4b:s8+s2] =	stream.indirect_vreg.scatter [tilespmem:s28], [sflag:$0x1], $0x80, v3, vm0, $0xb8;
	[tilespmem:$0x8100] =	vst v63  }
0x1fb: {  	_ = 	snop  }
0x1fc: {  	[hbm4b:s9+s2] =	stream.indirect_vreg.scatter [tilespmem:s29], [sflag:$0x1], $0x80, v3, vm0, $0xb8;
	[tilespmem:$0x8100] =	vst v63  }
0x1fd: {  	_ = 	snop  }
0x1fe: {  	[hbm4b:s10+s2] =	stream.indirect_vreg.scatter [tilespmem:s30], [sflag:$0x1], $0x80, v3, vm0, $0xb8;
	[tilespmem:$0x8100] =	vst v63  }
0x1ff: {  	_ = 	snop  }
0x200: {  	[hbm4b:s11+s2] =	stream.indirect_vreg.scatter [tilespmem:s31], [sflag:$0x1], $0x80, v3, vm0, $0xb8;
	[tilespmem:$0x8100] =	vst v63  }
0x201: {  	_ =	swait.ge [sflag:s1], $0x8000  }
0x202: {  	[sflag:s1] =	ssyncset.done $0x0  }
0x203: {  	s0 =	rddreg [dreg:$0xe];
	[sflag:s1] =	ssyncadd.s32 $0xFFFF8000  }
0x204: {  	[tilespmem:s15], [sflag:$0x2] =	stream.linear.gather [hbm4b:s0+s2], $0x8000, $0x38;
	[tilespmem:$0x8100] =	vst v63  }
0x205: {  	_ =	swait.ge [sflag:s14], $0x8000  }
0x206: {  	[sflag:s14] =	ssyncset.done $0x0  }
0x207: {  	[sflag:s14] =	ssyncadd.s32 $0xFFFF8000  }
0x208: {  	v3 =	vld [tilespmem:$0xB0];
	_ =	sdelay $0x4  }
0x209: {  	v59 =	vshll.u32 v3, $0x4  }
0x20a: {  	v3 =	vand.u32 $0x7, v3;
	v4 =	vand.u32 $0xFFFFFF80, v59  }
0x20b: {  	v3 =	vor.u32 v3, v4  }
0x20c: {  	v4 =	vperm.xlane v3, v0;
	_ =	sdelay $0x1  }
0x20d: {  	v4 =	vadd.s32 v1, v4;
	_ =	sdelay $0x4  }
0x20e: {  	[hbm4b:s4+s2] =	stream.indirect_vreg.scatter [tilespmem:s15], [sflag:$0x1], $0x80, v4, vm0, $0xb8;
	[tilespmem:$0x8100] =	vst v63  }
0x20f: {  	_ = 	snop  }
0x210: {  	[hbm4b:s5+s2] =	stream.indirect_vreg.scatter [tilespmem:s16], [sflag:$0x1], $0x80, v4, vm0, $0xb8;
	[tilespmem:$0x8100] =	vst v63  }
0x211: {  	_ = 	snop  }
0x212: {  	[hbm4b:s6+s2] =	stream.indirect_vreg.scatter [tilespmem:s17], [sflag:$0x1], $0x80, v4, vm0, $0xb8;
	[tilespmem:$0x8100] =	vst v63  }
0x213: {  	_ = 	snop  }
0x214: {  	[hbm4b:s7+s2] =	stream.indirect_vreg.scatter [tilespmem:s18], [sflag:$0x1], $0x80, v4, vm0, $0xb8;
	[tilespmem:$0x8100] =	vst v63  }
0x215: {  	_ = 	snop  }
0x216: {  	[hbm4b:s8+s2] =	stream.indirect_vreg.scatter [tilespmem:s19], [sflag:$0x1], $0x80, v4, vm0, $0xb8;
	[tilespmem:$0x8100] =	vst v63  }
0x217: {  	v3 =	vperm.xlane v3, v2  }
0x218: {  	[hbm4b:s9+s2] =	stream.indirect_vreg.scatter [tilespmem:s20], [sflag:$0x1], $0x80, v4, vm0, $0xb8;
	[tilespmem:$0x8100] =	vst v63  }
0x219: {  	v3 =	vadd.s32 v1, v3  }
0x21a: {  	[hbm4b:s10+s2] =	stream.indirect_vreg.scatter [tilespmem:s21], [sflag:$0x1], $0x80, v4, vm0, $0xb8;
	[tilespmem:$0x8100] =	vst v63  }
0x21b: {  	_ = 	snop  }
0x21c: {  	[hbm4b:s11+s2] =	stream.indirect_vreg.scatter [tilespmem:s22], [sflag:$0x1], $0x80, v4, vm0, $0xb8;
	[tilespmem:$0x8100] =	vst v63  }
0x21d: {  	_ = 	snop  }
0x21e: {  	[hbm4b:s4+s2] =	stream.indirect_vreg.scatter [tilespmem:s23], [sflag:$0x1], $0x80, v3, vm0, $0xb8;
	[tilespmem:$0x8100] =	vst v63  }
0x21f: {  	_ = 	snop  }
0x220: {  	[hbm4b:s5+s2] =	stream.indirect_vreg.scatter [tilespmem:s24], [sflag:$0x1], $0x80, v3, vm0, $0xb8;
	[tilespmem:$0x8100] =	vst v63  }
0x221: {  	_ = 	snop  }
0x222: {  	[hbm4b:s6+s2] =	stream.indirect_vreg.scatter [tilespmem:s25], [sflag:$0x1], $0x80, v3, vm0, $0xb8;
	[tilespmem:$0x8100] =	vst v63  }
0x223: {  	_ = 	snop  }
0x224: {  	[hbm4b:s7+s2] =	stream.indirect_vreg.scatter [tilespmem:s26], [sflag:$0x1], $0x80, v3, vm0, $0xb8;
	[tilespmem:$0x8100] =	vst v63  }
0x225: {  	_ = 	snop  }
0x226: {  	[hbm4b:s8+s2] =	stream.indirect_vreg.scatter [tilespmem:s28], [sflag:$0x1], $0x80, v3, vm0, $0xb8;
	[tilespmem:$0x8100] =	vst v63  }
0x227: {  	_ = 	snop  }
0x228: {  	[hbm4b:s9+s2] =	stream.indirect_vreg.scatter [tilespmem:s29], [sflag:$0x1], $0x80, v3, vm0, $0xb8;
	[tilespmem:$0x8100] =	vst v63  }
0x229: {  	_ = 	snop  }
0x22a: {  	[hbm4b:s10+s2] =	stream.indirect_vreg.scatter [tilespmem:s30], [sflag:$0x1], $0x80, v3, vm0, $0xb8;
	[tilespmem:$0x8100] =	vst v63  }
0x22b: {  	_ = 	snop  }
0x22c: {  	[hbm4b:s11+s2] =	stream.indirect_vreg.scatter [tilespmem:s31], [sflag:$0x1], $0x80, v3, vm0, $0xb8;
	[tilespmem:$0x8100] =	vst v63  }
0x22d: {  	_ =	swait.ge [sflag:s1], $0x8000  }
0x22e: {  	[sflag:s1] =	ssyncset.done $0x0  }
0x22f: {  	s0 =	rddreg [dreg:$0xf];
	[sflag:s1] =	ssyncadd.s32 $0xFFFF8000  }
0x230: {  	[tilespmem:s15], [sflag:$0x2] =	stream.linear.gather [hbm4b:s0+s2], $0x8000, $0x38;
	[tilespmem:$0x8100] =	vst v63  }
0x231: {  	_ =	swait.ge [sflag:s14], $0x8000  }
0x232: {  	[sflag:s14] =	ssyncset.done $0x0  }
0x233: {  	[sflag:s14] =	ssyncadd.s32 $0xFFFF8000  }
0x234: {  	v3 =	vld [tilespmem:$0xC0];
	_ =	sdelay $0x4  }
0x235: {  	v60 =	vshll.u32 v3, $0x4  }
0x236: {  	v3 =	vand.u32 $0x7, v3;
	v4 =	vand.u32 $0xFFFFFF80, v60  }
0x237: {  	v3 =	vor.u32 v3, v4  }
0x238: {  	v4 =	vperm.xlane v3, v0;
	_ =	sdelay $0x1  }
0x239: {  	v4 =	vadd.s32 v1, v4;
	_ =	sdelay $0x4  }
0x23a: {  	[hbm4b:s4+s2] =	stream.indirect_vreg.scatter [tilespmem:s15], [sflag:$0x1], $0x80, v4, vm0, $0xb8;
	[tilespmem:$0x8100] =	vst v63  }
0x23b: {  	_ = 	snop  }
0x23c: {  	[hbm4b:s5+s2] =	stream.indirect_vreg.scatter [tilespmem:s16], [sflag:$0x1], $0x80, v4, vm0, $0xb8;
	[tilespmem:$0x8100] =	vst v63  }
0x23d: {  	_ = 	snop  }
0x23e: {  	[hbm4b:s6+s2] =	stream.indirect_vreg.scatter [tilespmem:s17], [sflag:$0x1], $0x80, v4, vm0, $0xb8;
	[tilespmem:$0x8100] =	vst v63  }
0x23f: {  	_ = 	snop  }
0x240: {  	[hbm4b:s7+s2] =	stream.indirect_vreg.scatter [tilespmem:s18], [sflag:$0x1], $0x80, v4, vm0, $0xb8;
	[tilespmem:$0x8100] =	vst v63  }
0x241: {  	_ = 	snop  }
0x242: {  	[hbm4b:s8+s2] =	stream.indirect_vreg.scatter [tilespmem:s19], [sflag:$0x1], $0x80, v4, vm0, $0xb8;
	[tilespmem:$0x8100] =	vst v63  }
0x243: {  	v3 =	vperm.xlane v3, v2  }
0x244: {  	[hbm4b:s9+s2] =	stream.indirect_vreg.scatter [tilespmem:s20], [sflag:$0x1], $0x80, v4, vm0, $0xb8;
	[tilespmem:$0x8100] =	vst v63  }
0x245: {  	v3 =	vadd.s32 v1, v3  }
0x246: {  	[hbm4b:s10+s2] =	stream.indirect_vreg.scatter [tilespmem:s21], [sflag:$0x1], $0x80, v4, vm0, $0xb8;
	[tilespmem:$0x8100] =	vst v63  }
0x247: {  	_ = 	snop  }
0x248: {  	[hbm4b:s11+s2] =	stream.indirect_vreg.scatter [tilespmem:s22], [sflag:$0x1], $0x80, v4, vm0, $0xb8;
	[tilespmem:$0x8100] =	vst v63  }
0x249: {  	_ = 	snop  }
0x24a: {  	[hbm4b:s4+s2] =	stream.indirect_vreg.scatter [tilespmem:s23], [sflag:$0x1], $0x80, v3, vm0, $0xb8;
	[tilespmem:$0x8100] =	vst v63  }
0x24b: {  	_ = 	snop  }
0x24c: {  	[hbm4b:s5+s2] =	stream.indirect_vreg.scatter [tilespmem:s24], [sflag:$0x1], $0x80, v3, vm0, $0xb8;
	[tilespmem:$0x8100] =	vst v63  }
0x24d: {  	_ = 	snop  }
0x24e: {  	[hbm4b:s6+s2] =	stream.indirect_vreg.scatter [tilespmem:s25], [sflag:$0x1], $0x80, v3, vm0, $0xb8;
	[tilespmem:$0x8100] =	vst v63  }
0x24f: {  	_ = 	snop  }
0x250: {  	[hbm4b:s7+s2] =	stream.indirect_vreg.scatter [tilespmem:s26], [sflag:$0x1], $0x80, v3, vm0, $0xb8;
	[tilespmem:$0x8100] =	vst v63  }
0x251: {  	_ = 	snop  }
0x252: {  	[hbm4b:s8+s2] =	stream.indirect_vreg.scatter [tilespmem:s28], [sflag:$0x1], $0x80, v3, vm0, $0xb8;
	[tilespmem:$0x8100] =	vst v63  }
0x253: {  	_ = 	snop  }
0x254: {  	[hbm4b:s9+s2] =	stream.indirect_vreg.scatter [tilespmem:s29], [sflag:$0x1], $0x80, v3, vm0, $0xb8;
	[tilespmem:$0x8100] =	vst v63  }
0x255: {  	_ = 	snop  }
0x256: {  	[hbm4b:s10+s2] =	stream.indirect_vreg.scatter [tilespmem:s30], [sflag:$0x1], $0x80, v3, vm0, $0xb8;
	[tilespmem:$0x8100] =	vst v63  }
0x257: {  	_ = 	snop  }
0x258: {  	[hbm4b:s11+s2] =	stream.indirect_vreg.scatter [tilespmem:s31], [sflag:$0x1], $0x80, v3, vm0, $0xb8;
	[tilespmem:$0x8100] =	vst v63  }
0x259: {  	_ =	swait.ge [sflag:s1], $0x8000  }
0x25a: {  	[sflag:s1] =	ssyncset.done $0x0  }
0x25b: {  	s0 =	rddreg [dreg:$0x10];
	[sflag:s1] =	ssyncadd.s32 $0xFFFF8000  }
0x25c: {  	[tilespmem:s15], [sflag:$0x2] =	stream.linear.gather [hbm4b:s0+s2], $0x8000, $0x38;
	[tilespmem:$0x8100] =	vst v63  }
0x25d: {  	_ =	swait.ge [sflag:s14], $0x8000  }
0x25e: {  	[sflag:s14] =	ssyncset.done $0x0  }
0x25f: {  	[sflag:s14] =	ssyncadd.s32 $0xFFFF8000  }
0x260: {  	v3 =	vld [tilespmem:$0xD0];
	_ =	sdelay $0x4  }
0x261: {  	v61 =	vshll.u32 v3, $0x4  }
0x262: {  	v3 =	vand.u32 $0x7, v3;
	v4 =	vand.u32 $0xFFFFFF80, v61  }
0x263: {  	v3 =	vor.u32 v3, v4  }
0x264: {  	v4 =	vperm.xlane v3, v0;
	_ =	sdelay $0x1  }
0x265: {  	v4 =	vadd.s32 v1, v4;
	_ =	sdelay $0x4  }
0x266: {  	[hbm4b:s4+s2] =	stream.indirect_vreg.scatter [tilespmem:s15], [sflag:$0x1], $0x80, v4, vm0, $0xb8;
	[tilespmem:$0x8100] =	vst v63  }
0x267: {  	_ = 	snop  }
0x268: {  	[hbm4b:s5+s2] =	stream.indirect_vreg.scatter [tilespmem:s16], [sflag:$0x1], $0x80, v4, vm0, $0xb8;
	[tilespmem:$0x8100] =	vst v63  }
0x269: {  	_ = 	snop  }
0x26a: {  	[hbm4b:s6+s2] =	stream.indirect_vreg.scatter [tilespmem:s17], [sflag:$0x1], $0x80, v4, vm0, $0xb8;
	[tilespmem:$0x8100] =	vst v63  }
0x26b: {  	_ = 	snop  }
0x26c: {  	[hbm4b:s7+s2] =	stream.indirect_vreg.scatter [tilespmem:s18], [sflag:$0x1], $0x80, v4, vm0, $0xb8;
	[tilespmem:$0x8100] =	vst v63  }
0x26d: {  	_ = 	snop  }
0x26e: {  	[hbm4b:s8+s2] =	stream.indirect_vreg.scatter [tilespmem:s19], [sflag:$0x1], $0x80, v4, vm0, $0xb8;
	[tilespmem:$0x8100] =	vst v63  }
0x26f: {  	v3 =	vperm.xlane v3, v2  }
0x270: {  	[hbm4b:s9+s2] =	stream.indirect_vreg.scatter [tilespmem:s20], [sflag:$0x1], $0x80, v4, vm0, $0xb8;
	[tilespmem:$0x8100] =	vst v63  }
0x271: {  	v3 =	vadd.s32 v1, v3  }
0x272: {  	[hbm4b:s10+s2] =	stream.indirect_vreg.scatter [tilespmem:s21], [sflag:$0x1], $0x80, v4, vm0, $0xb8;
	[tilespmem:$0x8100] =	vst v63  }
0x273: {  	_ = 	snop  }
0x274: {  	[hbm4b:s11+s2] =	stream.indirect_vreg.scatter [tilespmem:s22], [sflag:$0x1], $0x80, v4, vm0, $0xb8;
	[tilespmem:$0x8100] =	vst v63  }
0x275: {  	_ = 	snop  }
0x276: {  	[hbm4b:s4+s2] =	stream.indirect_vreg.scatter [tilespmem:s23], [sflag:$0x1], $0x80, v3, vm0, $0xb8;
	[tilespmem:$0x8100] =	vst v63  }
0x277: {  	_ = 	snop  }
0x278: {  	[hbm4b:s5+s2] =	stream.indirect_vreg.scatter [tilespmem:s24], [sflag:$0x1], $0x80, v3, vm0, $0xb8;
	[tilespmem:$0x8100] =	vst v63  }
0x279: {  	_ = 	snop  }
0x27a: {  	[hbm4b:s6+s2] =	stream.indirect_vreg.scatter [tilespmem:s25], [sflag:$0x1], $0x80, v3, vm0, $0xb8;
	[tilespmem:$0x8100] =	vst v63  }
0x27b: {  	_ = 	snop  }
0x27c: {  	[hbm4b:s7+s2] =	stream.indirect_vreg.scatter [tilespmem:s26], [sflag:$0x1], $0x80, v3, vm0, $0xb8;
	[tilespmem:$0x8100] =	vst v63  }
0x27d: {  	_ = 	snop  }
0x27e: {  	[hbm4b:s8+s2] =	stream.indirect_vreg.scatter [tilespmem:s28], [sflag:$0x1], $0x80, v3, vm0, $0xb8;
	[tilespmem:$0x8100] =	vst v63  }
0x27f: {  	_ = 	snop  }
0x280: {  	[hbm4b:s9+s2] =	stream.indirect_vreg.scatter [tilespmem:s29], [sflag:$0x1], $0x80, v3, vm0, $0xb8;
	[tilespmem:$0x8100] =	vst v63  }
0x281: {  	_ = 	snop  }
0x282: {  	[hbm4b:s10+s2] =	stream.indirect_vreg.scatter [tilespmem:s30], [sflag:$0x1], $0x80, v3, vm0, $0xb8;
	[tilespmem:$0x8100] =	vst v63  }
0x283: {  	_ = 	snop  }
0x284: {  	[hbm4b:s11+s2] =	stream.indirect_vreg.scatter [tilespmem:s31], [sflag:$0x1], $0x80, v3, vm0, $0xb8;
	[tilespmem:$0x8100] =	vst v63  }
0x285: {  	_ =	swait.ge [sflag:s1], $0x8000  }
0x286: {  	[sflag:s1] =	ssyncset.done $0x0  }
0x287: {  	s0 =	rddreg [dreg:$0x11];
	[sflag:s1] =	ssyncadd.s32 $0xFFFF8000  }
0x288: {  	[tilespmem:s15], [sflag:$0x2] =	stream.linear.gather [hbm4b:s0+s2], $0x8000, $0x38;
	[tilespmem:$0x8100] =	vst v63  }
0x289: {  	_ =	swait.ge [sflag:s14], $0x8000  }
0x28a: {  	[sflag:s14] =	ssyncset.done $0x0  }
0x28b: {  	[sflag:s14] =	ssyncadd.s32 $0xFFFF8000  }
0x28c: {  	v3 =	vld [tilespmem:$0xE0];
	_ =	sdelay $0x4  }
0x28d: {  	v62 =	vshll.u32 v3, $0x4  }
0x28e: {  	v3 =	vand.u32 $0x7, v3;
	v4 =	vand.u32 $0xFFFFFF80, v62  }
0x28f: {  	v3 =	vor.u32 v3, v4  }
0x290: {  	v4 =	vperm.xlane v3, v0;
	_ =	sdelay $0x1  }
0x291: {  	v4 =	vadd.s32 v1, v4;
	_ =	sdelay $0x4  }
0x292: {  	[hbm4b:s4+s2] =	stream.indirect_vreg.scatter [tilespmem:s15], [sflag:$0x1], $0x80, v4, vm0, $0xb8;
	[tilespmem:$0x8100] =	vst v63  }
0x293: {  	_ = 	snop  }
0x294: {  	[hbm4b:s5+s2] =	stream.indirect_vreg.scatter [tilespmem:s16], [sflag:$0x1], $0x80, v4, vm0, $0xb8;
	[tilespmem:$0x8100] =	vst v63  }
0x295: {  	_ = 	snop  }
0x296: {  	[hbm4b:s6+s2] =	stream.indirect_vreg.scatter [tilespmem:s17], [sflag:$0x1], $0x80, v4, vm0, $0xb8;
	[tilespmem:$0x8100] =	vst v63  }
0x297: {  	_ = 	snop  }
0x298: {  	[hbm4b:s7+s2] =	stream.indirect_vreg.scatter [tilespmem:s18], [sflag:$0x1], $0x80, v4, vm0, $0xb8;
	[tilespmem:$0x8100] =	vst v63  }
0x299: {  	_ = 	snop  }
0x29a: {  	[hbm4b:s8+s2] =	stream.indirect_vreg.scatter [tilespmem:s19], [sflag:$0x1], $0x80, v4, vm0, $0xb8;
	[tilespmem:$0x8100] =	vst v63  }
0x29b: {  	v3 =	vperm.xlane v3, v2  }
0x29c: {  	[hbm4b:s9+s2] =	stream.indirect_vreg.scatter [tilespmem:s20], [sflag:$0x1], $0x80, v4, vm0, $0xb8;
	[tilespmem:$0x8100] =	vst v63  }
0x29d: {  	v3 =	vadd.s32 v1, v3  }
0x29e: {  	[hbm4b:s10+s2] =	stream.indirect_vreg.scatter [tilespmem:s21], [sflag:$0x1], $0x80, v4, vm0, $0xb8;
	[tilespmem:$0x8100] =	vst v63  }
0x29f: {  	_ = 	snop  }
0x2a0: {  	[hbm4b:s11+s2] =	stream.indirect_vreg.scatter [tilespmem:s22], [sflag:$0x1], $0x80, v4, vm0, $0xb8;
	[tilespmem:$0x8100] =	vst v63  }
0x2a1: {  	_ = 	snop  }
0x2a2: {  	[hbm4b:s4+s2] =	stream.indirect_vreg.scatter [tilespmem:s23], [sflag:$0x1], $0x80, v3, vm0, $0xb8;
	[tilespmem:$0x8100] =	vst v63  }
0x2a3: {  	_ = 	snop  }
0x2a4: {  	[hbm4b:s5+s2] =	stream.indirect_vreg.scatter [tilespmem:s24], [sflag:$0x1], $0x80, v3, vm0, $0xb8;
	[tilespmem:$0x8100] =	vst v63  }
0x2a5: {  	_ = 	snop  }
0x2a6: {  	[hbm4b:s6+s2] =	stream.indirect_vreg.scatter [tilespmem:s25], [sflag:$0x1], $0x80, v3, vm0, $0xb8;
	[tilespmem:$0x8100] =	vst v63  }
0x2a7: {  	_ = 	snop  }
0x2a8: {  	[hbm4b:s7+s2] =	stream.indirect_vreg.scatter [tilespmem:s26], [sflag:$0x1], $0x80, v3, vm0, $0xb8;
	[tilespmem:$0x8100] =	vst v63  }
0x2a9: {  	_ = 	snop  }
0x2aa: {  	[hbm4b:s8+s2] =	stream.indirect_vreg.scatter [tilespmem:s28], [sflag:$0x1], $0x80, v3, vm0, $0xb8;
	[tilespmem:$0x8100] =	vst v63  }
0x2ab: {  	_ = 	snop  }
0x2ac: {  	[hbm4b:s9+s2] =	stream.indirect_vreg.scatter [tilespmem:s29], [sflag:$0x1], $0x80, v3, vm0, $0xb8;
	[tilespmem:$0x8100] =	vst v63  }
0x2ad: {  	_ = 	snop  }
0x2ae: {  	[hbm4b:s10+s2] =	stream.indirect_vreg.scatter [tilespmem:s30], [sflag:$0x1], $0x80, v3, vm0, $0xb8;
	[tilespmem:$0x8100] =	vst v63  }
0x2af: {  	_ = 	snop  }
0x2b0: {  	[hbm4b:s11+s2] =	stream.indirect_vreg.scatter [tilespmem:s31], [sflag:$0x1], $0x80, v3, vm0, $0xb8;
	[tilespmem:$0x8100] =	vst v63  }
0x2b1: {  	_ =	swait.ge [sflag:s1], $0x8000  }
0x2b2: {  	[sflag:s1] =	ssyncset.done $0x0  }
0x2b3: {  	[sflag:s1] =	ssyncadd.s32 $0xFFFF8000  }
0x2b4: {  	[tilespmem:s15], [sflag:$0x2] =	stream.linear.gather [hbm4b:s12+s2], $0x8000, $0x38;
	[tilespmem:$0x8100] =	vst v63  }
0x2b5: {  	_ =	swait.ge [sflag:s14], $0x8000  }
0x2b6: {  	[sflag:s14] =	ssyncset.done $0x0  }
0x2b7: {  	[sflag:s14] =	ssyncadd.s32 $0xFFFF8000  }
0x2b8: {  	v3 =	vld [tilespmem:$0xF0];
	_ =	sdelay $0x4  }
0x2b9: {  	v63 =	vshll.u32 v3, $0x4  }
0x2ba: {  	v3 =	vand.u32 $0x7, v3;
	v4 =	vand.u32 $0xFFFFFF80, v63  }
0x2bb: {  	v3 =	vor.u32 v3, v4  }
0x2bc: {  	v4 =	vperm.xlane v3, v0;
	_ =	sdelay $0x1  }
0x2bd: {  	v4 =	vadd.s32 v1, v4;
	_ =	sdelay $0x4  }
0x2be: {  	[hbm4b:s4+s2] =	stream.indirect_vreg.scatter [tilespmem:s15], [sflag:$0x1], $0x80, v4, vm0, $0xb8;
	[tilespmem:$0x8100] =	vst v63  }
0x2bf: {  	_ = 	snop  }
0x2c0: {  	[hbm4b:s5+s2] =	stream.indirect_vreg.scatter [tilespmem:s16], [sflag:$0x1], $0x80, v4, vm0, $0xb8;
	[tilespmem:$0x8100] =	vst v63  }
0x2c1: {  	_ = 	snop  }
0x2c2: {  	[hbm4b:s6+s2] =	stream.indirect_vreg.scatter [tilespmem:s17], [sflag:$0x1], $0x80, v4, vm0, $0xb8;
	[tilespmem:$0x8100] =	vst v63  }
0x2c3: {  	_ = 	snop  }
0x2c4: {  	[hbm4b:s7+s2] =	stream.indirect_vreg.scatter [tilespmem:s18], [sflag:$0x1], $0x80, v4, vm0, $0xb8;
	[tilespmem:$0x8100] =	vst v63  }
0x2c5: {  	_ = 	snop  }
0x2c6: {  	[hbm4b:s8+s2] =	stream.indirect_vreg.scatter [tilespmem:s19], [sflag:$0x1], $0x80, v4, vm0, $0xb8;
	[tilespmem:$0x8100] =	vst v63  }
0x2c7: {  	v3 =	vperm.xlane v3, v2  }
0x2c8: {  	[hbm4b:s9+s2] =	stream.indirect_vreg.scatter [tilespmem:s20], [sflag:$0x1], $0x80, v4, vm0, $0xb8;
	[tilespmem:$0x8100] =	vst v63  }
0x2c9: {  	v3 =	vadd.s32 v1, v3  }
0x2ca: {  	[hbm4b:s10+s2] =	stream.indirect_vreg.scatter [tilespmem:s21], [sflag:$0x1], $0x80, v4, vm0, $0xb8;
	[tilespmem:$0x8100] =	vst v63  }
0x2cb: {  	_ = 	snop  }
0x2cc: {  	[hbm4b:s11+s2] =	stream.indirect_vreg.scatter [tilespmem:s22], [sflag:$0x1], $0x80, v4, vm0, $0xb8;
	[tilespmem:$0x8100] =	vst v63  }
0x2cd: {  	_ = 	snop  }
0x2ce: {  	[hbm4b:s4+s2] =	stream.indirect_vreg.scatter [tilespmem:s23], [sflag:$0x1], $0x80, v3, vm0, $0xb8;
	[tilespmem:$0x8100] =	vst v63  }
0x2cf: {  	_ = 	snop  }
0x2d0: {  	[hbm4b:s5+s2] =	stream.indirect_vreg.scatter [tilespmem:s24], [sflag:$0x1], $0x80, v3, vm0, $0xb8;
	[tilespmem:$0x8100] =	vst v63  }
0x2d1: {  	_ = 	snop  }
0x2d2: {  	[hbm4b:s6+s2] =	stream.indirect_vreg.scatter [tilespmem:s25], [sflag:$0x1], $0x80, v3, vm0, $0xb8;
	[tilespmem:$0x8100] =	vst v63  }
0x2d3: {  	_ = 	snop  }
0x2d4: {  	[hbm4b:s7+s2] =	stream.indirect_vreg.scatter [tilespmem:s26], [sflag:$0x1], $0x80, v3, vm0, $0xb8;
	[tilespmem:$0x8100] =	vst v63  }
0x2d5: {  	_ = 	snop  }
0x2d6: {  	[hbm4b:s8+s2] =	stream.indirect_vreg.scatter [tilespmem:s28], [sflag:$0x1], $0x80, v3, vm0, $0xb8;
	[tilespmem:$0x8100] =	vst v63  }
0x2d7: {  	_ = 	snop  }
0x2d8: {  	[hbm4b:s9+s2] =	stream.indirect_vreg.scatter [tilespmem:s29], [sflag:$0x1], $0x80, v3, vm0, $0xb8;
	[tilespmem:$0x8100] =	vst v63  }
0x2d9: {  	p0 =	sne.s32 s13, $0x1  }
0x2da: {  	[hbm4b:s10+s2] =	stream.indirect_vreg.scatter [tilespmem:s30], [sflag:$0x1], $0x80, v3, vm0, $0xb8;
	[tilespmem:$0x8100] =	vst v63  }
.Ltmp0:
0x2db: {  	_ = 	snop;
	(pc) =	sbr.rel @p0 .LBB2_1-.Ltmp0, $4  }
0x2dc: {  	[hbm4b:s11+s2] =	stream.indirect_vreg.scatter [tilespmem:s31], [sflag:$0x1], $0x80, v3, vm0, $0xb8;
	[tilespmem:$0x8100] =	vst v63  }
0x2dd: {  	_ =	swait.ge [sflag:s1], $0x8000  }
0x2de: {  	[sflag:s1] =	ssyncset.done $0x0  }
0x2df: {  	s13 =	sadd.s32 $0xFFFFFFFF, s13;
	[sflag:s1] =	ssyncadd.s32 $0xFFFF8000  }
0x2e0: {  	_ =	sfence.sel $0x180000  }
0x2e1: {  	[bflag:$0x0] =	sbarrier.arrive $0xFFFF  }
0x2e2: {  	_ =	strace $0x9000004A  }
0x2e3: {  	s0 =	stileid.u32;
	[bflag:$0x2] =	sbarrier.arrive $0xFFFF  }
0x2e4: {  	p0 =	sne.s32 s0, $0x0;
	s0 =	rddreg [dreg:$0x2]  }
0x2e5: {  	s0 =	sadd.s32 @!p0 $0x100000, s0  }
0x2e6: {  	[sflag:s0] =	ssyncadd.tile.s32 @!p0 $0x1;
	_ =	shalt  }
.Lfunc_end2:
_tile_overlayer_lowered:
.L_overlay_start_2:
0x2e7: {  	(tag) =	ssettag $0x2  }
0x2e8: {  	s0 =	rddreg [dreg:$0x0];
	s2 =	stileid.u32  }
0x2e9: {  	s1 =	rddreg [dreg:$0x1];
	p0 =	sne.s32 s2, $0x0  }
0x2ea: {  	s3 =	rddreg [dreg:$0x2];
	[bflag:$0x3] =	sbarrier.arrive $0xFFFF;
	s2 =	simm.s32 @!p0 $0x1C02  }
0x2eb: {  	[timem:s3], [sflag:s2] =	dma.local @!p0 [hbm:s0], s1  }
0x2ec: {  	s0 =	simm.s32 @!p0 $0x2  }
0x2ed: {  	_ =	swait.ge @!p0 [sflag:s0], s1  }
0x2ee: {  	s1 =	ssub.s32 @!p0 $0x0, s1;
	[sflag:s0] =	ssyncset.done @!p0 $0x0  }
0x2ef: {  	[sflag:s0] =	ssyncadd.s32 @!p0 s1  }
0x2f0: {  	[bflag:$0x3] =	sbarrier.arrive $0xFFFF  }
0x2f1: {  	_ =	shalt  }

</sc_bundles>
